<compile_context>
chip_gen: v7x
topology: tpu7x:2x2x1
jax: 0.10.2.dev20260603
libtpu: 0.0.44.dev20260713+nightly
codegen_flags: <defaults>
</compile_context>

<pallas_src>
import functools

import jax
import jax.numpy as jnp
from jax import lax
from jax.experimental import pallas as pl
from jax.experimental.pallas import tpu as pltpu
from jax.experimental.pallas import tpu_sc as plsc

N = 10000
E = 320000
D_IN = 128
D_H = 128
N_CLASSES = 40
DC = 128

NP = 10240
NC, NS = 2, 16
NW = NC * NS
EPC = E // NW
CH = 80
NCHUNK = EPC // CH
RPT = NP // NS
WCH = 80
NWCH = RPT // WCH

_mesh = plsc.VectorSubcoreMesh(core_axis_name="c", subcore_axis_name="s")



def _deg_body(ei_hbm, d0s_hbm, d1s_hbm, d0d_hbm, d1d_hbm,
              dsrc_sh, ddst_sh, stg, sidx, didx, ones_v, zv, sem):
  c = lax.axis_index("c")
  s = lax.axis_index("s")
  for i in range(RPT // 16):
    zv[pl.ds(i * 16, 16)] = jnp.zeros((16,), jnp.float32)
  for i in range(CH // 16):
    ones_v[pl.ds(i * 16, 16)] = jnp.full((16,), 1.0, jnp.float32)
  sl = pl.ds(s * RPT, RPT)
  pltpu.sync_copy(zv, dsrc_sh.at[sl])
  pltpu.sync_copy(zv, ddst_sh.at[sl])

  tb = c * (E // 2) + s * EPC

  def rpk(dst2):
    def body(k, carry):
      for j in range(CH // 16):
        dst2[k, pl.ds(j * 16, 16)] = stg[pl.ds(k * CH + j * 16, 16)]
      return carry
    lax.fori_loop(0, NCHUNK, body, 0)

  pltpu.sync_copy(ei_hbm.at[pl.ds(tb, EPC)], stg)
  rpk(sidx)
  pltpu.sync_copy(ei_hbm.at[pl.ds(E + tb, EPC)], stg)
  rpk(didx)
  plsc.subcore_barrier()

  GR = 8
  ngroups = NCHUNK // GR

  def issue(g):
    for b in range(GR):
      k = g * GR + b
      pltpu.async_copy(ones_v, dsrc_sh.at[sidx.at[k]], sem, add=True)
      pltpu.async_copy(ones_v, ddst_sh.at[didx.at[k]], sem, add=True)

  issue(0)

  def grp(g, carry):
    @pl.when(g + 1 < ngroups)
    def _():
      issue(g + 1)

    for _ in range(2 * GR):
      pltpu.make_async_copy(ones_v, dsrc_sh.at[sidx.at[0]], sem).wait()
    return carry

  lax.fori_loop(0, ngroups, grp, 0)
  for t in range(NCHUNK % GR):
    k = (NCHUNK // GR) * GR + t
    pltpu.sync_copy(ones_v, dsrc_sh.at[sidx.at[k]], add=True)
    pltpu.sync_copy(ones_v, ddst_sh.at[didx.at[k]], add=True)
  plsc.subcore_barrier()

  @pl.when(c == 0)
  def _():
    pltpu.sync_copy(dsrc_sh.at[sl], zv)
    pltpu.sync_copy(zv, d0s_hbm.at[sl])
    pltpu.sync_copy(ddst_sh.at[sl], zv)
    pltpu.sync_copy(zv, d0d_hbm.at[sl])

  @pl.when(c == 1)
  def _():
    pltpu.sync_copy(dsrc_sh.at[sl], zv)
    pltpu.sync_copy(zv, d1s_hbm.at[sl])
    pltpu.sync_copy(ddst_sh.at[sl], zv)
    pltpu.sync_copy(zv, d1d_hbm.at[sl])


_deg_kernel = functools.partial(
    pl.kernel,
    out_type=[jax.ShapeDtypeStruct((NP,), jnp.float32)] * 4,
    mesh=_mesh,
    scratch_types=[
        pltpu.VMEM_SHARED((NP,), jnp.float32),
        pltpu.VMEM_SHARED((NP,), jnp.float32),
        pltpu.VMEM((EPC,), jnp.int32),
        pltpu.VMEM((NCHUNK, CH), jnp.int32),
        pltpu.VMEM((NCHUNK, CH), jnp.int32),
        pltpu.VMEM((CH,), jnp.float32),
        pltpu.VMEM((RPT,), jnp.float32),
        pltpu.SemaphoreType.DMA,
    ],
)(_deg_body)


def _make_agg(d):

  def body(h_hbm, ei_hbm, out_hbm, agg_sh, sidx, didx, rb0, rb1, sm0, sm1):
    c = lax.axis_index("c")
    s = lax.axis_index("s")
    bufs = [rb0, rb1]
    sems = [sm0, sm1]

    def zrow(i, carry):
      for j in range(d // 16):
        rb0[i, pl.ds(j * 16, 16)] = jnp.zeros((16,), jnp.float32)
      return carry

    lax.fori_loop(0, WCH, zrow, 0)
    for j in range(NWCH):
      pltpu.async_copy(rb0, agg_sh.at[pl.ds(s * RPT + j * WCH, WCH)], sm0)

    tb = c * (E // 2) + s * EPC
    pltpu.sync_copy(ei_hbm.at[pl.ds(E + tb, EPC)], sidx)

    def rpk(k, carry):
      for j in range(CH // 16):
        didx[k, pl.ds(j * 16, 16)] = sidx[pl.ds(k * CH + j * 16, 16)]
      return carry

    lax.fori_loop(0, NCHUNK, rpk, 0)
    pltpu.sync_copy(ei_hbm.at[pl.ds(tb, EPC)], sidx)
    for j in range(NWCH):
      pltpu.make_async_copy(rb0, agg_sh.at[pl.ds(s * RPT, WCH)], sm0).wait()

    for b in range(2):
      pltpu.async_copy(h_hbm.at[sidx.at[pl.ds(b * CH, CH)]], bufs[b], sems[b])
    plsc.subcore_barrier()

    ngroups = NCHUNK // 2

    def grp(g, carry):
      for b in range(2):
        k = g * 2 + b
        pltpu.make_async_copy(h_hbm.at[sidx.at[pl.ds(k * CH, CH)]],
                              bufs[b], sems[b]).wait()
        pltpu.sync_copy(bufs[b], agg_sh.at[didx.at[k]], add=True)

        @pl.when(g + 1 < ngroups)
        def _():
          pltpu.async_copy(h_hbm.at[sidx.at[pl.ds((k + 2) * CH, CH)]],
                           bufs[b], sems[b])

      return carry

    lax.fori_loop(0, ngroups, grp, 0)
    for t in range(NCHUNK % 2):
      k = (NCHUNK // 2) * 2 + t
      pltpu.async_copy(h_hbm.at[sidx.at[pl.ds(k * CH, CH)]], bufs[t],
                       sems[t]).wait()
      pltpu.sync_copy(bufs[t], agg_sh.at[didx.at[k]], add=True)
    plsc.subcore_barrier()

    for b in range(2):
      pltpu.async_copy(agg_sh.at[pl.ds(s * RPT + b * WCH, WCH)],
                       bufs[b], sems[b])
    for j in range(NWCH):
      b = j % 2
      pltpu.make_async_copy(agg_sh.at[pl.ds(s * RPT, WCH)],
                            bufs[b], sems[b]).wait()
      pltpu.sync_copy(bufs[b], out_hbm.at[c, pl.ds(s * RPT + j * WCH, WCH)])
      if j + 2 < NWCH:
        pltpu.async_copy(agg_sh.at[pl.ds(s * RPT + (j + 2) * WCH, WCH)],
                         bufs[b], sems[b])

  return functools.partial(
      pl.kernel,
      out_type=jax.ShapeDtypeStruct((2, NP, d), jnp.float32),
      mesh=_mesh,
      scratch_types=[
          pltpu.VMEM_SHARED((NP, d), jnp.float32),
          pltpu.VMEM((EPC,), jnp.int32),
          pltpu.VMEM((NCHUNK, CH), jnp.int32),
          pltpu.VMEM((CH, d), jnp.float32),
          pltpu.VMEM((CH, d), jnp.float32),
          pltpu.SemaphoreType.DMA,
          pltpu.SemaphoreType.DMA,
      ],
  )(body)


_agg128 = _make_agg(D_H)



_BT = 2560


def _tc1_body(x_ref, w_ref, dg_ref, h_ref, ns_ref, nd_ref):
  d = dg_ref[...]
  ns = lax.rsqrt(jnp.maximum(d[:, 0:1] + d[:, 1:2], 1.0))
  nd = lax.rsqrt(jnp.maximum(d[:, 2:3] + d[:, 3:4], 1.0))
  h = jnp.dot(x_ref[...], w_ref[...], preferred_element_type=jnp.float32)
  h_ref[...] = h * ns
  ns_ref[...] = ns
  nd_ref[...] = nd


def _tc1(x, w, degt):
  return pl.pallas_call(
      _tc1_body,
      grid=(NP // _BT,),
      in_specs=[
          pl.BlockSpec((_BT, D_IN), lambda i: (i, 0)),
          pl.BlockSpec((D_IN, D_H), lambda i: (0, 0)),
          pl.BlockSpec((_BT, 4), lambda i: (i, 0)),
      ],
      out_specs=[
          pl.BlockSpec((_BT, D_H), lambda i: (i, 0)),
          pl.BlockSpec((_BT, 1), lambda i: (i, 0)),
          pl.BlockSpec((_BT, 1), lambda i: (i, 0)),
      ],
      out_shape=[
          jax.ShapeDtypeStruct((NP, D_H), jnp.float32),
          jax.ShapeDtypeStruct((NP, 1), jnp.float32),
          jax.ShapeDtypeStruct((NP, 1), jnp.float32),
      ],
  )(x, w, degt)


def _mid_body(a0_ref, a1_ref, ns_ref, nd_ref, b_ref, w_ref, h_ref):
  act = (a0_ref[0] + a1_ref[0]) * nd_ref[...] + b_ref[0:1, :]
  act = jnp.maximum(act, 0.0)
  h = jnp.dot(act, w_ref[...], preferred_element_type=jnp.float32)
  h_ref[...] = h * ns_ref[...]


def _tc_mid(p, ns, nd, b8, w, d_out):
  d_in = p.shape[2]
  return pl.pallas_call(
      _mid_body,
      grid=(NP // _BT,),
      in_specs=[
          pl.BlockSpec((1, _BT, d_in), lambda i: (0, i, 0)),
          pl.BlockSpec((1, _BT, d_in), lambda i: (1, i, 0)),
          pl.BlockSpec((_BT, 1), lambda i: (i, 0)),
          pl.BlockSpec((_BT, 1), lambda i: (i, 0)),
          pl.BlockSpec((8, d_in), lambda i: (0, 0)),
          pl.BlockSpec((d_in, d_out), lambda i: (0, 0)),
      ],
      out_specs=pl.BlockSpec((_BT, d_out), lambda i: (i, 0)),
      out_shape=jax.ShapeDtypeStruct((NP, d_out), jnp.float32),
  )(p, p, ns, nd, b8, w)


def _fin_body(a0_ref, a1_ref, nd_ref, b_ref, o_ref):
  o = (a0_ref[0] + a1_ref[0]) * nd_ref[...] + b_ref[0:1, :]
  o_ref[...] = o[:, :N_CLASSES]


def _tc_fin(p, nd, b8):
  return pl.pallas_call(
      _fin_body,
      grid=(NP // _BT,),
      in_specs=[
          pl.BlockSpec((1, _BT, DC), lambda i: (0, i, 0)),
          pl.BlockSpec((1, _BT, DC), lambda i: (1, i, 0)),
          pl.BlockSpec((_BT, 1), lambda i: (i, 0)),
          pl.BlockSpec((8, DC), lambda i: (0, 0)),
      ],
      out_specs=pl.BlockSpec((_BT, N_CLASSES), lambda i: (i, 0)),
      out_shape=jax.ShapeDtypeStruct((NP, N_CLASSES), jnp.float32),
  )(p, p, nd, b8)



def kernel(features, edge_index, W0, b0, W1, b1, W2, b2):
  f32 = jnp.float32
  xp = jnp.zeros((NP, D_IN), f32).at[:N].set(features)
  w2p = jnp.zeros((D_H, DC), f32).at[:, :N_CLASSES].set(W2)
  b0t = jnp.broadcast_to(b0[None, :], (8, D_H))
  b1t = jnp.broadcast_to(b1[None, :], (8, D_H))
  b2t = jnp.zeros((8, DC), f32).at[:, :N_CLASSES].set(
      jnp.broadcast_to(b2[None, :], (8, N_CLASSES)))

  ei1 = edge_index.reshape(2 * E)
  d0s, d1s, d0d, d1d = _deg_kernel(ei1)
  degt = jnp.stack([d0s, d1s, d0d, d1d], axis=1)

  h0, ns, nd = _tc1(xp, W0, degt)
  p1 = _agg128(h0, ei1)
  h1 = _tc_mid(p1, ns, nd, b0t, W1, D_H)
  p2 = _agg128(h1, ei1)
  h2 = _tc_mid(p2, ns, nd, b1t, w2p, DC)
  p3 = _agg128(h2, ei1)
  logits = _tc_fin(p3, nd, b2t)
  return logits[:N]

# --- scband reference (transcript-rebuilt; emitter-appended) ---
"""Pipeline reference for scband-gcn-23983097380951 (READ-ONLY COPY).

The authoritative reference and input builder live on the scoring server;
editing this copy changes nothing except your own understanding.
"""

import jax, jax.numpy as jnp
import numpy as np

N = 10000
E = 320000
D_IN = 128
D_H = 128
N_CLASSES = 40


def _glorot(key, shape):
    fan_in, fan_out = shape[0], shape[1]
    limit = float(np.sqrt(6.0 / (fan_in + fan_out)))
    return jax.random.uniform(key, shape, dtype=jnp.float32, minval=-limit, maxval=limit)


def setup_inputs(seed: int = 0) -> dict:
    key = jax.random.key(seed)
    ks = jax.random.split(key, 8)
    features = jax.random.normal(ks[0], (N, D_IN), dtype=jnp.float32)
    edge_index = jax.random.randint(ks[1], (2, E), 0, N, dtype=jnp.int32)
    W0 = _glorot(ks[2], (D_IN, D_H))
    b0 = jnp.zeros((D_H,), dtype=jnp.float32)
    W1 = _glorot(ks[3], (D_H, D_H))
    b1 = jnp.zeros((D_H,), dtype=jnp.float32)
    W2 = _glorot(ks[4], (D_H, N_CLASSES))
    b2 = jnp.zeros((N_CLASSES,), dtype=jnp.float32)
    return {"features": features, "edge_index": edge_index,
            "W0": W0, "b0": b0, "W1": W1, "b1": b1, "W2": W2, "b2": b2}


def reference(features, edge_index, W0, b0, W1, b1, W2, b2):
    src = edge_index[0]
    dst = edge_index[1]
    ones = jnp.ones((E,), dtype=jnp.float32)
    deg_out = jnp.clip(jax.ops.segment_sum(ones, src, num_segments=N), 1.0)
    deg_in = jnp.clip(jax.ops.segment_sum(ones, dst, num_segments=N), 1.0)
    norm_src = deg_out ** -0.5
    norm_dst = deg_in ** -0.5

    def conv(h, W, b, act):
        h = h @ W
        h = h * norm_src[:, None]
        msg = h[src]
        agg = jax.ops.segment_sum(msg, dst, num_segments=N)
        agg = agg * norm_dst[:, None]
        out = agg + b
        if act:
            out = jax.nn.relu(out)
        return out

    # dropout is identity in eval mode
    h = conv(features, W0, b0, True)
    h = conv(h, W1, b1, True)
    h = conv(h, W2, b2, False)
    return h

if __name__ == "__main__":
    import jax
    _d = setup_inputs()
    print(jax.jit(kernel)(*tuple(_d.values())))

</pallas_src>

<mosaic_0001>
#map = affine_map<(d0, d1) -> (0, 0)>
#map1 = affine_map<(d0, d1) -> (0)>
#map2 = affine_map<(d0, d1) -> (0, 0, 0)>
module attributes {stable_mosaic.version = 14 : i64} {
  func.func @body(%arg0: i32, %arg1: i32, %arg2: memref<10240x128xf32, #tpu.memory_space<hbm>>, %arg3: memref<640000xi32, #tpu.memory_space<hbm>>, %arg4: memref<2x10240x128xf32, #tpu.memory_space<hbm>>, %arg5: memref<10240x128xf32, #tpu.memory_space<vmem_shared>>, %arg6: memref<10000xi32, #tpu.memory_space<vmem>>, %arg7: memref<125x80xi32, #tpu.memory_space<vmem>>, %arg8: memref<80x128xf32, #tpu.memory_space<vmem>>, %arg9: memref<80x128xf32, #tpu.memory_space<vmem>>, %arg10: memref<!tpu.dma_semaphore, #tpu.memory_space<semaphore_mem>>, %arg11: memref<!tpu.dma_semaphore, #tpu.memory_space<semaphore_mem>>) attributes {dimension_semantics = [#tpu.dimension_semantics<core_parallel>, #tpu.dimension_semantics<subcore_parallel>], iteration_bounds = array<i64: 2, 16>, scalar_prefetch = 0 : i64, scratch_operands = 7 : i64, tpu.core_type = #tpu.core_type<sc_vector_subcore>, window_params = [{transform_indices = #map}, {transform_indices = #map1}, {transform_indices = #map2}]} {
    %scan3A = arith.constant 0 : i32
    %scan3A_0 = arith.constant 0 : i32
    %scan3A_1 = arith.constant 80 : i32
    %scan3A_2 = arith.addi %scan3A_0, %scan3A_1 : i32
    %scan3A_3 = arith.constant 1 : i32
    scf.for %scan3A_297 = %scan3A_0 to %scan3A_2 step %scan3A_3  : i32 {
      %broadcast_in_dim3A = arith.constant 0.000000e+00 : f32
      %broadcast_in_dim3A_298 = vector.broadcast %broadcast_in_dim3A : f32 to vector<16xf32>
      %swap3A = arith.index_cast %scan3A_297 : i32 to index
      %swap3A_299 = arith.constant 0 : index
      %swap3A_300 = tpu.vector_load %arg8[%swap3A, %swap3A_299] {strides = array<i32>} : memref<80x128xf32, #tpu.memory_space<vmem>>, vector<1x16xf32>,
      %swap3A_301 = vector.shape_cast %swap3A_300 : vector<1x16xf32> to vector<16xf32>
      %swap3A_302 = vector.shape_cast %broadcast_in_dim3A_298 : vector<16xf32> to vector<1x16xf32>
      tpu.vector_store %arg8[%swap3A, %swap3A_299], %swap3A_302 {strides = array<i32>} : memref<80x128xf32, #tpu.memory_space<vmem>>, vector<1x16xf32>,
      %broadcast_in_dim3A_303 = arith.constant 0.000000e+00 : f32
      %broadcast_in_dim3A_304 = vector.broadcast %broadcast_in_dim3A_303 : f32 to vector<16xf32>
      %swap3A_305 = arith.index_cast %scan3A_297 : i32 to index
      %swap3A_306 = arith.constant 16 : index
      %swap3A_307 = tpu.vector_load %arg8[%swap3A_305, %swap3A_306] {strides = array<i32>} : memref<80x128xf32, #tpu.memory_space<vmem>>, vector<1x16xf32>,
      %swap3A_308 = vector.shape_cast %swap3A_307 : vector<1x16xf32> to vector<16xf32>
      %swap3A_309 = vector.shape_cast %broadcast_in_dim3A_304 : vector<16xf32> to vector<1x16xf32>
      tpu.vector_store %arg8[%swap3A_305, %swap3A_306], %swap3A_309 {strides = array<i32>} : memref<80x128xf32, #tpu.memory_space<vmem>>, vector<1x16xf32>,
      %broadcast_in_dim3A_310 = arith.constant 0.000000e+00 : f32
      %broadcast_in_dim3A_311 = vector.broadcast %broadcast_in_dim3A_310 : f32 to vector<16xf32>
      %swap3A_312 = arith.index_cast %scan3A_297 : i32 to index
      %swap3A_313 = arith.constant 32 : index
      %swap3A_314 = tpu.vector_load %arg8[%swap3A_312, %swap3A_313] {strides = array<i32>} : memref<80x128xf32, #tpu.memory_space<vmem>>, vector<1x16xf32>,
      %swap3A_315 = vector.shape_cast %swap3A_314 : vector<1x16xf32> to vector<16xf32>
      %swap3A_316 = vector.shape_cast %broadcast_in_dim3A_311 : vector<16xf32> to vector<1x16xf32>
      tpu.vector_store %arg8[%swap3A_312, %swap3A_313], %swap3A_316 {strides = array<i32>} : memref<80x128xf32, #tpu.memory_space<vmem>>, vector<1x16xf32>,
      %broadcast_in_dim3A_317 = arith.constant 0.000000e+00 : f32
      %broadcast_in_dim3A_318 = vector.broadcast %broadcast_in_dim3A_317 : f32 to vector<16xf32>
      %swap3A_319 = arith.index_cast %scan3A_297 : i32 to index
      %swap3A_320 = arith.constant 48 : index
      %swap3A_321 = tpu.vector_load %arg8[%swap3A_319, %swap3A_320] {strides = array<i32>} : memref<80x128xf32, #tpu.memory_space<vmem>>, vector<1x16xf32>,
      %swap3A_322 = vector.shape_cast %swap3A_321 : vector<1x16xf32> to vector<16xf32>
      %swap3A_323 = vector.shape_cast %broadcast_in_dim3A_318 : vector<16xf32> to vector<1x16xf32>
      tpu.vector_store %arg8[%swap3A_319, %swap3A_320], %swap3A_323 {strides = array<i32>} : memref<80x128xf32, #tpu.memory_space<vmem>>, vector<1x16xf32>,
      %broadcast_in_dim3A_324 = arith.constant 0.000000e+00 : f32
      %broadcast_in_dim3A_325 = vector.broadcast %broadcast_in_dim3A_324 : f32 to vector<16xf32>
      %swap3A_326 = arith.index_cast %scan3A_297 : i32 to index
      %swap3A_327 = arith.constant 64 : index
      %swap3A_328 = tpu.vector_load %arg8[%swap3A_326, %swap3A_327] {strides = array<i32>} : memref<80x128xf32, #tpu.memory_space<vmem>>, vector<1x16xf32>,
      %swap3A_329 = vector.shape_cast %swap3A_328 : vector<1x16xf32> to vector<16xf32>
      %swap3A_330 = vector.shape_cast %broadcast_in_dim3A_325 : vector<16xf32> to vector<1x16xf32>
      tpu.vector_store %arg8[%swap3A_326, %swap3A_327], %swap3A_330 {strides = array<i32>} : memref<80x128xf32, #tpu.memory_space<vmem>>, vector<1x16xf32>,
      %broadcast_in_dim3A_331 = arith.constant 0.000000e+00 : f32
      %broadcast_in_dim3A_332 = vector.broadcast %broadcast_in_dim3A_331 : f32 to vector<16xf32>
      %swap3A_333 = arith.index_cast %scan3A_297 : i32 to index
      %swap3A_334 = arith.constant 80 : index
      %swap3A_335 = tpu.vector_load %arg8[%swap3A_333, %swap3A_334] {strides = array<i32>} : memref<80x128xf32, #tpu.memory_space<vmem>>, vector<1x16xf32>,
      %swap3A_336 = vector.shape_cast %swap3A_335 : vector<1x16xf32> to vector<16xf32>
      %swap3A_337 = vector.shape_cast %broadcast_in_dim3A_332 : vector<16xf32> to vector<1x16xf32>
      tpu.vector_store %arg8[%swap3A_333, %swap3A_334], %swap3A_337 {strides = array<i32>} : memref<80x128xf32, #tpu.memory_space<vmem>>, vector<1x16xf32>,
      %broadcast_in_dim3A_338 = arith.constant 0.000000e+00 : f32
      %broadcast_in_dim3A_339 = vector.broadcast %broadcast_in_dim3A_338 : f32 to vector<16xf32>
      %swap3A_340 = arith.index_cast %scan3A_297 : i32 to index
      %swap3A_341 = arith.constant 96 : index
      %swap3A_342 = tpu.vector_load %arg8[%swap3A_340, %swap3A_341] {strides = array<i32>} : memref<80x128xf32, #tpu.memory_space<vmem>>, vector<1x16xf32>,
      %swap3A_343 = vector.shape_cast %swap3A_342 : vector<1x16xf32> to vector<16xf32>
      %swap3A_344 = vector.shape_cast %broadcast_in_dim3A_339 : vector<16xf32> to vector<1x16xf32>
      tpu.vector_store %arg8[%swap3A_340, %swap3A_341], %swap3A_344 {strides = array<i32>} : memref<80x128xf32, #tpu.memory_space<vmem>>, vector<1x16xf32>,
      %broadcast_in_dim3A_345 = arith.constant 0.000000e+00 : f32
      %broadcast_in_dim3A_346 = vector.broadcast %broadcast_in_dim3A_345 : f32 to vector<16xf32>
      %swap3A_347 = arith.index_cast %scan3A_297 : i32 to index
      %swap3A_348 = arith.constant 112 : index
      %swap3A_349 = tpu.vector_load %arg8[%swap3A_347, %swap3A_348] {strides = array<i32>} : memref<80x128xf32, #tpu.memory_space<vmem>>, vector<1x16xf32>,
      %swap3A_350 = vector.shape_cast %swap3A_349 : vector<1x16xf32> to vector<16xf32>
      %swap3A_351 = vector.shape_cast %broadcast_in_dim3A_346 : vector<16xf32> to vector<1x16xf32>
      tpu.vector_store %arg8[%swap3A_347, %swap3A_348], %swap3A_351 {strides = array<i32>} : memref<80x128xf32, #tpu.memory_space<vmem>>, vector<1x16xf32>,
    }
    %scan3A_4 = arith.constant 80 : i32
    %mul3A = arith.constant 640 : i32
    %mul3A_5 = arith.muli %arg1, %mul3A : i32
    %add3A = arith.constant 0 : i32
    %add3A_6 = arith.addi %mul3A_5, %add3A : i32
    %dma_start3A = arith.constant 0 : i32
    %dma_start3A_7 = tpu.memref_slice %arg5[%add3A_6, %dma_start3A] : memref<10240x128xf32, #tpu.memory_space<vmem_shared>> -> memref<80x128xf32, #tpu.memory_space<vmem_shared>>
    %dma_start3A_8 = arith.constant 0 : i32
    %dma_start3A_9 = tpu.memref_slice %arg5[%add3A_6, %dma_start3A_8] : memref<10240x128xf32, #tpu.memory_space<vmem_shared>> -> memref<80x128xf32, #tpu.memory_space<vmem_shared>>
    tpu.enqueue_dma source(%arg8 : memref<80x128xf32, #tpu.memory_space<vmem>>) target(%dma_start3A_9 : memref<80x128xf32, #tpu.memory_space<vmem_shared>>) target_semaphore(%arg10 : memref<!tpu.dma_semaphore, #tpu.memory_space<semaphore_mem>>)
    %mul3A_10 = arith.constant 640 : i32
    %mul3A_11 = arith.muli %arg1, %mul3A_10 : i32
    %add3A_12 = arith.constant 80 : i32
    %add3A_13 = arith.addi %mul3A_11, %add3A_12 : i32
    %dma_start3A_14 = arith.constant 0 : i32
    %dma_start3A_15 = tpu.memref_slice %arg5[%add3A_13, %dma_start3A_14] : memref<10240x128xf32, #tpu.memory_space<vmem_shared>> -> memref<80x128xf32, #tpu.memory_space<vmem_shared>>
    %dma_start3A_16 = arith.constant 0 : i32
    %dma_start3A_17 = tpu.memref_slice %arg5[%add3A_13, %dma_start3A_16] : memref<10240x128xf32, #tpu.memory_space<vmem_shared>> -> memref<80x128xf32, #tpu.memory_space<vmem_shared>>
    tpu.enqueue_dma source(%arg8 : memref<80x128xf32, #tpu.memory_space<vmem>>) target(%dma_start3A_17 : memref<80x128xf32, #tpu.memory_space<vmem_shared>>) target_semaphore(%arg10 : memref<!tpu.dma_semaphore, #tpu.memory_space<semaphore_mem>>)
    %mul3A_18 = arith.constant 640 : i32
    %mul3A_19 = arith.muli %arg1, %mul3A_18 : i32
    %add3A_20 = arith.constant 160 : i32
    %add3A_21 = arith.addi %mul3A_19, %add3A_20 : i32
    %dma_start3A_22 = arith.constant 0 : i32
    %dma_start3A_23 = tpu.memref_slice %arg5[%add3A_21, %dma_start3A_22] : memref<10240x128xf32, #tpu.memory_space<vmem_shared>> -> memref<80x128xf32, #tpu.memory_space<vmem_shared>>
    %dma_start3A_24 = arith.constant 0 : i32
    %dma_start3A_25 = tpu.memref_slice %arg5[%add3A_21, %dma_start3A_24] : memref<10240x128xf32, #tpu.memory_space<vmem_shared>> -> memref<80x128xf32, #tpu.memory_space<vmem_shared>>
    tpu.enqueue_dma source(%arg8 : memref<80x128xf32, #tpu.memory_space<vmem>>) target(%dma_start3A_25 : memref<80x128xf32, #tpu.memory_space<vmem_shared>>) target_semaphore(%arg10 : memref<!tpu.dma_semaphore, #tpu.memory_space<semaphore_mem>>)
    %mul3A_26 = arith.constant 640 : i32
    %mul3A_27 = arith.muli %arg1, %mul3A_26 : i32
    %add3A_28 = arith.constant 240 : i32
    %add3A_29 = arith.addi %mul3A_27, %add3A_28 : i32
    %dma_start3A_30 = arith.constant 0 : i32
    %dma_start3A_31 = tpu.memref_slice %arg5[%add3A_29, %dma_start3A_30] : memref<10240x128xf32, #tpu.memory_space<vmem_shared>> -> memref<80x128xf32, #tpu.memory_space<vmem_shared>>
    %dma_start3A_32 = arith.constant 0 : i32
    %dma_start3A_33 = tpu.memref_slice %arg5[%add3A_29, %dma_start3A_32] : memref<10240x128xf32, #tpu.memory_space<vmem_shared>> -> memref<80x128xf32, #tpu.memory_space<vmem_shared>>
    tpu.enqueue_dma source(%arg8 : memref<80x128xf32, #tpu.memory_space<vmem>>) target(%dma_start3A_33 : memref<80x128xf32, #tpu.memory_space<vmem_shared>>) target_semaphore(%arg10 : memref<!tpu.dma_semaphore, #tpu.memory_space<semaphore_mem>>)
    %mul3A_34 = arith.constant 640 : i32
    %mul3A_35 = arith.muli %arg1, %mul3A_34 : i32
    %add3A_36 = arith.constant 320 : i32
    %add3A_37 = arith.addi %mul3A_35, %add3A_36 : i32
    %dma_start3A_38 = arith.constant 0 : i32
    %dma_start3A_39 = tpu.memref_slice %arg5[%add3A_37, %dma_start3A_38] : memref<10240x128xf32, #tpu.memory_space<vmem_shared>> -> memref<80x128xf32, #tpu.memory_space<vmem_shared>>
    %dma_start3A_40 = arith.constant 0 : i32
    %dma_start3A_41 = tpu.memref_slice %arg5[%add3A_37, %dma_start3A_40] : memref<10240x128xf32, #tpu.memory_space<vmem_shared>> -> memref<80x128xf32, #tpu.memory_space<vmem_shared>>
    tpu.enqueue_dma source(%arg8 : memref<80x128xf32, #tpu.memory_space<vmem>>) target(%dma_start3A_41 : memref<80x128xf32, #tpu.memory_space<vmem_shared>>) target_semaphore(%arg10 : memref<!tpu.dma_semaphore, #tpu.memory_space<semaphore_mem>>)
    %mul3A_42 = arith.constant 640 : i32
    %mul3A_43 = arith.muli %arg1, %mul3A_42 : i32
    %add3A_44 = arith.constant 400 : i32
    %add3A_45 = arith.addi %mul3A_43, %add3A_44 : i32
    %dma_start3A_46 = arith.constant 0 : i32
    %dma_start3A_47 = tpu.memref_slice %arg5[%add3A_45, %dma_start3A_46] : memref<10240x128xf32, #tpu.memory_space<vmem_shared>> -> memref<80x128xf32, #tpu.memory_space<vmem_shared>>
    %dma_start3A_48 = arith.constant 0 : i32
    %dma_start3A_49 = tpu.memref_slice %arg5[%add3A_45, %dma_start3A_48] : memref<10240x128xf32, #tpu.memory_space<vmem_shared>> -> memref<80x128xf32, #tpu.memory_space<vmem_shared>>
    tpu.enqueue_dma source(%arg8 : memref<80x128xf32, #tpu.memory_space<vmem>>) target(%dma_start3A_49 : memref<80x128xf32, #tpu.memory_space<vmem_shared>>) target_semaphore(%arg10 : memref<!tpu.dma_semaphore, #tpu.memory_space<semaphore_mem>>)
    %mul3A_50 = arith.constant 640 : i32
    %mul3A_51 = arith.muli %arg1, %mul3A_50 : i32
    %add3A_52 = arith.constant 480 : i32
    %add3A_53 = arith.addi %mul3A_51, %add3A_52 : i32
    %dma_start3A_54 = arith.constant 0 : i32
    %dma_start3A_55 = tpu.memref_slice %arg5[%add3A_53, %dma_start3A_54] : memref<10240x128xf32, #tpu.memory_space<vmem_shared>> -> memref<80x128xf32, #tpu.memory_space<vmem_shared>>
    %dma_start3A_56 = arith.constant 0 : i32
    %dma_start3A_57 = tpu.memref_slice %arg5[%add3A_53, %dma_start3A_56] : memref<10240x128xf32, #tpu.memory_space<vmem_shared>> -> memref<80x128xf32, #tpu.memory_space<vmem_shared>>
    tpu.enqueue_dma source(%arg8 : memref<80x128xf32, #tpu.memory_space<vmem>>) target(%dma_start3A_57 : memref<80x128xf32, #tpu.memory_space<vmem_shared>>) target_semaphore(%arg10 : memref<!tpu.dma_semaphore, #tpu.memory_space<semaphore_mem>>)
    %mul3A_58 = arith.constant 640 : i32
    %mul3A_59 = arith.muli %arg1, %mul3A_58 : i32
    %add3A_60 = arith.constant 560 : i32
    %add3A_61 = arith.addi %mul3A_59, %add3A_60 : i32
    %dma_start3A_62 = arith.constant 0 : i32
    %dma_start3A_63 = tpu.memref_slice %arg5[%add3A_61, %dma_start3A_62] : memref<10240x128xf32, #tpu.memory_space<vmem_shared>> -> memref<80x128xf32, #tpu.memory_space<vmem_shared>>
    %dma_start3A_64 = arith.constant 0 : i32
    %dma_start3A_65 = tpu.memref_slice %arg5[%add3A_61, %dma_start3A_64] : memref<10240x128xf32, #tpu.memory_space<vmem_shared>> -> memref<80x128xf32, #tpu.memory_space<vmem_shared>>
    tpu.enqueue_dma source(%arg8 : memref<80x128xf32, #tpu.memory_space<vmem>>) target(%dma_start3A_65 : memref<80x128xf32, #tpu.memory_space<vmem_shared>>) target_semaphore(%arg10 : memref<!tpu.dma_semaphore, #tpu.memory_space<semaphore_mem>>)
    %mul3A_66 = arith.constant 160000 : i32
    %mul3A_67 = arith.muli %arg0, %mul3A_66 : i32
    %mul3A_68 = arith.constant 10000 : i32
    %mul3A_69 = arith.muli %arg1, %mul3A_68 : i32
    %add3A_70 = arith.addi %mul3A_67, %mul3A_69 : i32
    %add3A_71 = arith.constant 320000 : i32
    %add3A_72 = arith.addi %add3A_71, %add3A_70 : i32
    "tpu.region"() ({
      %run_scoped3A_297 = tpu.sem_alloc : memref<!tpu.dma_semaphore, #tpu.memory_space<semaphore_mem>>
      %dma_start3A_298 = tpu.memref_slice %arg3[%add3A_72] : memref<640000xi32, #tpu.memory_space<hbm>> -> memref<10000xi32, #tpu.memory_space<hbm>>
      %dma_start3A_299 = tpu.memref_slice %arg3[%add3A_72] : memref<640000xi32, #tpu.memory_space<hbm>> -> memref<10000xi32, #tpu.memory_space<hbm>>
      tpu.enqueue_dma source(%dma_start3A_299 : memref<10000xi32, #tpu.memory_space<hbm>>) target(%arg6 : memref<10000xi32, #tpu.memory_space<vmem>>) target_semaphore(%run_scoped3A_297 : memref<!tpu.dma_semaphore, #tpu.memory_space<semaphore_mem>>)
      %dma_wait3A_300 = tpu.memref_slice %arg3[%add3A_72] : memref<640000xi32, #tpu.memory_space<hbm>> -> memref<10000xi32, #tpu.memory_space<hbm>>
      %dma_wait3A_301 = tpu.memref_slice %arg3[%add3A_72] : memref<640000xi32, #tpu.memory_space<hbm>> -> memref<10000xi32, #tpu.memory_space<hbm>>
      tpu.wait_dma2 semaphore(%run_scoped3A_297 : memref<!tpu.dma_semaphore, #tpu.memory_space<semaphore_mem>>) src(%dma_wait3A_301 : memref<10000xi32, #tpu.memory_space<hbm>>) dst(%arg6 : memref<10000xi32, #tpu.memory_space<vmem>>)
      tpu.yield
    }) : () -> ()
    %scan3A_73 = arith.constant 0 : i32
    %scan3A_74 = arith.constant 0 : i32
    %scan3A_75 = arith.constant 125 : i32
    %scan3A_76 = arith.addi %scan3A_74, %scan3A_75 : i32
    %scan3A_77 = arith.constant 1 : i32
    scf.for %scan3A_297 = %scan3A_74 to %scan3A_76 step %scan3A_77  : i32 {
      %mul3A_298 = arith.constant 80 : i32
      %mul3A_299 = arith.muli %scan3A_297, %mul3A_298 : i32
      %add3A_300 = arith.constant 0 : i32
      %add3A_301 = arith.addi %mul3A_299, %add3A_300 : i32
      %get3A = arith.index_cast %add3A_301 : i32 to index
      %get3A_302 = tpu.vector_load %arg6[%get3A] {strides = array<i32>} : memref<10000xi32, #tpu.memory_space<vmem>>, vector<16xi32>,
      %get3A_303 = vector.shape_cast %get3A_302 : vector<16xi32> to vector<16xi32>
      %swap3A = arith.index_cast %scan3A_297 : i32 to index
      %swap3A_304 = arith.constant 0 : index
      %swap3A_305 = tpu.vector_load %arg7[%swap3A, %swap3A_304] {strides = array<i32>} : memref<125x80xi32, #tpu.memory_space<vmem>>, vector<1x16xi32>,
      %swap3A_306 = vector.shape_cast %swap3A_305 : vector<1x16xi32> to vector<16xi32>
      %swap3A_307 = vector.shape_cast %get3A_303 : vector<16xi32> to vector<1x16xi32>
      tpu.vector_store %arg7[%swap3A, %swap3A_304], %swap3A_307 {strides = array<i32>} : memref<125x80xi32, #tpu.memory_space<vmem>>, vector<1x16xi32>,
      %mul3A_308 = arith.constant 80 : i32
      %mul3A_309 = arith.muli %scan3A_297, %mul3A_308 : i32
      %add3A_310 = arith.constant 16 : i32
      %add3A_311 = arith.addi %mul3A_309, %add3A_310 : i32
      %get3A_312 = arith.index_cast %add3A_311 : i32 to index
      %get3A_313 = tpu.vector_load %arg6[%get3A_312] {strides = array<i32>} : memref<10000xi32, #tpu.memory_space<vmem>>, vector<16xi32>,
      %get3A_314 = vector.shape_cast %get3A_313 : vector<16xi32> to vector<16xi32>
      %swap3A_315 = arith.index_cast %scan3A_297 : i32 to index
      %swap3A_316 = arith.constant 16 : index
      %swap3A_317 = tpu.vector_load %arg7[%swap3A_315, %swap3A_316] {strides = array<i32>} : memref<125x80xi32, #tpu.memory_space<vmem>>, vector<1x16xi32>,
      %swap3A_318 = vector.shape_cast %swap3A_317 : vector<1x16xi32> to vector<16xi32>
      %swap3A_319 = vector.shape_cast %get3A_314 : vector<16xi32> to vector<1x16xi32>
      tpu.vector_store %arg7[%swap3A_315, %swap3A_316], %swap3A_319 {strides = array<i32>} : memref<125x80xi32, #tpu.memory_space<vmem>>, vector<1x16xi32>,
      %mul3A_320 = arith.constant 80 : i32
      %mul3A_321 = arith.muli %scan3A_297, %mul3A_320 : i32
      %add3A_322 = arith.constant 32 : i32
      %add3A_323 = arith.addi %mul3A_321, %add3A_322 : i32
      %get3A_324 = arith.index_cast %add3A_323 : i32 to index
      %get3A_325 = tpu.vector_load %arg6[%get3A_324] {strides = array<i32>} : memref<10000xi32, #tpu.memory_space<vmem>>, vector<16xi32>,
      %get3A_326 = vector.shape_cast %get3A_325 : vector<16xi32> to vector<16xi32>
      %swap3A_327 = arith.index_cast %scan3A_297 : i32 to index
      %swap3A_328 = arith.constant 32 : index
      %swap3A_329 = tpu.vector_load %arg7[%swap3A_327, %swap3A_328] {strides = array<i32>} : memref<125x80xi32, #tpu.memory_space<vmem>>, vector<1x16xi32>,
      %swap3A_330 = vector.shape_cast %swap3A_329 : vector<1x16xi32> to vector<16xi32>
      %swap3A_331 = vector.shape_cast %get3A_326 : vector<16xi32> to vector<1x16xi32>
      tpu.vector_store %arg7[%swap3A_327, %swap3A_328], %swap3A_331 {strides = array<i32>} : memref<125x80xi32, #tpu.memory_space<vmem>>, vector<1x16xi32>,
      %mul3A_332 = arith.constant 80 : i32
      %mul3A_333 = arith.muli %scan3A_297, %mul3A_332 : i32
      %add3A_334 = arith.constant 48 : i32
      %add3A_335 = arith.addi %mul3A_333, %add3A_334 : i32
      %get3A_336 = arith.index_cast %add3A_335 : i32 to index
      %get3A_337 = tpu.vector_load %arg6[%get3A_336] {strides = array<i32>} : memref<10000xi32, #tpu.memory_space<vmem>>, vector<16xi32>,
      %get3A_338 = vector.shape_cast %get3A_337 : vector<16xi32> to vector<16xi32>
      %swap3A_339 = arith.index_cast %scan3A_297 : i32 to index
      %swap3A_340 = arith.constant 48 : index
      %swap3A_341 = tpu.vector_load %arg7[%swap3A_339, %swap3A_340] {strides = array<i32>} : memref<125x80xi32, #tpu.memory_space<vmem>>, vector<1x16xi32>,
      %swap3A_342 = vector.shape_cast %swap3A_341 : vector<1x16xi32> to vector<16xi32>
      %swap3A_343 = vector.shape_cast %get3A_338 : vector<16xi32> to vector<1x16xi32>
      tpu.vector_store %arg7[%swap3A_339, %swap3A_340], %swap3A_343 {strides = array<i32>} : memref<125x80xi32, #tpu.memory_space<vmem>>, vector<1x16xi32>,
      %mul3A_344 = arith.constant 80 : i32
      %mul3A_345 = arith.muli %scan3A_297, %mul3A_344 : i32
      %add3A_346 = arith.constant 64 : i32
      %add3A_347 = arith.addi %mul3A_345, %add3A_346 : i32
      %get3A_348 = arith.index_cast %add3A_347 : i32 to index
      %get3A_349 = tpu.vector_load %arg6[%get3A_348] {strides = array<i32>} : memref<10000xi32, #tpu.memory_space<vmem>>, vector<16xi32>,
      %get3A_350 = vector.shape_cast %get3A_349 : vector<16xi32> to vector<16xi32>
      %swap3A_351 = arith.index_cast %scan3A_297 : i32 to index
      %swap3A_352 = arith.constant 64 : index
      %swap3A_353 = tpu.vector_load %arg7[%swap3A_351, %swap3A_352] {strides = array<i32>} : memref<125x80xi32, #tpu.memory_space<vmem>>, vector<1x16xi32>,
      %swap3A_354 = vector.shape_cast %swap3A_353 : vector<1x16xi32> to vector<16xi32>
      %swap3A_355 = vector.shape_cast %get3A_350 : vector<16xi32> to vector<1x16xi32>
      tpu.vector_store %arg7[%swap3A_351, %swap3A_352], %swap3A_355 {strides = array<i32>} : memref<125x80xi32, #tpu.memory_space<vmem>>, vector<1x16xi32>,
    }
    %scan3A_78 = arith.constant 125 : i32
    "tpu.region"() ({
      %run_scoped3A_297 = tpu.sem_alloc : memref<!tpu.dma_semaphore, #tpu.memory_space<semaphore_mem>>
      %dma_start3A_298 = tpu.memref_slice %arg3[%add3A_70] : memref<640000xi32, #tpu.memory_space<hbm>> -> memref<10000xi32, #tpu.memory_space<hbm>>
      %dma_start3A_299 = tpu.memref_slice %arg3[%add3A_70] : memref<640000xi32, #tpu.memory_space<hbm>> -> memref<10000xi32, #tpu.memory_space<hbm>>
      tpu.enqueue_dma source(%dma_start3A_299 : memref<10000xi32, #tpu.memory_space<hbm>>) target(%arg6 : memref<10000xi32, #tpu.memory_space<vmem>>) target_semaphore(%run_scoped3A_297 : memref<!tpu.dma_semaphore, #tpu.memory_space<semaphore_mem>>)
      %dma_wait3A_300 = tpu.memref_slice %arg3[%add3A_70] : memref<640000xi32, #tpu.memory_space<hbm>> -> memref<10000xi32, #tpu.memory_space<hbm>>
      %dma_wait3A_301 = tpu.memref_slice %arg3[%add3A_70] : memref<640000xi32, #tpu.memory_space<hbm>> -> memref<10000xi32, #tpu.memory_space<hbm>>
      tpu.wait_dma2 semaphore(%run_scoped3A_297 : memref<!tpu.dma_semaphore, #tpu.memory_space<semaphore_mem>>) src(%dma_wait3A_301 : memref<10000xi32, #tpu.memory_space<hbm>>) dst(%arg6 : memref<10000xi32, #tpu.memory_space<vmem>>)
      tpu.yield
    }) : () -> ()
    %mul3A_79 = arith.constant 640 : i32
    %mul3A_80 = arith.muli %arg1, %mul3A_79 : i32
    %dma_wait3A = arith.constant 0 : i32
    %dma_wait3A_81 = tpu.memref_slice %arg5[%mul3A_80, %dma_wait3A] : memref<10240x128xf32, #tpu.memory_space<vmem_shared>> -> memref<80x128xf32, #tpu.memory_space<vmem_shared>>
    %dma_wait3A_82 = arith.constant 0 : i32
    %dma_wait3A_83 = tpu.memref_slice %arg5[%mul3A_80, %dma_wait3A_82] : memref<10240x128xf32, #tpu.memory_space<vmem_shared>> -> memref<80x128xf32, #tpu.memory_space<vmem_shared>>
    tpu.wait_dma2 semaphore(%arg10 : memref<!tpu.dma_semaphore, #tpu.memory_space<semaphore_mem>>) src(%arg8 : memref<80x128xf32, #tpu.memory_space<vmem>>) dst(%dma_wait3A_83 : memref<80x128xf32, #tpu.memory_space<vmem_shared>>)
    %mul3A_84 = arith.constant 640 : i32
    %mul3A_85 = arith.muli %arg1, %mul3A_84 : i32
    %dma_wait3A_86 = arith.constant 0 : i32
    %dma_wait3A_87 = tpu.memref_slice %arg5[%mul3A_85, %dma_wait3A_86] : memref<10240x128xf32, #tpu.memory_space<vmem_shared>> -> memref<80x128xf32, #tpu.memory_space<vmem_shared>>
    %dma_wait3A_88 = arith.constant 0 : i32
    %dma_wait3A_89 = tpu.memref_slice %arg5[%mul3A_85, %dma_wait3A_88] : memref<10240x128xf32, #tpu.memory_space<vmem_shared>> -> memref<80x128xf32, #tpu.memory_space<vmem_shared>>
    tpu.wait_dma2 semaphore(%arg10 : memref<!tpu.dma_semaphore, #tpu.memory_space<semaphore_mem>>) src(%arg8 : memref<80x128xf32, #tpu.memory_space<vmem>>) dst(%dma_wait3A_89 : memref<80x128xf32, #tpu.memory_space<vmem_shared>>)
    %mul3A_90 = arith.constant 640 : i32
    %mul3A_91 = arith.muli %arg1, %mul3A_90 : i32
    %dma_wait3A_92 = arith.constant 0 : i32
    %dma_wait3A_93 = tpu.memref_slice %arg5[%mul3A_91, %dma_wait3A_92] : memref<10240x128xf32, #tpu.memory_space<vmem_shared>> -> memref<80x128xf32, #tpu.memory_space<vmem_shared>>
    %dma_wait3A_94 = arith.constant 0 : i32
    %dma_wait3A_95 = tpu.memref_slice %arg5[%mul3A_91, %dma_wait3A_94] : memref<10240x128xf32, #tpu.memory_space<vmem_shared>> -> memref<80x128xf32, #tpu.memory_space<vmem_shared>>
    tpu.wait_dma2 semaphore(%arg10 : memref<!tpu.dma_semaphore, #tpu.memory_space<semaphore_mem>>) src(%arg8 : memref<80x128xf32, #tpu.memory_space<vmem>>) dst(%dma_wait3A_95 : memref<80x128xf32, #tpu.memory_space<vmem_shared>>)
    %mul3A_96 = arith.constant 640 : i32
    %mul3A_97 = arith.muli %arg1, %mul3A_96 : i32
    %dma_wait3A_98 = arith.constant 0 : i32
    %dma_wait3A_99 = tpu.memref_slice %arg5[%mul3A_97, %dma_wait3A_98] : memref<10240x128xf32, #tpu.memory_space<vmem_shared>> -> memref<80x128xf32, #tpu.memory_space<vmem_shared>>
    %dma_wait3A_100 = arith.constant 0 : i32
    %dma_wait3A_101 = tpu.memref_slice %arg5[%mul3A_97, %dma_wait3A_100] : memref<10240x128xf32, #tpu.memory_space<vmem_shared>> -> memref<80x128xf32, #tpu.memory_space<vmem_shared>>
    tpu.wait_dma2 semaphore(%arg10 : memref<!tpu.dma_semaphore, #tpu.memory_space<semaphore_mem>>) src(%arg8 : memref<80x128xf32, #tpu.memory_space<vmem>>) dst(%dma_wait3A_101 : memref<80x128xf32, #tpu.memory_space<vmem_shared>>)
    %mul3A_102 = arith.constant 640 : i32
    %mul3A_103 = arith.muli %arg1, %mul3A_102 : i32
    %dma_wait3A_104 = arith.constant 0 : i32
    %dma_wait3A_105 = tpu.memref_slice %arg5[%mul3A_103, %dma_wait3A_104] : memref<10240x128xf32, #tpu.memory_space<vmem_shared>> -> memref<80x128xf32, #tpu.memory_space<vmem_shared>>
    %dma_wait3A_106 = arith.constant 0 : i32
    %dma_wait3A_107 = tpu.memref_slice %arg5[%mul3A_103, %dma_wait3A_106] : memref<10240x128xf32, #tpu.memory_space<vmem_shared>> -> memref<80x128xf32, #tpu.memory_space<vmem_shared>>
    tpu.wait_dma2 semaphore(%arg10 : memref<!tpu.dma_semaphore, #tpu.memory_space<semaphore_mem>>) src(%arg8 : memref<80x128xf32, #tpu.memory_space<vmem>>) dst(%dma_wait3A_107 : memref<80x128xf32, #tpu.memory_space<vmem_shared>>)
    %mul3A_108 = arith.constant 640 : i32
    %mul3A_109 = arith.muli %arg1, %mul3A_108 : i32
    %dma_wait3A_110 = arith.constant 0 : i32
    %dma_wait3A_111 = tpu.memref_slice %arg5[%mul3A_109, %dma_wait3A_110] : memref<10240x128xf32, #tpu.memory_space<vmem_shared>> -> memref<80x128xf32, #tpu.memory_space<vmem_shared>>
    %dma_wait3A_112 = arith.constant 0 : i32
    %dma_wait3A_113 = tpu.memref_slice %arg5[%mul3A_109, %dma_wait3A_112] : memref<10240x128xf32, #tpu.memory_space<vmem_shared>> -> memref<80x128xf32, #tpu.memory_space<vmem_shared>>
    tpu.wait_dma2 semaphore(%arg10 : memref<!tpu.dma_semaphore, #tpu.memory_space<semaphore_mem>>) src(%arg8 : memref<80x128xf32, #tpu.memory_space<vmem>>) dst(%dma_wait3A_113 : memref<80x128xf32, #tpu.memory_space<vmem_shared>>)
    %mul3A_114 = arith.constant 640 : i32
    %mul3A_115 = arith.muli %arg1, %mul3A_114 : i32
    %dma_wait3A_116 = arith.constant 0 : i32
    %dma_wait3A_117 = tpu.memref_slice %arg5[%mul3A_115, %dma_wait3A_116] : memref<10240x128xf32, #tpu.memory_space<vmem_shared>> -> memref<80x128xf32, #tpu.memory_space<vmem_shared>>
    %dma_wait3A_118 = arith.constant 0 : i32
    %dma_wait3A_119 = tpu.memref_slice %arg5[%mul3A_115, %dma_wait3A_118] : memref<10240x128xf32, #tpu.memory_space<vmem_shared>> -> memref<80x128xf32, #tpu.memory_space<vmem_shared>>
    tpu.wait_dma2 semaphore(%arg10 : memref<!tpu.dma_semaphore, #tpu.memory_space<semaphore_mem>>) src(%arg8 : memref<80x128xf32, #tpu.memory_space<vmem>>) dst(%dma_wait3A_119 : memref<80x128xf32, #tpu.memory_space<vmem_shared>>)
    %mul3A_120 = arith.constant 640 : i32
    %mul3A_121 = arith.muli %arg1, %mul3A_120 : i32
    %dma_wait3A_122 = arith.constant 0 : i32
    %dma_wait3A_123 = tpu.memref_slice %arg5[%mul3A_121, %dma_wait3A_122] : memref<10240x128xf32, #tpu.memory_space<vmem_shared>> -> memref<80x128xf32, #tpu.memory_space<vmem_shared>>
    %dma_wait3A_124 = arith.constant 0 : i32
    %dma_wait3A_125 = tpu.memref_slice %arg5[%mul3A_121, %dma_wait3A_124] : memref<10240x128xf32, #tpu.memory_space<vmem_shared>> -> memref<80x128xf32, #tpu.memory_space<vmem_shared>>
    tpu.wait_dma2 semaphore(%arg10 : memref<!tpu.dma_semaphore, #tpu.memory_space<semaphore_mem>>) src(%arg8 : memref<80x128xf32, #tpu.memory_space<vmem>>) dst(%dma_wait3A_125 : memref<80x128xf32, #tpu.memory_space<vmem_shared>>)
    %dma_start3A_126 = arith.constant 0 : i32
    %dma_start3A_127 = tpu.memref_slice %arg6[%dma_start3A_126] : memref<10000xi32, #tpu.memory_space<vmem>> -> memref<80xi32, #tpu.memory_space<vmem>>
    %dma_start3A_128 = arith.constant 0 : i32
    %dma_start3A_129 = arith.constant 0 : i32
    %dma_start3A_130 = tpu.memref_slice %arg2[%dma_start3A_128, %dma_start3A_129] : memref<10240x128xf32, #tpu.memory_space<hbm>> -> memref<10240x128xf32, #tpu.memory_space<hbm>>
    tpu.enqueue_indirect_dma source(%dma_start3A_130 : memref<10240x128xf32, #tpu.memory_space<hbm>>) target(%arg8 : memref<80x128xf32, #tpu.memory_space<vmem>>) offsets(%dma_start3A_127 : memref<80xi32, #tpu.memory_space<vmem>>) semaphore(%arg10 : memref<!tpu.dma_semaphore, #tpu.memory_space<semaphore_mem>>)
    %dma_start3A_131 = arith.constant 80 : i32
    %dma_start3A_132 = tpu.memref_slice %arg6[%dma_start3A_131] : memref<10000xi32, #tpu.memory_space<vmem>> -> memref<80xi32, #tpu.memory_space<vmem>>
    %dma_start3A_133 = arith.constant 0 : i32
    %dma_start3A_134 = arith.constant 0 : i32
    %dma_start3A_135 = tpu.memref_slice %arg2[%dma_start3A_133, %dma_start3A_134] : memref<10240x128xf32, #tpu.memory_space<hbm>> -> memref<10240x128xf32, #tpu.memory_space<hbm>>
    tpu.enqueue_indirect_dma source(%dma_start3A_135 : memref<10240x128xf32, #tpu.memory_space<hbm>>) target(%arg9 : memref<80x128xf32, #tpu.memory_space<vmem>>) offsets(%dma_start3A_132 : memref<80xi32, #tpu.memory_space<vmem>>) semaphore(%arg11 : memref<!tpu.dma_semaphore, #tpu.memory_space<semaphore_mem>>)
    %barrier3A = arith.constant 0 : index
    tpu.barrier barrier_id(%barrier3A)
    %scan3A_136 = arith.constant 0 : i32
    %scan3A_137 = arith.constant 0 : i32
    %scan3A_138 = arith.constant 62 : i32
    %scan3A_139 = arith.addi %scan3A_137, %scan3A_138 : i32
    %scan3A_140 = arith.constant 1 : i32
    scf.for %scan3A_297 = %scan3A_137 to %scan3A_139 step %scan3A_140  : i32 {
      %mul3A_298 = arith.constant 2 : i32
      %mul3A_299 = arith.muli %scan3A_297, %mul3A_298 : i32
      %add3A_300 = arith.constant 0 : i32
      %add3A_301 = arith.addi %mul3A_299, %add3A_300 : i32
      %mul3A_302 = arith.constant 80 : i32
      %mul3A_303 = arith.muli %add3A_301, %mul3A_302 : i32
      %dma_wait3A_304 = tpu.memref_slice %arg6[%mul3A_303] : memref<10000xi32, #tpu.memory_space<vmem>> -> memref<80xi32, #tpu.memory_space<vmem>>
      %dma_wait3A_305 = arith.constant 0 : i32
      %dma_wait3A_306 = arith.constant 0 : i32
      %dma_wait3A_307 = tpu.memref_slice %arg2[%dma_wait3A_305, %dma_wait3A_306] : memref<10240x128xf32, #tpu.memory_space<hbm>> -> memref<10240x128xf32, #tpu.memory_space<hbm>>
      tpu.wait_indirect_dma semaphore(%arg10 : memref<!tpu.dma_semaphore, #tpu.memory_space<semaphore_mem>>) src(%dma_wait3A_307 : memref<10240x128xf32, #tpu.memory_space<hbm>>) dst(%arg8 : memref<80x128xf32, #tpu.memory_space<vmem>>)
      "tpu.region"() ({
        %run_scoped3A_329 = tpu.sem_alloc : memref<!tpu.dma_semaphore, #tpu.memory_space<semaphore_mem>>
        %dma_start3A_330 = arith.constant 0 : i32
        %dma_start3A_331 = tpu.memref_slice %arg7[%add3A_301, %dma_start3A_330] : memref<125x80xi32, #tpu.memory_space<vmem>> -> memref<1x80xi32, #tpu.memory_space<vmem>>
        %dma_start3A_332 = tpu.memref_squeeze %dma_start3A_331 : memref<1x80xi32, #tpu.memory_space<vmem>> -> memref<80xi32, #tpu.memory_space<vmem>>
        %dma_start3A_333 = arith.constant 0 : i32
        %dma_start3A_334 = arith.constant 0 : i32
        %dma_start3A_335 = tpu.memref_slice %arg5[%dma_start3A_333, %dma_start3A_334] : memref<10240x128xf32, #tpu.memory_space<vmem_shared>> -> memref<10240x128xf32, #tpu.memory_space<vmem_shared>>
        tpu.enqueue_indirect_dma source(%arg8 : memref<80x128xf32, #tpu.memory_space<vmem>>) target(%dma_start3A_335 : memref<10240x128xf32, #tpu.memory_space<vmem_shared>>) offsets(%dma_start3A_332 : memref<80xi32, #tpu.memory_space<vmem>>) semaphore(%run_scoped3A_329 : memref<!tpu.dma_semaphore, #tpu.memory_space<semaphore_mem>>) {add = true}
        %dma_wait3A_336 = arith.constant 0 : i32
        %dma_wait3A_337 = tpu.memref_slice %arg7[%add3A_301, %dma_wait3A_336] : memref<125x80xi32, #tpu.memory_space<vmem>> -> memref<1x80xi32, #tpu.memory_space<vmem>>
        %dma_wait3A_338 = tpu.memref_squeeze %dma_wait3A_337 : memref<1x80xi32, #tpu.memory_space<vmem>> -> memref<80xi32, #tpu.memory_space<vmem>>
        %dma_wait3A_339 = arith.constant 0 : i32
        %dma_wait3A_340 = arith.constant 0 : i32
        %dma_wait3A_341 = tpu.memref_slice %arg5[%dma_wait3A_339, %dma_wait3A_340] : memref<10240x128xf32, #tpu.memory_space<vmem_shared>> -> memref<10240x128xf32, #tpu.memory_space<vmem_shared>>
        tpu.wait_indirect_dma semaphore(%run_scoped3A_329 : memref<!tpu.dma_semaphore, #tpu.memory_space<semaphore_mem>>) src(%arg8 : memref<80x128xf32, #tpu.memory_space<vmem>>) dst(%dma_wait3A_341 : memref<10240x128xf32, #tpu.memory_space<vmem_shared>>)
        tpu.yield
      }) : () -> ()
      %add3A_308 = arith.constant 1 : i32
      %add3A_309 = arith.addi %scan3A_297, %add3A_308 : i32
      %lt3A = arith.constant 62 : i32
      %lt3A_310 = arith.cmpi slt, %add3A_309, %lt3A : i32
      %convert_element_type3A = arith.extui %lt3A_310 : i1 to i32
      %cond3A = arith.constant 0 : i32
      %cond3A_311 = arith.cmpi ne, %convert_element_type3A, %cond3A : i32
      scf.if %cond3A_311 {
        %add3A_329 = arith.constant 2 : i32
        %add3A_330 = arith.addi %add3A_301, %add3A_329 : i32
        %mul3A_331 = arith.constant 80 : i32
        %mul3A_332 = arith.muli %add3A_330, %mul3A_331 : i32
        %dma_start3A_333 = tpu.memref_slice %arg6[%mul3A_332] : memref<10000xi32, #tpu.memory_space<vmem>> -> memref<80xi32, #tpu.memory_space<vmem>>
        %dma_start3A_334 = arith.constant 0 : i32
        %dma_start3A_335 = arith.constant 0 : i32
        %dma_start3A_336 = tpu.memref_slice %arg2[%dma_start3A_334, %dma_start3A_335] : memref<10240x128xf32, #tpu.memory_space<hbm>> -> memref<10240x128xf32, #tpu.memory_space<hbm>>
        tpu.enqueue_indirect_dma source(%dma_start3A_336 : memref<10240x128xf32, #tpu.memory_space<hbm>>) target(%arg8 : memref<80x128xf32, #tpu.memory_space<vmem>>) offsets(%dma_start3A_333 : memref<80xi32, #tpu.memory_space<vmem>>) semaphore(%arg10 : memref<!tpu.dma_semaphore, #tpu.memory_space<semaphore_mem>>)
      } else {
      }
      %mul3A_312 = arith.constant 2 : i32
      %mul3A_313 = arith.muli %scan3A_297, %mul3A_312 : i32
      %add3A_314 = arith.constant 1 : i32
      %add3A_315 = arith.addi %mul3A_313, %add3A_314 : i32
      %mul3A_316 = arith.constant 80 : i32
      %mul3A_317 = arith.muli %add3A_315, %mul3A_316 : i32
      %dma_wait3A_318 = tpu.memref_slice %arg6[%mul3A_317] : memref<10000xi32, #tpu.memory_space<vmem>> -> memref<80xi32, #tpu.memory_space<vmem>>
      %dma_wait3A_319 = arith.constant 0 : i32
      %dma_wait3A_320 = arith.constant 0 : i32
      %dma_wait3A_321 = tpu.memref_slice %arg2[%dma_wait3A_319, %dma_wait3A_320] : memref<10240x128xf32, #tpu.memory_space<hbm>> -> memref<10240x128xf32, #tpu.memory_space<hbm>>
      tpu.wait_indirect_dma semaphore(%arg11 : memref<!tpu.dma_semaphore, #tpu.memory_space<semaphore_mem>>) src(%dma_wait3A_321 : memref<10240x128xf32, #tpu.memory_space<hbm>>) dst(%arg9 : memref<80x128xf32, #tpu.memory_space<vmem>>)
      "tpu.region"() ({
        %run_scoped3A_329 = tpu.sem_alloc : memref<!tpu.dma_semaphore, #tpu.memory_space<semaphore_mem>>
        %dma_start3A_330 = arith.constant 0 : i32
        %dma_start3A_331 = tpu.memref_slice %arg7[%add3A_315, %dma_start3A_330] : memref<125x80xi32, #tpu.memory_space<vmem>> -> memref<1x80xi32, #tpu.memory_space<vmem>>
        %dma_start3A_332 = tpu.memref_squeeze %dma_start3A_331 : memref<1x80xi32, #tpu.memory_space<vmem>> -> memref<80xi32, #tpu.memory_space<vmem>>
        %dma_start3A_333 = arith.constant 0 : i32
        %dma_start3A_334 = arith.constant 0 : i32
        %dma_start3A_335 = tpu.memref_slice %arg5[%dma_start3A_333, %dma_start3A_334] : memref<10240x128xf32, #tpu.memory_space<vmem_shared>> -> memref<10240x128xf32, #tpu.memory_space<vmem_shared>>
        tpu.enqueue_indirect_dma source(%arg9 : memref<80x128xf32, #tpu.memory_space<vmem>>) target(%dma_start3A_335 : memref<10240x128xf32, #tpu.memory_space<vmem_shared>>) offsets(%dma_start3A_332 : memref<80xi32, #tpu.memory_space<vmem>>) semaphore(%run_scoped3A_329 : memref<!tpu.dma_semaphore, #tpu.memory_space<semaphore_mem>>) {add = true}
        %dma_wait3A_336 = arith.constant 0 : i32
        %dma_wait3A_337 = tpu.memref_slice %arg7[%add3A_315, %dma_wait3A_336] : memref<125x80xi32, #tpu.memory_space<vmem>> -> memref<1x80xi32, #tpu.memory_space<vmem>>
        %dma_wait3A_338 = tpu.memref_squeeze %dma_wait3A_337 : memref<1x80xi32, #tpu.memory_space<vmem>> -> memref<80xi32, #tpu.memory_space<vmem>>
        %dma_wait3A_339 = arith.constant 0 : i32
        %dma_wait3A_340 = arith.constant 0 : i32
        %dma_wait3A_341 = tpu.memref_slice %arg5[%dma_wait3A_339, %dma_wait3A_340] : memref<10240x128xf32, #tpu.memory_space<vmem_shared>> -> memref<10240x128xf32, #tpu.memory_space<vmem_shared>>
        tpu.wait_indirect_dma semaphore(%run_scoped3A_329 : memref<!tpu.dma_semaphore, #tpu.memory_space<semaphore_mem>>) src(%arg9 : memref<80x128xf32, #tpu.memory_space<vmem>>) dst(%dma_wait3A_341 : memref<10240x128xf32, #tpu.memory_space<vmem_shared>>)
        tpu.yield
      }) : () -> ()
      %add3A_322 = arith.constant 1 : i32
      %add3A_323 = arith.addi %scan3A_297, %add3A_322 : i32
      %lt3A_324 = arith.constant 62 : i32
      %lt3A_325 = arith.cmpi slt, %add3A_323, %lt3A_324 : i32
      %convert_element_type3A_326 = arith.extui %lt3A_325 : i1 to i32
      %cond3A_327 = arith.constant 0 : i32
      %cond3A_328 = arith.cmpi ne, %convert_element_type3A_326, %cond3A_327 : i32
      scf.if %cond3A_328 {
        %add3A_329 = arith.constant 2 : i32
        %add3A_330 = arith.addi %add3A_315, %add3A_329 : i32
        %mul3A_331 = arith.constant 80 : i32
        %mul3A_332 = arith.muli %add3A_330, %mul3A_331 : i32
        %dma_start3A_333 = tpu.memref_slice %arg6[%mul3A_332] : memref<10000xi32, #tpu.memory_space<vmem>> -> memref<80xi32, #tpu.memory_space<vmem>>
        %dma_start3A_334 = arith.constant 0 : i32
        %dma_start3A_335 = arith.constant 0 : i32
        %dma_start3A_336 = tpu.memref_slice %arg2[%dma_start3A_334, %dma_start3A_335] : memref<10240x128xf32, #tpu.memory_space<hbm>> -> memref<10240x128xf32, #tpu.memory_space<hbm>>
        tpu.enqueue_indirect_dma source(%dma_start3A_336 : memref<10240x128xf32, #tpu.memory_space<hbm>>) target(%arg9 : memref<80x128xf32, #tpu.memory_space<vmem>>) offsets(%dma_start3A_333 : memref<80xi32, #tpu.memory_space<vmem>>) semaphore(%arg11 : memref<!tpu.dma_semaphore, #tpu.memory_space<semaphore_mem>>)
      } else {
      }
    }
    %scan3A_141 = arith.constant 62 : i32
    %dma_start3A_142 = arith.constant 9920 : i32
    %dma_start3A_143 = tpu.memref_slice %arg6[%dma_start3A_142] : memref<10000xi32, #tpu.memory_space<vmem>> -> memref<80xi32, #tpu.memory_space<vmem>>
    %dma_start3A_144 = arith.constant 0 : i32
    %dma_start3A_145 = arith.constant 0 : i32
    %dma_start3A_146 = tpu.memref_slice %arg2[%dma_start3A_144, %dma_start3A_145] : memref<10240x128xf32, #tpu.memory_space<hbm>> -> memref<10240x128xf32, #tpu.memory_space<hbm>>
    tpu.enqueue_indirect_dma source(%dma_start3A_146 : memref<10240x128xf32, #tpu.memory_space<hbm>>) target(%arg8 : memref<80x128xf32, #tpu.memory_space<vmem>>) offsets(%dma_start3A_143 : memref<80xi32, #tpu.memory_space<vmem>>) semaphore(%arg10 : memref<!tpu.dma_semaphore, #tpu.memory_space<semaphore_mem>>)
    %dma_wait3A_147 = arith.constant 9920 : i32
    %dma_wait3A_148 = tpu.memref_slice %arg6[%dma_wait3A_147] : memref<10000xi32, #tpu.memory_space<vmem>> -> memref<80xi32, #tpu.memory_space<vmem>>
    %dma_wait3A_149 = arith.constant 0 : i32
    %dma_wait3A_150 = arith.constant 0 : i32
    %dma_wait3A_151 = tpu.memref_slice %arg2[%dma_wait3A_149, %dma_wait3A_150] : memref<10240x128xf32, #tpu.memory_space<hbm>> -> memref<10240x128xf32, #tpu.memory_space<hbm>>
    tpu.wait_indirect_dma semaphore(%arg10 : memref<!tpu.dma_semaphore, #tpu.memory_space<semaphore_mem>>) src(%dma_wait3A_151 : memref<10240x128xf32, #tpu.memory_space<hbm>>) dst(%arg8 : memref<80x128xf32, #tpu.memory_space<vmem>>)
    %run_scoped3A = arith.constant 124 : i32
    "tpu.region"() ({
      %run_scoped3A_297 = tpu.sem_alloc : memref<!tpu.dma_semaphore, #tpu.memory_space<semaphore_mem>>
      %dma_start3A_298 = arith.constant 0 : i32
      %dma_start3A_299 = tpu.memref_slice %arg7[%run_scoped3A, %dma_start3A_298] : memref<125x80xi32, #tpu.memory_space<vmem>> -> memref<1x80xi32, #tpu.memory_space<vmem>>
      %dma_start3A_300 = tpu.memref_squeeze %dma_start3A_299 : memref<1x80xi32, #tpu.memory_space<vmem>> -> memref<80xi32, #tpu.memory_space<vmem>>
      %dma_start3A_301 = arith.constant 0 : i32
      %dma_start3A_302 = arith.constant 0 : i32
      %dma_start3A_303 = tpu.memref_slice %arg5[%dma_start3A_301, %dma_start3A_302] : memref<10240x128xf32, #tpu.memory_space<vmem_shared>> -> memref<10240x128xf32, #tpu.memory_space<vmem_shared>>
      tpu.enqueue_indirect_dma source(%arg8 : memref<80x128xf32, #tpu.memory_space<vmem>>) target(%dma_start3A_303 : memref<10240x128xf32, #tpu.memory_space<vmem_shared>>) offsets(%dma_start3A_300 : memref<80xi32, #tpu.memory_space<vmem>>) semaphore(%run_scoped3A_297 : memref<!tpu.dma_semaphore, #tpu.memory_space<semaphore_mem>>) {add = true}
      %dma_wait3A_304 = arith.constant 0 : i32
      %dma_wait3A_305 = tpu.memref_slice %arg7[%run_scoped3A, %dma_wait3A_304] : memref<125x80xi32, #tpu.memory_space<vmem>> -> memref<1x80xi32, #tpu.memory_space<vmem>>
      %dma_wait3A_306 = tpu.memref_squeeze %dma_wait3A_305 : memref<1x80xi32, #tpu.memory_space<vmem>> -> memref<80xi32, #tpu.memory_space<vmem>>
      %dma_wait3A_307 = arith.constant 0 : i32
      %dma_wait3A_308 = arith.constant 0 : i32
      %dma_wait3A_309 = tpu.memref_slice %arg5[%dma_wait3A_307, %dma_wait3A_308] : memref<10240x128xf32, #tpu.memory_space<vmem_shared>> -> memref<10240x128xf32, #tpu.memory_space<vmem_shared>>
      tpu.wait_indirect_dma semaphore(%run_scoped3A_297 : memref<!tpu.dma_semaphore, #tpu.memory_space<semaphore_mem>>) src(%arg8 : memref<80x128xf32, #tpu.memory_space<vmem>>) dst(%dma_wait3A_309 : memref<10240x128xf32, #tpu.memory_space<vmem_shared>>)
      tpu.yield
    }) : () -> ()
    %barrier3A_152 = arith.constant 0 : index
    tpu.barrier barrier_id(%barrier3A_152)
    %mul3A_153 = arith.constant 640 : i32
    %mul3A_154 = arith.muli %arg1, %mul3A_153 : i32
    %add3A_155 = arith.constant 0 : i32
    %add3A_156 = arith.addi %mul3A_154, %add3A_155 : i32
    %dma_start3A_157 = arith.constant 0 : i32
    %dma_start3A_158 = tpu.memref_slice %arg5[%add3A_156, %dma_start3A_157] : memref<10240x128xf32, #tpu.memory_space<vmem_shared>> -> memref<80x128xf32, #tpu.memory_space<vmem_shared>>
    %dma_start3A_159 = arith.constant 0 : i32
    %dma_start3A_160 = tpu.memref_slice %arg5[%add3A_156, %dma_start3A_159] : memref<10240x128xf32, #tpu.memory_space<vmem_shared>> -> memref<80x128xf32, #tpu.memory_space<vmem_shared>>
    tpu.enqueue_dma source(%dma_start3A_160 : memref<80x128xf32, #tpu.memory_space<vmem_shared>>) target(%arg8 : memref<80x128xf32, #tpu.memory_space<vmem>>) target_semaphore(%arg10 : memref<!tpu.dma_semaphore, #tpu.memory_space<semaphore_mem>>)
    %mul3A_161 = arith.constant 640 : i32
    %mul3A_162 = arith.muli %arg1, %mul3A_161 : i32
    %add3A_163 = arith.constant 80 : i32
    %add3A_164 = arith.addi %mul3A_162, %add3A_163 : i32
    %dma_start3A_165 = arith.constant 0 : i32
    %dma_start3A_166 = tpu.memref_slice %arg5[%add3A_164, %dma_start3A_165] : memref<10240x128xf32, #tpu.memory_space<vmem_shared>> -> memref<80x128xf32, #tpu.memory_space<vmem_shared>>
    %dma_start3A_167 = arith.constant 0 : i32
    %dma_start3A_168 = tpu.memref_slice %arg5[%add3A_164, %dma_start3A_167] : memref<10240x128xf32, #tpu.memory_space<vmem_shared>> -> memref<80x128xf32, #tpu.memory_space<vmem_shared>>
    tpu.enqueue_dma source(%dma_start3A_168 : memref<80x128xf32, #tpu.memory_space<vmem_shared>>) target(%arg9 : memref<80x128xf32, #tpu.memory_space<vmem>>) target_semaphore(%arg11 : memref<!tpu.dma_semaphore, #tpu.memory_space<semaphore_mem>>)
    %mul3A_169 = arith.constant 640 : i32
    %mul3A_170 = arith.muli %arg1, %mul3A_169 : i32
    %dma_wait3A_171 = arith.constant 0 : i32
    %dma_wait3A_172 = tpu.memref_slice %arg5[%mul3A_170, %dma_wait3A_171] : memref<10240x128xf32, #tpu.memory_space<vmem_shared>> -> memref<80x128xf32, #tpu.memory_space<vmem_shared>>
    %dma_wait3A_173 = arith.constant 0 : i32
    %dma_wait3A_174 = tpu.memref_slice %arg5[%mul3A_170, %dma_wait3A_173] : memref<10240x128xf32, #tpu.memory_space<vmem_shared>> -> memref<80x128xf32, #tpu.memory_space<vmem_shared>>
    tpu.wait_dma2 semaphore(%arg10 : memref<!tpu.dma_semaphore, #tpu.memory_space<semaphore_mem>>) src(%dma_wait3A_174 : memref<80x128xf32, #tpu.memory_space<vmem_shared>>) dst(%arg8 : memref<80x128xf32, #tpu.memory_space<vmem>>)
    %mul3A_175 = arith.constant 640 : i32
    %mul3A_176 = arith.muli %arg1, %mul3A_175 : i32
    %add3A_177 = arith.constant 0 : i32
    %add3A_178 = arith.addi %mul3A_176, %add3A_177 : i32
    "tpu.region"() ({
      %run_scoped3A_297 = tpu.sem_alloc : memref<!tpu.dma_semaphore, #tpu.memory_space<semaphore_mem>>
      %dma_start3A_298 = arith.constant 0 : i32
      %dma_start3A_299 = tpu.memref_slice %arg4[%arg0, %add3A_178, %dma_start3A_298] : memref<2x10240x128xf32, #tpu.memory_space<hbm>> -> memref<1x80x128xf32, #tpu.memory_space<hbm>>
      %dma_start3A_300 = tpu.memref_squeeze %dma_start3A_299 : memref<1x80x128xf32, #tpu.memory_space<hbm>> -> memref<80x128xf32, #tpu.memory_space<hbm>>
      %dma_start3A_301 = arith.constant 0 : i32
      %dma_start3A_302 = tpu.memref_slice %arg4[%arg0, %add3A_178, %dma_start3A_301] : memref<2x10240x128xf32, #tpu.memory_space<hbm>> -> memref<1x80x128xf32, #tpu.memory_space<hbm>>
      %dma_start3A_303 = tpu.memref_squeeze %dma_start3A_302 : memref<1x80x128xf32, #tpu.memory_space<hbm>> -> memref<80x128xf32, #tpu.memory_space<hbm>>
      tpu.enqueue_dma source(%arg8 : memref<80x128xf32, #tpu.memory_space<vmem>>) target(%dma_start3A_303 : memref<80x128xf32, #tpu.memory_space<hbm>>) target_semaphore(%run_scoped3A_297 : memref<!tpu.dma_semaphore, #tpu.memory_space<semaphore_mem>>)
      %dma_wait3A_304 = arith.constant 0 : i32
      %dma_wait3A_305 = tpu.memref_slice %arg4[%arg0, %add3A_178, %dma_wait3A_304] : memref<2x10240x128xf32, #tpu.memory_space<hbm>> -> memref<1x80x128xf32, #tpu.memory_space<hbm>>
      %dma_wait3A_306 = tpu.memref_squeeze %dma_wait3A_305 : memref<1x80x128xf32, #tpu.memory_space<hbm>> -> memref<80x128xf32, #tpu.memory_space<hbm>>
      %dma_wait3A_307 = arith.constant 0 : i32
      %dma_wait3A_308 = tpu.memref_slice %arg4[%arg0, %add3A_178, %dma_wait3A_307] : memref<2x10240x128xf32, #tpu.memory_space<hbm>> -> memref<1x80x128xf32, #tpu.memory_space<hbm>>
      %dma_wait3A_309 = tpu.memref_squeeze %dma_wait3A_308 : memref<1x80x128xf32, #tpu.memory_space<hbm>> -> memref<80x128xf32, #tpu.memory_space<hbm>>
      tpu.wait_dma2 semaphore(%run_scoped3A_297 : memref<!tpu.dma_semaphore, #tpu.memory_space<semaphore_mem>>) src(%arg8 : memref<80x128xf32, #tpu.memory_space<vmem>>) dst(%dma_wait3A_309 : memref<80x128xf32, #tpu.memory_space<hbm>>)
      tpu.yield
    }) : () -> ()
    %mul3A_179 = arith.constant 640 : i32
    %mul3A_180 = arith.muli %arg1, %mul3A_179 : i32
    %add3A_181 = arith.constant 160 : i32
    %add3A_182 = arith.addi %mul3A_180, %add3A_181 : i32
    %dma_start3A_183 = arith.constant 0 : i32
    %dma_start3A_184 = tpu.memref_slice %arg5[%add3A_182, %dma_start3A_183] : memref<10240x128xf32, #tpu.memory_space<vmem_shared>> -> memref<80x128xf32, #tpu.memory_space<vmem_shared>>
    %dma_start3A_185 = arith.constant 0 : i32
    %dma_start3A_186 = tpu.memref_slice %arg5[%add3A_182, %dma_start3A_185] : memref<10240x128xf32, #tpu.memory_space<vmem_shared>> -> memref<80x128xf32, #tpu.memory_space<vmem_shared>>
    tpu.enqueue_dma source(%dma_start3A_186 : memref<80x128xf32, #tpu.memory_space<vmem_shared>>) target(%arg8 : memref<80x128xf32, #tpu.memory_space<vmem>>) target_semaphore(%arg10 : memref<!tpu.dma_semaphore, #tpu.memory_space<semaphore_mem>>)
    %mul3A_187 = arith.constant 640 : i32
    %mul3A_188 = arith.muli %arg1, %mul3A_187 : i32
    %dma_wait3A_189 = arith.constant 0 : i32
    %dma_wait3A_190 = tpu.memref_slice %arg5[%mul3A_188, %dma_wait3A_189] : memref<10240x128xf32, #tpu.memory_space<vmem_shared>> -> memref<80x128xf32, #tpu.memory_space<vmem_shared>>
    %dma_wait3A_191 = arith.constant 0 : i32
    %dma_wait3A_192 = tpu.memref_slice %arg5[%mul3A_188, %dma_wait3A_191] : memref<10240x128xf32, #tpu.memory_space<vmem_shared>> -> memref<80x128xf32, #tpu.memory_space<vmem_shared>>
    tpu.wait_dma2 semaphore(%arg11 : memref<!tpu.dma_semaphore, #tpu.memory_space<semaphore_mem>>) src(%dma_wait3A_192 : memref<80x128xf32, #tpu.memory_space<vmem_shared>>) dst(%arg9 : memref<80x128xf32, #tpu.memory_space<vmem>>)
    %mul3A_193 = arith.constant 640 : i32
    %mul3A_194 = arith.muli %arg1, %mul3A_193 : i32
    %add3A_195 = arith.constant 80 : i32
    %add3A_196 = arith.addi %mul3A_194, %add3A_195 : i32
    "tpu.region"() ({
      %run_scoped3A_297 = tpu.sem_alloc : memref<!tpu.dma_semaphore, #tpu.memory_space<semaphore_mem>>
      %dma_start3A_298 = arith.constant 0 : i32
      %dma_start3A_299 = tpu.memref_slice %arg4[%arg0, %add3A_196, %dma_start3A_298] : memref<2x10240x128xf32, #tpu.memory_space<hbm>> -> memref<1x80x128xf32, #tpu.memory_space<hbm>>
      %dma_start3A_300 = tpu.memref_squeeze %dma_start3A_299 : memref<1x80x128xf32, #tpu.memory_space<hbm>> -> memref<80x128xf32, #tpu.memory_space<hbm>>
      %dma_start3A_301 = arith.constant 0 : i32
      %dma_start3A_302 = tpu.memref_slice %arg4[%arg0, %add3A_196, %dma_start3A_301] : memref<2x10240x128xf32, #tpu.memory_space<hbm>> -> memref<1x80x128xf32, #tpu.memory_space<hbm>>
      %dma_start3A_303 = tpu.memref_squeeze %dma_start3A_302 : memref<1x80x128xf32, #tpu.memory_space<hbm>> -> memref<80x128xf32, #tpu.memory_space<hbm>>
      tpu.enqueue_dma source(%arg9 : memref<80x128xf32, #tpu.memory_space<vmem>>) target(%dma_start3A_303 : memref<80x128xf32, #tpu.memory_space<hbm>>) target_semaphore(%run_scoped3A_297 : memref<!tpu.dma_semaphore, #tpu.memory_space<semaphore_mem>>)
      %dma_wait3A_304 = arith.constant 0 : i32
      %dma_wait3A_305 = tpu.memref_slice %arg4[%arg0, %add3A_196, %dma_wait3A_304] : memref<2x10240x128xf32, #tpu.memory_space<hbm>> -> memref<1x80x128xf32, #tpu.memory_space<hbm>>
      %dma_wait3A_306 = tpu.memref_squeeze %dma_wait3A_305 : memref<1x80x128xf32, #tpu.memory_space<hbm>> -> memref<80x128xf32, #tpu.memory_space<hbm>>
      %dma_wait3A_307 = arith.constant 0 : i32
      %dma_wait3A_308 = tpu.memref_slice %arg4[%arg0, %add3A_196, %dma_wait3A_307] : memref<2x10240x128xf32, #tpu.memory_space<hbm>> -> memref<1x80x128xf32, #tpu.memory_space<hbm>>
      %dma_wait3A_309 = tpu.memref_squeeze %dma_wait3A_308 : memref<1x80x128xf32, #tpu.memory_space<hbm>> -> memref<80x128xf32, #tpu.memory_space<hbm>>
      tpu.wait_dma2 semaphore(%run_scoped3A_297 : memref<!tpu.dma_semaphore, #tpu.memory_space<semaphore_mem>>) src(%arg9 : memref<80x128xf32, #tpu.memory_space<vmem>>) dst(%dma_wait3A_309 : memref<80x128xf32, #tpu.memory_space<hbm>>)
      tpu.yield
    }) : () -> ()
    %mul3A_197 = arith.constant 640 : i32
    %mul3A_198 = arith.muli %arg1, %mul3A_197 : i32
    %add3A_199 = arith.constant 240 : i32
    %add3A_200 = arith.addi %mul3A_198, %add3A_199 : i32
    %dma_start3A_201 = arith.constant 0 : i32
    %dma_start3A_202 = tpu.memref_slice %arg5[%add3A_200, %dma_start3A_201] : memref<10240x128xf32, #tpu.memory_space<vmem_shared>> -> memref<80x128xf32, #tpu.memory_space<vmem_shared>>
    %dma_start3A_203 = arith.constant 0 : i32
    %dma_start3A_204 = tpu.memref_slice %arg5[%add3A_200, %dma_start3A_203] : memref<10240x128xf32, #tpu.memory_space<vmem_shared>> -> memref<80x128xf32, #tpu.memory_space<vmem_shared>>
    tpu.enqueue_dma source(%dma_start3A_204 : memref<80x128xf32, #tpu.memory_space<vmem_shared>>) target(%arg9 : memref<80x128xf32, #tpu.memory_space<vmem>>) target_semaphore(%arg11 : memref<!tpu.dma_semaphore, #tpu.memory_space<semaphore_mem>>)
    %mul3A_205 = arith.constant 640 : i32
    %mul3A_206 = arith.muli %arg1, %mul3A_205 : i32
    %dma_wait3A_207 = arith.constant 0 : i32
    %dma_wait3A_208 = tpu.memref_slice %arg5[%mul3A_206, %dma_wait3A_207] : memref<10240x128xf32, #tpu.memory_space<vmem_shared>> -> memref<80x128xf32, #tpu.memory_space<vmem_shared>>
    %dma_wait3A_209 = arith.constant 0 : i32
    %dma_wait3A_210 = tpu.memref_slice %arg5[%mul3A_206, %dma_wait3A_209] : memref<10240x128xf32, #tpu.memory_space<vmem_shared>> -> memref<80x128xf32, #tpu.memory_space<vmem_shared>>
    tpu.wait_dma2 semaphore(%arg10 : memref<!tpu.dma_semaphore, #tpu.memory_space<semaphore_mem>>) src(%dma_wait3A_210 : memref<80x128xf32, #tpu.memory_space<vmem_shared>>) dst(%arg8 : memref<80x128xf32, #tpu.memory_space<vmem>>)
    %mul3A_211 = arith.constant 640 : i32
    %mul3A_212 = arith.muli %arg1, %mul3A_211 : i32
    %add3A_213 = arith.constant 160 : i32
    %add3A_214 = arith.addi %mul3A_212, %add3A_213 : i32
    "tpu.region"() ({
      %run_scoped3A_297 = tpu.sem_alloc : memref<!tpu.dma_semaphore, #tpu.memory_space<semaphore_mem>>
      %dma_start3A_298 = arith.constant 0 : i32
      %dma_start3A_299 = tpu.memref_slice %arg4[%arg0, %add3A_214, %dma_start3A_298] : memref<2x10240x128xf32, #tpu.memory_space<hbm>> -> memref<1x80x128xf32, #tpu.memory_space<hbm>>
      %dma_start3A_300 = tpu.memref_squeeze %dma_start3A_299 : memref<1x80x128xf32, #tpu.memory_space<hbm>> -> memref<80x128xf32, #tpu.memory_space<hbm>>
      %dma_start3A_301 = arith.constant 0 : i32
      %dma_start3A_302 = tpu.memref_slice %arg4[%arg0, %add3A_214, %dma_start3A_301] : memref<2x10240x128xf32, #tpu.memory_space<hbm>> -> memref<1x80x128xf32, #tpu.memory_space<hbm>>
      %dma_start3A_303 = tpu.memref_squeeze %dma_start3A_302 : memref<1x80x128xf32, #tpu.memory_space<hbm>> -> memref<80x128xf32, #tpu.memory_space<hbm>>
      tpu.enqueue_dma source(%arg8 : memref<80x128xf32, #tpu.memory_space<vmem>>) target(%dma_start3A_303 : memref<80x128xf32, #tpu.memory_space<hbm>>) target_semaphore(%run_scoped3A_297 : memref<!tpu.dma_semaphore, #tpu.memory_space<semaphore_mem>>)
      %dma_wait3A_304 = arith.constant 0 : i32
      %dma_wait3A_305 = tpu.memref_slice %arg4[%arg0, %add3A_214, %dma_wait3A_304] : memref<2x10240x128xf32, #tpu.memory_space<hbm>> -> memref<1x80x128xf32, #tpu.memory_space<hbm>>
      %dma_wait3A_306 = tpu.memref_squeeze %dma_wait3A_305 : memref<1x80x128xf32, #tpu.memory_space<hbm>> -> memref<80x128xf32, #tpu.memory_space<hbm>>
      %dma_wait3A_307 = arith.constant 0 : i32
      %dma_wait3A_308 = tpu.memref_slice %arg4[%arg0, %add3A_214, %dma_wait3A_307] : memref<2x10240x128xf32, #tpu.memory_space<hbm>> -> memref<1x80x128xf32, #tpu.memory_space<hbm>>
      %dma_wait3A_309 = tpu.memref_squeeze %dma_wait3A_308 : memref<1x80x128xf32, #tpu.memory_space<hbm>> -> memref<80x128xf32, #tpu.memory_space<hbm>>
      tpu.wait_dma2 semaphore(%run_scoped3A_297 : memref<!tpu.dma_semaphore, #tpu.memory_space<semaphore_mem>>) src(%arg8 : memref<80x128xf32, #tpu.memory_space<vmem>>) dst(%dma_wait3A_309 : memref<80x128xf32, #tpu.memory_space<hbm>>)
      tpu.yield
    }) : () -> ()
    %mul3A_215 = arith.constant 640 : i32
    %mul3A_216 = arith.muli %arg1, %mul3A_215 : i32
    %add3A_217 = arith.constant 320 : i32
    %add3A_218 = arith.addi %mul3A_216, %add3A_217 : i32
    %dma_start3A_219 = arith.constant 0 : i32
    %dma_start3A_220 = tpu.memref_slice %arg5[%add3A_218, %dma_start3A_219] : memref<10240x128xf32, #tpu.memory_space<vmem_shared>> -> memref<80x128xf32, #tpu.memory_space<vmem_shared>>
    %dma_start3A_221 = arith.constant 0 : i32
    %dma_start3A_222 = tpu.memref_slice %arg5[%add3A_218, %dma_start3A_221] : memref<10240x128xf32, #tpu.memory_space<vmem_shared>> -> memref<80x128xf32, #tpu.memory_space<vmem_shared>>
    tpu.enqueue_dma source(%dma_start3A_222 : memref<80x128xf32, #tpu.memory_space<vmem_shared>>) target(%arg8 : memref<80x128xf32, #tpu.memory_space<vmem>>) target_semaphore(%arg10 : memref<!tpu.dma_semaphore, #tpu.memory_space<semaphore_mem>>)
    %mul3A_223 = arith.constant 640 : i32
    %mul3A_224 = arith.muli %arg1, %mul3A_223 : i32
    %dma_wait3A_225 = arith.constant 0 : i32
    %dma_wait3A_226 = tpu.memref_slice %arg5[%mul3A_224, %dma_wait3A_225] : memref<10240x128xf32, #tpu.memory_space<vmem_shared>> -> memref<80x128xf32, #tpu.memory_space<vmem_shared>>
    %dma_wait3A_227 = arith.constant 0 : i32
    %dma_wait3A_228 = tpu.memref_slice %arg5[%mul3A_224, %dma_wait3A_227] : memref<10240x128xf32, #tpu.memory_space<vmem_shared>> -> memref<80x128xf32, #tpu.memory_space<vmem_shared>>
    tpu.wait_dma2 semaphore(%arg11 : memref<!tpu.dma_semaphore, #tpu.memory_space<semaphore_mem>>) src(%dma_wait3A_228 : memref<80x128xf32, #tpu.memory_space<vmem_shared>>) dst(%arg9 : memref<80x128xf32, #tpu.memory_space<vmem>>)
    %mul3A_229 = arith.constant 640 : i32
    %mul3A_230 = arith.muli %arg1, %mul3A_229 : i32
    %add3A_231 = arith.constant 240 : i32
    %add3A_232 = arith.addi %mul3A_230, %add3A_231 : i32
    "tpu.region"() ({
      %run_scoped3A_297 = tpu.sem_alloc : memref<!tpu.dma_semaphore, #tpu.memory_space<semaphore_mem>>
      %dma_start3A_298 = arith.constant 0 : i32
      %dma_start3A_299 = tpu.memref_slice %arg4[%arg0, %add3A_232, %dma_start3A_298] : memref<2x10240x128xf32, #tpu.memory_space<hbm>> -> memref<1x80x128xf32, #tpu.memory_space<hbm>>
      %dma_start3A_300 = tpu.memref_squeeze %dma_start3A_299 : memref<1x80x128xf32, #tpu.memory_space<hbm>> -> memref<80x128xf32, #tpu.memory_space<hbm>>
      %dma_start3A_301 = arith.constant 0 : i32
      %dma_start3A_302 = tpu.memref_slice %arg4[%arg0, %add3A_232, %dma_start3A_301] : memref<2x10240x128xf32, #tpu.memory_space<hbm>> -> memref<1x80x128xf32, #tpu.memory_space<hbm>>
      %dma_start3A_303 = tpu.memref_squeeze %dma_start3A_302 : memref<1x80x128xf32, #tpu.memory_space<hbm>> -> memref<80x128xf32, #tpu.memory_space<hbm>>
      tpu.enqueue_dma source(%arg9 : memref<80x128xf32, #tpu.memory_space<vmem>>) target(%dma_start3A_303 : memref<80x128xf32, #tpu.memory_space<hbm>>) target_semaphore(%run_scoped3A_297 : memref<!tpu.dma_semaphore, #tpu.memory_space<semaphore_mem>>)
      %dma_wait3A_304 = arith.constant 0 : i32
      %dma_wait3A_305 = tpu.memref_slice %arg4[%arg0, %add3A_232, %dma_wait3A_304] : memref<2x10240x128xf32, #tpu.memory_space<hbm>> -> memref<1x80x128xf32, #tpu.memory_space<hbm>>
      %dma_wait3A_306 = tpu.memref_squeeze %dma_wait3A_305 : memref<1x80x128xf32, #tpu.memory_space<hbm>> -> memref<80x128xf32, #tpu.memory_space<hbm>>
      %dma_wait3A_307 = arith.constant 0 : i32
      %dma_wait3A_308 = tpu.memref_slice %arg4[%arg0, %add3A_232, %dma_wait3A_307] : memref<2x10240x128xf32, #tpu.memory_space<hbm>> -> memref<1x80x128xf32, #tpu.memory_space<hbm>>
      %dma_wait3A_309 = tpu.memref_squeeze %dma_wait3A_308 : memref<1x80x128xf32, #tpu.memory_space<hbm>> -> memref<80x128xf32, #tpu.memory_space<hbm>>
      tpu.wait_dma2 semaphore(%run_scoped3A_297 : memref<!tpu.dma_semaphore, #tpu.memory_space<semaphore_mem>>) src(%arg9 : memref<80x128xf32, #tpu.memory_space<vmem>>) dst(%dma_wait3A_309 : memref<80x128xf32, #tpu.memory_space<hbm>>)
      tpu.yield
    }) : () -> ()
    %mul3A_233 = arith.constant 640 : i32
    %mul3A_234 = arith.muli %arg1, %mul3A_233 : i32
    %add3A_235 = arith.constant 400 : i32
    %add3A_236 = arith.addi %mul3A_234, %add3A_235 : i32
    %dma_start3A_237 = arith.constant 0 : i32
    %dma_start3A_238 = tpu.memref_slice %arg5[%add3A_236, %dma_start3A_237] : memref<10240x128xf32, #tpu.memory_space<vmem_shared>> -> memref<80x128xf32, #tpu.memory_space<vmem_shared>>
    %dma_start3A_239 = arith.constant 0 : i32
    %dma_start3A_240 = tpu.memref_slice %arg5[%add3A_236, %dma_start3A_239] : memref<10240x128xf32, #tpu.memory_space<vmem_shared>> -> memref<80x128xf32, #tpu.memory_space<vmem_shared>>
    tpu.enqueue_dma source(%dma_start3A_240 : memref<80x128xf32, #tpu.memory_space<vmem_shared>>) target(%arg9 : memref<80x128xf32, #tpu.memory_space<vmem>>) target_semaphore(%arg11 : memref<!tpu.dma_semaphore, #tpu.memory_space<semaphore_mem>>)
    %mul3A_241 = arith.constant 640 : i32
    %mul3A_242 = arith.muli %arg1, %mul3A_241 : i32
    %dma_wait3A_243 = arith.constant 0 : i32
    %dma_wait3A_244 = tpu.memref_slice %arg5[%mul3A_242, %dma_wait3A_243] : memref<10240x128xf32, #tpu.memory_space<vmem_shared>> -> memref<80x128xf32, #tpu.memory_space<vmem_shared>>
    %dma_wait3A_245 = arith.constant 0 : i32
    %dma_wait3A_246 = tpu.memref_slice %arg5[%mul3A_242, %dma_wait3A_245] : memref<10240x128xf32, #tpu.memory_space<vmem_shared>> -> memref<80x128xf32, #tpu.memory_space<vmem_shared>>
    tpu.wait_dma2 semaphore(%arg10 : memref<!tpu.dma_semaphore, #tpu.memory_space<semaphore_mem>>) src(%dma_wait3A_246 : memref<80x128xf32, #tpu.memory_space<vmem_shared>>) dst(%arg8 : memref<80x128xf32, #tpu.memory_space<vmem>>)
    %mul3A_247 = arith.constant 640 : i32
    %mul3A_248 = arith.muli %arg1, %mul3A_247 : i32
    %add3A_249 = arith.constant 320 : i32
    %add3A_250 = arith.addi %mul3A_248, %add3A_249 : i32
    "tpu.region"() ({
      %run_scoped3A_297 = tpu.sem_alloc : memref<!tpu.dma_semaphore, #tpu.memory_space<semaphore_mem>>
      %dma_start3A_298 = arith.constant 0 : i32
      %dma_start3A_299 = tpu.memref_slice %arg4[%arg0, %add3A_250, %dma_start3A_298] : memref<2x10240x128xf32, #tpu.memory_space<hbm>> -> memref<1x80x128xf32, #tpu.memory_space<hbm>>
      %dma_start3A_300 = tpu.memref_squeeze %dma_start3A_299 : memref<1x80x128xf32, #tpu.memory_space<hbm>> -> memref<80x128xf32, #tpu.memory_space<hbm>>
      %dma_start3A_301 = arith.constant 0 : i32
      %dma_start3A_302 = tpu.memref_slice %arg4[%arg0, %add3A_250, %dma_start3A_301] : memref<2x10240x128xf32, #tpu.memory_space<hbm>> -> memref<1x80x128xf32, #tpu.memory_space<hbm>>
      %dma_start3A_303 = tpu.memref_squeeze %dma_start3A_302 : memref<1x80x128xf32, #tpu.memory_space<hbm>> -> memref<80x128xf32, #tpu.memory_space<hbm>>
      tpu.enqueue_dma source(%arg8 : memref<80x128xf32, #tpu.memory_space<vmem>>) target(%dma_start3A_303 : memref<80x128xf32, #tpu.memory_space<hbm>>) target_semaphore(%run_scoped3A_297 : memref<!tpu.dma_semaphore, #tpu.memory_space<semaphore_mem>>)
      %dma_wait3A_304 = arith.constant 0 : i32
      %dma_wait3A_305 = tpu.memref_slice %arg4[%arg0, %add3A_250, %dma_wait3A_304] : memref<2x10240x128xf32, #tpu.memory_space<hbm>> -> memref<1x80x128xf32, #tpu.memory_space<hbm>>
      %dma_wait3A_306 = tpu.memref_squeeze %dma_wait3A_305 : memref<1x80x128xf32, #tpu.memory_space<hbm>> -> memref<80x128xf32, #tpu.memory_space<hbm>>
      %dma_wait3A_307 = arith.constant 0 : i32
      %dma_wait3A_308 = tpu.memref_slice %arg4[%arg0, %add3A_250, %dma_wait3A_307] : memref<2x10240x128xf32, #tpu.memory_space<hbm>> -> memref<1x80x128xf32, #tpu.memory_space<hbm>>
      %dma_wait3A_309 = tpu.memref_squeeze %dma_wait3A_308 : memref<1x80x128xf32, #tpu.memory_space<hbm>> -> memref<80x128xf32, #tpu.memory_space<hbm>>
      tpu.wait_dma2 semaphore(%run_scoped3A_297 : memref<!tpu.dma_semaphore, #tpu.memory_space<semaphore_mem>>) src(%arg8 : memref<80x128xf32, #tpu.memory_space<vmem>>) dst(%dma_wait3A_309 : memref<80x128xf32, #tpu.memory_space<hbm>>)
      tpu.yield
    }) : () -> ()
    %mul3A_251 = arith.constant 640 : i32
    %mul3A_252 = arith.muli %arg1, %mul3A_251 : i32
    %add3A_253 = arith.constant 480 : i32
    %add3A_254 = arith.addi %mul3A_252, %add3A_253 : i32
    %dma_start3A_255 = arith.constant 0 : i32
    %dma_start3A_256 = tpu.memref_slice %arg5[%add3A_254, %dma_start3A_255] : memref<10240x128xf32, #tpu.memory_space<vmem_shared>> -> memref<80x128xf32, #tpu.memory_space<vmem_shared>>
    %dma_start3A_257 = arith.constant 0 : i32
    %dma_start3A_258 = tpu.memref_slice %arg5[%add3A_254, %dma_start3A_257] : memref<10240x128xf32, #tpu.memory_space<vmem_shared>> -> memref<80x128xf32, #tpu.memory_space<vmem_shared>>
    tpu.enqueue_dma source(%dma_start3A_258 : memref<80x128xf32, #tpu.memory_space<vmem_shared>>) target(%arg8 : memref<80x128xf32, #tpu.memory_space<vmem>>) target_semaphore(%arg10 : memref<!tpu.dma_semaphore, #tpu.memory_space<semaphore_mem>>)
    %mul3A_259 = arith.constant 640 : i32
    %mul3A_260 = arith.muli %arg1, %mul3A_259 : i32
    %dma_wait3A_261 = arith.constant 0 : i32
    %dma_wait3A_262 = tpu.memref_slice %arg5[%mul3A_260, %dma_wait3A_261] : memref<10240x128xf32, #tpu.memory_space<vmem_shared>> -> memref<80x128xf32, #tpu.memory_space<vmem_shared>>
    %dma_wait3A_263 = arith.constant 0 : i32
    %dma_wait3A_264 = tpu.memref_slice %arg5[%mul3A_260, %dma_wait3A_263] : memref<10240x128xf32, #tpu.memory_space<vmem_shared>> -> memref<80x128xf32, #tpu.memory_space<vmem_shared>>
    tpu.wait_dma2 semaphore(%arg11 : memref<!tpu.dma_semaphore, #tpu.memory_space<semaphore_mem>>) src(%dma_wait3A_264 : memref<80x128xf32, #tpu.memory_space<vmem_shared>>) dst(%arg9 : memref<80x128xf32, #tpu.memory_space<vmem>>)
    %mul3A_265 = arith.constant 640 : i32
    %mul3A_266 = arith.muli %arg1, %mul3A_265 : i32
    %add3A_267 = arith.constant 400 : i32
    %add3A_268 = arith.addi %mul3A_266, %add3A_267 : i32
    "tpu.region"() ({
      %run_scoped3A_297 = tpu.sem_alloc : memref<!tpu.dma_semaphore, #tpu.memory_space<semaphore_mem>>
      %dma_start3A_298 = arith.constant 0 : i32
      %dma_start3A_299 = tpu.memref_slice %arg4[%arg0, %add3A_268, %dma_start3A_298] : memref<2x10240x128xf32, #tpu.memory_space<hbm>> -> memref<1x80x128xf32, #tpu.memory_space<hbm>>
      %dma_start3A_300 = tpu.memref_squeeze %dma_start3A_299 : memref<1x80x128xf32, #tpu.memory_space<hbm>> -> memref<80x128xf32, #tpu.memory_space<hbm>>
      %dma_start3A_301 = arith.constant 0 : i32
      %dma_start3A_302 = tpu.memref_slice %arg4[%arg0, %add3A_268, %dma_start3A_301] : memref<2x10240x128xf32, #tpu.memory_space<hbm>> -> memref<1x80x128xf32, #tpu.memory_space<hbm>>
      %dma_start3A_303 = tpu.memref_squeeze %dma_start3A_302 : memref<1x80x128xf32, #tpu.memory_space<hbm>> -> memref<80x128xf32, #tpu.memory_space<hbm>>
      tpu.enqueue_dma source(%arg9 : memref<80x128xf32, #tpu.memory_space<vmem>>) target(%dma_start3A_303 : memref<80x128xf32, #tpu.memory_space<hbm>>) target_semaphore(%run_scoped3A_297 : memref<!tpu.dma_semaphore, #tpu.memory_space<semaphore_mem>>)
      %dma_wait3A_304 = arith.constant 0 : i32
      %dma_wait3A_305 = tpu.memref_slice %arg4[%arg0, %add3A_268, %dma_wait3A_304] : memref<2x10240x128xf32, #tpu.memory_space<hbm>> -> memref<1x80x128xf32, #tpu.memory_space<hbm>>
      %dma_wait3A_306 = tpu.memref_squeeze %dma_wait3A_305 : memref<1x80x128xf32, #tpu.memory_space<hbm>> -> memref<80x128xf32, #tpu.memory_space<hbm>>
      %dma_wait3A_307 = arith.constant 0 : i32
      %dma_wait3A_308 = tpu.memref_slice %arg4[%arg0, %add3A_268, %dma_wait3A_307] : memref<2x10240x128xf32, #tpu.memory_space<hbm>> -> memref<1x80x128xf32, #tpu.memory_space<hbm>>
      %dma_wait3A_309 = tpu.memref_squeeze %dma_wait3A_308 : memref<1x80x128xf32, #tpu.memory_space<hbm>> -> memref<80x128xf32, #tpu.memory_space<hbm>>
      tpu.wait_dma2 semaphore(%run_scoped3A_297 : memref<!tpu.dma_semaphore, #tpu.memory_space<semaphore_mem>>) src(%arg9 : memref<80x128xf32, #tpu.memory_space<vmem>>) dst(%dma_wait3A_309 : memref<80x128xf32, #tpu.memory_space<hbm>>)
      tpu.yield
    }) : () -> ()
    %mul3A_269 = arith.constant 640 : i32
    %mul3A_270 = arith.muli %arg1, %mul3A_269 : i32
    %add3A_271 = arith.constant 560 : i32
    %add3A_272 = arith.addi %mul3A_270, %add3A_271 : i32
    %dma_start3A_273 = arith.constant 0 : i32
    %dma_start3A_274 = tpu.memref_slice %arg5[%add3A_272, %dma_start3A_273] : memref<10240x128xf32, #tpu.memory_space<vmem_shared>> -> memref<80x128xf32, #tpu.memory_space<vmem_shared>>
    %dma_start3A_275 = arith.constant 0 : i32
    %dma_start3A_276 = tpu.memref_slice %arg5[%add3A_272, %dma_start3A_275] : memref<10240x128xf32, #tpu.memory_space<vmem_shared>> -> memref<80x128xf32, #tpu.memory_space<vmem_shared>>
    tpu.enqueue_dma source(%dma_start3A_276 : memref<80x128xf32, #tpu.memory_space<vmem_shared>>) target(%arg9 : memref<80x128xf32, #tpu.memory_space<vmem>>) target_semaphore(%arg11 : memref<!tpu.dma_semaphore, #tpu.memory_space<semaphore_mem>>)
    %mul3A_277 = arith.constant 640 : i32
    %mul3A_278 = arith.muli %arg1, %mul3A_277 : i32
    %dma_wait3A_279 = arith.constant 0 : i32
    %dma_wait3A_280 = tpu.memref_slice %arg5[%mul3A_278, %dma_wait3A_279] : memref<10240x128xf32, #tpu.memory_space<vmem_shared>> -> memref<80x128xf32, #tpu.memory_space<vmem_shared>>
    %dma_wait3A_281 = arith.constant 0 : i32
    %dma_wait3A_282 = tpu.memref_slice %arg5[%mul3A_278, %dma_wait3A_281] : memref<10240x128xf32, #tpu.memory_space<vmem_shared>> -> memref<80x128xf32, #tpu.memory_space<vmem_shared>>
    tpu.wait_dma2 semaphore(%arg10 : memref<!tpu.dma_semaphore, #tpu.memory_space<semaphore_mem>>) src(%dma_wait3A_282 : memref<80x128xf32, #tpu.memory_space<vmem_shared>>) dst(%arg8 : memref<80x128xf32, #tpu.memory_space<vmem>>)
    %mul3A_283 = arith.constant 640 : i32
    %mul3A_284 = arith.muli %arg1, %mul3A_283 : i32
    %add3A_285 = arith.constant 480 : i32
    %add3A_286 = arith.addi %mul3A_284, %add3A_285 : i32
    "tpu.region"() ({
      %run_scoped3A_297 = tpu.sem_alloc : memref<!tpu.dma_semaphore, #tpu.memory_space<semaphore_mem>>
      %dma_start3A_298 = arith.constant 0 : i32
      %dma_start3A_299 = tpu.memref_slice %arg4[%arg0, %add3A_286, %dma_start3A_298] : memref<2x10240x128xf32, #tpu.memory_space<hbm>> -> memref<1x80x128xf32, #tpu.memory_space<hbm>>
      %dma_start3A_300 = tpu.memref_squeeze %dma_start3A_299 : memref<1x80x128xf32, #tpu.memory_space<hbm>> -> memref<80x128xf32, #tpu.memory_space<hbm>>
      %dma_start3A_301 = arith.constant 0 : i32
      %dma_start3A_302 = tpu.memref_slice %arg4[%arg0, %add3A_286, %dma_start3A_301] : memref<2x10240x128xf32, #tpu.memory_space<hbm>> -> memref<1x80x128xf32, #tpu.memory_space<hbm>>
      %dma_start3A_303 = tpu.memref_squeeze %dma_start3A_302 : memref<1x80x128xf32, #tpu.memory_space<hbm>> -> memref<80x128xf32, #tpu.memory_space<hbm>>
      tpu.enqueue_dma source(%arg8 : memref<80x128xf32, #tpu.memory_space<vmem>>) target(%dma_start3A_303 : memref<80x128xf32, #tpu.memory_space<hbm>>) target_semaphore(%run_scoped3A_297 : memref<!tpu.dma_semaphore, #tpu.memory_space<semaphore_mem>>)
      %dma_wait3A_304 = arith.constant 0 : i32
      %dma_wait3A_305 = tpu.memref_slice %arg4[%arg0, %add3A_286, %dma_wait3A_304] : memref<2x10240x128xf32, #tpu.memory_space<hbm>> -> memref<1x80x128xf32, #tpu.memory_space<hbm>>
      %dma_wait3A_306 = tpu.memref_squeeze %dma_wait3A_305 : memref<1x80x128xf32, #tpu.memory_space<hbm>> -> memref<80x128xf32, #tpu.memory_space<hbm>>
      %dma_wait3A_307 = arith.constant 0 : i32
      %dma_wait3A_308 = tpu.memref_slice %arg4[%arg0, %add3A_286, %dma_wait3A_307] : memref<2x10240x128xf32, #tpu.memory_space<hbm>> -> memref<1x80x128xf32, #tpu.memory_space<hbm>>
      %dma_wait3A_309 = tpu.memref_squeeze %dma_wait3A_308 : memref<1x80x128xf32, #tpu.memory_space<hbm>> -> memref<80x128xf32, #tpu.memory_space<hbm>>
      tpu.wait_dma2 semaphore(%run_scoped3A_297 : memref<!tpu.dma_semaphore, #tpu.memory_space<semaphore_mem>>) src(%arg8 : memref<80x128xf32, #tpu.memory_space<vmem>>) dst(%dma_wait3A_309 : memref<80x128xf32, #tpu.memory_space<hbm>>)
      tpu.yield
    }) : () -> ()
    %mul3A_287 = arith.constant 640 : i32
    %mul3A_288 = arith.muli %arg1, %mul3A_287 : i32
    %dma_wait3A_289 = arith.constant 0 : i32
    %dma_wait3A_290 = tpu.memref_slice %arg5[%mul3A_288, %dma_wait3A_289] : memref<10240x128xf32, #tpu.memory_space<vmem_shared>> -> memref<80x128xf32, #tpu.memory_space<vmem_shared>>
    %dma_wait3A_291 = arith.constant 0 : i32
    %dma_wait3A_292 = tpu.memref_slice %arg5[%mul3A_288, %dma_wait3A_291] : memref<10240x128xf32, #tpu.memory_space<vmem_shared>> -> memref<80x128xf32, #tpu.memory_space<vmem_shared>>
    tpu.wait_dma2 semaphore(%arg11 : memref<!tpu.dma_semaphore, #tpu.memory_space<semaphore_mem>>) src(%dma_wait3A_292 : memref<80x128xf32, #tpu.memory_space<vmem_shared>>) dst(%arg9 : memref<80x128xf32, #tpu.memory_space<vmem>>)
    %mul3A_293 = arith.constant 640 : i32
    %mul3A_294 = arith.muli %arg1, %mul3A_293 : i32
    %add3A_295 = arith.constant 560 : i32
    %add3A_296 = arith.addi %mul3A_294, %add3A_295 : i32
    "tpu.region"() ({
      %run_scoped3A_297 = tpu.sem_alloc : memref<!tpu.dma_semaphore, #tpu.memory_space<semaphore_mem>>
      %dma_start3A_298 = arith.constant 0 : i32
      %dma_start3A_299 = tpu.memref_slice %arg4[%arg0, %add3A_296, %dma_start3A_298] : memref<2x10240x128xf32, #tpu.memory_space<hbm>> -> memref<1x80x128xf32, #tpu.memory_space<hbm>>
      %dma_start3A_300 = tpu.memref_squeeze %dma_start3A_299 : memref<1x80x128xf32, #tpu.memory_space<hbm>> -> memref<80x128xf32, #tpu.memory_space<hbm>>
      %dma_start3A_301 = arith.constant 0 : i32
      %dma_start3A_302 = tpu.memref_slice %arg4[%arg0, %add3A_296, %dma_start3A_301] : memref<2x10240x128xf32, #tpu.memory_space<hbm>> -> memref<1x80x128xf32, #tpu.memory_space<hbm>>
      %dma_start3A_303 = tpu.memref_squeeze %dma_start3A_302 : memref<1x80x128xf32, #tpu.memory_space<hbm>> -> memref<80x128xf32, #tpu.memory_space<hbm>>
      tpu.enqueue_dma source(%arg9 : memref<80x128xf32, #tpu.memory_space<vmem>>) target(%dma_start3A_303 : memref<80x128xf32, #tpu.memory_space<hbm>>) target_semaphore(%run_scoped3A_297 : memref<!tpu.dma_semaphore, #tpu.memory_space<semaphore_mem>>)
      %dma_wait3A_304 = arith.constant 0 : i32
      %dma_wait3A_305 = tpu.memref_slice %arg4[%arg0, %add3A_296, %dma_wait3A_304] : memref<2x10240x128xf32, #tpu.memory_space<hbm>> -> memref<1x80x128xf32, #tpu.memory_space<hbm>>
      %dma_wait3A_306 = tpu.memref_squeeze %dma_wait3A_305 : memref<1x80x128xf32, #tpu.memory_space<hbm>> -> memref<80x128xf32, #tpu.memory_space<hbm>>
      %dma_wait3A_307 = arith.constant 0 : i32
      %dma_wait3A_308 = tpu.memref_slice %arg4[%arg0, %add3A_296, %dma_wait3A_307] : memref<2x10240x128xf32, #tpu.memory_space<hbm>> -> memref<1x80x128xf32, #tpu.memory_space<hbm>>
      %dma_wait3A_309 = tpu.memref_squeeze %dma_wait3A_308 : memref<1x80x128xf32, #tpu.memory_space<hbm>> -> memref<80x128xf32, #tpu.memory_space<hbm>>
      tpu.wait_dma2 semaphore(%run_scoped3A_297 : memref<!tpu.dma_semaphore, #tpu.memory_space<semaphore_mem>>) src(%arg9 : memref<80x128xf32, #tpu.memory_space<vmem>>) dst(%dma_wait3A_309 : memref<80x128xf32, #tpu.memory_space<hbm>>)
      tpu.yield
    }) : () -> ()
    return
  }
}

#map = affine_map<(d0, d1) -> (0)>
module attributes {stable_mosaic.version = 14 : i64} {
  func.func @_deg_body(%arg0: i32, %arg1: i32, %arg2: memref<640000xi32, #tpu.memory_space<hbm>>, %arg3: memref<10240xf32, #tpu.memory_space<hbm>>, %arg4: memref<10240xf32, #tpu.memory_space<hbm>>, %arg5: memref<10240xf32, #tpu.memory_space<hbm>>, %arg6: memref<10240xf32, #tpu.memory_space<hbm>>, %arg7: memref<10240xf32, #tpu.memory_space<vmem_shared>>, %arg8: memref<10240xf32, #tpu.memory_space<vmem_shared>>, %arg9: memref<10000xi32, #tpu.memory_space<vmem>>, %arg10: memref<125x80xi32, #tpu.memory_space<vmem>>, %arg11: memref<125x80xi32, #tpu.memory_space<vmem>>, %arg12: memref<80xf32, #tpu.memory_space<vmem>>, %arg13: memref<640xf32, #tpu.memory_space<vmem>>, %arg14: memref<!tpu.dma_semaphore, #tpu.memory_space<semaphore_mem>>) attributes {dimension_semantics = [#tpu.dimension_semantics<core_parallel>, #tpu.dimension_semantics<subcore_parallel>], iteration_bounds = array<i64: 2, 16>, scalar_prefetch = 0 : i64, scratch_operands = 8 : i64, tpu.core_type = #tpu.core_type<sc_vector_subcore>, window_params = [{transform_indices = #map}, {transform_indices = #map}, {transform_indices = #map}, {transform_indices = #map}, {transform_indices = #map}]} {
    %broadcast_in_dim3A = arith.constant 0.000000e+00 : f32
    %broadcast_in_dim3A_0 = vector.broadcast %broadcast_in_dim3A : f32 to vector<16xf32>
    %swap3A = arith.constant 0 : index
    %swap3A_1 = tpu.vector_load %arg13[%swap3A] {strides = array<i32>} : memref<640xf32, #tpu.memory_space<vmem>>, vector<16xf32>,
    %swap3A_2 = vector.shape_cast %swap3A_1 : vector<16xf32> to vector<16xf32>
    %swap3A_3 = vector.shape_cast %broadcast_in_dim3A_0 : vector<16xf32> to vector<16xf32>
    tpu.vector_store %arg13[%swap3A], %swap3A_3 {strides = array<i32>} : memref<640xf32, #tpu.memory_space<vmem>>, vector<16xf32>,
    %broadcast_in_dim3A_4 = arith.constant 0.000000e+00 : f32
    %broadcast_in_dim3A_5 = vector.broadcast %broadcast_in_dim3A_4 : f32 to vector<16xf32>
    %swap3A_6 = arith.constant 16 : index
    %swap3A_7 = tpu.vector_load %arg13[%swap3A_6] {strides = array<i32>} : memref<640xf32, #tpu.memory_space<vmem>>, vector<16xf32>,
    %swap3A_8 = vector.shape_cast %swap3A_7 : vector<16xf32> to vector<16xf32>
    %swap3A_9 = vector.shape_cast %broadcast_in_dim3A_5 : vector<16xf32> to vector<16xf32>
    tpu.vector_store %arg13[%swap3A_6], %swap3A_9 {strides = array<i32>} : memref<640xf32, #tpu.memory_space<vmem>>, vector<16xf32>,
    %broadcast_in_dim3A_10 = arith.constant 0.000000e+00 : f32
    %broadcast_in_dim3A_11 = vector.broadcast %broadcast_in_dim3A_10 : f32 to vector<16xf32>
    %swap3A_12 = arith.constant 32 : index
    %swap3A_13 = tpu.vector_load %arg13[%swap3A_12] {strides = array<i32>} : memref<640xf32, #tpu.memory_space<vmem>>, vector<16xf32>,
    %swap3A_14 = vector.shape_cast %swap3A_13 : vector<16xf32> to vector<16xf32>
    %swap3A_15 = vector.shape_cast %broadcast_in_dim3A_11 : vector<16xf32> to vector<16xf32>
    tpu.vector_store %arg13[%swap3A_12], %swap3A_15 {strides = array<i32>} : memref<640xf32, #tpu.memory_space<vmem>>, vector<16xf32>,
    %broadcast_in_dim3A_16 = arith.constant 0.000000e+00 : f32
    %broadcast_in_dim3A_17 = vector.broadcast %broadcast_in_dim3A_16 : f32 to vector<16xf32>
    %swap3A_18 = arith.constant 48 : index
    %swap3A_19 = tpu.vector_load %arg13[%swap3A_18] {strides = array<i32>} : memref<640xf32, #tpu.memory_space<vmem>>, vector<16xf32>,
    %swap3A_20 = vector.shape_cast %swap3A_19 : vector<16xf32> to vector<16xf32>
    %swap3A_21 = vector.shape_cast %broadcast_in_dim3A_17 : vector<16xf32> to vector<16xf32>
    tpu.vector_store %arg13[%swap3A_18], %swap3A_21 {strides = array<i32>} : memref<640xf32, #tpu.memory_space<vmem>>, vector<16xf32>,
    %broadcast_in_dim3A_22 = arith.constant 0.000000e+00 : f32
    %broadcast_in_dim3A_23 = vector.broadcast %broadcast_in_dim3A_22 : f32 to vector<16xf32>
    %swap3A_24 = arith.constant 64 : index
    %swap3A_25 = tpu.vector_load %arg13[%swap3A_24] {strides = array<i32>} : memref<640xf32, #tpu.memory_space<vmem>>, vector<16xf32>,
    %swap3A_26 = vector.shape_cast %swap3A_25 : vector<16xf32> to vector<16xf32>
    %swap3A_27 = vector.shape_cast %broadcast_in_dim3A_23 : vector<16xf32> to vector<16xf32>
    tpu.vector_store %arg13[%swap3A_24], %swap3A_27 {strides = array<i32>} : memref<640xf32, #tpu.memory_space<vmem>>, vector<16xf32>,
    %broadcast_in_dim3A_28 = arith.constant 0.000000e+00 : f32
    %broadcast_in_dim3A_29 = vector.broadcast %broadcast_in_dim3A_28 : f32 to vector<16xf32>
    %swap3A_30 = arith.constant 80 : index
    %swap3A_31 = tpu.vector_load %arg13[%swap3A_30] {strides = array<i32>} : memref<640xf32, #tpu.memory_space<vmem>>, vector<16xf32>,
    %swap3A_32 = vector.shape_cast %swap3A_31 : vector<16xf32> to vector<16xf32>
    %swap3A_33 = vector.shape_cast %broadcast_in_dim3A_29 : vector<16xf32> to vector<16xf32>
    tpu.vector_store %arg13[%swap3A_30], %swap3A_33 {strides = array<i32>} : memref<640xf32, #tpu.memory_space<vmem>>, vector<16xf32>,
    %broadcast_in_dim3A_34 = arith.constant 0.000000e+00 : f32
    %broadcast_in_dim3A_35 = vector.broadcast %broadcast_in_dim3A_34 : f32 to vector<16xf32>
    %swap3A_36 = arith.constant 96 : index
    %swap3A_37 = tpu.vector_load %arg13[%swap3A_36] {strides = array<i32>} : memref<640xf32, #tpu.memory_space<vmem>>, vector<16xf32>,
    %swap3A_38 = vector.shape_cast %swap3A_37 : vector<16xf32> to vector<16xf32>
    %swap3A_39 = vector.shape_cast %broadcast_in_dim3A_35 : vector<16xf32> to vector<16xf32>
    tpu.vector_store %arg13[%swap3A_36], %swap3A_39 {strides = array<i32>} : memref<640xf32, #tpu.memory_space<vmem>>, vector<16xf32>,
    %broadcast_in_dim3A_40 = arith.constant 0.000000e+00 : f32
    %broadcast_in_dim3A_41 = vector.broadcast %broadcast_in_dim3A_40 : f32 to vector<16xf32>
    %swap3A_42 = arith.constant 112 : index
    %swap3A_43 = tpu.vector_load %arg13[%swap3A_42] {strides = array<i32>} : memref<640xf32, #tpu.memory_space<vmem>>, vector<16xf32>,
    %swap3A_44 = vector.shape_cast %swap3A_43 : vector<16xf32> to vector<16xf32>
    %swap3A_45 = vector.shape_cast %broadcast_in_dim3A_41 : vector<16xf32> to vector<16xf32>
    tpu.vector_store %arg13[%swap3A_42], %swap3A_45 {strides = array<i32>} : memref<640xf32, #tpu.memory_space<vmem>>, vector<16xf32>,
    %broadcast_in_dim3A_46 = arith.constant 0.000000e+00 : f32
    %broadcast_in_dim3A_47 = vector.broadcast %broadcast_in_dim3A_46 : f32 to vector<16xf32>
    %swap3A_48 = arith.constant 128 : index
    %swap3A_49 = tpu.vector_load %arg13[%swap3A_48] {strides = array<i32>} : memref<640xf32, #tpu.memory_space<vmem>>, vector<16xf32>,
    %swap3A_50 = vector.shape_cast %swap3A_49 : vector<16xf32> to vector<16xf32>
    %swap3A_51 = vector.shape_cast %broadcast_in_dim3A_47 : vector<16xf32> to vector<16xf32>
    tpu.vector_store %arg13[%swap3A_48], %swap3A_51 {strides = array<i32>} : memref<640xf32, #tpu.memory_space<vmem>>, vector<16xf32>,
    %broadcast_in_dim3A_52 = arith.constant 0.000000e+00 : f32
    %broadcast_in_dim3A_53 = vector.broadcast %broadcast_in_dim3A_52 : f32 to vector<16xf32>
    %swap3A_54 = arith.constant 144 : index
    %swap3A_55 = tpu.vector_load %arg13[%swap3A_54] {strides = array<i32>} : memref<640xf32, #tpu.memory_space<vmem>>, vector<16xf32>,
    %swap3A_56 = vector.shape_cast %swap3A_55 : vector<16xf32> to vector<16xf32>
    %swap3A_57 = vector.shape_cast %broadcast_in_dim3A_53 : vector<16xf32> to vector<16xf32>
    tpu.vector_store %arg13[%swap3A_54], %swap3A_57 {strides = array<i32>} : memref<640xf32, #tpu.memory_space<vmem>>, vector<16xf32>,
    %broadcast_in_dim3A_58 = arith.constant 0.000000e+00 : f32
    %broadcast_in_dim3A_59 = vector.broadcast %broadcast_in_dim3A_58 : f32 to vector<16xf32>
    %swap3A_60 = arith.constant 160 : index
    %swap3A_61 = tpu.vector_load %arg13[%swap3A_60] {strides = array<i32>} : memref<640xf32, #tpu.memory_space<vmem>>, vector<16xf32>,
    %swap3A_62 = vector.shape_cast %swap3A_61 : vector<16xf32> to vector<16xf32>
    %swap3A_63 = vector.shape_cast %broadcast_in_dim3A_59 : vector<16xf32> to vector<16xf32>
    tpu.vector_store %arg13[%swap3A_60], %swap3A_63 {strides = array<i32>} : memref<640xf32, #tpu.memory_space<vmem>>, vector<16xf32>,
    %broadcast_in_dim3A_64 = arith.constant 0.000000e+00 : f32
    %broadcast_in_dim3A_65 = vector.broadcast %broadcast_in_dim3A_64 : f32 to vector<16xf32>
    %swap3A_66 = arith.constant 176 : index
    %swap3A_67 = tpu.vector_load %arg13[%swap3A_66] {strides = array<i32>} : memref<640xf32, #tpu.memory_space<vmem>>, vector<16xf32>,
    %swap3A_68 = vector.shape_cast %swap3A_67 : vector<16xf32> to vector<16xf32>
    %swap3A_69 = vector.shape_cast %broadcast_in_dim3A_65 : vector<16xf32> to vector<16xf32>
    tpu.vector_store %arg13[%swap3A_66], %swap3A_69 {strides = array<i32>} : memref<640xf32, #tpu.memory_space<vmem>>, vector<16xf32>,
    %broadcast_in_dim3A_70 = arith.constant 0.000000e+00 : f32
    %broadcast_in_dim3A_71 = vector.broadcast %broadcast_in_dim3A_70 : f32 to vector<16xf32>
    %swap3A_72 = arith.constant 192 : index
    %swap3A_73 = tpu.vector_load %arg13[%swap3A_72] {strides = array<i32>} : memref<640xf32, #tpu.memory_space<vmem>>, vector<16xf32>,
    %swap3A_74 = vector.shape_cast %swap3A_73 : vector<16xf32> to vector<16xf32>
    %swap3A_75 = vector.shape_cast %broadcast_in_dim3A_71 : vector<16xf32> to vector<16xf32>
    tpu.vector_store %arg13[%swap3A_72], %swap3A_75 {strides = array<i32>} : memref<640xf32, #tpu.memory_space<vmem>>, vector<16xf32>,
    %broadcast_in_dim3A_76 = arith.constant 0.000000e+00 : f32
    %broadcast_in_dim3A_77 = vector.broadcast %broadcast_in_dim3A_76 : f32 to vector<16xf32>
    %swap3A_78 = arith.constant 208 : index
    %swap3A_79 = tpu.vector_load %arg13[%swap3A_78] {strides = array<i32>} : memref<640xf32, #tpu.memory_space<vmem>>, vector<16xf32>,
    %swap3A_80 = vector.shape_cast %swap3A_79 : vector<16xf32> to vector<16xf32>
    %swap3A_81 = vector.shape_cast %broadcast_in_dim3A_77 : vector<16xf32> to vector<16xf32>
    tpu.vector_store %arg13[%swap3A_78], %swap3A_81 {strides = array<i32>} : memref<640xf32, #tpu.memory_space<vmem>>, vector<16xf32>,
    %broadcast_in_dim3A_82 = arith.constant 0.000000e+00 : f32
    %broadcast_in_dim3A_83 = vector.broadcast %broadcast_in_dim3A_82 : f32 to vector<16xf32>
    %swap3A_84 = arith.constant 224 : index
    %swap3A_85 = tpu.vector_load %arg13[%swap3A_84] {strides = array<i32>} : memref<640xf32, #tpu.memory_space<vmem>>, vector<16xf32>,
    %swap3A_86 = vector.shape_cast %swap3A_85 : vector<16xf32> to vector<16xf32>
    %swap3A_87 = vector.shape_cast %broadcast_in_dim3A_83 : vector<16xf32> to vector<16xf32>
    tpu.vector_store %arg13[%swap3A_84], %swap3A_87 {strides = array<i32>} : memref<640xf32, #tpu.memory_space<vmem>>, vector<16xf32>,
    %broadcast_in_dim3A_88 = arith.constant 0.000000e+00 : f32
    %broadcast_in_dim3A_89 = vector.broadcast %broadcast_in_dim3A_88 : f32 to vector<16xf32>
    %swap3A_90 = arith.constant 240 : index
    %swap3A_91 = tpu.vector_load %arg13[%swap3A_90] {strides = array<i32>} : memref<640xf32, #tpu.memory_space<vmem>>, vector<16xf32>,
    %swap3A_92 = vector.shape_cast %swap3A_91 : vector<16xf32> to vector<16xf32>
    %swap3A_93 = vector.shape_cast %broadcast_in_dim3A_89 : vector<16xf32> to vector<16xf32>
    tpu.vector_store %arg13[%swap3A_90], %swap3A_93 {strides = array<i32>} : memref<640xf32, #tpu.memory_space<vmem>>, vector<16xf32>,
    %broadcast_in_dim3A_94 = arith.constant 0.000000e+00 : f32
    %broadcast_in_dim3A_95 = vector.broadcast %broadcast_in_dim3A_94 : f32 to vector<16xf32>
    %swap3A_96 = arith.constant 256 : index
    %swap3A_97 = tpu.vector_load %arg13[%swap3A_96] {strides = array<i32>} : memref<640xf32, #tpu.memory_space<vmem>>, vector<16xf32>,
    %swap3A_98 = vector.shape_cast %swap3A_97 : vector<16xf32> to vector<16xf32>
    %swap3A_99 = vector.shape_cast %broadcast_in_dim3A_95 : vector<16xf32> to vector<16xf32>
    tpu.vector_store %arg13[%swap3A_96], %swap3A_99 {strides = array<i32>} : memref<640xf32, #tpu.memory_space<vmem>>, vector<16xf32>,
    %broadcast_in_dim3A_100 = arith.constant 0.000000e+00 : f32
    %broadcast_in_dim3A_101 = vector.broadcast %broadcast_in_dim3A_100 : f32 to vector<16xf32>
    %swap3A_102 = arith.constant 272 : index
    %swap3A_103 = tpu.vector_load %arg13[%swap3A_102] {strides = array<i32>} : memref<640xf32, #tpu.memory_space<vmem>>, vector<16xf32>,
    %swap3A_104 = vector.shape_cast %swap3A_103 : vector<16xf32> to vector<16xf32>
    %swap3A_105 = vector.shape_cast %broadcast_in_dim3A_101 : vector<16xf32> to vector<16xf32>
    tpu.vector_store %arg13[%swap3A_102], %swap3A_105 {strides = array<i32>} : memref<640xf32, #tpu.memory_space<vmem>>, vector<16xf32>,
    %broadcast_in_dim3A_106 = arith.constant 0.000000e+00 : f32
    %broadcast_in_dim3A_107 = vector.broadcast %broadcast_in_dim3A_106 : f32 to vector<16xf32>
    %swap3A_108 = arith.constant 288 : index
    %swap3A_109 = tpu.vector_load %arg13[%swap3A_108] {strides = array<i32>} : memref<640xf32, #tpu.memory_space<vmem>>, vector<16xf32>,
    %swap3A_110 = vector.shape_cast %swap3A_109 : vector<16xf32> to vector<16xf32>
    %swap3A_111 = vector.shape_cast %broadcast_in_dim3A_107 : vector<16xf32> to vector<16xf32>
    tpu.vector_store %arg13[%swap3A_108], %swap3A_111 {strides = array<i32>} : memref<640xf32, #tpu.memory_space<vmem>>, vector<16xf32>,
    %broadcast_in_dim3A_112 = arith.constant 0.000000e+00 : f32
    %broadcast_in_dim3A_113 = vector.broadcast %broadcast_in_dim3A_112 : f32 to vector<16xf32>
    %swap3A_114 = arith.constant 304 : index
    %swap3A_115 = tpu.vector_load %arg13[%swap3A_114] {strides = array<i32>} : memref<640xf32, #tpu.memory_space<vmem>>, vector<16xf32>,
    %swap3A_116 = vector.shape_cast %swap3A_115 : vector<16xf32> to vector<16xf32>
    %swap3A_117 = vector.shape_cast %broadcast_in_dim3A_113 : vector<16xf32> to vector<16xf32>
    tpu.vector_store %arg13[%swap3A_114], %swap3A_117 {strides = array<i32>} : memref<640xf32, #tpu.memory_space<vmem>>, vector<16xf32>,
    %broadcast_in_dim3A_118 = arith.constant 0.000000e+00 : f32
    %broadcast_in_dim3A_119 = vector.broadcast %broadcast_in_dim3A_118 : f32 to vector<16xf32>
    %swap3A_120 = arith.constant 320 : index
    %swap3A_121 = tpu.vector_load %arg13[%swap3A_120] {strides = array<i32>} : memref<640xf32, #tpu.memory_space<vmem>>, vector<16xf32>,
    %swap3A_122 = vector.shape_cast %swap3A_121 : vector<16xf32> to vector<16xf32>
    %swap3A_123 = vector.shape_cast %broadcast_in_dim3A_119 : vector<16xf32> to vector<16xf32>
    tpu.vector_store %arg13[%swap3A_120], %swap3A_123 {strides = array<i32>} : memref<640xf32, #tpu.memory_space<vmem>>, vector<16xf32>,
    %broadcast_in_dim3A_124 = arith.constant 0.000000e+00 : f32
    %broadcast_in_dim3A_125 = vector.broadcast %broadcast_in_dim3A_124 : f32 to vector<16xf32>
    %swap3A_126 = arith.constant 336 : index
    %swap3A_127 = tpu.vector_load %arg13[%swap3A_126] {strides = array<i32>} : memref<640xf32, #tpu.memory_space<vmem>>, vector<16xf32>,
    %swap3A_128 = vector.shape_cast %swap3A_127 : vector<16xf32> to vector<16xf32>
    %swap3A_129 = vector.shape_cast %broadcast_in_dim3A_125 : vector<16xf32> to vector<16xf32>
    tpu.vector_store %arg13[%swap3A_126], %swap3A_129 {strides = array<i32>} : memref<640xf32, #tpu.memory_space<vmem>>, vector<16xf32>,
    %broadcast_in_dim3A_130 = arith.constant 0.000000e+00 : f32
    %broadcast_in_dim3A_131 = vector.broadcast %broadcast_in_dim3A_130 : f32 to vector<16xf32>
    %swap3A_132 = arith.constant 352 : index
    %swap3A_133 = tpu.vector_load %arg13[%swap3A_132] {strides = array<i32>} : memref<640xf32, #tpu.memory_space<vmem>>, vector<16xf32>,
    %swap3A_134 = vector.shape_cast %swap3A_133 : vector<16xf32> to vector<16xf32>
    %swap3A_135 = vector.shape_cast %broadcast_in_dim3A_131 : vector<16xf32> to vector<16xf32>
    tpu.vector_store %arg13[%swap3A_132], %swap3A_135 {strides = array<i32>} : memref<640xf32, #tpu.memory_space<vmem>>, vector<16xf32>,
    %broadcast_in_dim3A_136 = arith.constant 0.000000e+00 : f32
    %broadcast_in_dim3A_137 = vector.broadcast %broadcast_in_dim3A_136 : f32 to vector<16xf32>
    %swap3A_138 = arith.constant 368 : index
    %swap3A_139 = tpu.vector_load %arg13[%swap3A_138] {strides = array<i32>} : memref<640xf32, #tpu.memory_space<vmem>>, vector<16xf32>,
    %swap3A_140 = vector.shape_cast %swap3A_139 : vector<16xf32> to vector<16xf32>
    %swap3A_141 = vector.shape_cast %broadcast_in_dim3A_137 : vector<16xf32> to vector<16xf32>
    tpu.vector_store %arg13[%swap3A_138], %swap3A_141 {strides = array<i32>} : memref<640xf32, #tpu.memory_space<vmem>>, vector<16xf32>,
    %broadcast_in_dim3A_142 = arith.constant 0.000000e+00 : f32
    %broadcast_in_dim3A_143 = vector.broadcast %broadcast_in_dim3A_142 : f32 to vector<16xf32>
    %swap3A_144 = arith.constant 384 : index
    %swap3A_145 = tpu.vector_load %arg13[%swap3A_144] {strides = array<i32>} : memref<640xf32, #tpu.memory_space<vmem>>, vector<16xf32>,
    %swap3A_146 = vector.shape_cast %swap3A_145 : vector<16xf32> to vector<16xf32>
    %swap3A_147 = vector.shape_cast %broadcast_in_dim3A_143 : vector<16xf32> to vector<16xf32>
    tpu.vector_store %arg13[%swap3A_144], %swap3A_147 {strides = array<i32>} : memref<640xf32, #tpu.memory_space<vmem>>, vector<16xf32>,
    %broadcast_in_dim3A_148 = arith.constant 0.000000e+00 : f32
    %broadcast_in_dim3A_149 = vector.broadcast %broadcast_in_dim3A_148 : f32 to vector<16xf32>
    %swap3A_150 = arith.constant 400 : index
    %swap3A_151 = tpu.vector_load %arg13[%swap3A_150] {strides = array<i32>} : memref<640xf32, #tpu.memory_space<vmem>>, vector<16xf32>,
    %swap3A_152 = vector.shape_cast %swap3A_151 : vector<16xf32> to vector<16xf32>
    %swap3A_153 = vector.shape_cast %broadcast_in_dim3A_149 : vector<16xf32> to vector<16xf32>
    tpu.vector_store %arg13[%swap3A_150], %swap3A_153 {strides = array<i32>} : memref<640xf32, #tpu.memory_space<vmem>>, vector<16xf32>,
    %broadcast_in_dim3A_154 = arith.constant 0.000000e+00 : f32
    %broadcast_in_dim3A_155 = vector.broadcast %broadcast_in_dim3A_154 : f32 to vector<16xf32>
    %swap3A_156 = arith.constant 416 : index
    %swap3A_157 = tpu.vector_load %arg13[%swap3A_156] {strides = array<i32>} : memref<640xf32, #tpu.memory_space<vmem>>, vector<16xf32>,
    %swap3A_158 = vector.shape_cast %swap3A_157 : vector<16xf32> to vector<16xf32>
    %swap3A_159 = vector.shape_cast %broadcast_in_dim3A_155 : vector<16xf32> to vector<16xf32>
    tpu.vector_store %arg13[%swap3A_156], %swap3A_159 {strides = array<i32>} : memref<640xf32, #tpu.memory_space<vmem>>, vector<16xf32>,
    %broadcast_in_dim3A_160 = arith.constant 0.000000e+00 : f32
    %broadcast_in_dim3A_161 = vector.broadcast %broadcast_in_dim3A_160 : f32 to vector<16xf32>
    %swap3A_162 = arith.constant 432 : index
    %swap3A_163 = tpu.vector_load %arg13[%swap3A_162] {strides = array<i32>} : memref<640xf32, #tpu.memory_space<vmem>>, vector<16xf32>,
    %swap3A_164 = vector.shape_cast %swap3A_163 : vector<16xf32> to vector<16xf32>
    %swap3A_165 = vector.shape_cast %broadcast_in_dim3A_161 : vector<16xf32> to vector<16xf32>
    tpu.vector_store %arg13[%swap3A_162], %swap3A_165 {strides = array<i32>} : memref<640xf32, #tpu.memory_space<vmem>>, vector<16xf32>,
    %broadcast_in_dim3A_166 = arith.constant 0.000000e+00 : f32
    %broadcast_in_dim3A_167 = vector.broadcast %broadcast_in_dim3A_166 : f32 to vector<16xf32>
    %swap3A_168 = arith.constant 448 : index
    %swap3A_169 = tpu.vector_load %arg13[%swap3A_168] {strides = array<i32>} : memref<640xf32, #tpu.memory_space<vmem>>, vector<16xf32>,
    %swap3A_170 = vector.shape_cast %swap3A_169 : vector<16xf32> to vector<16xf32>
    %swap3A_171 = vector.shape_cast %broadcast_in_dim3A_167 : vector<16xf32> to vector<16xf32>
    tpu.vector_store %arg13[%swap3A_168], %swap3A_171 {strides = array<i32>} : memref<640xf32, #tpu.memory_space<vmem>>, vector<16xf32>,
    %broadcast_in_dim3A_172 = arith.constant 0.000000e+00 : f32
    %broadcast_in_dim3A_173 = vector.broadcast %broadcast_in_dim3A_172 : f32 to vector<16xf32>
    %swap3A_174 = arith.constant 464 : index
    %swap3A_175 = tpu.vector_load %arg13[%swap3A_174] {strides = array<i32>} : memref<640xf32, #tpu.memory_space<vmem>>, vector<16xf32>,
    %swap3A_176 = vector.shape_cast %swap3A_175 : vector<16xf32> to vector<16xf32>
    %swap3A_177 = vector.shape_cast %broadcast_in_dim3A_173 : vector<16xf32> to vector<16xf32>
    tpu.vector_store %arg13[%swap3A_174], %swap3A_177 {strides = array<i32>} : memref<640xf32, #tpu.memory_space<vmem>>, vector<16xf32>,
    %broadcast_in_dim3A_178 = arith.constant 0.000000e+00 : f32
    %broadcast_in_dim3A_179 = vector.broadcast %broadcast_in_dim3A_178 : f32 to vector<16xf32>
    %swap3A_180 = arith.constant 480 : index
    %swap3A_181 = tpu.vector_load %arg13[%swap3A_180] {strides = array<i32>} : memref<640xf32, #tpu.memory_space<vmem>>, vector<16xf32>,
    %swap3A_182 = vector.shape_cast %swap3A_181 : vector<16xf32> to vector<16xf32>
    %swap3A_183 = vector.shape_cast %broadcast_in_dim3A_179 : vector<16xf32> to vector<16xf32>
    tpu.vector_store %arg13[%swap3A_180], %swap3A_183 {strides = array<i32>} : memref<640xf32, #tpu.memory_space<vmem>>, vector<16xf32>,
    %broadcast_in_dim3A_184 = arith.constant 0.000000e+00 : f32
    %broadcast_in_dim3A_185 = vector.broadcast %broadcast_in_dim3A_184 : f32 to vector<16xf32>
    %swap3A_186 = arith.constant 496 : index
    %swap3A_187 = tpu.vector_load %arg13[%swap3A_186] {strides = array<i32>} : memref<640xf32, #tpu.memory_space<vmem>>, vector<16xf32>,
    %swap3A_188 = vector.shape_cast %swap3A_187 : vector<16xf32> to vector<16xf32>
    %swap3A_189 = vector.shape_cast %broadcast_in_dim3A_185 : vector<16xf32> to vector<16xf32>
    tpu.vector_store %arg13[%swap3A_186], %swap3A_189 {strides = array<i32>} : memref<640xf32, #tpu.memory_space<vmem>>, vector<16xf32>,
    %broadcast_in_dim3A_190 = arith.constant 0.000000e+00 : f32
    %broadcast_in_dim3A_191 = vector.broadcast %broadcast_in_dim3A_190 : f32 to vector<16xf32>
    %swap3A_192 = arith.constant 512 : index
    %swap3A_193 = tpu.vector_load %arg13[%swap3A_192] {strides = array<i32>} : memref<640xf32, #tpu.memory_space<vmem>>, vector<16xf32>,
    %swap3A_194 = vector.shape_cast %swap3A_193 : vector<16xf32> to vector<16xf32>
    %swap3A_195 = vector.shape_cast %broadcast_in_dim3A_191 : vector<16xf32> to vector<16xf32>
    tpu.vector_store %arg13[%swap3A_192], %swap3A_195 {strides = array<i32>} : memref<640xf32, #tpu.memory_space<vmem>>, vector<16xf32>,
    %broadcast_in_dim3A_196 = arith.constant 0.000000e+00 : f32
    %broadcast_in_dim3A_197 = vector.broadcast %broadcast_in_dim3A_196 : f32 to vector<16xf32>
    %swap3A_198 = arith.constant 528 : index
    %swap3A_199 = tpu.vector_load %arg13[%swap3A_198] {strides = array<i32>} : memref<640xf32, #tpu.memory_space<vmem>>, vector<16xf32>,
    %swap3A_200 = vector.shape_cast %swap3A_199 : vector<16xf32> to vector<16xf32>
    %swap3A_201 = vector.shape_cast %broadcast_in_dim3A_197 : vector<16xf32> to vector<16xf32>
    tpu.vector_store %arg13[%swap3A_198], %swap3A_201 {strides = array<i32>} : memref<640xf32, #tpu.memory_space<vmem>>, vector<16xf32>,
    %broadcast_in_dim3A_202 = arith.constant 0.000000e+00 : f32
    %broadcast_in_dim3A_203 = vector.broadcast %broadcast_in_dim3A_202 : f32 to vector<16xf32>
    %swap3A_204 = arith.constant 544 : index
    %swap3A_205 = tpu.vector_load %arg13[%swap3A_204] {strides = array<i32>} : memref<640xf32, #tpu.memory_space<vmem>>, vector<16xf32>,
    %swap3A_206 = vector.shape_cast %swap3A_205 : vector<16xf32> to vector<16xf32>
    %swap3A_207 = vector.shape_cast %broadcast_in_dim3A_203 : vector<16xf32> to vector<16xf32>
    tpu.vector_store %arg13[%swap3A_204], %swap3A_207 {strides = array<i32>} : memref<640xf32, #tpu.memory_space<vmem>>, vector<16xf32>,
    %broadcast_in_dim3A_208 = arith.constant 0.000000e+00 : f32
    %broadcast_in_dim3A_209 = vector.broadcast %broadcast_in_dim3A_208 : f32 to vector<16xf32>
    %swap3A_210 = arith.constant 560 : index
    %swap3A_211 = tpu.vector_load %arg13[%swap3A_210] {strides = array<i32>} : memref<640xf32, #tpu.memory_space<vmem>>, vector<16xf32>,
    %swap3A_212 = vector.shape_cast %swap3A_211 : vector<16xf32> to vector<16xf32>
    %swap3A_213 = vector.shape_cast %broadcast_in_dim3A_209 : vector<16xf32> to vector<16xf32>
    tpu.vector_store %arg13[%swap3A_210], %swap3A_213 {strides = array<i32>} : memref<640xf32, #tpu.memory_space<vmem>>, vector<16xf32>,
    %broadcast_in_dim3A_214 = arith.constant 0.000000e+00 : f32
    %broadcast_in_dim3A_215 = vector.broadcast %broadcast_in_dim3A_214 : f32 to vector<16xf32>
    %swap3A_216 = arith.constant 576 : index
    %swap3A_217 = tpu.vector_load %arg13[%swap3A_216] {strides = array<i32>} : memref<640xf32, #tpu.memory_space<vmem>>, vector<16xf32>,
    %swap3A_218 = vector.shape_cast %swap3A_217 : vector<16xf32> to vector<16xf32>
    %swap3A_219 = vector.shape_cast %broadcast_in_dim3A_215 : vector<16xf32> to vector<16xf32>
    tpu.vector_store %arg13[%swap3A_216], %swap3A_219 {strides = array<i32>} : memref<640xf32, #tpu.memory_space<vmem>>, vector<16xf32>,
    %broadcast_in_dim3A_220 = arith.constant 0.000000e+00 : f32
    %broadcast_in_dim3A_221 = vector.broadcast %broadcast_in_dim3A_220 : f32 to vector<16xf32>
    %swap3A_222 = arith.constant 592 : index
    %swap3A_223 = tpu.vector_load %arg13[%swap3A_222] {strides = array<i32>} : memref<640xf32, #tpu.memory_space<vmem>>, vector<16xf32>,
    %swap3A_224 = vector.shape_cast %swap3A_223 : vector<16xf32> to vector<16xf32>
    %swap3A_225 = vector.shape_cast %broadcast_in_dim3A_221 : vector<16xf32> to vector<16xf32>
    tpu.vector_store %arg13[%swap3A_222], %swap3A_225 {strides = array<i32>} : memref<640xf32, #tpu.memory_space<vmem>>, vector<16xf32>,
    %broadcast_in_dim3A_226 = arith.constant 0.000000e+00 : f32
    %broadcast_in_dim3A_227 = vector.broadcast %broadcast_in_dim3A_226 : f32 to vector<16xf32>
    %swap3A_228 = arith.constant 608 : index
    %swap3A_229 = tpu.vector_load %arg13[%swap3A_228] {strides = array<i32>} : memref<640xf32, #tpu.memory_space<vmem>>, vector<16xf32>,
    %swap3A_230 = vector.shape_cast %swap3A_229 : vector<16xf32> to vector<16xf32>
    %swap3A_231 = vector.shape_cast %broadcast_in_dim3A_227 : vector<16xf32> to vector<16xf32>
    tpu.vector_store %arg13[%swap3A_228], %swap3A_231 {strides = array<i32>} : memref<640xf32, #tpu.memory_space<vmem>>, vector<16xf32>,
    %broadcast_in_dim3A_232 = arith.constant 0.000000e+00 : f32
    %broadcast_in_dim3A_233 = vector.broadcast %broadcast_in_dim3A_232 : f32 to vector<16xf32>
    %swap3A_234 = arith.constant 624 : index
    %swap3A_235 = tpu.vector_load %arg13[%swap3A_234] {strides = array<i32>} : memref<640xf32, #tpu.memory_space<vmem>>, vector<16xf32>,
    %swap3A_236 = vector.shape_cast %swap3A_235 : vector<16xf32> to vector<16xf32>
    %swap3A_237 = vector.shape_cast %broadcast_in_dim3A_233 : vector<16xf32> to vector<16xf32>
    tpu.vector_store %arg13[%swap3A_234], %swap3A_237 {strides = array<i32>} : memref<640xf32, #tpu.memory_space<vmem>>, vector<16xf32>,
    %broadcast_in_dim3A_238 = arith.constant 1.000000e+00 : f32
    %broadcast_in_dim3A_239 = vector.broadcast %broadcast_in_dim3A_238 : f32 to vector<16xf32>
    %swap3A_240 = arith.constant 0 : index
    %swap3A_241 = tpu.vector_load %arg12[%swap3A_240] {strides = array<i32>} : memref<80xf32, #tpu.memory_space<vmem>>, vector<16xf32>,
    %swap3A_242 = vector.shape_cast %swap3A_241 : vector<16xf32> to vector<16xf32>
    %swap3A_243 = vector.shape_cast %broadcast_in_dim3A_239 : vector<16xf32> to vector<16xf32>
    tpu.vector_store %arg12[%swap3A_240], %swap3A_243 {strides = array<i32>} : memref<80xf32, #tpu.memory_space<vmem>>, vector<16xf32>,
    %broadcast_in_dim3A_244 = arith.constant 1.000000e+00 : f32
    %broadcast_in_dim3A_245 = vector.broadcast %broadcast_in_dim3A_244 : f32 to vector<16xf32>
    %swap3A_246 = arith.constant 16 : index
    %swap3A_247 = tpu.vector_load %arg12[%swap3A_246] {strides = array<i32>} : memref<80xf32, #tpu.memory_space<vmem>>, vector<16xf32>,
    %swap3A_248 = vector.shape_cast %swap3A_247 : vector<16xf32> to vector<16xf32>
    %swap3A_249 = vector.shape_cast %broadcast_in_dim3A_245 : vector<16xf32> to vector<16xf32>
    tpu.vector_store %arg12[%swap3A_246], %swap3A_249 {strides = array<i32>} : memref<80xf32, #tpu.memory_space<vmem>>, vector<16xf32>,
    %broadcast_in_dim3A_250 = arith.constant 1.000000e+00 : f32
    %broadcast_in_dim3A_251 = vector.broadcast %broadcast_in_dim3A_250 : f32 to vector<16xf32>
    %swap3A_252 = arith.constant 32 : index
    %swap3A_253 = tpu.vector_load %arg12[%swap3A_252] {strides = array<i32>} : memref<80xf32, #tpu.memory_space<vmem>>, vector<16xf32>,
    %swap3A_254 = vector.shape_cast %swap3A_253 : vector<16xf32> to vector<16xf32>
    %swap3A_255 = vector.shape_cast %broadcast_in_dim3A_251 : vector<16xf32> to vector<16xf32>
    tpu.vector_store %arg12[%swap3A_252], %swap3A_255 {strides = array<i32>} : memref<80xf32, #tpu.memory_space<vmem>>, vector<16xf32>,
    %broadcast_in_dim3A_256 = arith.constant 1.000000e+00 : f32
    %broadcast_in_dim3A_257 = vector.broadcast %broadcast_in_dim3A_256 : f32 to vector<16xf32>
    %swap3A_258 = arith.constant 48 : index
    %swap3A_259 = tpu.vector_load %arg12[%swap3A_258] {strides = array<i32>} : memref<80xf32, #tpu.memory_space<vmem>>, vector<16xf32>,
    %swap3A_260 = vector.shape_cast %swap3A_259 : vector<16xf32> to vector<16xf32>
    %swap3A_261 = vector.shape_cast %broadcast_in_dim3A_257 : vector<16xf32> to vector<16xf32>
    tpu.vector_store %arg12[%swap3A_258], %swap3A_261 {strides = array<i32>} : memref<80xf32, #tpu.memory_space<vmem>>, vector<16xf32>,
    %broadcast_in_dim3A_262 = arith.constant 1.000000e+00 : f32
    %broadcast_in_dim3A_263 = vector.broadcast %broadcast_in_dim3A_262 : f32 to vector<16xf32>
    %swap3A_264 = arith.constant 64 : index
    %swap3A_265 = tpu.vector_load %arg12[%swap3A_264] {strides = array<i32>} : memref<80xf32, #tpu.memory_space<vmem>>, vector<16xf32>,
    %swap3A_266 = vector.shape_cast %swap3A_265 : vector<16xf32> to vector<16xf32>
    %swap3A_267 = vector.shape_cast %broadcast_in_dim3A_263 : vector<16xf32> to vector<16xf32>
    tpu.vector_store %arg12[%swap3A_264], %swap3A_267 {strides = array<i32>} : memref<80xf32, #tpu.memory_space<vmem>>, vector<16xf32>,
    %mul3A = arith.constant 640 : i32
    %mul3A_268 = arith.muli %arg1, %mul3A : i32
    "tpu.region"() ({
      %run_scoped3A_404 = tpu.sem_alloc : memref<!tpu.dma_semaphore, #tpu.memory_space<semaphore_mem>>
      %dma_start3A_405 = tpu.memref_slice %arg7[%mul3A_268] : memref<10240xf32, #tpu.memory_space<vmem_shared>> -> memref<640xf32, #tpu.memory_space<vmem_shared>>
      %dma_start3A_406 = tpu.memref_slice %arg7[%mul3A_268] : memref<10240xf32, #tpu.memory_space<vmem_shared>> -> memref<640xf32, #tpu.memory_space<vmem_shared>>
      tpu.enqueue_dma source(%arg13 : memref<640xf32, #tpu.memory_space<vmem>>) target(%dma_start3A_406 : memref<640xf32, #tpu.memory_space<vmem_shared>>) target_semaphore(%run_scoped3A_404 : memref<!tpu.dma_semaphore, #tpu.memory_space<semaphore_mem>>)
      %dma_wait3A = tpu.memref_slice %arg7[%mul3A_268] : memref<10240xf32, #tpu.memory_space<vmem_shared>> -> memref<640xf32, #tpu.memory_space<vmem_shared>>
      %dma_wait3A_407 = tpu.memref_slice %arg7[%mul3A_268] : memref<10240xf32, #tpu.memory_space<vmem_shared>> -> memref<640xf32, #tpu.memory_space<vmem_shared>>
      tpu.wait_dma2 semaphore(%run_scoped3A_404 : memref<!tpu.dma_semaphore, #tpu.memory_space<semaphore_mem>>) src(%arg13 : memref<640xf32, #tpu.memory_space<vmem>>) dst(%dma_wait3A_407 : memref<640xf32, #tpu.memory_space<vmem_shared>>)
      tpu.yield
    }) : () -> ()
    "tpu.region"() ({
      %run_scoped3A_404 = tpu.sem_alloc : memref<!tpu.dma_semaphore, #tpu.memory_space<semaphore_mem>>
      %dma_start3A_405 = tpu.memref_slice %arg8[%mul3A_268] : memref<10240xf32, #tpu.memory_space<vmem_shared>> -> memref<640xf32, #tpu.memory_space<vmem_shared>>
      %dma_start3A_406 = tpu.memref_slice %arg8[%mul3A_268] : memref<10240xf32, #tpu.memory_space<vmem_shared>> -> memref<640xf32, #tpu.memory_space<vmem_shared>>
      tpu.enqueue_dma source(%arg13 : memref<640xf32, #tpu.memory_space<vmem>>) target(%dma_start3A_406 : memref<640xf32, #tpu.memory_space<vmem_shared>>) target_semaphore(%run_scoped3A_404 : memref<!tpu.dma_semaphore, #tpu.memory_space<semaphore_mem>>)
      %dma_wait3A = tpu.memref_slice %arg8[%mul3A_268] : memref<10240xf32, #tpu.memory_space<vmem_shared>> -> memref<640xf32, #tpu.memory_space<vmem_shared>>
      %dma_wait3A_407 = tpu.memref_slice %arg8[%mul3A_268] : memref<10240xf32, #tpu.memory_space<vmem_shared>> -> memref<640xf32, #tpu.memory_space<vmem_shared>>
      tpu.wait_dma2 semaphore(%run_scoped3A_404 : memref<!tpu.dma_semaphore, #tpu.memory_space<semaphore_mem>>) src(%arg13 : memref<640xf32, #tpu.memory_space<vmem>>) dst(%dma_wait3A_407 : memref<640xf32, #tpu.memory_space<vmem_shared>>)
      tpu.yield
    }) : () -> ()
    %mul3A_269 = arith.constant 160000 : i32
    %mul3A_270 = arith.muli %arg0, %mul3A_269 : i32
    %mul3A_271 = arith.constant 10000 : i32
    %mul3A_272 = arith.muli %arg1, %mul3A_271 : i32
    %add3A = arith.addi %mul3A_270, %mul3A_272 : i32
    "tpu.region"() ({
      %run_scoped3A_404 = tpu.sem_alloc : memref<!tpu.dma_semaphore, #tpu.memory_space<semaphore_mem>>
      %dma_start3A_405 = tpu.memref_slice %arg2[%add3A] : memref<640000xi32, #tpu.memory_space<hbm>> -> memref<10000xi32, #tpu.memory_space<hbm>>
      %dma_start3A_406 = tpu.memref_slice %arg2[%add3A] : memref<640000xi32, #tpu.memory_space<hbm>> -> memref<10000xi32, #tpu.memory_space<hbm>>
      tpu.enqueue_dma source(%dma_start3A_406 : memref<10000xi32, #tpu.memory_space<hbm>>) target(%arg9 : memref<10000xi32, #tpu.memory_space<vmem>>) target_semaphore(%run_scoped3A_404 : memref<!tpu.dma_semaphore, #tpu.memory_space<semaphore_mem>>)
      %dma_wait3A = tpu.memref_slice %arg2[%add3A] : memref<640000xi32, #tpu.memory_space<hbm>> -> memref<10000xi32, #tpu.memory_space<hbm>>
      %dma_wait3A_407 = tpu.memref_slice %arg2[%add3A] : memref<640000xi32, #tpu.memory_space<hbm>> -> memref<10000xi32, #tpu.memory_space<hbm>>
      tpu.wait_dma2 semaphore(%run_scoped3A_404 : memref<!tpu.dma_semaphore, #tpu.memory_space<semaphore_mem>>) src(%dma_wait3A_407 : memref<10000xi32, #tpu.memory_space<hbm>>) dst(%arg9 : memref<10000xi32, #tpu.memory_space<vmem>>)
      tpu.yield
    }) : () -> ()
    %scan3A = arith.constant 0 : i32
    %scan3A_273 = arith.constant 0 : i32
    %scan3A_274 = arith.constant 125 : i32
    %scan3A_275 = arith.addi %scan3A_273, %scan3A_274 : i32
    %scan3A_276 = arith.constant 1 : i32
    scf.for %scan3A_404 = %scan3A_273 to %scan3A_275 step %scan3A_276  : i32 {
      %mul3A_405 = arith.constant 80 : i32
      %mul3A_406 = arith.muli %scan3A_404, %mul3A_405 : i32
      %add3A_407 = arith.constant 0 : i32
      %add3A_408 = arith.addi %mul3A_406, %add3A_407 : i32
      %get3A = arith.index_cast %add3A_408 : i32 to index
      %get3A_409 = tpu.vector_load %arg9[%get3A] {strides = array<i32>} : memref<10000xi32, #tpu.memory_space<vmem>>, vector<16xi32>,
      %get3A_410 = vector.shape_cast %get3A_409 : vector<16xi32> to vector<16xi32>
      %swap3A_411 = arith.index_cast %scan3A_404 : i32 to index
      %swap3A_412 = arith.constant 0 : index
      %swap3A_413 = tpu.vector_load %arg10[%swap3A_411, %swap3A_412] {strides = array<i32>} : memref<125x80xi32, #tpu.memory_space<vmem>>, vector<1x16xi32>,
      %swap3A_414 = vector.shape_cast %swap3A_413 : vector<1x16xi32> to vector<16xi32>
      %swap3A_415 = vector.shape_cast %get3A_410 : vector<16xi32> to vector<1x16xi32>
      tpu.vector_store %arg10[%swap3A_411, %swap3A_412], %swap3A_415 {strides = array<i32>} : memref<125x80xi32, #tpu.memory_space<vmem>>, vector<1x16xi32>,
      %mul3A_416 = arith.constant 80 : i32
      %mul3A_417 = arith.muli %scan3A_404, %mul3A_416 : i32
      %add3A_418 = arith.constant 16 : i32
      %add3A_419 = arith.addi %mul3A_417, %add3A_418 : i32
      %get3A_420 = arith.index_cast %add3A_419 : i32 to index
      %get3A_421 = tpu.vector_load %arg9[%get3A_420] {strides = array<i32>} : memref<10000xi32, #tpu.memory_space<vmem>>, vector<16xi32>,
      %get3A_422 = vector.shape_cast %get3A_421 : vector<16xi32> to vector<16xi32>
      %swap3A_423 = arith.index_cast %scan3A_404 : i32 to index
      %swap3A_424 = arith.constant 16 : index
      %swap3A_425 = tpu.vector_load %arg10[%swap3A_423, %swap3A_424] {strides = array<i32>} : memref<125x80xi32, #tpu.memory_space<vmem>>, vector<1x16xi32>,
      %swap3A_426 = vector.shape_cast %swap3A_425 : vector<1x16xi32> to vector<16xi32>
      %swap3A_427 = vector.shape_cast %get3A_422 : vector<16xi32> to vector<1x16xi32>
      tpu.vector_store %arg10[%swap3A_423, %swap3A_424], %swap3A_427 {strides = array<i32>} : memref<125x80xi32, #tpu.memory_space<vmem>>, vector<1x16xi32>,
      %mul3A_428 = arith.constant 80 : i32
      %mul3A_429 = arith.muli %scan3A_404, %mul3A_428 : i32
      %add3A_430 = arith.constant 32 : i32
      %add3A_431 = arith.addi %mul3A_429, %add3A_430 : i32
      %get3A_432 = arith.index_cast %add3A_431 : i32 to index
      %get3A_433 = tpu.vector_load %arg9[%get3A_432] {strides = array<i32>} : memref<10000xi32, #tpu.memory_space<vmem>>, vector<16xi32>,
      %get3A_434 = vector.shape_cast %get3A_433 : vector<16xi32> to vector<16xi32>
      %swap3A_435 = arith.index_cast %scan3A_404 : i32 to index
      %swap3A_436 = arith.constant 32 : index
      %swap3A_437 = tpu.vector_load %arg10[%swap3A_435, %swap3A_436] {strides = array<i32>} : memref<125x80xi32, #tpu.memory_space<vmem>>, vector<1x16xi32>,
      %swap3A_438 = vector.shape_cast %swap3A_437 : vector<1x16xi32> to vector<16xi32>
      %swap3A_439 = vector.shape_cast %get3A_434 : vector<16xi32> to vector<1x16xi32>
      tpu.vector_store %arg10[%swap3A_435, %swap3A_436], %swap3A_439 {strides = array<i32>} : memref<125x80xi32, #tpu.memory_space<vmem>>, vector<1x16xi32>,
      %mul3A_440 = arith.constant 80 : i32
      %mul3A_441 = arith.muli %scan3A_404, %mul3A_440 : i32
      %add3A_442 = arith.constant 48 : i32
      %add3A_443 = arith.addi %mul3A_441, %add3A_442 : i32
      %get3A_444 = arith.index_cast %add3A_443 : i32 to index
      %get3A_445 = tpu.vector_load %arg9[%get3A_444] {strides = array<i32>} : memref<10000xi32, #tpu.memory_space<vmem>>, vector<16xi32>,
      %get3A_446 = vector.shape_cast %get3A_445 : vector<16xi32> to vector<16xi32>
      %swap3A_447 = arith.index_cast %scan3A_404 : i32 to index
      %swap3A_448 = arith.constant 48 : index
      %swap3A_449 = tpu.vector_load %arg10[%swap3A_447, %swap3A_448] {strides = array<i32>} : memref<125x80xi32, #tpu.memory_space<vmem>>, vector<1x16xi32>,
      %swap3A_450 = vector.shape_cast %swap3A_449 : vector<1x16xi32> to vector<16xi32>
      %swap3A_451 = vector.shape_cast %get3A_446 : vector<16xi32> to vector<1x16xi32>
      tpu.vector_store %arg10[%swap3A_447, %swap3A_448], %swap3A_451 {strides = array<i32>} : memref<125x80xi32, #tpu.memory_space<vmem>>, vector<1x16xi32>,
      %mul3A_452 = arith.constant 80 : i32
      %mul3A_453 = arith.muli %scan3A_404, %mul3A_452 : i32
      %add3A_454 = arith.constant 64 : i32
      %add3A_455 = arith.addi %mul3A_453, %add3A_454 : i32
      %get3A_456 = arith.index_cast %add3A_455 : i32 to index
      %get3A_457 = tpu.vector_load %arg9[%get3A_456] {strides = array<i32>} : memref<10000xi32, #tpu.memory_space<vmem>>, vector<16xi32>,
      %get3A_458 = vector.shape_cast %get3A_457 : vector<16xi32> to vector<16xi32>
      %swap3A_459 = arith.index_cast %scan3A_404 : i32 to index
      %swap3A_460 = arith.constant 64 : index
      %swap3A_461 = tpu.vector_load %arg10[%swap3A_459, %swap3A_460] {strides = array<i32>} : memref<125x80xi32, #tpu.memory_space<vmem>>, vector<1x16xi32>,
      %swap3A_462 = vector.shape_cast %swap3A_461 : vector<1x16xi32> to vector<16xi32>
      %swap3A_463 = vector.shape_cast %get3A_458 : vector<16xi32> to vector<1x16xi32>
      tpu.vector_store %arg10[%swap3A_459, %swap3A_460], %swap3A_463 {strides = array<i32>} : memref<125x80xi32, #tpu.memory_space<vmem>>, vector<1x16xi32>,
    }
    %scan3A_277 = arith.constant 125 : i32
    %add3A_278 = arith.constant 320000 : i32
    %add3A_279 = arith.addi %add3A_278, %add3A : i32
    "tpu.region"() ({
      %run_scoped3A_404 = tpu.sem_alloc : memref<!tpu.dma_semaphore, #tpu.memory_space<semaphore_mem>>
      %dma_start3A_405 = tpu.memref_slice %arg2[%add3A_279] : memref<640000xi32, #tpu.memory_space<hbm>> -> memref<10000xi32, #tpu.memory_space<hbm>>
      %dma_start3A_406 = tpu.memref_slice %arg2[%add3A_279] : memref<640000xi32, #tpu.memory_space<hbm>> -> memref<10000xi32, #tpu.memory_space<hbm>>
      tpu.enqueue_dma source(%dma_start3A_406 : memref<10000xi32, #tpu.memory_space<hbm>>) target(%arg9 : memref<10000xi32, #tpu.memory_space<vmem>>) target_semaphore(%run_scoped3A_404 : memref<!tpu.dma_semaphore, #tpu.memory_space<semaphore_mem>>)
      %dma_wait3A = tpu.memref_slice %arg2[%add3A_279] : memref<640000xi32, #tpu.memory_space<hbm>> -> memref<10000xi32, #tpu.memory_space<hbm>>
      %dma_wait3A_407 = tpu.memref_slice %arg2[%add3A_279] : memref<640000xi32, #tpu.memory_space<hbm>> -> memref<10000xi32, #tpu.memory_space<hbm>>
      tpu.wait_dma2 semaphore(%run_scoped3A_404 : memref<!tpu.dma_semaphore, #tpu.memory_space<semaphore_mem>>) src(%dma_wait3A_407 : memref<10000xi32, #tpu.memory_space<hbm>>) dst(%arg9 : memref<10000xi32, #tpu.memory_space<vmem>>)
      tpu.yield
    }) : () -> ()
    %scan3A_280 = arith.constant 0 : i32
    %scan3A_281 = arith.constant 0 : i32
    %scan3A_282 = arith.constant 125 : i32
    %scan3A_283 = arith.addi %scan3A_281, %scan3A_282 : i32
    %scan3A_284 = arith.constant 1 : i32
    scf.for %scan3A_404 = %scan3A_281 to %scan3A_283 step %scan3A_284  : i32 {
      %mul3A_405 = arith.constant 80 : i32
      %mul3A_406 = arith.muli %scan3A_404, %mul3A_405 : i32
      %add3A_407 = arith.constant 0 : i32
      %add3A_408 = arith.addi %mul3A_406, %add3A_407 : i32
      %get3A = arith.index_cast %add3A_408 : i32 to index
      %get3A_409 = tpu.vector_load %arg9[%get3A] {strides = array<i32>} : memref<10000xi32, #tpu.memory_space<vmem>>, vector<16xi32>,
      %get3A_410 = vector.shape_cast %get3A_409 : vector<16xi32> to vector<16xi32>
      %swap3A_411 = arith.index_cast %scan3A_404 : i32 to index
      %swap3A_412 = arith.constant 0 : index
      %swap3A_413 = tpu.vector_load %arg11[%swap3A_411, %swap3A_412] {strides = array<i32>} : memref<125x80xi32, #tpu.memory_space<vmem>>, vector<1x16xi32>,
      %swap3A_414 = vector.shape_cast %swap3A_413 : vector<1x16xi32> to vector<16xi32>
      %swap3A_415 = vector.shape_cast %get3A_410 : vector<16xi32> to vector<1x16xi32>
      tpu.vector_store %arg11[%swap3A_411, %swap3A_412], %swap3A_415 {strides = array<i32>} : memref<125x80xi32, #tpu.memory_space<vmem>>, vector<1x16xi32>,
      %mul3A_416 = arith.constant 80 : i32
      %mul3A_417 = arith.muli %scan3A_404, %mul3A_416 : i32
      %add3A_418 = arith.constant 16 : i32
      %add3A_419 = arith.addi %mul3A_417, %add3A_418 : i32
      %get3A_420 = arith.index_cast %add3A_419 : i32 to index
      %get3A_421 = tpu.vector_load %arg9[%get3A_420] {strides = array<i32>} : memref<10000xi32, #tpu.memory_space<vmem>>, vector<16xi32>,
      %get3A_422 = vector.shape_cast %get3A_421 : vector<16xi32> to vector<16xi32>
      %swap3A_423 = arith.index_cast %scan3A_404 : i32 to index
      %swap3A_424 = arith.constant 16 : index
      %swap3A_425 = tpu.vector_load %arg11[%swap3A_423, %swap3A_424] {strides = array<i32>} : memref<125x80xi32, #tpu.memory_space<vmem>>, vector<1x16xi32>,
      %swap3A_426 = vector.shape_cast %swap3A_425 : vector<1x16xi32> to vector<16xi32>
      %swap3A_427 = vector.shape_cast %get3A_422 : vector<16xi32> to vector<1x16xi32>
      tpu.vector_store %arg11[%swap3A_423, %swap3A_424], %swap3A_427 {strides = array<i32>} : memref<125x80xi32, #tpu.memory_space<vmem>>, vector<1x16xi32>,
      %mul3A_428 = arith.constant 80 : i32
      %mul3A_429 = arith.muli %scan3A_404, %mul3A_428 : i32
      %add3A_430 = arith.constant 32 : i32
      %add3A_431 = arith.addi %mul3A_429, %add3A_430 : i32
      %get3A_432 = arith.index_cast %add3A_431 : i32 to index
      %get3A_433 = tpu.vector_load %arg9[%get3A_432] {strides = array<i32>} : memref<10000xi32, #tpu.memory_space<vmem>>, vector<16xi32>,
      %get3A_434 = vector.shape_cast %get3A_433 : vector<16xi32> to vector<16xi32>
      %swap3A_435 = arith.index_cast %scan3A_404 : i32 to index
      %swap3A_436 = arith.constant 32 : index
      %swap3A_437 = tpu.vector_load %arg11[%swap3A_435, %swap3A_436] {strides = array<i32>} : memref<125x80xi32, #tpu.memory_space<vmem>>, vector<1x16xi32>,
      %swap3A_438 = vector.shape_cast %swap3A_437 : vector<1x16xi32> to vector<16xi32>
      %swap3A_439 = vector.shape_cast %get3A_434 : vector<16xi32> to vector<1x16xi32>
      tpu.vector_store %arg11[%swap3A_435, %swap3A_436], %swap3A_439 {strides = array<i32>} : memref<125x80xi32, #tpu.memory_space<vmem>>, vector<1x16xi32>,
      %mul3A_440 = arith.constant 80 : i32
      %mul3A_441 = arith.muli %scan3A_404, %mul3A_440 : i32
      %add3A_442 = arith.constant 48 : i32
      %add3A_443 = arith.addi %mul3A_441, %add3A_442 : i32
      %get3A_444 = arith.index_cast %add3A_443 : i32 to index
      %get3A_445 = tpu.vector_load %arg9[%get3A_444] {strides = array<i32>} : memref<10000xi32, #tpu.memory_space<vmem>>, vector<16xi32>,
      %get3A_446 = vector.shape_cast %get3A_445 : vector<16xi32> to vector<16xi32>
      %swap3A_447 = arith.index_cast %scan3A_404 : i32 to index
      %swap3A_448 = arith.constant 48 : index
      %swap3A_449 = tpu.vector_load %arg11[%swap3A_447, %swap3A_448] {strides = array<i32>} : memref<125x80xi32, #tpu.memory_space<vmem>>, vector<1x16xi32>,
      %swap3A_450 = vector.shape_cast %swap3A_449 : vector<1x16xi32> to vector<16xi32>
      %swap3A_451 = vector.shape_cast %get3A_446 : vector<16xi32> to vector<1x16xi32>
      tpu.vector_store %arg11[%swap3A_447, %swap3A_448], %swap3A_451 {strides = array<i32>} : memref<125x80xi32, #tpu.memory_space<vmem>>, vector<1x16xi32>,
      %mul3A_452 = arith.constant 80 : i32
      %mul3A_453 = arith.muli %scan3A_404, %mul3A_452 : i32
      %add3A_454 = arith.constant 64 : i32
      %add3A_455 = arith.addi %mul3A_453, %add3A_454 : i32
      %get3A_456 = arith.index_cast %add3A_455 : i32 to index
      %get3A_457 = tpu.vector_load %arg9[%get3A_456] {strides = array<i32>} : memref<10000xi32, #tpu.memory_space<vmem>>, vector<16xi32>,
      %get3A_458 = vector.shape_cast %get3A_457 : vector<16xi32> to vector<16xi32>
      %swap3A_459 = arith.index_cast %scan3A_404 : i32 to index
      %swap3A_460 = arith.constant 64 : index
      %swap3A_461 = tpu.vector_load %arg11[%swap3A_459, %swap3A_460] {strides = array<i32>} : memref<125x80xi32, #tpu.memory_space<vmem>>, vector<1x16xi32>,
      %swap3A_462 = vector.shape_cast %swap3A_461 : vector<1x16xi32> to vector<16xi32>
      %swap3A_463 = vector.shape_cast %get3A_458 : vector<16xi32> to vector<1x16xi32>
      tpu.vector_store %arg11[%swap3A_459, %swap3A_460], %swap3A_463 {strides = array<i32>} : memref<125x80xi32, #tpu.memory_space<vmem>>, vector<1x16xi32>,
    }
    %scan3A_285 = arith.constant 125 : i32
    %barrier3A = arith.constant 0 : index
    tpu.barrier barrier_id(%barrier3A)
    %dma_start3A = arith.constant 0 : i32
    %dma_start3A_286 = arith.constant 0 : i32
    %dma_start3A_287 = tpu.memref_slice %arg10[%dma_start3A, %dma_start3A_286] : memref<125x80xi32, #tpu.memory_space<vmem>> -> memref<1x80xi32, #tpu.memory_space<vmem>>
    %dma_start3A_288 = tpu.memref_squeeze %dma_start3A_287 : memref<1x80xi32, #tpu.memory_space<vmem>> -> memref<80xi32, #tpu.memory_space<vmem>>
    %dma_start3A_289 = arith.constant 0 : i32
    %dma_start3A_290 = tpu.memref_slice %arg7[%dma_start3A_289] : memref<10240xf32, #tpu.memory_space<vmem_shared>> -> memref<10240xf32, #tpu.memory_space<vmem_shared>>
    tpu.enqueue_indirect_dma source(%arg12 : memref<80xf32, #tpu.memory_space<vmem>>) target(%dma_start3A_290 : memref<10240xf32, #tpu.memory_space<vmem_shared>>) offsets(%dma_start3A_288 : memref<80xi32, #tpu.memory_space<vmem>>) semaphore(%arg14 : memref<!tpu.dma_semaphore, #tpu.memory_space<semaphore_mem>>) {add = true}
    %dma_start3A_291 = arith.constant 0 : i32
    %dma_start3A_292 = arith.constant 0 : i32
    %dma_start3A_293 = tpu.memref_slice %arg11[%dma_start3A_291, %dma_start3A_292] : memref<125x80xi32, #tpu.memory_space<vmem>> -> memref<1x80xi32, #tpu.memory_space<vmem>>
    %dma_start3A_294 = tpu.memref_squeeze %dma_start3A_293 : memref<1x80xi32, #tpu.memory_space<vmem>> -> memref<80xi32, #tpu.memory_space<vmem>>
    %dma_start3A_295 = arith.constant 0 : i32
    %dma_start3A_296 = tpu.memref_slice %arg8[%dma_start3A_295] : memref<10240xf32, #tpu.memory_space<vmem_shared>> -> memref<10240xf32, #tpu.memory_space<vmem_shared>>
    tpu.enqueue_indirect_dma source(%arg12 : memref<80xf32, #tpu.memory_space<vmem>>) target(%dma_start3A_296 : memref<10240xf32, #tpu.memory_space<vmem_shared>>) offsets(%dma_start3A_294 : memref<80xi32, #tpu.memory_space<vmem>>) semaphore(%arg14 : memref<!tpu.dma_semaphore, #tpu.memory_space<semaphore_mem>>) {add = true}
    %dma_start3A_297 = arith.constant 1 : i32
    %dma_start3A_298 = arith.constant 0 : i32
    %dma_start3A_299 = tpu.memref_slice %arg10[%dma_start3A_297, %dma_start3A_298] : memref<125x80xi32, #tpu.memory_space<vmem>> -> memref<1x80xi32, #tpu.memory_space<vmem>>
    %dma_start3A_300 = tpu.memref_squeeze %dma_start3A_299 : memref<1x80xi32, #tpu.memory_space<vmem>> -> memref<80xi32, #tpu.memory_space<vmem>>
    %dma_start3A_301 = arith.constant 0 : i32
    %dma_start3A_302 = tpu.memref_slice %arg7[%dma_start3A_301] : memref<10240xf32, #tpu.memory_space<vmem_shared>> -> memref<10240xf32, #tpu.memory_space<vmem_shared>>
    tpu.enqueue_indirect_dma source(%arg12 : memref<80xf32, #tpu.memory_space<vmem>>) target(%dma_start3A_302 : memref<10240xf32, #tpu.memory_space<vmem_shared>>) offsets(%dma_start3A_300 : memref<80xi32, #tpu.memory_space<vmem>>) semaphore(%arg14 : memref<!tpu.dma_semaphore, #tpu.memory_space<semaphore_mem>>) {add = true}
    %dma_start3A_303 = arith.constant 1 : i32
    %dma_start3A_304 = arith.constant 0 : i32
    %dma_start3A_305 = tpu.memref_slice %arg11[%dma_start3A_303, %dma_start3A_304] : memref<125x80xi32, #tpu.memory_space<vmem>> -> memref<1x80xi32, #tpu.memory_space<vmem>>
    %dma_start3A_306 = tpu.memref_squeeze %dma_start3A_305 : memref<1x80xi32, #tpu.memory_space<vmem>> -> memref<80xi32, #tpu.memory_space<vmem>>
    %dma_start3A_307 = arith.constant 0 : i32
    %dma_start3A_308 = tpu.memref_slice %arg8[%dma_start3A_307] : memref<10240xf32, #tpu.memory_space<vmem_shared>> -> memref<10240xf32, #tpu.memory_space<vmem_shared>>
    tpu.enqueue_indirect_dma source(%arg12 : memref<80xf32, #tpu.memory_space<vmem>>) target(%dma_start3A_308 : memref<10240xf32, #tpu.memory_space<vmem_shared>>) offsets(%dma_start3A_306 : memref<80xi32, #tpu.memory_space<vmem>>) semaphore(%arg14 : memref<!tpu.dma_semaphore, #tpu.memory_space<semaphore_mem>>) {add = true}
    %dma_start3A_309 = arith.constant 2 : i32
    %dma_start3A_310 = arith.constant 0 : i32
    %dma_start3A_311 = tpu.memref_slice %arg10[%dma_start3A_309, %dma_start3A_310] : memref<125x80xi32, #tpu.memory_space<vmem>> -> memref<1x80xi32, #tpu.memory_space<vmem>>
    %dma_start3A_312 = tpu.memref_squeeze %dma_start3A_311 : memref<1x80xi32, #tpu.memory_space<vmem>> -> memref<80xi32, #tpu.memory_space<vmem>>
    %dma_start3A_313 = arith.constant 0 : i32
    %dma_start3A_314 = tpu.memref_slice %arg7[%dma_start3A_313] : memref<10240xf32, #tpu.memory_space<vmem_shared>> -> memref<10240xf32, #tpu.memory_space<vmem_shared>>
    tpu.enqueue_indirect_dma source(%arg12 : memref<80xf32, #tpu.memory_space<vmem>>) target(%dma_start3A_314 : memref<10240xf32, #tpu.memory_space<vmem_shared>>) offsets(%dma_start3A_312 : memref<80xi32, #tpu.memory_space<vmem>>) semaphore(%arg14 : memref<!tpu.dma_semaphore, #tpu.memory_space<semaphore_mem>>) {add = true}
    %dma_start3A_315 = arith.constant 2 : i32
    %dma_start3A_316 = arith.constant 0 : i32
    %dma_start3A_317 = tpu.memref_slice %arg11[%dma_start3A_315, %dma_start3A_316] : memref<125x80xi32, #tpu.memory_space<vmem>> -> memref<1x80xi32, #tpu.memory_space<vmem>>
    %dma_start3A_318 = tpu.memref_squeeze %dma_start3A_317 : memref<1x80xi32, #tpu.memory_space<vmem>> -> memref<80xi32, #tpu.memory_space<vmem>>
    %dma_start3A_319 = arith.constant 0 : i32
    %dma_start3A_320 = tpu.memref_slice %arg8[%dma_start3A_319] : memref<10240xf32, #tpu.memory_space<vmem_shared>> -> memref<10240xf32, #tpu.memory_space<vmem_shared>>
    tpu.enqueue_indirect_dma source(%arg12 : memref<80xf32, #tpu.memory_space<vmem>>) target(%dma_start3A_320 : memref<10240xf32, #tpu.memory_space<vmem_shared>>) offsets(%dma_start3A_318 : memref<80xi32, #tpu.memory_space<vmem>>) semaphore(%arg14 : memref<!tpu.dma_semaphore, #tpu.memory_space<semaphore_mem>>) {add = true}
    %dma_start3A_321 = arith.constant 3 : i32
    %dma_start3A_322 = arith.constant 0 : i32
    %dma_start3A_323 = tpu.memref_slice %arg10[%dma_start3A_321, %dma_start3A_322] : memref<125x80xi32, #tpu.memory_space<vmem>> -> memref<1x80xi32, #tpu.memory_space<vmem>>
    %dma_start3A_324 = tpu.memref_squeeze %dma_start3A_323 : memref<1x80xi32, #tpu.memory_space<vmem>> -> memref<80xi32, #tpu.memory_space<vmem>>
    %dma_start3A_325 = arith.constant 0 : i32
    %dma_start3A_326 = tpu.memref_slice %arg7[%dma_start3A_325] : memref<10240xf32, #tpu.memory_space<vmem_shared>> -> memref<10240xf32, #tpu.memory_space<vmem_shared>>
    tpu.enqueue_indirect_dma source(%arg12 : memref<80xf32, #tpu.memory_space<vmem>>) target(%dma_start3A_326 : memref<10240xf32, #tpu.memory_space<vmem_shared>>) offsets(%dma_start3A_324 : memref<80xi32, #tpu.memory_space<vmem>>) semaphore(%arg14 : memref<!tpu.dma_semaphore, #tpu.memory_space<semaphore_mem>>) {add = true}
    %dma_start3A_327 = arith.constant 3 : i32
    %dma_start3A_328 = arith.constant 0 : i32
    %dma_start3A_329 = tpu.memref_slice %arg11[%dma_start3A_327, %dma_start3A_328] : memref<125x80xi32, #tpu.memory_space<vmem>> -> memref<1x80xi32, #tpu.memory_space<vmem>>
    %dma_start3A_330 = tpu.memref_squeeze %dma_start3A_329 : memref<1x80xi32, #tpu.memory_space<vmem>> -> memref<80xi32, #tpu.memory_space<vmem>>
    %dma_start3A_331 = arith.constant 0 : i32
    %dma_start3A_332 = tpu.memref_slice %arg8[%dma_start3A_331] : memref<10240xf32, #tpu.memory_space<vmem_shared>> -> memref<10240xf32, #tpu.memory_space<vmem_shared>>
    tpu.enqueue_indirect_dma source(%arg12 : memref<80xf32, #tpu.memory_space<vmem>>) target(%dma_start3A_332 : memref<10240xf32, #tpu.memory_space<vmem_shared>>) offsets(%dma_start3A_330 : memref<80xi32, #tpu.memory_space<vmem>>) semaphore(%arg14 : memref<!tpu.dma_semaphore, #tpu.memory_space<semaphore_mem>>) {add = true}
    %dma_start3A_333 = arith.constant 4 : i32
    %dma_start3A_334 = arith.constant 0 : i32
    %dma_start3A_335 = tpu.memref_slice %arg10[%dma_start3A_333, %dma_start3A_334] : memref<125x80xi32, #tpu.memory_space<vmem>> -> memref<1x80xi32, #tpu.memory_space<vmem>>
    %dma_start3A_336 = tpu.memref_squeeze %dma_start3A_335 : memref<1x80xi32, #tpu.memory_space<vmem>> -> memref<80xi32, #tpu.memory_space<vmem>>
    %dma_start3A_337 = arith.constant 0 : i32
    %dma_start3A_338 = tpu.memref_slice %arg7[%dma_start3A_337] : memref<10240xf32, #tpu.memory_space<vmem_shared>> -> memref<10240xf32, #tpu.memory_space<vmem_shared>>
    tpu.enqueue_indirect_dma source(%arg12 : memref<80xf32, #tpu.memory_space<vmem>>) target(%dma_start3A_338 : memref<10240xf32, #tpu.memory_space<vmem_shared>>) offsets(%dma_start3A_336 : memref<80xi32, #tpu.memory_space<vmem>>) semaphore(%arg14 : memref<!tpu.dma_semaphore, #tpu.memory_space<semaphore_mem>>) {add = true}
    %dma_start3A_339 = arith.constant 4 : i32
    %dma_start3A_340 = arith.constant 0 : i32
    %dma_start3A_341 = tpu.memref_slice %arg11[%dma_start3A_339, %dma_start3A_340] : memref<125x80xi32, #tpu.memory_space<vmem>> -> memref<1x80xi32, #tpu.memory_space<vmem>>
    %dma_start3A_342 = tpu.memref_squeeze %dma_start3A_341 : memref<1x80xi32, #tpu.memory_space<vmem>> -> memref<80xi32, #tpu.memory_space<vmem>>
    %dma_start3A_343 = arith.constant 0 : i32
    %dma_start3A_344 = tpu.memref_slice %arg8[%dma_start3A_343] : memref<10240xf32, #tpu.memory_space<vmem_shared>> -> memref<10240xf32, #tpu.memory_space<vmem_shared>>
    tpu.enqueue_indirect_dma source(%arg12 : memref<80xf32, #tpu.memory_space<vmem>>) target(%dma_start3A_344 : memref<10240xf32, #tpu.memory_space<vmem_shared>>) offsets(%dma_start3A_342 : memref<80xi32, #tpu.memory_space<vmem>>) semaphore(%arg14 : memref<!tpu.dma_semaphore, #tpu.memory_space<semaphore_mem>>) {add = true}
    %dma_start3A_345 = arith.constant 5 : i32
    %dma_start3A_346 = arith.constant 0 : i32
    %dma_start3A_347 = tpu.memref_slice %arg10[%dma_start3A_345, %dma_start3A_346] : memref<125x80xi32, #tpu.memory_space<vmem>> -> memref<1x80xi32, #tpu.memory_space<vmem>>
    %dma_start3A_348 = tpu.memref_squeeze %dma_start3A_347 : memref<1x80xi32, #tpu.memory_space<vmem>> -> memref<80xi32, #tpu.memory_space<vmem>>
    %dma_start3A_349 = arith.constant 0 : i32
    %dma_start3A_350 = tpu.memref_slice %arg7[%dma_start3A_349] : memref<10240xf32, #tpu.memory_space<vmem_shared>> -> memref<10240xf32, #tpu.memory_space<vmem_shared>>
    tpu.enqueue_indirect_dma source(%arg12 : memref<80xf32, #tpu.memory_space<vmem>>) target(%dma_start3A_350 : memref<10240xf32, #tpu.memory_space<vmem_shared>>) offsets(%dma_start3A_348 : memref<80xi32, #tpu.memory_space<vmem>>) semaphore(%arg14 : memref<!tpu.dma_semaphore, #tpu.memory_space<semaphore_mem>>) {add = true}
    %dma_start3A_351 = arith.constant 5 : i32
    %dma_start3A_352 = arith.constant 0 : i32
    %dma_start3A_353 = tpu.memref_slice %arg11[%dma_start3A_351, %dma_start3A_352] : memref<125x80xi32, #tpu.memory_space<vmem>> -> memref<1x80xi32, #tpu.memory_space<vmem>>
    %dma_start3A_354 = tpu.memref_squeeze %dma_start3A_353 : memref<1x80xi32, #tpu.memory_space<vmem>> -> memref<80xi32, #tpu.memory_space<vmem>>
    %dma_start3A_355 = arith.constant 0 : i32
    %dma_start3A_356 = tpu.memref_slice %arg8[%dma_start3A_355] : memref<10240xf32, #tpu.memory_space<vmem_shared>> -> memref<10240xf32, #tpu.memory_space<vmem_shared>>
    tpu.enqueue_indirect_dma source(%arg12 : memref<80xf32, #tpu.memory_space<vmem>>) target(%dma_start3A_356 : memref<10240xf32, #tpu.memory_space<vmem_shared>>) offsets(%dma_start3A_354 : memref<80xi32, #tpu.memory_space<vmem>>) semaphore(%arg14 : memref<!tpu.dma_semaphore, #tpu.memory_space<semaphore_mem>>) {add = true}
    %dma_start3A_357 = arith.constant 6 : i32
    %dma_start3A_358 = arith.constant 0 : i32
    %dma_start3A_359 = tpu.memref_slice %arg10[%dma_start3A_357, %dma_start3A_358] : memref<125x80xi32, #tpu.memory_space<vmem>> -> memref<1x80xi32, #tpu.memory_space<vmem>>
    %dma_start3A_360 = tpu.memref_squeeze %dma_start3A_359 : memref<1x80xi32, #tpu.memory_space<vmem>> -> memref<80xi32, #tpu.memory_space<vmem>>
    %dma_start3A_361 = arith.constant 0 : i32
    %dma_start3A_362 = tpu.memref_slice %arg7[%dma_start3A_361] : memref<10240xf32, #tpu.memory_space<vmem_shared>> -> memref<10240xf32, #tpu.memory_space<vmem_shared>>
    tpu.enqueue_indirect_dma source(%arg12 : memref<80xf32, #tpu.memory_space<vmem>>) target(%dma_start3A_362 : memref<10240xf32, #tpu.memory_space<vmem_shared>>) offsets(%dma_start3A_360 : memref<80xi32, #tpu.memory_space<vmem>>) semaphore(%arg14 : memref<!tpu.dma_semaphore, #tpu.memory_space<semaphore_mem>>) {add = true}
    %dma_start3A_363 = arith.constant 6 : i32
    %dma_start3A_364 = arith.constant 0 : i32
    %dma_start3A_365 = tpu.memref_slice %arg11[%dma_start3A_363, %dma_start3A_364] : memref<125x80xi32, #tpu.memory_space<vmem>> -> memref<1x80xi32, #tpu.memory_space<vmem>>
    %dma_start3A_366 = tpu.memref_squeeze %dma_start3A_365 : memref<1x80xi32, #tpu.memory_space<vmem>> -> memref<80xi32, #tpu.memory_space<vmem>>
    %dma_start3A_367 = arith.constant 0 : i32
    %dma_start3A_368 = tpu.memref_slice %arg8[%dma_start3A_367] : memref<10240xf32, #tpu.memory_space<vmem_shared>> -> memref<10240xf32, #tpu.memory_space<vmem_shared>>
    tpu.enqueue_indirect_dma source(%arg12 : memref<80xf32, #tpu.memory_space<vmem>>) target(%dma_start3A_368 : memref<10240xf32, #tpu.memory_space<vmem_shared>>) offsets(%dma_start3A_366 : memref<80xi32, #tpu.memory_space<vmem>>) semaphore(%arg14 : memref<!tpu.dma_semaphore, #tpu.memory_space<semaphore_mem>>) {add = true}
    %dma_start3A_369 = arith.constant 7 : i32
    %dma_start3A_370 = arith.constant 0 : i32
    %dma_start3A_371 = tpu.memref_slice %arg10[%dma_start3A_369, %dma_start3A_370] : memref<125x80xi32, #tpu.memory_space<vmem>> -> memref<1x80xi32, #tpu.memory_space<vmem>>
    %dma_start3A_372 = tpu.memref_squeeze %dma_start3A_371 : memref<1x80xi32, #tpu.memory_space<vmem>> -> memref<80xi32, #tpu.memory_space<vmem>>
    %dma_start3A_373 = arith.constant 0 : i32
    %dma_start3A_374 = tpu.memref_slice %arg7[%dma_start3A_373] : memref<10240xf32, #tpu.memory_space<vmem_shared>> -> memref<10240xf32, #tpu.memory_space<vmem_shared>>
    tpu.enqueue_indirect_dma source(%arg12 : memref<80xf32, #tpu.memory_space<vmem>>) target(%dma_start3A_374 : memref<10240xf32, #tpu.memory_space<vmem_shared>>) offsets(%dma_start3A_372 : memref<80xi32, #tpu.memory_space<vmem>>) semaphore(%arg14 : memref<!tpu.dma_semaphore, #tpu.memory_space<semaphore_mem>>) {add = true}
    %dma_start3A_375 = arith.constant 7 : i32
    %dma_start3A_376 = arith.constant 0 : i32
    %dma_start3A_377 = tpu.memref_slice %arg11[%dma_start3A_375, %dma_start3A_376] : memref<125x80xi32, #tpu.memory_space<vmem>> -> memref<1x80xi32, #tpu.memory_space<vmem>>
    %dma_start3A_378 = tpu.memref_squeeze %dma_start3A_377 : memref<1x80xi32, #tpu.memory_space<vmem>> -> memref<80xi32, #tpu.memory_space<vmem>>
    %dma_start3A_379 = arith.constant 0 : i32
    %dma_start3A_380 = tpu.memref_slice %arg8[%dma_start3A_379] : memref<10240xf32, #tpu.memory_space<vmem_shared>> -> memref<10240xf32, #tpu.memory_space<vmem_shared>>
    tpu.enqueue_indirect_dma source(%arg12 : memref<80xf32, #tpu.memory_space<vmem>>) target(%dma_start3A_380 : memref<10240xf32, #tpu.memory_space<vmem_shared>>) offsets(%dma_start3A_378 : memref<80xi32, #tpu.memory_space<vmem>>) semaphore(%arg14 : memref<!tpu.dma_semaphore, #tpu.memory_space<semaphore_mem>>) {add = true}
    %scan3A_381 = arith.constant 0 : i32
    %scan3A_382 = arith.constant 0 : i32
    %scan3A_383 = arith.constant 15 : i32
    %scan3A_384 = arith.addi %scan3A_382, %scan3A_383 : i32
    %scan3A_385 = arith.constant 1 : i32
    scf.for %scan3A_404 = %scan3A_382 to %scan3A_384 step %scan3A_385  : i32 {
      %add3A_405 = arith.constant 1 : i32
      %add3A_406 = arith.addi %scan3A_404, %add3A_405 : i32
      %lt3A = arith.constant 15 : i32
      %lt3A_407 = arith.cmpi slt, %add3A_406, %lt3A : i32
      %convert_element_type3A_408 = arith.extui %lt3A_407 : i1 to i32
      %cond3A_409 = arith.constant 0 : i32
      %cond3A_410 = arith.cmpi ne, %convert_element_type3A_408, %cond3A_409 : i32
      scf.if %cond3A_410 {
        %add3A_506 = arith.constant 1 : i32
        %add3A_507 = arith.addi %scan3A_404, %add3A_506 : i32
        %mul3A_508 = arith.constant 8 : i32
        %mul3A_509 = arith.muli %add3A_507, %mul3A_508 : i32
        %add3A_510 = arith.constant 0 : i32
        %add3A_511 = arith.addi %mul3A_509, %add3A_510 : i32
        %dma_start3A_512 = arith.constant 0 : i32
        %dma_start3A_513 = tpu.memref_slice %arg10[%add3A_511, %dma_start3A_512] : memref<125x80xi32, #tpu.memory_space<vmem>> -> memref<1x80xi32, #tpu.memory_space<vmem>>
        %dma_start3A_514 = tpu.memref_squeeze %dma_start3A_513 : memref<1x80xi32, #tpu.memory_space<vmem>> -> memref<80xi32, #tpu.memory_space<vmem>>
        %dma_start3A_515 = arith.constant 0 : i32
        %dma_start3A_516 = tpu.memref_slice %arg7[%dma_start3A_515] : memref<10240xf32, #tpu.memory_space<vmem_shared>> -> memref<10240xf32, #tpu.memory_space<vmem_shared>>
        tpu.enqueue_indirect_dma source(%arg12 : memref<80xf32, #tpu.memory_space<vmem>>) target(%dma_start3A_516 : memref<10240xf32, #tpu.memory_space<vmem_shared>>) offsets(%dma_start3A_514 : memref<80xi32, #tpu.memory_space<vmem>>) semaphore(%arg14 : memref<!tpu.dma_semaphore, #tpu.memory_space<semaphore_mem>>) {add = true}
        %dma_start3A_517 = arith.constant 0 : i32
        %dma_start3A_518 = tpu.memref_slice %arg11[%add3A_511, %dma_start3A_517] : memref<125x80xi32, #tpu.memory_space<vmem>> -> memref<1x80xi32, #tpu.memory_space<vmem>>
        %dma_start3A_519 = tpu.memref_squeeze %dma_start3A_518 : memref<1x80xi32, #tpu.memory_space<vmem>> -> memref<80xi32, #tpu.memory_space<vmem>>
        %dma_start3A_520 = arith.constant 0 : i32
        %dma_start3A_521 = tpu.memref_slice %arg8[%dma_start3A_520] : memref<10240xf32, #tpu.memory_space<vmem_shared>> -> memref<10240xf32, #tpu.memory_space<vmem_shared>>
        tpu.enqueue_indirect_dma source(%arg12 : memref<80xf32, #tpu.memory_space<vmem>>) target(%dma_start3A_521 : memref<10240xf32, #tpu.memory_space<vmem_shared>>) offsets(%dma_start3A_519 : memref<80xi32, #tpu.memory_space<vmem>>) semaphore(%arg14 : memref<!tpu.dma_semaphore, #tpu.memory_space<semaphore_mem>>) {add = true}
        %mul3A_522 = arith.constant 8 : i32
        %mul3A_523 = arith.muli %add3A_507, %mul3A_522 : i32
        %add3A_524 = arith.constant 1 : i32
        %add3A_525 = arith.addi %mul3A_523, %add3A_524 : i32
        %dma_start3A_526 = arith.constant 0 : i32
        %dma_start3A_527 = tpu.memref_slice %arg10[%add3A_525, %dma_start3A_526] : memref<125x80xi32, #tpu.memory_space<vmem>> -> memref<1x80xi32, #tpu.memory_space<vmem>>
        %dma_start3A_528 = tpu.memref_squeeze %dma_start3A_527 : memref<1x80xi32, #tpu.memory_space<vmem>> -> memref<80xi32, #tpu.memory_space<vmem>>
        %dma_start3A_529 = arith.constant 0 : i32
        %dma_start3A_530 = tpu.memref_slice %arg7[%dma_start3A_529] : memref<10240xf32, #tpu.memory_space<vmem_shared>> -> memref<10240xf32, #tpu.memory_space<vmem_shared>>
        tpu.enqueue_indirect_dma source(%arg12 : memref<80xf32, #tpu.memory_space<vmem>>) target(%dma_start3A_530 : memref<10240xf32, #tpu.memory_space<vmem_shared>>) offsets(%dma_start3A_528 : memref<80xi32, #tpu.memory_space<vmem>>) semaphore(%arg14 : memref<!tpu.dma_semaphore, #tpu.memory_space<semaphore_mem>>) {add = true}
        %dma_start3A_531 = arith.constant 0 : i32
        %dma_start3A_532 = tpu.memref_slice %arg11[%add3A_525, %dma_start3A_531] : memref<125x80xi32, #tpu.memory_space<vmem>> -> memref<1x80xi32, #tpu.memory_space<vmem>>
        %dma_start3A_533 = tpu.memref_squeeze %dma_start3A_532 : memref<1x80xi32, #tpu.memory_space<vmem>> -> memref<80xi32, #tpu.memory_space<vmem>>
        %dma_start3A_534 = arith.constant 0 : i32
        %dma_start3A_535 = tpu.memref_slice %arg8[%dma_start3A_534] : memref<10240xf32, #tpu.memory_space<vmem_shared>> -> memref<10240xf32, #tpu.memory_space<vmem_shared>>
        tpu.enqueue_indirect_dma source(%arg12 : memref<80xf32, #tpu.memory_space<vmem>>) target(%dma_start3A_535 : memref<10240xf32, #tpu.memory_space<vmem_shared>>) offsets(%dma_start3A_533 : memref<80xi32, #tpu.memory_space<vmem>>) semaphore(%arg14 : memref<!tpu.dma_semaphore, #tpu.memory_space<semaphore_mem>>) {add = true}
        %mul3A_536 = arith.constant 8 : i32
        %mul3A_537 = arith.muli %add3A_507, %mul3A_536 : i32
        %add3A_538 = arith.constant 2 : i32
        %add3A_539 = arith.addi %mul3A_537, %add3A_538 : i32
        %dma_start3A_540 = arith.constant 0 : i32
        %dma_start3A_541 = tpu.memref_slice %arg10[%add3A_539, %dma_start3A_540] : memref<125x80xi32, #tpu.memory_space<vmem>> -> memref<1x80xi32, #tpu.memory_space<vmem>>
        %dma_start3A_542 = tpu.memref_squeeze %dma_start3A_541 : memref<1x80xi32, #tpu.memory_space<vmem>> -> memref<80xi32, #tpu.memory_space<vmem>>
        %dma_start3A_543 = arith.constant 0 : i32
        %dma_start3A_544 = tpu.memref_slice %arg7[%dma_start3A_543] : memref<10240xf32, #tpu.memory_space<vmem_shared>> -> memref<10240xf32, #tpu.memory_space<vmem_shared>>
        tpu.enqueue_indirect_dma source(%arg12 : memref<80xf32, #tpu.memory_space<vmem>>) target(%dma_start3A_544 : memref<10240xf32, #tpu.memory_space<vmem_shared>>) offsets(%dma_start3A_542 : memref<80xi32, #tpu.memory_space<vmem>>) semaphore(%arg14 : memref<!tpu.dma_semaphore, #tpu.memory_space<semaphore_mem>>) {add = true}
        %dma_start3A_545 = arith.constant 0 : i32
        %dma_start3A_546 = tpu.memref_slice %arg11[%add3A_539, %dma_start3A_545] : memref<125x80xi32, #tpu.memory_space<vmem>> -> memref<1x80xi32, #tpu.memory_space<vmem>>
        %dma_start3A_547 = tpu.memref_squeeze %dma_start3A_546 : memref<1x80xi32, #tpu.memory_space<vmem>> -> memref<80xi32, #tpu.memory_space<vmem>>
        %dma_start3A_548 = arith.constant 0 : i32
        %dma_start3A_549 = tpu.memref_slice %arg8[%dma_start3A_548] : memref<10240xf32, #tpu.memory_space<vmem_shared>> -> memref<10240xf32, #tpu.memory_space<vmem_shared>>
        tpu.enqueue_indirect_dma source(%arg12 : memref<80xf32, #tpu.memory_space<vmem>>) target(%dma_start3A_549 : memref<10240xf32, #tpu.memory_space<vmem_shared>>) offsets(%dma_start3A_547 : memref<80xi32, #tpu.memory_space<vmem>>) semaphore(%arg14 : memref<!tpu.dma_semaphore, #tpu.memory_space<semaphore_mem>>) {add = true}
        %mul3A_550 = arith.constant 8 : i32
        %mul3A_551 = arith.muli %add3A_507, %mul3A_550 : i32
        %add3A_552 = arith.constant 3 : i32
        %add3A_553 = arith.addi %mul3A_551, %add3A_552 : i32
        %dma_start3A_554 = arith.constant 0 : i32
        %dma_start3A_555 = tpu.memref_slice %arg10[%add3A_553, %dma_start3A_554] : memref<125x80xi32, #tpu.memory_space<vmem>> -> memref<1x80xi32, #tpu.memory_space<vmem>>
        %dma_start3A_556 = tpu.memref_squeeze %dma_start3A_555 : memref<1x80xi32, #tpu.memory_space<vmem>> -> memref<80xi32, #tpu.memory_space<vmem>>
        %dma_start3A_557 = arith.constant 0 : i32
        %dma_start3A_558 = tpu.memref_slice %arg7[%dma_start3A_557] : memref<10240xf32, #tpu.memory_space<vmem_shared>> -> memref<10240xf32, #tpu.memory_space<vmem_shared>>
        tpu.enqueue_indirect_dma source(%arg12 : memref<80xf32, #tpu.memory_space<vmem>>) target(%dma_start3A_558 : memref<10240xf32, #tpu.memory_space<vmem_shared>>) offsets(%dma_start3A_556 : memref<80xi32, #tpu.memory_space<vmem>>) semaphore(%arg14 : memref<!tpu.dma_semaphore, #tpu.memory_space<semaphore_mem>>) {add = true}
        %dma_start3A_559 = arith.constant 0 : i32
        %dma_start3A_560 = tpu.memref_slice %arg11[%add3A_553, %dma_start3A_559] : memref<125x80xi32, #tpu.memory_space<vmem>> -> memref<1x80xi32, #tpu.memory_space<vmem>>
        %dma_start3A_561 = tpu.memref_squeeze %dma_start3A_560 : memref<1x80xi32, #tpu.memory_space<vmem>> -> memref<80xi32, #tpu.memory_space<vmem>>
        %dma_start3A_562 = arith.constant 0 : i32
        %dma_start3A_563 = tpu.memref_slice %arg8[%dma_start3A_562] : memref<10240xf32, #tpu.memory_space<vmem_shared>> -> memref<10240xf32, #tpu.memory_space<vmem_shared>>
        tpu.enqueue_indirect_dma source(%arg12 : memref<80xf32, #tpu.memory_space<vmem>>) target(%dma_start3A_563 : memref<10240xf32, #tpu.memory_space<vmem_shared>>) offsets(%dma_start3A_561 : memref<80xi32, #tpu.memory_space<vmem>>) semaphore(%arg14 : memref<!tpu.dma_semaphore, #tpu.memory_space<semaphore_mem>>) {add = true}
        %mul3A_564 = arith.constant 8 : i32
        %mul3A_565 = arith.muli %add3A_507, %mul3A_564 : i32
        %add3A_566 = arith.constant 4 : i32
        %add3A_567 = arith.addi %mul3A_565, %add3A_566 : i32
        %dma_start3A_568 = arith.constant 0 : i32
        %dma_start3A_569 = tpu.memref_slice %arg10[%add3A_567, %dma_start3A_568] : memref<125x80xi32, #tpu.memory_space<vmem>> -> memref<1x80xi32, #tpu.memory_space<vmem>>
        %dma_start3A_570 = tpu.memref_squeeze %dma_start3A_569 : memref<1x80xi32, #tpu.memory_space<vmem>> -> memref<80xi32, #tpu.memory_space<vmem>>
        %dma_start3A_571 = arith.constant 0 : i32
        %dma_start3A_572 = tpu.memref_slice %arg7[%dma_start3A_571] : memref<10240xf32, #tpu.memory_space<vmem_shared>> -> memref<10240xf32, #tpu.memory_space<vmem_shared>>
        tpu.enqueue_indirect_dma source(%arg12 : memref<80xf32, #tpu.memory_space<vmem>>) target(%dma_start3A_572 : memref<10240xf32, #tpu.memory_space<vmem_shared>>) offsets(%dma_start3A_570 : memref<80xi32, #tpu.memory_space<vmem>>) semaphore(%arg14 : memref<!tpu.dma_semaphore, #tpu.memory_space<semaphore_mem>>) {add = true}
        %dma_start3A_573 = arith.constant 0 : i32
        %dma_start3A_574 = tpu.memref_slice %arg11[%add3A_567, %dma_start3A_573] : memref<125x80xi32, #tpu.memory_space<vmem>> -> memref<1x80xi32, #tpu.memory_space<vmem>>
        %dma_start3A_575 = tpu.memref_squeeze %dma_start3A_574 : memref<1x80xi32, #tpu.memory_space<vmem>> -> memref<80xi32, #tpu.memory_space<vmem>>
        %dma_start3A_576 = arith.constant 0 : i32
        %dma_start3A_577 = tpu.memref_slice %arg8[%dma_start3A_576] : memref<10240xf32, #tpu.memory_space<vmem_shared>> -> memref<10240xf32, #tpu.memory_space<vmem_shared>>
        tpu.enqueue_indirect_dma source(%arg12 : memref<80xf32, #tpu.memory_space<vmem>>) target(%dma_start3A_577 : memref<10240xf32, #tpu.memory_space<vmem_shared>>) offsets(%dma_start3A_575 : memref<80xi32, #tpu.memory_space<vmem>>) semaphore(%arg14 : memref<!tpu.dma_semaphore, #tpu.memory_space<semaphore_mem>>) {add = true}
        %mul3A_578 = arith.constant 8 : i32
        %mul3A_579 = arith.muli %add3A_507, %mul3A_578 : i32
        %add3A_580 = arith.constant 5 : i32
        %add3A_581 = arith.addi %mul3A_579, %add3A_580 : i32
        %dma_start3A_582 = arith.constant 0 : i32
        %dma_start3A_583 = tpu.memref_slice %arg10[%add3A_581, %dma_start3A_582] : memref<125x80xi32, #tpu.memory_space<vmem>> -> memref<1x80xi32, #tpu.memory_space<vmem>>
        %dma_start3A_584 = tpu.memref_squeeze %dma_start3A_583 : memref<1x80xi32, #tpu.memory_space<vmem>> -> memref<80xi32, #tpu.memory_space<vmem>>
        %dma_start3A_585 = arith.constant 0 : i32
        %dma_start3A_586 = tpu.memref_slice %arg7[%dma_start3A_585] : memref<10240xf32, #tpu.memory_space<vmem_shared>> -> memref<10240xf32, #tpu.memory_space<vmem_shared>>
        tpu.enqueue_indirect_dma source(%arg12 : memref<80xf32, #tpu.memory_space<vmem>>) target(%dma_start3A_586 : memref<10240xf32, #tpu.memory_space<vmem_shared>>) offsets(%dma_start3A_584 : memref<80xi32, #tpu.memory_space<vmem>>) semaphore(%arg14 : memref<!tpu.dma_semaphore, #tpu.memory_space<semaphore_mem>>) {add = true}
        %dma_start3A_587 = arith.constant 0 : i32
        %dma_start3A_588 = tpu.memref_slice %arg11[%add3A_581, %dma_start3A_587] : memref<125x80xi32, #tpu.memory_space<vmem>> -> memref<1x80xi32, #tpu.memory_space<vmem>>
        %dma_start3A_589 = tpu.memref_squeeze %dma_start3A_588 : memref<1x80xi32, #tpu.memory_space<vmem>> -> memref<80xi32, #tpu.memory_space<vmem>>
        %dma_start3A_590 = arith.constant 0 : i32
        %dma_start3A_591 = tpu.memref_slice %arg8[%dma_start3A_590] : memref<10240xf32, #tpu.memory_space<vmem_shared>> -> memref<10240xf32, #tpu.memory_space<vmem_shared>>
        tpu.enqueue_indirect_dma source(%arg12 : memref<80xf32, #tpu.memory_space<vmem>>) target(%dma_start3A_591 : memref<10240xf32, #tpu.memory_space<vmem_shared>>) offsets(%dma_start3A_589 : memref<80xi32, #tpu.memory_space<vmem>>) semaphore(%arg14 : memref<!tpu.dma_semaphore, #tpu.memory_space<semaphore_mem>>) {add = true}
        %mul3A_592 = arith.constant 8 : i32
        %mul3A_593 = arith.muli %add3A_507, %mul3A_592 : i32
        %add3A_594 = arith.constant 6 : i32
        %add3A_595 = arith.addi %mul3A_593, %add3A_594 : i32
        %dma_start3A_596 = arith.constant 0 : i32
        %dma_start3A_597 = tpu.memref_slice %arg10[%add3A_595, %dma_start3A_596] : memref<125x80xi32, #tpu.memory_space<vmem>> -> memref<1x80xi32, #tpu.memory_space<vmem>>
        %dma_start3A_598 = tpu.memref_squeeze %dma_start3A_597 : memref<1x80xi32, #tpu.memory_space<vmem>> -> memref<80xi32, #tpu.memory_space<vmem>>
        %dma_start3A_599 = arith.constant 0 : i32
        %dma_start3A_600 = tpu.memref_slice %arg7[%dma_start3A_599] : memref<10240xf32, #tpu.memory_space<vmem_shared>> -> memref<10240xf32, #tpu.memory_space<vmem_shared>>
        tpu.enqueue_indirect_dma source(%arg12 : memref<80xf32, #tpu.memory_space<vmem>>) target(%dma_start3A_600 : memref<10240xf32, #tpu.memory_space<vmem_shared>>) offsets(%dma_start3A_598 : memref<80xi32, #tpu.memory_space<vmem>>) semaphore(%arg14 : memref<!tpu.dma_semaphore, #tpu.memory_space<semaphore_mem>>) {add = true}
        %dma_start3A_601 = arith.constant 0 : i32
        %dma_start3A_602 = tpu.memref_slice %arg11[%add3A_595, %dma_start3A_601] : memref<125x80xi32, #tpu.memory_space<vmem>> -> memref<1x80xi32, #tpu.memory_space<vmem>>
        %dma_start3A_603 = tpu.memref_squeeze %dma_start3A_602 : memref<1x80xi32, #tpu.memory_space<vmem>> -> memref<80xi32, #tpu.memory_space<vmem>>
        %dma_start3A_604 = arith.constant 0 : i32
        %dma_start3A_605 = tpu.memref_slice %arg8[%dma_start3A_604] : memref<10240xf32, #tpu.memory_space<vmem_shared>> -> memref<10240xf32, #tpu.memory_space<vmem_shared>>
        tpu.enqueue_indirect_dma source(%arg12 : memref<80xf32, #tpu.memory_space<vmem>>) target(%dma_start3A_605 : memref<10240xf32, #tpu.memory_space<vmem_shared>>) offsets(%dma_start3A_603 : memref<80xi32, #tpu.memory_space<vmem>>) semaphore(%arg14 : memref<!tpu.dma_semaphore, #tpu.memory_space<semaphore_mem>>) {add = true}
        %mul3A_606 = arith.constant 8 : i32
        %mul3A_607 = arith.muli %add3A_507, %mul3A_606 : i32
        %add3A_608 = arith.constant 7 : i32
        %add3A_609 = arith.addi %mul3A_607, %add3A_608 : i32
        %dma_start3A_610 = arith.constant 0 : i32
        %dma_start3A_611 = tpu.memref_slice %arg10[%add3A_609, %dma_start3A_610] : memref<125x80xi32, #tpu.memory_space<vmem>> -> memref<1x80xi32, #tpu.memory_space<vmem>>
        %dma_start3A_612 = tpu.memref_squeeze %dma_start3A_611 : memref<1x80xi32, #tpu.memory_space<vmem>> -> memref<80xi32, #tpu.memory_space<vmem>>
        %dma_start3A_613 = arith.constant 0 : i32
        %dma_start3A_614 = tpu.memref_slice %arg7[%dma_start3A_613] : memref<10240xf32, #tpu.memory_space<vmem_shared>> -> memref<10240xf32, #tpu.memory_space<vmem_shared>>
        tpu.enqueue_indirect_dma source(%arg12 : memref<80xf32, #tpu.memory_space<vmem>>) target(%dma_start3A_614 : memref<10240xf32, #tpu.memory_space<vmem_shared>>) offsets(%dma_start3A_612 : memref<80xi32, #tpu.memory_space<vmem>>) semaphore(%arg14 : memref<!tpu.dma_semaphore, #tpu.memory_space<semaphore_mem>>) {add = true}
        %dma_start3A_615 = arith.constant 0 : i32
        %dma_start3A_616 = tpu.memref_slice %arg11[%add3A_609, %dma_start3A_615] : memref<125x80xi32, #tpu.memory_space<vmem>> -> memref<1x80xi32, #tpu.memory_space<vmem>>
        %dma_start3A_617 = tpu.memref_squeeze %dma_start3A_616 : memref<1x80xi32, #tpu.memory_space<vmem>> -> memref<80xi32, #tpu.memory_space<vmem>>
        %dma_start3A_618 = arith.constant 0 : i32
        %dma_start3A_619 = tpu.memref_slice %arg8[%dma_start3A_618] : memref<10240xf32, #tpu.memory_space<vmem_shared>> -> memref<10240xf32, #tpu.memory_space<vmem_shared>>
        tpu.enqueue_indirect_dma source(%arg12 : memref<80xf32, #tpu.memory_space<vmem>>) target(%dma_start3A_619 : memref<10240xf32, #tpu.memory_space<vmem_shared>>) offsets(%dma_start3A_617 : memref<80xi32, #tpu.memory_space<vmem>>) semaphore(%arg14 : memref<!tpu.dma_semaphore, #tpu.memory_space<semaphore_mem>>) {add = true}
      } else {
      }
      %dma_wait3A = arith.constant 0 : i32
      %dma_wait3A_411 = arith.constant 0 : i32
      %dma_wait3A_412 = tpu.memref_slice %arg10[%dma_wait3A, %dma_wait3A_411] : memref<125x80xi32, #tpu.memory_space<vmem>> -> memref<1x80xi32, #tpu.memory_space<vmem>>
      %dma_wait3A_413 = tpu.memref_squeeze %dma_wait3A_412 : memref<1x80xi32, #tpu.memory_space<vmem>> -> memref<80xi32, #tpu.memory_space<vmem>>
      %dma_wait3A_414 = arith.constant 0 : i32
      %dma_wait3A_415 = tpu.memref_slice %arg7[%dma_wait3A_414] : memref<10240xf32, #tpu.memory_space<vmem_shared>> -> memref<10240xf32, #tpu.memory_space<vmem_shared>>
      tpu.wait_indirect_dma semaphore(%arg14 : memref<!tpu.dma_semaphore, #tpu.memory_space<semaphore_mem>>) src(%arg12 : memref<80xf32, #tpu.memory_space<vmem>>) dst(%dma_wait3A_415 : memref<10240xf32, #tpu.memory_space<vmem_shared>>)
      %dma_wait3A_416 = arith.constant 0 : i32
      %dma_wait3A_417 = arith.constant 0 : i32
      %dma_wait3A_418 = tpu.memref_slice %arg10[%dma_wait3A_416, %dma_wait3A_417] : memref<125x80xi32, #tpu.memory_space<vmem>> -> memref<1x80xi32, #tpu.memory_space<vmem>>
      %dma_wait3A_419 = tpu.memref_squeeze %dma_wait3A_418 : memref<1x80xi32, #tpu.memory_space<vmem>> -> memref<80xi32, #tpu.memory_space<vmem>>
      %dma_wait3A_420 = arith.constant 0 : i32
      %dma_wait3A_421 = tpu.memref_slice %arg7[%dma_wait3A_420] : memref<10240xf32, #tpu.memory_space<vmem_shared>> -> memref<10240xf32, #tpu.memory_space<vmem_shared>>
      tpu.wait_indirect_dma semaphore(%arg14 : memref<!tpu.dma_semaphore, #tpu.memory_space<semaphore_mem>>) src(%arg12 : memref<80xf32, #tpu.memory_space<vmem>>) dst(%dma_wait3A_421 : memref<10240xf32, #tpu.memory_space<vmem_shared>>)
      %dma_wait3A_422 = arith.constant 0 : i32
      %dma_wait3A_423 = arith.constant 0 : i32
      %dma_wait3A_424 = tpu.memref_slice %arg10[%dma_wait3A_422, %dma_wait3A_423] : memref<125x80xi32, #tpu.memory_space<vmem>> -> memref<1x80xi32, #tpu.memory_space<vmem>>
      %dma_wait3A_425 = tpu.memref_squeeze %dma_wait3A_424 : memref<1x80xi32, #tpu.memory_space<vmem>> -> memref<80xi32, #tpu.memory_space<vmem>>
      %dma_wait3A_426 = arith.constant 0 : i32
      %dma_wait3A_427 = tpu.memref_slice %arg7[%dma_wait3A_426] : memref<10240xf32, #tpu.memory_space<vmem_shared>> -> memref<10240xf32, #tpu.memory_space<vmem_shared>>
      tpu.wait_indirect_dma semaphore(%arg14 : memref<!tpu.dma_semaphore, #tpu.memory_space<semaphore_mem>>) src(%arg12 : memref<80xf32, #tpu.memory_space<vmem>>) dst(%dma_wait3A_427 : memref<10240xf32, #tpu.memory_space<vmem_shared>>)
      %dma_wait3A_428 = arith.constant 0 : i32
      %dma_wait3A_429 = arith.constant 0 : i32
      %dma_wait3A_430 = tpu.memref_slice %arg10[%dma_wait3A_428, %dma_wait3A_429] : memref<125x80xi32, #tpu.memory_space<vmem>> -> memref<1x80xi32, #tpu.memory_space<vmem>>
      %dma_wait3A_431 = tpu.memref_squeeze %dma_wait3A_430 : memref<1x80xi32, #tpu.memory_space<vmem>> -> memref<80xi32, #tpu.memory_space<vmem>>
      %dma_wait3A_432 = arith.constant 0 : i32
      %dma_wait3A_433 = tpu.memref_slice %arg7[%dma_wait3A_432] : memref<10240xf32, #tpu.memory_space<vmem_shared>> -> memref<10240xf32, #tpu.memory_space<vmem_shared>>
      tpu.wait_indirect_dma semaphore(%arg14 : memref<!tpu.dma_semaphore, #tpu.memory_space<semaphore_mem>>) src(%arg12 : memref<80xf32, #tpu.memory_space<vmem>>) dst(%dma_wait3A_433 : memref<10240xf32, #tpu.memory_space<vmem_shared>>)
      %dma_wait3A_434 = arith.constant 0 : i32
      %dma_wait3A_435 = arith.constant 0 : i32
      %dma_wait3A_436 = tpu.memref_slice %arg10[%dma_wait3A_434, %dma_wait3A_435] : memref<125x80xi32, #tpu.memory_space<vmem>> -> memref<1x80xi32, #tpu.memory_space<vmem>>
      %dma_wait3A_437 = tpu.memref_squeeze %dma_wait3A_436 : memref<1x80xi32, #tpu.memory_space<vmem>> -> memref<80xi32, #tpu.memory_space<vmem>>
      %dma_wait3A_438 = arith.constant 0 : i32
      %dma_wait3A_439 = tpu.memref_slice %arg7[%dma_wait3A_438] : memref<10240xf32, #tpu.memory_space<vmem_shared>> -> memref<10240xf32, #tpu.memory_space<vmem_shared>>
      tpu.wait_indirect_dma semaphore(%arg14 : memref<!tpu.dma_semaphore, #tpu.memory_space<semaphore_mem>>) src(%arg12 : memref<80xf32, #tpu.memory_space<vmem>>) dst(%dma_wait3A_439 : memref<10240xf32, #tpu.memory_space<vmem_shared>>)
      %dma_wait3A_440 = arith.constant 0 : i32
      %dma_wait3A_441 = arith.constant 0 : i32
      %dma_wait3A_442 = tpu.memref_slice %arg10[%dma_wait3A_440, %dma_wait3A_441] : memref<125x80xi32, #tpu.memory_space<vmem>> -> memref<1x80xi32, #tpu.memory_space<vmem>>
      %dma_wait3A_443 = tpu.memref_squeeze %dma_wait3A_442 : memref<1x80xi32, #tpu.memory_space<vmem>> -> memref<80xi32, #tpu.memory_space<vmem>>
      %dma_wait3A_444 = arith.constant 0 : i32
      %dma_wait3A_445 = tpu.memref_slice %arg7[%dma_wait3A_444] : memref<10240xf32, #tpu.memory_space<vmem_shared>> -> memref<10240xf32, #tpu.memory_space<vmem_shared>>
      tpu.wait_indirect_dma semaphore(%arg14 : memref<!tpu.dma_semaphore, #tpu.memory_space<semaphore_mem>>) src(%arg12 : memref<80xf32, #tpu.memory_space<vmem>>) dst(%dma_wait3A_445 : memref<10240xf32, #tpu.memory_space<vmem_shared>>)
      %dma_wait3A_446 = arith.constant 0 : i32
      %dma_wait3A_447 = arith.constant 0 : i32
      %dma_wait3A_448 = tpu.memref_slice %arg10[%dma_wait3A_446, %dma_wait3A_447] : memref<125x80xi32, #tpu.memory_space<vmem>> -> memref<1x80xi32, #tpu.memory_space<vmem>>
      %dma_wait3A_449 = tpu.memref_squeeze %dma_wait3A_448 : memref<1x80xi32, #tpu.memory_space<vmem>> -> memref<80xi32, #tpu.memory_space<vmem>>
      %dma_wait3A_450 = arith.constant 0 : i32
      %dma_wait3A_451 = tpu.memref_slice %arg7[%dma_wait3A_450] : memref<10240xf32, #tpu.memory_space<vmem_shared>> -> memref<10240xf32, #tpu.memory_space<vmem_shared>>
      tpu.wait_indirect_dma semaphore(%arg14 : memref<!tpu.dma_semaphore, #tpu.memory_space<semaphore_mem>>) src(%arg12 : memref<80xf32, #tpu.memory_space<vmem>>) dst(%dma_wait3A_451 : memref<10240xf32, #tpu.memory_space<vmem_shared>>)
      %dma_wait3A_452 = arith.constant 0 : i32
      %dma_wait3A_453 = arith.constant 0 : i32
      %dma_wait3A_454 = tpu.memref_slice %arg10[%dma_wait3A_452, %dma_wait3A_453] : memref<125x80xi32, #tpu.memory_space<vmem>> -> memref<1x80xi32, #tpu.memory_space<vmem>>
      %dma_wait3A_455 = tpu.memref_squeeze %dma_wait3A_454 : memref<1x80xi32, #tpu.memory_space<vmem>> -> memref<80xi32, #tpu.memory_space<vmem>>
      %dma_wait3A_456 = arith.constant 0 : i32
      %dma_wait3A_457 = tpu.memref_slice %arg7[%dma_wait3A_456] : memref<10240xf32, #tpu.memory_space<vmem_shared>> -> memref<10240xf32, #tpu.memory_space<vmem_shared>>
      tpu.wait_indirect_dma semaphore(%arg14 : memref<!tpu.dma_semaphore, #tpu.memory_space<semaphore_mem>>) src(%arg12 : memref<80xf32, #tpu.memory_space<vmem>>) dst(%dma_wait3A_457 : memref<10240xf32, #tpu.memory_space<vmem_shared>>)
      %dma_wait3A_458 = arith.constant 0 : i32
      %dma_wait3A_459 = arith.constant 0 : i32
      %dma_wait3A_460 = tpu.memref_slice %arg10[%dma_wait3A_458, %dma_wait3A_459] : memref<125x80xi32, #tpu.memory_space<vmem>> -> memref<1x80xi32, #tpu.memory_space<vmem>>
      %dma_wait3A_461 = tpu.memref_squeeze %dma_wait3A_460 : memref<1x80xi32, #tpu.memory_space<vmem>> -> memref<80xi32, #tpu.memory_space<vmem>>
      %dma_wait3A_462 = arith.constant 0 : i32
      %dma_wait3A_463 = tpu.memref_slice %arg7[%dma_wait3A_462] : memref<10240xf32, #tpu.memory_space<vmem_shared>> -> memref<10240xf32, #tpu.memory_space<vmem_shared>>
      tpu.wait_indirect_dma semaphore(%arg14 : memref<!tpu.dma_semaphore, #tpu.memory_space<semaphore_mem>>) src(%arg12 : memref<80xf32, #tpu.memory_space<vmem>>) dst(%dma_wait3A_463 : memref<10240xf32, #tpu.memory_space<vmem_shared>>)
      %dma_wait3A_464 = arith.constant 0 : i32
      %dma_wait3A_465 = arith.constant 0 : i32
      %dma_wait3A_466 = tpu.memref_slice %arg10[%dma_wait3A_464, %dma_wait3A_465] : memref<125x80xi32, #tpu.memory_space<vmem>> -> memref<1x80xi32, #tpu.memory_space<vmem>>
      %dma_wait3A_467 = tpu.memref_squeeze %dma_wait3A_466 : memref<1x80xi32, #tpu.memory_space<vmem>> -> memref<80xi32, #tpu.memory_space<vmem>>
      %dma_wait3A_468 = arith.constant 0 : i32
      %dma_wait3A_469 = tpu.memref_slice %arg7[%dma_wait3A_468] : memref<10240xf32, #tpu.memory_space<vmem_shared>> -> memref<10240xf32, #tpu.memory_space<vmem_shared>>
      tpu.wait_indirect_dma semaphore(%arg14 : memref<!tpu.dma_semaphore, #tpu.memory_space<semaphore_mem>>) src(%arg12 : memref<80xf32, #tpu.memory_space<vmem>>) dst(%dma_wait3A_469 : memref<10240xf32, #tpu.memory_space<vmem_shared>>)
      %dma_wait3A_470 = arith.constant 0 : i32
      %dma_wait3A_471 = arith.constant 0 : i32
      %dma_wait3A_472 = tpu.memref_slice %arg10[%dma_wait3A_470, %dma_wait3A_471] : memref<125x80xi32, #tpu.memory_space<vmem>> -> memref<1x80xi32, #tpu.memory_space<vmem>>
      %dma_wait3A_473 = tpu.memref_squeeze %dma_wait3A_472 : memref<1x80xi32, #tpu.memory_space<vmem>> -> memref<80xi32, #tpu.memory_space<vmem>>
      %dma_wait3A_474 = arith.constant 0 : i32
      %dma_wait3A_475 = tpu.memref_slice %arg7[%dma_wait3A_474] : memref<10240xf32, #tpu.memory_space<vmem_shared>> -> memref<10240xf32, #tpu.memory_space<vmem_shared>>
      tpu.wait_indirect_dma semaphore(%arg14 : memref<!tpu.dma_semaphore, #tpu.memory_space<semaphore_mem>>) src(%arg12 : memref<80xf32, #tpu.memory_space<vmem>>) dst(%dma_wait3A_475 : memref<10240xf32, #tpu.memory_space<vmem_shared>>)
      %dma_wait3A_476 = arith.constant 0 : i32
      %dma_wait3A_477 = arith.constant 0 : i32
      %dma_wait3A_478 = tpu.memref_slice %arg10[%dma_wait3A_476, %dma_wait3A_477] : memref<125x80xi32, #tpu.memory_space<vmem>> -> memref<1x80xi32, #tpu.memory_space<vmem>>
      %dma_wait3A_479 = tpu.memref_squeeze %dma_wait3A_478 : memref<1x80xi32, #tpu.memory_space<vmem>> -> memref<80xi32, #tpu.memory_space<vmem>>
      %dma_wait3A_480 = arith.constant 0 : i32
      %dma_wait3A_481 = tpu.memref_slice %arg7[%dma_wait3A_480] : memref<10240xf32, #tpu.memory_space<vmem_shared>> -> memref<10240xf32, #tpu.memory_space<vmem_shared>>
      tpu.wait_indirect_dma semaphore(%arg14 : memref<!tpu.dma_semaphore, #tpu.memory_space<semaphore_mem>>) src(%arg12 : memref<80xf32, #tpu.memory_space<vmem>>) dst(%dma_wait3A_481 : memref<10240xf32, #tpu.memory_space<vmem_shared>>)
      %dma_wait3A_482 = arith.constant 0 : i32
      %dma_wait3A_483 = arith.constant 0 : i32
      %dma_wait3A_484 = tpu.memref_slice %arg10[%dma_wait3A_482, %dma_wait3A_483] : memref<125x80xi32, #tpu.memory_space<vmem>> -> memref<1x80xi32, #tpu.memory_space<vmem>>
      %dma_wait3A_485 = tpu.memref_squeeze %dma_wait3A_484 : memref<1x80xi32, #tpu.memory_space<vmem>> -> memref<80xi32, #tpu.memory_space<vmem>>
      %dma_wait3A_486 = arith.constant 0 : i32
      %dma_wait3A_487 = tpu.memref_slice %arg7[%dma_wait3A_486] : memref<10240xf32, #tpu.memory_space<vmem_shared>> -> memref<10240xf32, #tpu.memory_space<vmem_shared>>
      tpu.wait_indirect_dma semaphore(%arg14 : memref<!tpu.dma_semaphore, #tpu.memory_space<semaphore_mem>>) src(%arg12 : memref<80xf32, #tpu.memory_space<vmem>>) dst(%dma_wait3A_487 : memref<10240xf32, #tpu.memory_space<vmem_shared>>)
      %dma_wait3A_488 = arith.constant 0 : i32
      %dma_wait3A_489 = arith.constant 0 : i32
      %dma_wait3A_490 = tpu.memref_slice %arg10[%dma_wait3A_488, %dma_wait3A_489] : memref<125x80xi32, #tpu.memory_space<vmem>> -> memref<1x80xi32, #tpu.memory_space<vmem>>
      %dma_wait3A_491 = tpu.memref_squeeze %dma_wait3A_490 : memref<1x80xi32, #tpu.memory_space<vmem>> -> memref<80xi32, #tpu.memory_space<vmem>>
      %dma_wait3A_492 = arith.constant 0 : i32
      %dma_wait3A_493 = tpu.memref_slice %arg7[%dma_wait3A_492] : memref<10240xf32, #tpu.memory_space<vmem_shared>> -> memref<10240xf32, #tpu.memory_space<vmem_shared>>
      tpu.wait_indirect_dma semaphore(%arg14 : memref<!tpu.dma_semaphore, #tpu.memory_space<semaphore_mem>>) src(%arg12 : memref<80xf32, #tpu.memory_space<vmem>>) dst(%dma_wait3A_493 : memref<10240xf32, #tpu.memory_space<vmem_shared>>)
      %dma_wait3A_494 = arith.constant 0 : i32
      %dma_wait3A_495 = arith.constant 0 : i32
      %dma_wait3A_496 = tpu.memref_slice %arg10[%dma_wait3A_494, %dma_wait3A_495] : memref<125x80xi32, #tpu.memory_space<vmem>> -> memref<1x80xi32, #tpu.memory_space<vmem>>
      %dma_wait3A_497 = tpu.memref_squeeze %dma_wait3A_496 : memref<1x80xi32, #tpu.memory_space<vmem>> -> memref<80xi32, #tpu.memory_space<vmem>>
      %dma_wait3A_498 = arith.constant 0 : i32
      %dma_wait3A_499 = tpu.memref_slice %arg7[%dma_wait3A_498] : memref<10240xf32, #tpu.memory_space<vmem_shared>> -> memref<10240xf32, #tpu.memory_space<vmem_shared>>
      tpu.wait_indirect_dma semaphore(%arg14 : memref<!tpu.dma_semaphore, #tpu.memory_space<semaphore_mem>>) src(%arg12 : memref<80xf32, #tpu.memory_space<vmem>>) dst(%dma_wait3A_499 : memref<10240xf32, #tpu.memory_space<vmem_shared>>)
      %dma_wait3A_500 = arith.constant 0 : i32
      %dma_wait3A_501 = arith.constant 0 : i32
      %dma_wait3A_502 = tpu.memref_slice %arg10[%dma_wait3A_500, %dma_wait3A_501] : memref<125x80xi32, #tpu.memory_space<vmem>> -> memref<1x80xi32, #tpu.memory_space<vmem>>
      %dma_wait3A_503 = tpu.memref_squeeze %dma_wait3A_502 : memref<1x80xi32, #tpu.memory_space<vmem>> -> memref<80xi32, #tpu.memory_space<vmem>>
      %dma_wait3A_504 = arith.constant 0 : i32
      %dma_wait3A_505 = tpu.memref_slice %arg7[%dma_wait3A_504] : memref<10240xf32, #tpu.memory_space<vmem_shared>> -> memref<10240xf32, #tpu.memory_space<vmem_shared>>
      tpu.wait_indirect_dma semaphore(%arg14 : memref<!tpu.dma_semaphore, #tpu.memory_space<semaphore_mem>>) src(%arg12 : memref<80xf32, #tpu.memory_space<vmem>>) dst(%dma_wait3A_505 : memref<10240xf32, #tpu.memory_space<vmem_shared>>)
    }
    %scan3A_386 = arith.constant 15 : i32
    %run_scoped3A = arith.constant 120 : i32
    "tpu.region"() ({
      %run_scoped3A_404 = tpu.sem_alloc : memref<!tpu.dma_semaphore, #tpu.memory_space<semaphore_mem>>
      %dma_start3A_405 = arith.constant 0 : i32
      %dma_start3A_406 = tpu.memref_slice %arg10[%run_scoped3A, %dma_start3A_405] : memref<125x80xi32, #tpu.memory_space<vmem>> -> memref<1x80xi32, #tpu.memory_space<vmem>>
      %dma_start3A_407 = tpu.memref_squeeze %dma_start3A_406 : memref<1x80xi32, #tpu.memory_space<vmem>> -> memref<80xi32, #tpu.memory_space<vmem>>
      %dma_start3A_408 = arith.constant 0 : i32
      %dma_start3A_409 = tpu.memref_slice %arg7[%dma_start3A_408] : memref<10240xf32, #tpu.memory_space<vmem_shared>> -> memref<10240xf32, #tpu.memory_space<vmem_shared>>
      tpu.enqueue_indirect_dma source(%arg12 : memref<80xf32, #tpu.memory_space<vmem>>) target(%dma_start3A_409 : memref<10240xf32, #tpu.memory_space<vmem_shared>>) offsets(%dma_start3A_407 : memref<80xi32, #tpu.memory_space<vmem>>) semaphore(%run_scoped3A_404 : memref<!tpu.dma_semaphore, #tpu.memory_space<semaphore_mem>>) {add = true}
      %dma_wait3A = arith.constant 0 : i32
      %dma_wait3A_410 = tpu.memref_slice %arg10[%run_scoped3A, %dma_wait3A] : memref<125x80xi32, #tpu.memory_space<vmem>> -> memref<1x80xi32, #tpu.memory_space<vmem>>
      %dma_wait3A_411 = tpu.memref_squeeze %dma_wait3A_410 : memref<1x80xi32, #tpu.memory_space<vmem>> -> memref<80xi32, #tpu.memory_space<vmem>>
      %dma_wait3A_412 = arith.constant 0 : i32
      %dma_wait3A_413 = tpu.memref_slice %arg7[%dma_wait3A_412] : memref<10240xf32, #tpu.memory_space<vmem_shared>> -> memref<10240xf32, #tpu.memory_space<vmem_shared>>
      tpu.wait_indirect_dma semaphore(%run_scoped3A_404 : memref<!tpu.dma_semaphore, #tpu.memory_space<semaphore_mem>>) src(%arg12 : memref<80xf32, #tpu.memory_space<vmem>>) dst(%dma_wait3A_413 : memref<10240xf32, #tpu.memory_space<vmem_shared>>)
      tpu.yield
    }) : () -> ()
    %run_scoped3A_387 = arith.constant 120 : i32
    "tpu.region"() ({
      %run_scoped3A_404 = tpu.sem_alloc : memref<!tpu.dma_semaphore, #tpu.memory_space<semaphore_mem>>
      %dma_start3A_405 = arith.constant 0 : i32
      %dma_start3A_406 = tpu.memref_slice %arg11[%run_scoped3A_387, %dma_start3A_405] : memref<125x80xi32, #tpu.memory_space<vmem>> -> memref<1x80xi32, #tpu.memory_space<vmem>>
      %dma_start3A_407 = tpu.memref_squeeze %dma_start3A_406 : memref<1x80xi32, #tpu.memory_space<vmem>> -> memref<80xi32, #tpu.memory_space<vmem>>
      %dma_start3A_408 = arith.constant 0 : i32
      %dma_start3A_409 = tpu.memref_slice %arg8[%dma_start3A_408] : memref<10240xf32, #tpu.memory_space<vmem_shared>> -> memref<10240xf32, #tpu.memory_space<vmem_shared>>
      tpu.enqueue_indirect_dma source(%arg12 : memref<80xf32, #tpu.memory_space<vmem>>) target(%dma_start3A_409 : memref<10240xf32, #tpu.memory_space<vmem_shared>>) offsets(%dma_start3A_407 : memref<80xi32, #tpu.memory_space<vmem>>) semaphore(%run_scoped3A_404 : memref<!tpu.dma_semaphore, #tpu.memory_space<semaphore_mem>>) {add = true}
      %dma_wait3A = arith.constant 0 : i32
      %dma_wait3A_410 = tpu.memref_slice %arg11[%run_scoped3A_387, %dma_wait3A] : memref<125x80xi32, #tpu.memory_space<vmem>> -> memref<1x80xi32, #tpu.memory_space<vmem>>
      %dma_wait3A_411 = tpu.memref_squeeze %dma_wait3A_410 : memref<1x80xi32, #tpu.memory_space<vmem>> -> memref<80xi32, #tpu.memory_space<vmem>>
      %dma_wait3A_412 = arith.constant 0 : i32
      %dma_wait3A_413 = tpu.memref_slice %arg8[%dma_wait3A_412] : memref<10240xf32, #tpu.memory_space<vmem_shared>> -> memref<10240xf32, #tpu.memory_space<vmem_shared>>
      tpu.wait_indirect_dma semaphore(%run_scoped3A_404 : memref<!tpu.dma_semaphore, #tpu.memory_space<semaphore_mem>>) src(%arg12 : memref<80xf32, #tpu.memory_space<vmem>>) dst(%dma_wait3A_413 : memref<10240xf32, #tpu.memory_space<vmem_shared>>)
      tpu.yield
    }) : () -> ()
    %run_scoped3A_388 = arith.constant 121 : i32
    "tpu.region"() ({
      %run_scoped3A_404 = tpu.sem_alloc : memref<!tpu.dma_semaphore, #tpu.memory_space<semaphore_mem>>
      %dma_start3A_405 = arith.constant 0 : i32
      %dma_start3A_406 = tpu.memref_slice %arg10[%run_scoped3A_388, %dma_start3A_405] : memref<125x80xi32, #tpu.memory_space<vmem>> -> memref<1x80xi32, #tpu.memory_space<vmem>>
      %dma_start3A_407 = tpu.memref_squeeze %dma_start3A_406 : memref<1x80xi32, #tpu.memory_space<vmem>> -> memref<80xi32, #tpu.memory_space<vmem>>
      %dma_start3A_408 = arith.constant 0 : i32
      %dma_start3A_409 = tpu.memref_slice %arg7[%dma_start3A_408] : memref<10240xf32, #tpu.memory_space<vmem_shared>> -> memref<10240xf32, #tpu.memory_space<vmem_shared>>
      tpu.enqueue_indirect_dma source(%arg12 : memref<80xf32, #tpu.memory_space<vmem>>) target(%dma_start3A_409 : memref<10240xf32, #tpu.memory_space<vmem_shared>>) offsets(%dma_start3A_407 : memref<80xi32, #tpu.memory_space<vmem>>) semaphore(%run_scoped3A_404 : memref<!tpu.dma_semaphore, #tpu.memory_space<semaphore_mem>>) {add = true}
      %dma_wait3A = arith.constant 0 : i32
      %dma_wait3A_410 = tpu.memref_slice %arg10[%run_scoped3A_388, %dma_wait3A] : memref<125x80xi32, #tpu.memory_space<vmem>> -> memref<1x80xi32, #tpu.memory_space<vmem>>
      %dma_wait3A_411 = tpu.memref_squeeze %dma_wait3A_410 : memref<1x80xi32, #tpu.memory_space<vmem>> -> memref<80xi32, #tpu.memory_space<vmem>>
      %dma_wait3A_412 = arith.constant 0 : i32
      %dma_wait3A_413 = tpu.memref_slice %arg7[%dma_wait3A_412] : memref<10240xf32, #tpu.memory_space<vmem_shared>> -> memref<10240xf32, #tpu.memory_space<vmem_shared>>
      tpu.wait_indirect_dma semaphore(%run_scoped3A_404 : memref<!tpu.dma_semaphore, #tpu.memory_space<semaphore_mem>>) src(%arg12 : memref<80xf32, #tpu.memory_space<vmem>>) dst(%dma_wait3A_413 : memref<10240xf32, #tpu.memory_space<vmem_shared>>)
      tpu.yield
    }) : () -> ()
    %run_scoped3A_389 = arith.constant 121 : i32
    "tpu.region"() ({
      %run_scoped3A_404 = tpu.sem_alloc : memref<!tpu.dma_semaphore, #tpu.memory_space<semaphore_mem>>
      %dma_start3A_405 = arith.constant 0 : i32
      %dma_start3A_406 = tpu.memref_slice %arg11[%run_scoped3A_389, %dma_start3A_405] : memref<125x80xi32, #tpu.memory_space<vmem>> -> memref<1x80xi32, #tpu.memory_space<vmem>>
      %dma_start3A_407 = tpu.memref_squeeze %dma_start3A_406 : memref<1x80xi32, #tpu.memory_space<vmem>> -> memref<80xi32, #tpu.memory_space<vmem>>
      %dma_start3A_408 = arith.constant 0 : i32
      %dma_start3A_409 = tpu.memref_slice %arg8[%dma_start3A_408] : memref<10240xf32, #tpu.memory_space<vmem_shared>> -> memref<10240xf32, #tpu.memory_space<vmem_shared>>
      tpu.enqueue_indirect_dma source(%arg12 : memref<80xf32, #tpu.memory_space<vmem>>) target(%dma_start3A_409 : memref<10240xf32, #tpu.memory_space<vmem_shared>>) offsets(%dma_start3A_407 : memref<80xi32, #tpu.memory_space<vmem>>) semaphore(%run_scoped3A_404 : memref<!tpu.dma_semaphore, #tpu.memory_space<semaphore_mem>>) {add = true}
      %dma_wait3A = arith.constant 0 : i32
      %dma_wait3A_410 = tpu.memref_slice %arg11[%run_scoped3A_389, %dma_wait3A] : memref<125x80xi32, #tpu.memory_space<vmem>> -> memref<1x80xi32, #tpu.memory_space<vmem>>
      %dma_wait3A_411 = tpu.memref_squeeze %dma_wait3A_410 : memref<1x80xi32, #tpu.memory_space<vmem>> -> memref<80xi32, #tpu.memory_space<vmem>>
      %dma_wait3A_412 = arith.constant 0 : i32
      %dma_wait3A_413 = tpu.memref_slice %arg8[%dma_wait3A_412] : memref<10240xf32, #tpu.memory_space<vmem_shared>> -> memref<10240xf32, #tpu.memory_space<vmem_shared>>
      tpu.wait_indirect_dma semaphore(%run_scoped3A_404 : memref<!tpu.dma_semaphore, #tpu.memory_space<semaphore_mem>>) src(%arg12 : memref<80xf32, #tpu.memory_space<vmem>>) dst(%dma_wait3A_413 : memref<10240xf32, #tpu.memory_space<vmem_shared>>)
      tpu.yield
    }) : () -> ()
    %run_scoped3A_390 = arith.constant 122 : i32
    "tpu.region"() ({
      %run_scoped3A_404 = tpu.sem_alloc : memref<!tpu.dma_semaphore, #tpu.memory_space<semaphore_mem>>
      %dma_start3A_405 = arith.constant 0 : i32
      %dma_start3A_406 = tpu.memref_slice %arg10[%run_scoped3A_390, %dma_start3A_405] : memref<125x80xi32, #tpu.memory_space<vmem>> -> memref<1x80xi32, #tpu.memory_space<vmem>>
      %dma_start3A_407 = tpu.memref_squeeze %dma_start3A_406 : memref<1x80xi32, #tpu.memory_space<vmem>> -> memref<80xi32, #tpu.memory_space<vmem>>
      %dma_start3A_408 = arith.constant 0 : i32
      %dma_start3A_409 = tpu.memref_slice %arg7[%dma_start3A_408] : memref<10240xf32, #tpu.memory_space<vmem_shared>> -> memref<10240xf32, #tpu.memory_space<vmem_shared>>
      tpu.enqueue_indirect_dma source(%arg12 : memref<80xf32, #tpu.memory_space<vmem>>) target(%dma_start3A_409 : memref<10240xf32, #tpu.memory_space<vmem_shared>>) offsets(%dma_start3A_407 : memref<80xi32, #tpu.memory_space<vmem>>) semaphore(%run_scoped3A_404 : memref<!tpu.dma_semaphore, #tpu.memory_space<semaphore_mem>>) {add = true}
      %dma_wait3A = arith.constant 0 : i32
      %dma_wait3A_410 = tpu.memref_slice %arg10[%run_scoped3A_390, %dma_wait3A] : memref<125x80xi32, #tpu.memory_space<vmem>> -> memref<1x80xi32, #tpu.memory_space<vmem>>
      %dma_wait3A_411 = tpu.memref_squeeze %dma_wait3A_410 : memref<1x80xi32, #tpu.memory_space<vmem>> -> memref<80xi32, #tpu.memory_space<vmem>>
      %dma_wait3A_412 = arith.constant 0 : i32
      %dma_wait3A_413 = tpu.memref_slice %arg7[%dma_wait3A_412] : memref<10240xf32, #tpu.memory_space<vmem_shared>> -> memref<10240xf32, #tpu.memory_space<vmem_shared>>
      tpu.wait_indirect_dma semaphore(%run_scoped3A_404 : memref<!tpu.dma_semaphore, #tpu.memory_space<semaphore_mem>>) src(%arg12 : memref<80xf32, #tpu.memory_space<vmem>>) dst(%dma_wait3A_413 : memref<10240xf32, #tpu.memory_space<vmem_shared>>)
      tpu.yield
    }) : () -> ()
    %run_scoped3A_391 = arith.constant 122 : i32
    "tpu.region"() ({
      %run_scoped3A_404 = tpu.sem_alloc : memref<!tpu.dma_semaphore, #tpu.memory_space<semaphore_mem>>
      %dma_start3A_405 = arith.constant 0 : i32
      %dma_start3A_406 = tpu.memref_slice %arg11[%run_scoped3A_391, %dma_start3A_405] : memref<125x80xi32, #tpu.memory_space<vmem>> -> memref<1x80xi32, #tpu.memory_space<vmem>>
      %dma_start3A_407 = tpu.memref_squeeze %dma_start3A_406 : memref<1x80xi32, #tpu.memory_space<vmem>> -> memref<80xi32, #tpu.memory_space<vmem>>
      %dma_start3A_408 = arith.constant 0 : i32
      %dma_start3A_409 = tpu.memref_slice %arg8[%dma_start3A_408] : memref<10240xf32, #tpu.memory_space<vmem_shared>> -> memref<10240xf32, #tpu.memory_space<vmem_shared>>
      tpu.enqueue_indirect_dma source(%arg12 : memref<80xf32, #tpu.memory_space<vmem>>) target(%dma_start3A_409 : memref<10240xf32, #tpu.memory_space<vmem_shared>>) offsets(%dma_start3A_407 : memref<80xi32, #tpu.memory_space<vmem>>) semaphore(%run_scoped3A_404 : memref<!tpu.dma_semaphore, #tpu.memory_space<semaphore_mem>>) {add = true}
      %dma_wait3A = arith.constant 0 : i32
      %dma_wait3A_410 = tpu.memref_slice %arg11[%run_scoped3A_391, %dma_wait3A] : memref<125x80xi32, #tpu.memory_space<vmem>> -> memref<1x80xi32, #tpu.memory_space<vmem>>
      %dma_wait3A_411 = tpu.memref_squeeze %dma_wait3A_410 : memref<1x80xi32, #tpu.memory_space<vmem>> -> memref<80xi32, #tpu.memory_space<vmem>>
      %dma_wait3A_412 = arith.constant 0 : i32
      %dma_wait3A_413 = tpu.memref_slice %arg8[%dma_wait3A_412] : memref<10240xf32, #tpu.memory_space<vmem_shared>> -> memref<10240xf32, #tpu.memory_space<vmem_shared>>
      tpu.wait_indirect_dma semaphore(%run_scoped3A_404 : memref<!tpu.dma_semaphore, #tpu.memory_space<semaphore_mem>>) src(%arg12 : memref<80xf32, #tpu.memory_space<vmem>>) dst(%dma_wait3A_413 : memref<10240xf32, #tpu.memory_space<vmem_shared>>)
      tpu.yield
    }) : () -> ()
    %run_scoped3A_392 = arith.constant 123 : i32
    "tpu.region"() ({
      %run_scoped3A_404 = tpu.sem_alloc : memref<!tpu.dma_semaphore, #tpu.memory_space<semaphore_mem>>
      %dma_start3A_405 = arith.constant 0 : i32
      %dma_start3A_406 = tpu.memref_slice %arg10[%run_scoped3A_392, %dma_start3A_405] : memref<125x80xi32, #tpu.memory_space<vmem>> -> memref<1x80xi32, #tpu.memory_space<vmem>>
      %dma_start3A_407 = tpu.memref_squeeze %dma_start3A_406 : memref<1x80xi32, #tpu.memory_space<vmem>> -> memref<80xi32, #tpu.memory_space<vmem>>
      %dma_start3A_408 = arith.constant 0 : i32
      %dma_start3A_409 = tpu.memref_slice %arg7[%dma_start3A_408] : memref<10240xf32, #tpu.memory_space<vmem_shared>> -> memref<10240xf32, #tpu.memory_space<vmem_shared>>
      tpu.enqueue_indirect_dma source(%arg12 : memref<80xf32, #tpu.memory_space<vmem>>) target(%dma_start3A_409 : memref<10240xf32, #tpu.memory_space<vmem_shared>>) offsets(%dma_start3A_407 : memref<80xi32, #tpu.memory_space<vmem>>) semaphore(%run_scoped3A_404 : memref<!tpu.dma_semaphore, #tpu.memory_space<semaphore_mem>>) {add = true}
      %dma_wait3A = arith.constant 0 : i32
      %dma_wait3A_410 = tpu.memref_slice %arg10[%run_scoped3A_392, %dma_wait3A] : memref<125x80xi32, #tpu.memory_space<vmem>> -> memref<1x80xi32, #tpu.memory_space<vmem>>
      %dma_wait3A_411 = tpu.memref_squeeze %dma_wait3A_410 : memref<1x80xi32, #tpu.memory_space<vmem>> -> memref<80xi32, #tpu.memory_space<vmem>>
      %dma_wait3A_412 = arith.constant 0 : i32
      %dma_wait3A_413 = tpu.memref_slice %arg7[%dma_wait3A_412] : memref<10240xf32, #tpu.memory_space<vmem_shared>> -> memref<10240xf32, #tpu.memory_space<vmem_shared>>
      tpu.wait_indirect_dma semaphore(%run_scoped3A_404 : memref<!tpu.dma_semaphore, #tpu.memory_space<semaphore_mem>>) src(%arg12 : memref<80xf32, #tpu.memory_space<vmem>>) dst(%dma_wait3A_413 : memref<10240xf32, #tpu.memory_space<vmem_shared>>)
      tpu.yield
    }) : () -> ()
    %run_scoped3A_393 = arith.constant 123 : i32
    "tpu.region"() ({
      %run_scoped3A_404 = tpu.sem_alloc : memref<!tpu.dma_semaphore, #tpu.memory_space<semaphore_mem>>
      %dma_start3A_405 = arith.constant 0 : i32
      %dma_start3A_406 = tpu.memref_slice %arg11[%run_scoped3A_393, %dma_start3A_405] : memref<125x80xi32, #tpu.memory_space<vmem>> -> memref<1x80xi32, #tpu.memory_space<vmem>>
      %dma_start3A_407 = tpu.memref_squeeze %dma_start3A_406 : memref<1x80xi32, #tpu.memory_space<vmem>> -> memref<80xi32, #tpu.memory_space<vmem>>
      %dma_start3A_408 = arith.constant 0 : i32
      %dma_start3A_409 = tpu.memref_slice %arg8[%dma_start3A_408] : memref<10240xf32, #tpu.memory_space<vmem_shared>> -> memref<10240xf32, #tpu.memory_space<vmem_shared>>
      tpu.enqueue_indirect_dma source(%arg12 : memref<80xf32, #tpu.memory_space<vmem>>) target(%dma_start3A_409 : memref<10240xf32, #tpu.memory_space<vmem_shared>>) offsets(%dma_start3A_407 : memref<80xi32, #tpu.memory_space<vmem>>) semaphore(%run_scoped3A_404 : memref<!tpu.dma_semaphore, #tpu.memory_space<semaphore_mem>>) {add = true}
      %dma_wait3A = arith.constant 0 : i32
      %dma_wait3A_410 = tpu.memref_slice %arg11[%run_scoped3A_393, %dma_wait3A] : memref<125x80xi32, #tpu.memory_space<vmem>> -> memref<1x80xi32, #tpu.memory_space<vmem>>
      %dma_wait3A_411 = tpu.memref_squeeze %dma_wait3A_410 : memref<1x80xi32, #tpu.memory_space<vmem>> -> memref<80xi32, #tpu.memory_space<vmem>>
      %dma_wait3A_412 = arith.constant 0 : i32
      %dma_wait3A_413 = tpu.memref_slice %arg8[%dma_wait3A_412] : memref<10240xf32, #tpu.memory_space<vmem_shared>> -> memref<10240xf32, #tpu.memory_space<vmem_shared>>
      tpu.wait_indirect_dma semaphore(%run_scoped3A_404 : memref<!tpu.dma_semaphore, #tpu.memory_space<semaphore_mem>>) src(%arg12 : memref<80xf32, #tpu.memory_space<vmem>>) dst(%dma_wait3A_413 : memref<10240xf32, #tpu.memory_space<vmem_shared>>)
      tpu.yield
    }) : () -> ()
    %run_scoped3A_394 = arith.constant 124 : i32
    "tpu.region"() ({
      %run_scoped3A_404 = tpu.sem_alloc : memref<!tpu.dma_semaphore, #tpu.memory_space<semaphore_mem>>
      %dma_start3A_405 = arith.constant 0 : i32
      %dma_start3A_406 = tpu.memref_slice %arg10[%run_scoped3A_394, %dma_start3A_405] : memref<125x80xi32, #tpu.memory_space<vmem>> -> memref<1x80xi32, #tpu.memory_space<vmem>>
      %dma_start3A_407 = tpu.memref_squeeze %dma_start3A_406 : memref<1x80xi32, #tpu.memory_space<vmem>> -> memref<80xi32, #tpu.memory_space<vmem>>
      %dma_start3A_408 = arith.constant 0 : i32
      %dma_start3A_409 = tpu.memref_slice %arg7[%dma_start3A_408] : memref<10240xf32, #tpu.memory_space<vmem_shared>> -> memref<10240xf32, #tpu.memory_space<vmem_shared>>
      tpu.enqueue_indirect_dma source(%arg12 : memref<80xf32, #tpu.memory_space<vmem>>) target(%dma_start3A_409 : memref<10240xf32, #tpu.memory_space<vmem_shared>>) offsets(%dma_start3A_407 : memref<80xi32, #tpu.memory_space<vmem>>) semaphore(%run_scoped3A_404 : memref<!tpu.dma_semaphore, #tpu.memory_space<semaphore_mem>>) {add = true}
      %dma_wait3A = arith.constant 0 : i32
      %dma_wait3A_410 = tpu.memref_slice %arg10[%run_scoped3A_394, %dma_wait3A] : memref<125x80xi32, #tpu.memory_space<vmem>> -> memref<1x80xi32, #tpu.memory_space<vmem>>
      %dma_wait3A_411 = tpu.memref_squeeze %dma_wait3A_410 : memref<1x80xi32, #tpu.memory_space<vmem>> -> memref<80xi32, #tpu.memory_space<vmem>>
      %dma_wait3A_412 = arith.constant 0 : i32
      %dma_wait3A_413 = tpu.memref_slice %arg7[%dma_wait3A_412] : memref<10240xf32, #tpu.memory_space<vmem_shared>> -> memref<10240xf32, #tpu.memory_space<vmem_shared>>
      tpu.wait_indirect_dma semaphore(%run_scoped3A_404 : memref<!tpu.dma_semaphore, #tpu.memory_space<semaphore_mem>>) src(%arg12 : memref<80xf32, #tpu.memory_space<vmem>>) dst(%dma_wait3A_413 : memref<10240xf32, #tpu.memory_space<vmem_shared>>)
      tpu.yield
    }) : () -> ()
    %run_scoped3A_395 = arith.constant 124 : i32
    "tpu.region"() ({
      %run_scoped3A_404 = tpu.sem_alloc : memref<!tpu.dma_semaphore, #tpu.memory_space<semaphore_mem>>
      %dma_start3A_405 = arith.constant 0 : i32
      %dma_start3A_406 = tpu.memref_slice %arg11[%run_scoped3A_395, %dma_start3A_405] : memref<125x80xi32, #tpu.memory_space<vmem>> -> memref<1x80xi32, #tpu.memory_space<vmem>>
      %dma_start3A_407 = tpu.memref_squeeze %dma_start3A_406 : memref<1x80xi32, #tpu.memory_space<vmem>> -> memref<80xi32, #tpu.memory_space<vmem>>
      %dma_start3A_408 = arith.constant 0 : i32
      %dma_start3A_409 = tpu.memref_slice %arg8[%dma_start3A_408] : memref<10240xf32, #tpu.memory_space<vmem_shared>> -> memref<10240xf32, #tpu.memory_space<vmem_shared>>
      tpu.enqueue_indirect_dma source(%arg12 : memref<80xf32, #tpu.memory_space<vmem>>) target(%dma_start3A_409 : memref<10240xf32, #tpu.memory_space<vmem_shared>>) offsets(%dma_start3A_407 : memref<80xi32, #tpu.memory_space<vmem>>) semaphore(%run_scoped3A_404 : memref<!tpu.dma_semaphore, #tpu.memory_space<semaphore_mem>>) {add = true}
      %dma_wait3A = arith.constant 0 : i32
      %dma_wait3A_410 = tpu.memref_slice %arg11[%run_scoped3A_395, %dma_wait3A] : memref<125x80xi32, #tpu.memory_space<vmem>> -> memref<1x80xi32, #tpu.memory_space<vmem>>
      %dma_wait3A_411 = tpu.memref_squeeze %dma_wait3A_410 : memref<1x80xi32, #tpu.memory_space<vmem>> -> memref<80xi32, #tpu.memory_space<vmem>>
      %dma_wait3A_412 = arith.constant 0 : i32
      %dma_wait3A_413 = tpu.memref_slice %arg8[%dma_wait3A_412] : memref<10240xf32, #tpu.memory_space<vmem_shared>> -> memref<10240xf32, #tpu.memory_space<vmem_shared>>
      tpu.wait_indirect_dma semaphore(%run_scoped3A_404 : memref<!tpu.dma_semaphore, #tpu.memory_space<semaphore_mem>>) src(%arg12 : memref<80xf32, #tpu.memory_space<vmem>>) dst(%dma_wait3A_413 : memref<10240xf32, #tpu.memory_space<vmem_shared>>)
      tpu.yield
    }) : () -> ()
    %barrier3A_396 = arith.constant 0 : index
    tpu.barrier barrier_id(%barrier3A_396)
    %eq3A = arith.constant 0 : i32
    %eq3A_397 = arith.cmpi eq, %arg0, %eq3A : i32
    %convert_element_type3A = arith.extui %eq3A_397 : i1 to i32
    %cond3A = arith.constant 0 : i32
    %cond3A_398 = arith.cmpi ne, %convert_element_type3A, %cond3A : i32
    scf.if %cond3A_398 {
      "tpu.region"() ({
        %run_scoped3A_404 = tpu.sem_alloc : memref<!tpu.dma_semaphore, #tpu.memory_space<semaphore_mem>>
        %dma_start3A_405 = tpu.memref_slice %arg7[%mul3A_268] : memref<10240xf32, #tpu.memory_space<vmem_shared>> -> memref<640xf32, #tpu.memory_space<vmem_shared>>
        %dma_start3A_406 = tpu.memref_slice %arg7[%mul3A_268] : memref<10240xf32, #tpu.memory_space<vmem_shared>> -> memref<640xf32, #tpu.memory_space<vmem_shared>>
        tpu.enqueue_dma source(%dma_start3A_406 : memref<640xf32, #tpu.memory_space<vmem_shared>>) target(%arg13 : memref<640xf32, #tpu.memory_space<vmem>>) target_semaphore(%run_scoped3A_404 : memref<!tpu.dma_semaphore, #tpu.memory_space<semaphore_mem>>)
        %dma_wait3A = tpu.memref_slice %arg7[%mul3A_268] : memref<10240xf32, #tpu.memory_space<vmem_shared>> -> memref<640xf32, #tpu.memory_space<vmem_shared>>
        %dma_wait3A_407 = tpu.memref_slice %arg7[%mul3A_268] : memref<10240xf32, #tpu.memory_space<vmem_shared>> -> memref<640xf32, #tpu.memory_space<vmem_shared>>
        tpu.wait_dma2 semaphore(%run_scoped3A_404 : memref<!tpu.dma_semaphore, #tpu.memory_space<semaphore_mem>>) src(%dma_wait3A_407 : memref<640xf32, #tpu.memory_space<vmem_shared>>) dst(%arg13 : memref<640xf32, #tpu.memory_space<vmem>>)
        tpu.yield
      }) : () -> ()
      "tpu.region"() ({
        %run_scoped3A_404 = tpu.sem_alloc : memref<!tpu.dma_semaphore, #tpu.memory_space<semaphore_mem>>
        %dma_start3A_405 = tpu.memref_slice %arg3[%mul3A_268] : memref<10240xf32, #tpu.memory_space<hbm>> -> memref<640xf32, #tpu.memory_space<hbm>>
        %dma_start3A_406 = tpu.memref_slice %arg3[%mul3A_268] : memref<10240xf32, #tpu.memory_space<hbm>> -> memref<640xf32, #tpu.memory_space<hbm>>
        tpu.enqueue_dma source(%arg13 : memref<640xf32, #tpu.memory_space<vmem>>) target(%dma_start3A_406 : memref<640xf32, #tpu.memory_space<hbm>>) target_semaphore(%run_scoped3A_404 : memref<!tpu.dma_semaphore, #tpu.memory_space<semaphore_mem>>)
        %dma_wait3A = tpu.memref_slice %arg3[%mul3A_268] : memref<10240xf32, #tpu.memory_space<hbm>> -> memref<640xf32, #tpu.memory_space<hbm>>
        %dma_wait3A_407 = tpu.memref_slice %arg3[%mul3A_268] : memref<10240xf32, #tpu.memory_space<hbm>> -> memref<640xf32, #tpu.memory_space<hbm>>
        tpu.wait_dma2 semaphore(%run_scoped3A_404 : memref<!tpu.dma_semaphore, #tpu.memory_space<semaphore_mem>>) src(%arg13 : memref<640xf32, #tpu.memory_space<vmem>>) dst(%dma_wait3A_407 : memref<640xf32, #tpu.memory_space<hbm>>)
        tpu.yield
      }) : () -> ()
      "tpu.region"() ({
        %run_scoped3A_404 = tpu.sem_alloc : memref<!tpu.dma_semaphore, #tpu.memory_space<semaphore_mem>>
        %dma_start3A_405 = tpu.memref_slice %arg8[%mul3A_268] : memref<10240xf32, #tpu.memory_space<vmem_shared>> -> memref<640xf32, #tpu.memory_space<vmem_shared>>
        %dma_start3A_406 = tpu.memref_slice %arg8[%mul3A_268] : memref<10240xf32, #tpu.memory_space<vmem_shared>> -> memref<640xf32, #tpu.memory_space<vmem_shared>>
        tpu.enqueue_dma source(%dma_start3A_406 : memref<640xf32, #tpu.memory_space<vmem_shared>>) target(%arg13 : memref<640xf32, #tpu.memory_space<vmem>>) target_semaphore(%run_scoped3A_404 : memref<!tpu.dma_semaphore, #tpu.memory_space<semaphore_mem>>)
        %dma_wait3A = tpu.memref_slice %arg8[%mul3A_268] : memref<10240xf32, #tpu.memory_space<vmem_shared>> -> memref<640xf32, #tpu.memory_space<vmem_shared>>
        %dma_wait3A_407 = tpu.memref_slice %arg8[%mul3A_268] : memref<10240xf32, #tpu.memory_space<vmem_shared>> -> memref<640xf32, #tpu.memory_space<vmem_shared>>
        tpu.wait_dma2 semaphore(%run_scoped3A_404 : memref<!tpu.dma_semaphore, #tpu.memory_space<semaphore_mem>>) src(%dma_wait3A_407 : memref<640xf32, #tpu.memory_space<vmem_shared>>) dst(%arg13 : memref<640xf32, #tpu.memory_space<vmem>>)
        tpu.yield
      }) : () -> ()
      "tpu.region"() ({
        %run_scoped3A_404 = tpu.sem_alloc : memref<!tpu.dma_semaphore, #tpu.memory_space<semaphore_mem>>
        %dma_start3A_405 = tpu.memref_slice %arg5[%mul3A_268] : memref<10240xf32, #tpu.memory_space<hbm>> -> memref<640xf32, #tpu.memory_space<hbm>>
        %dma_start3A_406 = tpu.memref_slice %arg5[%mul3A_268] : memref<10240xf32, #tpu.memory_space<hbm>> -> memref<640xf32, #tpu.memory_space<hbm>>
        tpu.enqueue_dma source(%arg13 : memref<640xf32, #tpu.memory_space<vmem>>) target(%dma_start3A_406 : memref<640xf32, #tpu.memory_space<hbm>>) target_semaphore(%run_scoped3A_404 : memref<!tpu.dma_semaphore, #tpu.memory_space<semaphore_mem>>)
        %dma_wait3A = tpu.memref_slice %arg5[%mul3A_268] : memref<10240xf32, #tpu.memory_space<hbm>> -> memref<640xf32, #tpu.memory_space<hbm>>
        %dma_wait3A_407 = tpu.memref_slice %arg5[%mul3A_268] : memref<10240xf32, #tpu.memory_space<hbm>> -> memref<640xf32, #tpu.memory_space<hbm>>
        tpu.wait_dma2 semaphore(%run_scoped3A_404 : memref<!tpu.dma_semaphore, #tpu.memory_space<semaphore_mem>>) src(%arg13 : memref<640xf32, #tpu.memory_space<vmem>>) dst(%dma_wait3A_407 : memref<640xf32, #tpu.memory_space<hbm>>)
        tpu.yield
      }) : () -> ()
    } else {
    }
    %eq3A_399 = arith.constant 1 : i32
    %eq3A_400 = arith.cmpi eq, %arg0, %eq3A_399 : i32
    %convert_element_type3A_401 = arith.extui %eq3A_400 : i1 to i32
    %cond3A_402 = arith.constant 0 : i32
    %cond3A_403 = arith.cmpi ne, %convert_element_type3A_401, %cond3A_402 : i32
    scf.if %cond3A_403 {
      "tpu.region"() ({
        %run_scoped3A_404 = tpu.sem_alloc : memref<!tpu.dma_semaphore, #tpu.memory_space<semaphore_mem>>
        %dma_start3A_405 = tpu.memref_slice %arg7[%mul3A_268] : memref<10240xf32, #tpu.memory_space<vmem_shared>> -> memref<640xf32, #tpu.memory_space<vmem_shared>>
        %dma_start3A_406 = tpu.memref_slice %arg7[%mul3A_268] : memref<10240xf32, #tpu.memory_space<vmem_shared>> -> memref<640xf32, #tpu.memory_space<vmem_shared>>
        tpu.enqueue_dma source(%dma_start3A_406 : memref<640xf32, #tpu.memory_space<vmem_shared>>) target(%arg13 : memref<640xf32, #tpu.memory_space<vmem>>) target_semaphore(%run_scoped3A_404 : memref<!tpu.dma_semaphore, #tpu.memory_space<semaphore_mem>>)
        %dma_wait3A = tpu.memref_slice %arg7[%mul3A_268] : memref<10240xf32, #tpu.memory_space<vmem_shared>> -> memref<640xf32, #tpu.memory_space<vmem_shared>>
        %dma_wait3A_407 = tpu.memref_slice %arg7[%mul3A_268] : memref<10240xf32, #tpu.memory_space<vmem_shared>> -> memref<640xf32, #tpu.memory_space<vmem_shared>>
        tpu.wait_dma2 semaphore(%run_scoped3A_404 : memref<!tpu.dma_semaphore, #tpu.memory_space<semaphore_mem>>) src(%dma_wait3A_407 : memref<640xf32, #tpu.memory_space<vmem_shared>>) dst(%arg13 : memref<640xf32, #tpu.memory_space<vmem>>)
        tpu.yield
      }) : () -> ()
      "tpu.region"() ({
        %run_scoped3A_404 = tpu.sem_alloc : memref<!tpu.dma_semaphore, #tpu.memory_space<semaphore_mem>>
        %dma_start3A_405 = tpu.memref_slice %arg4[%mul3A_268] : memref<10240xf32, #tpu.memory_space<hbm>> -> memref<640xf32, #tpu.memory_space<hbm>>
        %dma_start3A_406 = tpu.memref_slice %arg4[%mul3A_268] : memref<10240xf32, #tpu.memory_space<hbm>> -> memref<640xf32, #tpu.memory_space<hbm>>
        tpu.enqueue_dma source(%arg13 : memref<640xf32, #tpu.memory_space<vmem>>) target(%dma_start3A_406 : memref<640xf32, #tpu.memory_space<hbm>>) target_semaphore(%run_scoped3A_404 : memref<!tpu.dma_semaphore, #tpu.memory_space<semaphore_mem>>)
        %dma_wait3A = tpu.memref_slice %arg4[%mul3A_268] : memref<10240xf32, #tpu.memory_space<hbm>> -> memref<640xf32, #tpu.memory_space<hbm>>
        %dma_wait3A_407 = tpu.memref_slice %arg4[%mul3A_268] : memref<10240xf32, #tpu.memory_space<hbm>> -> memref<640xf32, #tpu.memory_space<hbm>>
        tpu.wait_dma2 semaphore(%run_scoped3A_404 : memref<!tpu.dma_semaphore, #tpu.memory_space<semaphore_mem>>) src(%arg13 : memref<640xf32, #tpu.memory_space<vmem>>) dst(%dma_wait3A_407 : memref<640xf32, #tpu.memory_space<hbm>>)
        tpu.yield
      }) : () -> ()
      "tpu.region"() ({
        %run_scoped3A_404 = tpu.sem_alloc : memref<!tpu.dma_semaphore, #tpu.memory_space<semaphore_mem>>
        %dma_start3A_405 = tpu.memref_slice %arg8[%mul3A_268] : memref<10240xf32, #tpu.memory_space<vmem_shared>> -> memref<640xf32, #tpu.memory_space<vmem_shared>>
        %dma_start3A_406 = tpu.memref_slice %arg8[%mul3A_268] : memref<10240xf32, #tpu.memory_space<vmem_shared>> -> memref<640xf32, #tpu.memory_space<vmem_shared>>
        tpu.enqueue_dma source(%dma_start3A_406 : memref<640xf32, #tpu.memory_space<vmem_shared>>) target(%arg13 : memref<640xf32, #tpu.memory_space<vmem>>) target_semaphore(%run_scoped3A_404 : memref<!tpu.dma_semaphore, #tpu.memory_space<semaphore_mem>>)
        %dma_wait3A = tpu.memref_slice %arg8[%mul3A_268] : memref<10240xf32, #tpu.memory_space<vmem_shared>> -> memref<640xf32, #tpu.memory_space<vmem_shared>>
        %dma_wait3A_407 = tpu.memref_slice %arg8[%mul3A_268] : memref<10240xf32, #tpu.memory_space<vmem_shared>> -> memref<640xf32, #tpu.memory_space<vmem_shared>>
        tpu.wait_dma2 semaphore(%run_scoped3A_404 : memref<!tpu.dma_semaphore, #tpu.memory_space<semaphore_mem>>) src(%dma_wait3A_407 : memref<640xf32, #tpu.memory_space<vmem_shared>>) dst(%arg13 : memref<640xf32, #tpu.memory_space<vmem>>)
        tpu.yield
      }) : () -> ()
      "tpu.region"() ({
        %run_scoped3A_404 = tpu.sem_alloc : memref<!tpu.dma_semaphore, #tpu.memory_space<semaphore_mem>>
        %dma_start3A_405 = tpu.memref_slice %arg6[%mul3A_268] : memref<10240xf32, #tpu.memory_space<hbm>> -> memref<640xf32, #tpu.memory_space<hbm>>
        %dma_start3A_406 = tpu.memref_slice %arg6[%mul3A_268] : memref<10240xf32, #tpu.memory_space<hbm>> -> memref<640xf32, #tpu.memory_space<hbm>>
        tpu.enqueue_dma source(%arg13 : memref<640xf32, #tpu.memory_space<vmem>>) target(%dma_start3A_406 : memref<640xf32, #tpu.memory_space<hbm>>) target_semaphore(%run_scoped3A_404 : memref<!tpu.dma_semaphore, #tpu.memory_space<semaphore_mem>>)
        %dma_wait3A = tpu.memref_slice %arg6[%mul3A_268] : memref<10240xf32, #tpu.memory_space<hbm>> -> memref<640xf32, #tpu.memory_space<hbm>>
        %dma_wait3A_407 = tpu.memref_slice %arg6[%mul3A_268] : memref<10240xf32, #tpu.memory_space<hbm>> -> memref<640xf32, #tpu.memory_space<hbm>>
        tpu.wait_dma2 semaphore(%run_scoped3A_404 : memref<!tpu.dma_semaphore, #tpu.memory_space<semaphore_mem>>) src(%arg13 : memref<640xf32, #tpu.memory_space<vmem>>) dst(%dma_wait3A_407 : memref<640xf32, #tpu.memory_space<hbm>>)
        tpu.yield
      }) : () -> ()
    } else {
    }
    return
  }
}

#map = affine_map<(d0, d1) -> (0, 0)>
#map1 = affine_map<(d0, d1) -> (0)>
#map2 = affine_map<(d0, d1) -> (0, 0, 0)>
module attributes {stable_mosaic.version = 14 : i64} {
  func.func @body(%arg0: i32, %arg1: i32, %arg2: memref<10240x128xf32, #tpu.memory_space<hbm>>, %arg3: memref<640000xi32, #tpu.memory_space<hbm>>, %arg4: memref<2x10240x128xf32, #tpu.memory_space<hbm>>, %arg5: memref<10240x128xf32, #tpu.memory_space<vmem_shared>>, %arg6: memref<10000xi32, #tpu.memory_space<vmem>>, %arg7: memref<125x80xi32, #tpu.memory_space<vmem>>, %arg8: memref<80x128xf32, #tpu.memory_space<vmem>>, %arg9: memref<80x128xf32, #tpu.memory_space<vmem>>, %arg10: memref<!tpu.dma_semaphore, #tpu.memory_space<semaphore_mem>>, %arg11: memref<!tpu.dma_semaphore, #tpu.memory_space<semaphore_mem>>) attributes {dimension_semantics = [#tpu.dimension_semantics<core_parallel>, #tpu.dimension_semantics<subcore_parallel>], iteration_bounds = array<i64: 2, 16>, scalar_prefetch = 0 : i64, scratch_operands = 7 : i64, tpu.core_type = #tpu.core_type<sc_vector_subcore>, window_params = [{transform_indices = #map}, {transform_indices = #map1}, {transform_indices = #map2}]} {
    %scan3A = arith.constant 0 : i32
    %scan3A_0 = arith.constant 0 : i32
    %scan3A_1 = arith.constant 80 : i32
    %scan3A_2 = arith.addi %scan3A_0, %scan3A_1 : i32
    %scan3A_3 = arith.constant 1 : i32
    scf.for %scan3A_297 = %scan3A_0 to %scan3A_2 step %scan3A_3  : i32 {
      %broadcast_in_dim3A = arith.constant 0.000000e+00 : f32
      %broadcast_in_dim3A_298 = vector.broadcast %broadcast_in_dim3A : f32 to vector<16xf32>
      %swap3A = arith.index_cast %scan3A_297 : i32 to index
      %swap3A_299 = arith.constant 0 : index
      %swap3A_300 = tpu.vector_load %arg8[%swap3A, %swap3A_299] {strides = array<i32>} : memref<80x128xf32, #tpu.memory_space<vmem>>, vector<1x16xf32>,
      %swap3A_301 = vector.shape_cast %swap3A_300 : vector<1x16xf32> to vector<16xf32>
      %swap3A_302 = vector.shape_cast %broadcast_in_dim3A_298 : vector<16xf32> to vector<1x16xf32>
      tpu.vector_store %arg8[%swap3A, %swap3A_299], %swap3A_302 {strides = array<i32>} : memref<80x128xf32, #tpu.memory_space<vmem>>, vector<1x16xf32>,
      %broadcast_in_dim3A_303 = arith.constant 0.000000e+00 : f32
      %broadcast_in_dim3A_304 = vector.broadcast %broadcast_in_dim3A_303 : f32 to vector<16xf32>
      %swap3A_305 = arith.index_cast %scan3A_297 : i32 to index
      %swap3A_306 = arith.constant 16 : index
      %swap3A_307 = tpu.vector_load %arg8[%swap3A_305, %swap3A_306] {strides = array<i32>} : memref<80x128xf32, #tpu.memory_space<vmem>>, vector<1x16xf32>,
      %swap3A_308 = vector.shape_cast %swap3A_307 : vector<1x16xf32> to vector<16xf32>
      %swap3A_309 = vector.shape_cast %broadcast_in_dim3A_304 : vector<16xf32> to vector<1x16xf32>
      tpu.vector_store %arg8[%swap3A_305, %swap3A_306], %swap3A_309 {strides = array<i32>} : memref<80x128xf32, #tpu.memory_space<vmem>>, vector<1x16xf32>,
      %broadcast_in_dim3A_310 = arith.constant 0.000000e+00 : f32
      %broadcast_in_dim3A_311 = vector.broadcast %broadcast_in_dim3A_310 : f32 to vector<16xf32>
      %swap3A_312 = arith.index_cast %scan3A_297 : i32 to index
      %swap3A_313 = arith.constant 32 : index
      %swap3A_314 = tpu.vector_load %arg8[%swap3A_312, %swap3A_313] {strides = array<i32>} : memref<80x128xf32, #tpu.memory_space<vmem>>, vector<1x16xf32>,
      %swap3A_315 = vector.shape_cast %swap3A_314 : vector<1x16xf32> to vector<16xf32>
      %swap3A_316 = vector.shape_cast %broadcast_in_dim3A_311 : vector<16xf32> to vector<1x16xf32>
      tpu.vector_store %arg8[%swap3A_312, %swap3A_313], %swap3A_316 {strides = array<i32>} : memref<80x128xf32, #tpu.memory_space<vmem>>, vector<1x16xf32>,
      %broadcast_in_dim3A_317 = arith.constant 0.000000e+00 : f32
      %broadcast_in_dim3A_318 = vector.broadcast %broadcast_in_dim3A_317 : f32 to vector<16xf32>
      %swap3A_319 = arith.index_cast %scan3A_297 : i32 to index
      %swap3A_320 = arith.constant 48 : index
      %swap3A_321 = tpu.vector_load %arg8[%swap3A_319, %swap3A_320] {strides = array<i32>} : memref<80x128xf32, #tpu.memory_space<vmem>>, vector<1x16xf32>,
      %swap3A_322 = vector.shape_cast %swap3A_321 : vector<1x16xf32> to vector<16xf32>
      %swap3A_323 = vector.shape_cast %broadcast_in_dim3A_318 : vector<16xf32> to vector<1x16xf32>
      tpu.vector_store %arg8[%swap3A_319, %swap3A_320], %swap3A_323 {strides = array<i32>} : memref<80x128xf32, #tpu.memory_space<vmem>>, vector<1x16xf32>,
      %broadcast_in_dim3A_324 = arith.constant 0.000000e+00 : f32
      %broadcast_in_dim3A_325 = vector.broadcast %broadcast_in_dim3A_324 : f32 to vector<16xf32>
      %swap3A_326 = arith.index_cast %scan3A_297 : i32 to index
      %swap3A_327 = arith.constant 64 : index
      %swap3A_328 = tpu.vector_load %arg8[%swap3A_326, %swap3A_327] {strides = array<i32>} : memref<80x128xf32, #tpu.memory_space<vmem>>, vector<1x16xf32>,
      %swap3A_329 = vector.shape_cast %swap3A_328 : vector<1x16xf32> to vector<16xf32>
      %swap3A_330 = vector.shape_cast %broadcast_in_dim3A_325 : vector<16xf32> to vector<1x16xf32>
      tpu.vector_store %arg8[%swap3A_326, %swap3A_327], %swap3A_330 {strides = array<i32>} : memref<80x128xf32, #tpu.memory_space<vmem>>, vector<1x16xf32>,
      %broadcast_in_dim3A_331 = arith.constant 0.000000e+00 : f32
      %broadcast_in_dim3A_332 = vector.broadcast %broadcast_in_dim3A_331 : f32 to vector<16xf32>
      %swap3A_333 = arith.index_cast %scan3A_297 : i32 to index
      %swap3A_334 = arith.constant 80 : index
      %swap3A_335 = tpu.vector_load %arg8[%swap3A_333, %swap3A_334] {strides = array<i32>} : memref<80x128xf32, #tpu.memory_space<vmem>>, vector<1x16xf32>,
      %swap3A_336 = vector.shape_cast %swap3A_335 : vector<1x16xf32> to vector<16xf32>
      %swap3A_337 = vector.shape_cast %broadcast_in_dim3A_332 : vector<16xf32> to vector<1x16xf32>
      tpu.vector_store %arg8[%swap3A_333, %swap3A_334], %swap3A_337 {strides = array<i32>} : memref<80x128xf32, #tpu.memory_space<vmem>>, vector<1x16xf32>,
      %broadcast_in_dim3A_338 = arith.constant 0.000000e+00 : f32
      %broadcast_in_dim3A_339 = vector.broadcast %broadcast_in_dim3A_338 : f32 to vector<16xf32>
      %swap3A_340 = arith.index_cast %scan3A_297 : i32 to index
      %swap3A_341 = arith.constant 96 : index
      %swap3A_342 = tpu.vector_load %arg8[%swap3A_340, %swap3A_341] {strides = array<i32>} : memref<80x128xf32, #tpu.memory_space<vmem>>, vector<1x16xf32>,
      %swap3A_343 = vector.shape_cast %swap3A_342 : vector<1x16xf32> to vector<16xf32>
      %swap3A_344 = vector.shape_cast %broadcast_in_dim3A_339 : vector<16xf32> to vector<1x16xf32>
      tpu.vector_store %arg8[%swap3A_340, %swap3A_341], %swap3A_344 {strides = array<i32>} : memref<80x128xf32, #tpu.memory_space<vmem>>, vector<1x16xf32>,
      %broadcast_in_dim3A_345 = arith.constant 0.000000e+00 : f32
      %broadcast_in_dim3A_346 = vector.broadcast %broadcast_in_dim3A_345 : f32 to vector<16xf32>
      %swap3A_347 = arith.index_cast %scan3A_297 : i32 to index
      %swap3A_348 = arith.constant 112 : index
      %swap3A_349 = tpu.vector_load %arg8[%swap3A_347, %swap3A_348] {strides = array<i32>} : memref<80x128xf32, #tpu.memory_space<vmem>>, vector<1x16xf32>,
      %swap3A_350 = vector.shape_cast %swap3A_349 : vector<1x16xf32> to vector<16xf32>
      %swap3A_351 = vector.shape_cast %broadcast_in_dim3A_346 : vector<16xf32> to vector<1x16xf32>
      tpu.vector_store %arg8[%swap3A_347, %swap3A_348], %swap3A_351 {strides = array<i32>} : memref<80x128xf32, #tpu.memory_space<vmem>>, vector<1x16xf32>,
    }
    %scan3A_4 = arith.constant 80 : i32
    %mul3A = arith.constant 640 : i32
    %mul3A_5 = arith.muli %arg1, %mul3A : i32
    %add3A = arith.constant 0 : i32
    %add3A_6 = arith.addi %mul3A_5, %add3A : i32
    %dma_start3A = arith.constant 0 : i32
    %dma_start3A_7 = tpu.memref_slice %arg5[%add3A_6, %dma_start3A] : memref<10240x128xf32, #tpu.memory_space<vmem_shared>> -> memref<80x128xf32, #tpu.memory_space<vmem_shared>>
    %dma_start3A_8 = arith.constant 0 : i32
    %dma_start3A_9 = tpu.memref_slice %arg5[%add3A_6, %dma_start3A_8] : memref<10240x128xf32, #tpu.memory_space<vmem_shared>> -> memref<80x128xf32, #tpu.memory_space<vmem_shared>>
    tpu.enqueue_dma source(%arg8 : memref<80x128xf32, #tpu.memory_space<vmem>>) target(%dma_start3A_9 : memref<80x128xf32, #tpu.memory_space<vmem_shared>>) target_semaphore(%arg10 : memref<!tpu.dma_semaphore, #tpu.memory_space<semaphore_mem>>)
    %mul3A_10 = arith.constant 640 : i32
    %mul3A_11 = arith.muli %arg1, %mul3A_10 : i32
    %add3A_12 = arith.constant 80 : i32
    %add3A_13 = arith.addi %mul3A_11, %add3A_12 : i32
    %dma_start3A_14 = arith.constant 0 : i32
    %dma_start3A_15 = tpu.memref_slice %arg5[%add3A_13, %dma_start3A_14] : memref<10240x128xf32, #tpu.memory_space<vmem_shared>> -> memref<80x128xf32, #tpu.memory_space<vmem_shared>>
    %dma_start3A_16 = arith.constant 0 : i32
    %dma_start3A_17 = tpu.memref_slice %arg5[%add3A_13, %dma_start3A_16] : memref<10240x128xf32, #tpu.memory_space<vmem_shared>> -> memref<80x128xf32, #tpu.memory_space<vmem_shared>>
    tpu.enqueue_dma source(%arg8 : memref<80x128xf32, #tpu.memory_space<vmem>>) target(%dma_start3A_17 : memref<80x128xf32, #tpu.memory_space<vmem_shared>>) target_semaphore(%arg10 : memref<!tpu.dma_semaphore, #tpu.memory_space<semaphore_mem>>)
    %mul3A_18 = arith.constant 640 : i32
    %mul3A_19 = arith.muli %arg1, %mul3A_18 : i32
    %add3A_20 = arith.constant 160 : i32
    %add3A_21 = arith.addi %mul3A_19, %add3A_20 : i32
    %dma_start3A_22 = arith.constant 0 : i32
    %dma_start3A_23 = tpu.memref_slice %arg5[%add3A_21, %dma_start3A_22] : memref<10240x128xf32, #tpu.memory_space<vmem_shared>> -> memref<80x128xf32, #tpu.memory_space<vmem_shared>>
    %dma_start3A_24 = arith.constant 0 : i32
    %dma_start3A_25 = tpu.memref_slice %arg5[%add3A_21, %dma_start3A_24] : memref<10240x128xf32, #tpu.memory_space<vmem_shared>> -> memref<80x128xf32, #tpu.memory_space<vmem_shared>>
    tpu.enqueue_dma source(%arg8 : memref<80x128xf32, #tpu.memory_space<vmem>>) target(%dma_start3A_25 : memref<80x128xf32, #tpu.memory_space<vmem_shared>>) target_semaphore(%arg10 : memref<!tpu.dma_semaphore, #tpu.memory_space<semaphore_mem>>)
    %mul3A_26 = arith.constant 640 : i32
    %mul3A_27 = arith.muli %arg1, %mul3A_26 : i32
    %add3A_28 = arith.constant 240 : i32
    %add3A_29 = arith.addi %mul3A_27, %add3A_28 : i32
    %dma_start3A_30 = arith.constant 0 : i32
    %dma_start3A_31 = tpu.memref_slice %arg5[%add3A_29, %dma_start3A_30] : memref<10240x128xf32, #tpu.memory_space<vmem_shared>> -> memref<80x128xf32, #tpu.memory_space<vmem_shared>>
    %dma_start3A_32 = arith.constant 0 : i32
    %dma_start3A_33 = tpu.memref_slice %arg5[%add3A_29, %dma_start3A_32] : memref<10240x128xf32, #tpu.memory_space<vmem_shared>> -> memref<80x128xf32, #tpu.memory_space<vmem_shared>>
    tpu.enqueue_dma source(%arg8 : memref<80x128xf32, #tpu.memory_space<vmem>>) target(%dma_start3A_33 : memref<80x128xf32, #tpu.memory_space<vmem_shared>>) target_semaphore(%arg10 : memref<!tpu.dma_semaphore, #tpu.memory_space<semaphore_mem>>)
    %mul3A_34 = arith.constant 640 : i32
    %mul3A_35 = arith.muli %arg1, %mul3A_34 : i32
    %add3A_36 = arith.constant 320 : i32
    %add3A_37 = arith.addi %mul3A_35, %add3A_36 : i32
    %dma_start3A_38 = arith.constant 0 : i32
    %dma_start3A_39 = tpu.memref_slice %arg5[%add3A_37, %dma_start3A_38] : memref<10240x128xf32, #tpu.memory_space<vmem_shared>> -> memref<80x128xf32, #tpu.memory_space<vmem_shared>>
    %dma_start3A_40 = arith.constant 0 : i32
    %dma_start3A_41 = tpu.memref_slice %arg5[%add3A_37, %dma_start3A_40] : memref<10240x128xf32, #tpu.memory_space<vmem_shared>> -> memref<80x128xf32, #tpu.memory_space<vmem_shared>>
    tpu.enqueue_dma source(%arg8 : memref<80x128xf32, #tpu.memory_space<vmem>>) target(%dma_start3A_41 : memref<80x128xf32, #tpu.memory_space<vmem_shared>>) target_semaphore(%arg10 : memref<!tpu.dma_semaphore, #tpu.memory_space<semaphore_mem>>)
    %mul3A_42 = arith.constant 640 : i32
    %mul3A_43 = arith.muli %arg1, %mul3A_42 : i32
    %add3A_44 = arith.constant 400 : i32
    %add3A_45 = arith.addi %mul3A_43, %add3A_44 : i32
    %dma_start3A_46 = arith.constant 0 : i32
    %dma_start3A_47 = tpu.memref_slice %arg5[%add3A_45, %dma_start3A_46] : memref<10240x128xf32, #tpu.memory_space<vmem_shared>> -> memref<80x128xf32, #tpu.memory_space<vmem_shared>>
    %dma_start3A_48 = arith.constant 0 : i32
    %dma_start3A_49 = tpu.memref_slice %arg5[%add3A_45, %dma_start3A_48] : memref<10240x128xf32, #tpu.memory_space<vmem_shared>> -> memref<80x128xf32, #tpu.memory_space<vmem_shared>>
    tpu.enqueue_dma source(%arg8 : memref<80x128xf32, #tpu.memory_space<vmem>>) target(%dma_start3A_49 : memref<80x128xf32, #tpu.memory_space<vmem_shared>>) target_semaphore(%arg10 : memref<!tpu.dma_semaphore, #tpu.memory_space<semaphore_mem>>)
    %mul3A_50 = arith.constant 640 : i32
    %mul3A_51 = arith.muli %arg1, %mul3A_50 : i32
    %add3A_52 = arith.constant 480 : i32
    %add3A_53 = arith.addi %mul3A_51, %add3A_52 : i32
    %dma_start3A_54 = arith.constant 0 : i32
    %dma_start3A_55 = tpu.memref_slice %arg5[%add3A_53, %dma_start3A_54] : memref<10240x128xf32, #tpu.memory_space<vmem_shared>> -> memref<80x128xf32, #tpu.memory_space<vmem_shared>>
    %dma_start3A_56 = arith.constant 0 : i32
    %dma_start3A_57 = tpu.memref_slice %arg5[%add3A_53, %dma_start3A_56] : memref<10240x128xf32, #tpu.memory_space<vmem_shared>> -> memref<80x128xf32, #tpu.memory_space<vmem_shared>>
    tpu.enqueue_dma source(%arg8 : memref<80x128xf32, #tpu.memory_space<vmem>>) target(%dma_start3A_57 : memref<80x128xf32, #tpu.memory_space<vmem_shared>>) target_semaphore(%arg10 : memref<!tpu.dma_semaphore, #tpu.memory_space<semaphore_mem>>)
    %mul3A_58 = arith.constant 640 : i32
    %mul3A_59 = arith.muli %arg1, %mul3A_58 : i32
    %add3A_60 = arith.constant 560 : i32
    %add3A_61 = arith.addi %mul3A_59, %add3A_60 : i32
    %dma_start3A_62 = arith.constant 0 : i32
    %dma_start3A_63 = tpu.memref_slice %arg5[%add3A_61, %dma_start3A_62] : memref<10240x128xf32, #tpu.memory_space<vmem_shared>> -> memref<80x128xf32, #tpu.memory_space<vmem_shared>>
    %dma_start3A_64 = arith.constant 0 : i32
    %dma_start3A_65 = tpu.memref_slice %arg5[%add3A_61, %dma_start3A_64] : memref<10240x128xf32, #tpu.memory_space<vmem_shared>> -> memref<80x128xf32, #tpu.memory_space<vmem_shared>>
    tpu.enqueue_dma source(%arg8 : memref<80x128xf32, #tpu.memory_space<vmem>>) target(%dma_start3A_65 : memref<80x128xf32, #tpu.memory_space<vmem_shared>>) target_semaphore(%arg10 : memref<!tpu.dma_semaphore, #tpu.memory_space<semaphore_mem>>)
    %mul3A_66 = arith.constant 160000 : i32
    %mul3A_67 = arith.muli %arg0, %mul3A_66 : i32
    %mul3A_68 = arith.constant 10000 : i32
    %mul3A_69 = arith.muli %arg1, %mul3A_68 : i32
    %add3A_70 = arith.addi %mul3A_67, %mul3A_69 : i32
    %add3A_71 = arith.constant 320000 : i32
    %add3A_72 = arith.addi %add3A_71, %add3A_70 : i32
    "tpu.region"() ({
      %run_scoped3A_297 = tpu.sem_alloc : memref<!tpu.dma_semaphore, #tpu.memory_space<semaphore_mem>>
      %dma_start3A_298 = tpu.memref_slice %arg3[%add3A_72] : memref<640000xi32, #tpu.memory_space<hbm>> -> memref<10000xi32, #tpu.memory_space<hbm>>
      %dma_start3A_299 = tpu.memref_slice %arg3[%add3A_72] : memref<640000xi32, #tpu.memory_space<hbm>> -> memref<10000xi32, #tpu.memory_space<hbm>>
      tpu.enqueue_dma source(%dma_start3A_299 : memref<10000xi32, #tpu.memory_space<hbm>>) target(%arg6 : memref<10000xi32, #tpu.memory_space<vmem>>) target_semaphore(%run_scoped3A_297 : memref<!tpu.dma_semaphore, #tpu.memory_space<semaphore_mem>>)
      %dma_wait3A_300 = tpu.memref_slice %arg3[%add3A_72] : memref<640000xi32, #tpu.memory_space<hbm>> -> memref<10000xi32, #tpu.memory_space<hbm>>
      %dma_wait3A_301 = tpu.memref_slice %arg3[%add3A_72] : memref<640000xi32, #tpu.memory_space<hbm>> -> memref<10000xi32, #tpu.memory_space<hbm>>
      tpu.wait_dma2 semaphore(%run_scoped3A_297 : memref<!tpu.dma_semaphore, #tpu.memory_space<semaphore_mem>>) src(%dma_wait3A_301 : memref<10000xi32, #tpu.memory_space<hbm>>) dst(%arg6 : memref<10000xi32, #tpu.memory_space<vmem>>)
      tpu.yield
    }) : () -> ()
    %scan3A_73 = arith.constant 0 : i32
    %scan3A_74 = arith.constant 0 : i32
    %scan3A_75 = arith.constant 125 : i32
    %scan3A_76 = arith.addi %scan3A_74, %scan3A_75 : i32
    %scan3A_77 = arith.constant 1 : i32
    scf.for %scan3A_297 = %scan3A_74 to %scan3A_76 step %scan3A_77  : i32 {
      %mul3A_298 = arith.constant 80 : i32
      %mul3A_299 = arith.muli %scan3A_297, %mul3A_298 : i32
      %add3A_300 = arith.constant 0 : i32
      %add3A_301 = arith.addi %mul3A_299, %add3A_300 : i32
      %get3A = arith.index_cast %add3A_301 : i32 to index
      %get3A_302 = tpu.vector_load %arg6[%get3A] {strides = array<i32>} : memref<10000xi32, #tpu.memory_space<vmem>>, vector<16xi32>,
      %get3A_303 = vector.shape_cast %get3A_302 : vector<16xi32> to vector<16xi32>
      %swap3A = arith.index_cast %scan3A_297 : i32 to index
      %swap3A_304 = arith.constant 0 : index
      %swap3A_305 = tpu.vector_load %arg7[%swap3A, %swap3A_304] {strides = array<i32>} : memref<125x80xi32, #tpu.memory_space<vmem>>, vector<1x16xi32>,
      %swap3A_306 = vector.shape_cast %swap3A_305 : vector<1x16xi32> to vector<16xi32>
      %swap3A_307 = vector.shape_cast %get3A_303 : vector<16xi32> to vector<1x16xi32>
      tpu.vector_store %arg7[%swap3A, %swap3A_304], %swap3A_307 {strides = array<i32>} : memref<125x80xi32, #tpu.memory_space<vmem>>, vector<1x16xi32>,
      %mul3A_308 = arith.constant 80 : i32
      %mul3A_309 = arith.muli %scan3A_297, %mul3A_308 : i32
      %add3A_310 = arith.constant 16 : i32
      %add3A_311 = arith.addi %mul3A_309, %add3A_310 : i32
      %get3A_312 = arith.index_cast %add3A_311 : i32 to index
      %get3A_313 = tpu.vector_load %arg6[%get3A_312] {strides = array<i32>} : memref<10000xi32, #tpu.memory_space<vmem>>, vector<16xi32>,
      %get3A_314 = vector.shape_cast %get3A_313 : vector<16xi32> to vector<16xi32>
      %swap3A_315 = arith.index_cast %scan3A_297 : i32 to index
      %swap3A_316 = arith.constant 16 : index
      %swap3A_317 = tpu.vector_load %arg7[%swap3A_315, %swap3A_316] {strides = array<i32>} : memref<125x80xi32, #tpu.memory_space<vmem>>, vector<1x16xi32>,
      %swap3A_318 = vector.shape_cast %swap3A_317 : vector<1x16xi32> to vector<16xi32>
      %swap3A_319 = vector.shape_cast %get3A_314 : vector<16xi32> to vector<1x16xi32>
      tpu.vector_store %arg7[%swap3A_315, %swap3A_316], %swap3A_319 {strides = array<i32>} : memref<125x80xi32, #tpu.memory_space<vmem>>, vector<1x16xi32>,
      %mul3A_320 = arith.constant 80 : i32
      %mul3A_321 = arith.muli %scan3A_297, %mul3A_320 : i32
      %add3A_322 = arith.constant 32 : i32
      %add3A_323 = arith.addi %mul3A_321, %add3A_322 : i32
      %get3A_324 = arith.index_cast %add3A_323 : i32 to index
      %get3A_325 = tpu.vector_load %arg6[%get3A_324] {strides = array<i32>} : memref<10000xi32, #tpu.memory_space<vmem>>, vector<16xi32>,
      %get3A_326 = vector.shape_cast %get3A_325 : vector<16xi32> to vector<16xi32>
      %swap3A_327 = arith.index_cast %scan3A_297 : i32 to index
      %swap3A_328 = arith.constant 32 : index
      %swap3A_329 = tpu.vector_load %arg7[%swap3A_327, %swap3A_328] {strides = array<i32>} : memref<125x80xi32, #tpu.memory_space<vmem>>, vector<1x16xi32>,
      %swap3A_330 = vector.shape_cast %swap3A_329 : vector<1x16xi32> to vector<16xi32>
      %swap3A_331 = vector.shape_cast %get3A_326 : vector<16xi32> to vector<1x16xi32>
      tpu.vector_store %arg7[%swap3A_327, %swap3A_328], %swap3A_331 {strides = array<i32>} : memref<125x80xi32, #tpu.memory_space<vmem>>, vector<1x16xi32>,
      %mul3A_332 = arith.constant 80 : i32
      %mul3A_333 = arith.muli %scan3A_297, %mul3A_332 : i32
      %add3A_334 = arith.constant 48 : i32
      %add3A_335 = arith.addi %mul3A_333, %add3A_334 : i32
      %get3A_336 = arith.index_cast %add3A_335 : i32 to index
      %get3A_337 = tpu.vector_load %arg6[%get3A_336] {strides = array<i32>} : memref<10000xi32, #tpu.memory_space<vmem>>, vector<16xi32>,
      %get3A_338 = vector.shape_cast %get3A_337 : vector<16xi32> to vector<16xi32>
      %swap3A_339 = arith.index_cast %scan3A_297 : i32 to index
      %swap3A_340 = arith.constant 48 : index
      %swap3A_341 = tpu.vector_load %arg7[%swap3A_339, %swap3A_340] {strides = array<i32>} : memref<125x80xi32, #tpu.memory_space<vmem>>, vector<1x16xi32>,
      %swap3A_342 = vector.shape_cast %swap3A_341 : vector<1x16xi32> to vector<16xi32>
      %swap3A_343 = vector.shape_cast %get3A_338 : vector<16xi32> to vector<1x16xi32>
      tpu.vector_store %arg7[%swap3A_339, %swap3A_340], %swap3A_343 {strides = array<i32>} : memref<125x80xi32, #tpu.memory_space<vmem>>, vector<1x16xi32>,
      %mul3A_344 = arith.constant 80 : i32
      %mul3A_345 = arith.muli %scan3A_297, %mul3A_344 : i32
      %add3A_346 = arith.constant 64 : i32
      %add3A_347 = arith.addi %mul3A_345, %add3A_346 : i32
      %get3A_348 = arith.index_cast %add3A_347 : i32 to index
      %get3A_349 = tpu.vector_load %arg6[%get3A_348] {strides = array<i32>} : memref<10000xi32, #tpu.memory_space<vmem>>, vector<16xi32>,
      %get3A_350 = vector.shape_cast %get3A_349 : vector<16xi32> to vector<16xi32>
      %swap3A_351 = arith.index_cast %scan3A_297 : i32 to index
      %swap3A_352 = arith.constant 64 : index
      %swap3A_353 = tpu.vector_load %arg7[%swap3A_351, %swap3A_352] {strides = array<i32>} : memref<125x80xi32, #tpu.memory_space<vmem>>, vector<1x16xi32>,
      %swap3A_354 = vector.shape_cast %swap3A_353 : vector<1x16xi32> to vector<16xi32>
      %swap3A_355 = vector.shape_cast %get3A_350 : vector<16xi32> to vector<1x16xi32>
      tpu.vector_store %arg7[%swap3A_351, %swap3A_352], %swap3A_355 {strides = array<i32>} : memref<125x80xi32, #tpu.memory_space<vmem>>, vector<1x16xi32>,
    }
    %scan3A_78 = arith.constant 125 : i32
    "tpu.region"() ({
      %run_scoped3A_297 = tpu.sem_alloc : memref<!tpu.dma_semaphore, #tpu.memory_space<semaphore_mem>>
      %dma_start3A_298 = tpu.memref_slice %arg3[%add3A_70] : memref<640000xi32, #tpu.memory_space<hbm>> -> memref<10000xi32, #tpu.memory_space<hbm>>
      %dma_start3A_299 = tpu.memref_slice %arg3[%add3A_70] : memref<640000xi32, #tpu.memory_space<hbm>> -> memref<10000xi32, #tpu.memory_space<hbm>>
      tpu.enqueue_dma source(%dma_start3A_299 : memref<10000xi32, #tpu.memory_space<hbm>>) target(%arg6 : memref<10000xi32, #tpu.memory_space<vmem>>) target_semaphore(%run_scoped3A_297 : memref<!tpu.dma_semaphore, #tpu.memory_space<semaphore_mem>>)
      %dma_wait3A_300 = tpu.memref_slice %arg3[%add3A_70] : memref<640000xi32, #tpu.memory_space<hbm>> -> memref<10000xi32, #tpu.memory_space<hbm>>
      %dma_wait3A_301 = tpu.memref_slice %arg3[%add3A_70] : memref<640000xi32, #tpu.memory_space<hbm>> -> memref<10000xi32, #tpu.memory_space<hbm>>
      tpu.wait_dma2 semaphore(%run_scoped3A_297 : memref<!tpu.dma_semaphore, #tpu.memory_space<semaphore_mem>>) src(%dma_wait3A_301 : memref<10000xi32, #tpu.memory_space<hbm>>) dst(%arg6 : memref<10000xi32, #tpu.memory_space<vmem>>)
      tpu.yield
    }) : () -> ()
    %mul3A_79 = arith.constant 640 : i32
    %mul3A_80 = arith.muli %arg1, %mul3A_79 : i32
    %dma_wait3A = arith.constant 0 : i32
    %dma_wait3A_81 = tpu.memref_slice %arg5[%mul3A_80, %dma_wait3A] : memref<10240x128xf32, #tpu.memory_space<vmem_shared>> -> memref<80x128xf32, #tpu.memory_space<vmem_shared>>
    %dma_wait3A_82 = arith.constant 0 : i32
    %dma_wait3A_83 = tpu.memref_slice %arg5[%mul3A_80, %dma_wait3A_82] : memref<10240x128xf32, #tpu.memory_space<vmem_shared>> -> memref<80x128xf32, #tpu.memory_space<vmem_shared>>
    tpu.wait_dma2 semaphore(%arg10 : memref<!tpu.dma_semaphore, #tpu.memory_space<semaphore_mem>>) src(%arg8 : memref<80x128xf32, #tpu.memory_space<vmem>>) dst(%dma_wait3A_83 : memref<80x128xf32, #tpu.memory_space<vmem_shared>>)
    %mul3A_84 = arith.constant 640 : i32
    %mul3A_85 = arith.muli %arg1, %mul3A_84 : i32
    %dma_wait3A_86 = arith.constant 0 : i32
    %dma_wait3A_87 = tpu.memref_slice %arg5[%mul3A_85, %dma_wait3A_86] : memref<10240x128xf32, #tpu.memory_space<vmem_shared>> -> memref<80x128xf32, #tpu.memory_space<vmem_shared>>
    %dma_wait3A_88 = arith.constant 0 : i32
    %dma_wait3A_89 = tpu.memref_slice %arg5[%mul3A_85, %dma_wait3A_88] : memref<10240x128xf32, #tpu.memory_space<vmem_shared>> -> memref<80x128xf32, #tpu.memory_space<vmem_shared>>
    tpu.wait_dma2 semaphore(%arg10 : memref<!tpu.dma_semaphore, #tpu.memory_space<semaphore_mem>>) src(%arg8 : memref<80x128xf32, #tpu.memory_space<vmem>>) dst(%dma_wait3A_89 : memref<80x128xf32, #tpu.memory_space<vmem_shared>>)
    %mul3A_90 = arith.constant 640 : i32
    %mul3A_91 = arith.muli %arg1, %mul3A_90 : i32
    %dma_wait3A_92 = arith.constant 0 : i32
    %dma_wait3A_93 = tpu.memref_slice %arg5[%mul3A_91, %dma_wait3A_92] : memref<10240x128xf32, #tpu.memory_space<vmem_shared>> -> memref<80x128xf32, #tpu.memory_space<vmem_shared>>
    %dma_wait3A_94 = arith.constant 0 : i32
    %dma_wait3A_95 = tpu.memref_slice %arg5[%mul3A_91, %dma_wait3A_94] : memref<10240x128xf32, #tpu.memory_space<vmem_shared>> -> memref<80x128xf32, #tpu.memory_space<vmem_shared>>
    tpu.wait_dma2 semaphore(%arg10 : memref<!tpu.dma_semaphore, #tpu.memory_space<semaphore_mem>>) src(%arg8 : memref<80x128xf32, #tpu.memory_space<vmem>>) dst(%dma_wait3A_95 : memref<80x128xf32, #tpu.memory_space<vmem_shared>>)
    %mul3A_96 = arith.constant 640 : i32
    %mul3A_97 = arith.muli %arg1, %mul3A_96 : i32
    %dma_wait3A_98 = arith.constant 0 : i32
    %dma_wait3A_99 = tpu.memref_slice %arg5[%mul3A_97, %dma_wait3A_98] : memref<10240x128xf32, #tpu.memory_space<vmem_shared>> -> memref<80x128xf32, #tpu.memory_space<vmem_shared>>
    %dma_wait3A_100 = arith.constant 0 : i32
    %dma_wait3A_101 = tpu.memref_slice %arg5[%mul3A_97, %dma_wait3A_100] : memref<10240x128xf32, #tpu.memory_space<vmem_shared>> -> memref<80x128xf32, #tpu.memory_space<vmem_shared>>
    tpu.wait_dma2 semaphore(%arg10 : memref<!tpu.dma_semaphore, #tpu.memory_space<semaphore_mem>>) src(%arg8 : memref<80x128xf32, #tpu.memory_space<vmem>>) dst(%dma_wait3A_101 : memref<80x128xf32, #tpu.memory_space<vmem_shared>>)
    %mul3A_102 = arith.constant 640 : i32
    %mul3A_103 = arith.muli %arg1, %mul3A_102 : i32
    %dma_wait3A_104 = arith.constant 0 : i32
    %dma_wait3A_105 = tpu.memref_slice %arg5[%mul3A_103, %dma_wait3A_104] : memref<10240x128xf32, #tpu.memory_space<vmem_shared>> -> memref<80x128xf32, #tpu.memory_space<vmem_shared>>
    %dma_wait3A_106 = arith.constant 0 : i32
    %dma_wait3A_107 = tpu.memref_slice %arg5[%mul3A_103, %dma_wait3A_106] : memref<10240x128xf32, #tpu.memory_space<vmem_shared>> -> memref<80x128xf32, #tpu.memory_space<vmem_shared>>
    tpu.wait_dma2 semaphore(%arg10 : memref<!tpu.dma_semaphore, #tpu.memory_space<semaphore_mem>>) src(%arg8 : memref<80x128xf32, #tpu.memory_space<vmem>>) dst(%dma_wait3A_107 : memref<80x128xf32, #tpu.memory_space<vmem_shared>>)
    %mul3A_108 = arith.constant 640 : i32
    %mul3A_109 = arith.muli %arg1, %mul3A_108 : i32
    %dma_wait3A_110 = arith.constant 0 : i32
    %dma_wait3A_111 = tpu.memref_slice %arg5[%mul3A_109, %dma_wait3A_110] : memref<10240x128xf32, #tpu.memory_space<vmem_shared>> -> memref<80x128xf32, #tpu.memory_space<vmem_shared>>
    %dma_wait3A_112 = arith.constant 0 : i32
    %dma_wait3A_113 = tpu.memref_slice %arg5[%mul3A_109, %dma_wait3A_112] : memref<10240x128xf32, #tpu.memory_space<vmem_shared>> -> memref<80x128xf32, #tpu.memory_space<vmem_shared>>
    tpu.wait_dma2 semaphore(%arg10 : memref<!tpu.dma_semaphore, #tpu.memory_space<semaphore_mem>>) src(%arg8 : memref<80x128xf32, #tpu.memory_space<vmem>>) dst(%dma_wait3A_113 : memref<80x128xf32, #tpu.memory_space<vmem_shared>>)
    %mul3A_114 = arith.constant 640 : i32
    %mul3A_115 = arith.muli %arg1, %mul3A_114 : i32
    %dma_wait3A_116 = arith.constant 0 : i32
    %dma_wait3A_117 = tpu.memref_slice %arg5[%mul3A_115, %dma_wait3A_116] : memref<10240x128xf32, #tpu.memory_space<vmem_shared>> -> memref<80x128xf32, #tpu.memory_space<vmem_shared>>
    %dma_wait3A_118 = arith.constant 0 : i32
    %dma_wait3A_119 = tpu.memref_slice %arg5[%mul3A_115, %dma_wait3A_118] : memref<10240x128xf32, #tpu.memory_space<vmem_shared>> -> memref<80x128xf32, #tpu.memory_space<vmem_shared>>
    tpu.wait_dma2 semaphore(%arg10 : memref<!tpu.dma_semaphore, #tpu.memory_space<semaphore_mem>>) src(%arg8 : memref<80x128xf32, #tpu.memory_space<vmem>>) dst(%dma_wait3A_119 : memref<80x128xf32, #tpu.memory_space<vmem_shared>>)
    %mul3A_120 = arith.constant 640 : i32
    %mul3A_121 = arith.muli %arg1, %mul3A_120 : i32
    %dma_wait3A_122 = arith.constant 0 : i32
    %dma_wait3A_123 = tpu.memref_slice %arg5[%mul3A_121, %dma_wait3A_122] : memref<10240x128xf32, #tpu.memory_space<vmem_shared>> -> memref<80x128xf32, #tpu.memory_space<vmem_shared>>
    %dma_wait3A_124 = arith.constant 0 : i32
    %dma_wait3A_125 = tpu.memref_slice %arg5[%mul3A_121, %dma_wait3A_124] : memref<10240x128xf32, #tpu.memory_space<vmem_shared>> -> memref<80x128xf32, #tpu.memory_space<vmem_shared>>
    tpu.wait_dma2 semaphore(%arg10 : memref<!tpu.dma_semaphore, #tpu.memory_space<semaphore_mem>>) src(%arg8 : memref<80x128xf32, #tpu.memory_space<vmem>>) dst(%dma_wait3A_125 : memref<80x128xf32, #tpu.memory_space<vmem_shared>>)
    %dma_start3A_126 = arith.constant 0 : i32
    %dma_start3A_127 = tpu.memref_slice %arg6[%dma_start3A_126] : memref<10000xi32, #tpu.memory_space<vmem>> -> memref<80xi32, #tpu.memory_space<vmem>>
    %dma_start3A_128 = arith.constant 0 : i32
    %dma_start3A_129 = arith.constant 0 : i32
    %dma_start3A_130 = tpu.memref_slice %arg2[%dma_start3A_128, %dma_start3A_129] : memref<10240x128xf32, #tpu.memory_space<hbm>> -> memref<10240x128xf32, #tpu.memory_space<hbm>>
    tpu.enqueue_indirect_dma source(%dma_start3A_130 : memref<10240x128xf32, #tpu.memory_space<hbm>>) target(%arg8 : memref<80x128xf32, #tpu.memory_space<vmem>>) offsets(%dma_start3A_127 : memref<80xi32, #tpu.memory_space<vmem>>) semaphore(%arg10 : memref<!tpu.dma_semaphore, #tpu.memory_space<semaphore_mem>>)
    %dma_start3A_131 = arith.constant 80 : i32
    %dma_start3A_132 = tpu.memref_slice %arg6[%dma_start3A_131] : memref<10000xi32, #tpu.memory_space<vmem>> -> memref<80xi32, #tpu.memory_space<vmem>>
    %dma_start3A_133 = arith.constant 0 : i32
    %dma_start3A_134 = arith.constant 0 : i32
    %dma_start3A_135 = tpu.memref_slice %arg2[%dma_start3A_133, %dma_start3A_134] : memref<10240x128xf32, #tpu.memory_space<hbm>> -> memref<10240x128xf32, #tpu.memory_space<hbm>>
    tpu.enqueue_indirect_dma source(%dma_start3A_135 : memref<10240x128xf32, #tpu.memory_space<hbm>>) target(%arg9 : memref<80x128xf32, #tpu.memory_space<vmem>>) offsets(%dma_start3A_132 : memref<80xi32, #tpu.memory_space<vmem>>) semaphore(%arg11 : memref<!tpu.dma_semaphore, #tpu.memory_space<semaphore_mem>>)
    %barrier3A = arith.constant 0 : index
    tpu.barrier barrier_id(%barrier3A)
    %scan3A_136 = arith.constant 0 : i32
    %scan3A_137 = arith.constant 0 : i32
    %scan3A_138 = arith.constant 62 : i32
    %scan3A_139 = arith.addi %scan3A_137, %scan3A_138 : i32
    %scan3A_140 = arith.constant 1 : i32
    scf.for %scan3A_297 = %scan3A_137 to %scan3A_139 step %scan3A_140  : i32 {
      %mul3A_298 = arith.constant 2 : i32
      %mul3A_299 = arith.muli %scan3A_297, %mul3A_298 : i32
      %add3A_300 = arith.constant 0 : i32
      %add3A_301 = arith.addi %mul3A_299, %add3A_300 : i32
      %mul3A_302 = arith.constant 80 : i32
      %mul3A_303 = arith.muli %add3A_301, %mul3A_302 : i32
      %dma_wait3A_304 = tpu.memref_slice %arg6[%mul3A_303] : memref<10000xi32, #tpu.memory_space<vmem>> -> memref<80xi32, #tpu.memory_space<vmem>>
      %dma_wait3A_305 = arith.constant 0 : i32
      %dma_wait3A_306 = arith.constant 0 : i32
      %dma_wait3A_307 = tpu.memref_slice %arg2[%dma_wait3A_305, %dma_wait3A_306] : memref<10240x128xf32, #tpu.memory_space<hbm>> -> memref<10240x128xf32, #tpu.memory_space<hbm>>
      tpu.wait_indirect_dma semaphore(%arg10 : memref<!tpu.dma_semaphore, #tpu.memory_space<semaphore_mem>>) src(%dma_wait3A_307 : memref<10240x128xf32, #tpu.memory_space<hbm>>) dst(%arg8 : memref<80x128xf32, #tpu.memory_space<vmem>>)
      "tpu.region"() ({
        %run_scoped3A_329 = tpu.sem_alloc : memref<!tpu.dma_semaphore, #tpu.memory_space<semaphore_mem>>
        %dma_start3A_330 = arith.constant 0 : i32
        %dma_start3A_331 = tpu.memref_slice %arg7[%add3A_301, %dma_start3A_330] : memref<125x80xi32, #tpu.memory_space<vmem>> -> memref<1x80xi32, #tpu.memory_space<vmem>>
        %dma_start3A_332 = tpu.memref_squeeze %dma_start3A_331 : memref<1x80xi32, #tpu.memory_space<vmem>> -> memref<80xi32, #tpu.memory_space<vmem>>
        %dma_start3A_333 = arith.constant 0 : i32
        %dma_start3A_334 = arith.constant 0 : i32
        %dma_start3A_335 = tpu.memref_slice %arg5[%dma_start3A_333, %dma_start3A_334] : memref<10240x128xf32, #tpu.memory_space<vmem_shared>> -> memref<10240x128xf32, #tpu.memory_space<vmem_shared>>
        tpu.enqueue_indirect_dma source(%arg8 : memref<80x128xf32, #tpu.memory_space<vmem>>) target(%dma_start3A_335 : memref<10240x128xf32, #tpu.memory_space<vmem_shared>>) offsets(%dma_start3A_332 : memref<80xi32, #tpu.memory_space<vmem>>) semaphore(%run_scoped3A_329 : memref<!tpu.dma_semaphore, #tpu.memory_space<semaphore_mem>>) {add = true}
        %dma_wait3A_336 = arith.constant 0 : i32
        %dma_wait3A_337 = tpu.memref_slice %arg7[%add3A_301, %dma_wait3A_336] : memref<125x80xi32, #tpu.memory_space<vmem>> -> memref<1x80xi32, #tpu.memory_space<vmem>>
        %dma_wait3A_338 = tpu.memref_squeeze %dma_wait3A_337 : memref<1x80xi32, #tpu.memory_space<vmem>> -> memref<80xi32, #tpu.memory_space<vmem>>
        %dma_wait3A_339 = arith.constant 0 : i32
        %dma_wait3A_340 = arith.constant 0 : i32
        %dma_wait3A_341 = tpu.memref_slice %arg5[%dma_wait3A_339, %dma_wait3A_340] : memref<10240x128xf32, #tpu.memory_space<vmem_shared>> -> memref<10240x128xf32, #tpu.memory_space<vmem_shared>>
        tpu.wait_indirect_dma semaphore(%run_scoped3A_329 : memref<!tpu.dma_semaphore, #tpu.memory_space<semaphore_mem>>) src(%arg8 : memref<80x128xf32, #tpu.memory_space<vmem>>) dst(%dma_wait3A_341 : memref<10240x128xf32, #tpu.memory_space<vmem_shared>>)
        tpu.yield
      }) : () -> ()
      %add3A_308 = arith.constant 1 : i32
      %add3A_309 = arith.addi %scan3A_297, %add3A_308 : i32
      %lt3A = arith.constant 62 : i32
      %lt3A_310 = arith.cmpi slt, %add3A_309, %lt3A : i32
      %convert_element_type3A = arith.extui %lt3A_310 : i1 to i32
      %cond3A = arith.constant 0 : i32
      %cond3A_311 = arith.cmpi ne, %convert_element_type3A, %cond3A : i32
      scf.if %cond3A_311 {
        %add3A_329 = arith.constant 2 : i32
        %add3A_330 = arith.addi %add3A_301, %add3A_329 : i32
        %mul3A_331 = arith.constant 80 : i32
        %mul3A_332 = arith.muli %add3A_330, %mul3A_331 : i32
        %dma_start3A_333 = tpu.memref_slice %arg6[%mul3A_332] : memref<10000xi32, #tpu.memory_space<vmem>> -> memref<80xi32, #tpu.memory_space<vmem>>
        %dma_start3A_334 = arith.constant 0 : i32
        %dma_start3A_335 = arith.constant 0 : i32
        %dma_start3A_336 = tpu.memref_slice %arg2[%dma_start3A_334, %dma_start3A_335] : memref<10240x128xf32, #tpu.memory_space<hbm>> -> memref<10240x128xf32, #tpu.memory_space<hbm>>
        tpu.enqueue_indirect_dma source(%dma_start3A_336 : memref<10240x128xf32, #tpu.memory_space<hbm>>) target(%arg8 : memref<80x128xf32, #tpu.memory_space<vmem>>) offsets(%dma_start3A_333 : memref<80xi32, #tpu.memory_space<vmem>>) semaphore(%arg10 : memref<!tpu.dma_semaphore, #tpu.memory_space<semaphore_mem>>)
      } else {
      }
      %mul3A_312 = arith.constant 2 : i32
      %mul3A_313 = arith.muli %scan3A_297, %mul3A_312 : i32
      %add3A_314 = arith.constant 1 : i32
      %add3A_315 = arith.addi %mul3A_313, %add3A_314 : i32
      %mul3A_316 = arith.constant 80 : i32
      %mul3A_317 = arith.muli %add3A_315, %mul3A_316 : i32
      %dma_wait3A_318 = tpu.memref_slice %arg6[%mul3A_317] : memref<10000xi32, #tpu.memory_space<vmem>> -> memref<80xi32, #tpu.memory_space<vmem>>
      %dma_wait3A_319 = arith.constant 0 : i32
      %dma_wait3A_320 = arith.constant 0 : i32
      %dma_wait3A_321 = tpu.memref_slice %arg2[%dma_wait3A_319, %dma_wait3A_320] : memref<10240x128xf32, #tpu.memory_space<hbm>> -> memref<10240x128xf32, #tpu.memory_space<hbm>>
      tpu.wait_indirect_dma semaphore(%arg11 : memref<!tpu.dma_semaphore, #tpu.memory_space<semaphore_mem>>) src(%dma_wait3A_321 : memref<10240x128xf32, #tpu.memory_space<hbm>>) dst(%arg9 : memref<80x128xf32, #tpu.memory_space<vmem>>)
      "tpu.region"() ({
        %run_scoped3A_329 = tpu.sem_alloc : memref<!tpu.dma_semaphore, #tpu.memory_space<semaphore_mem>>
        %dma_start3A_330 = arith.constant 0 : i32
        %dma_start3A_331 = tpu.memref_slice %arg7[%add3A_315, %dma_start3A_330] : memref<125x80xi32, #tpu.memory_space<vmem>> -> memref<1x80xi32, #tpu.memory_space<vmem>>
        %dma_start3A_332 = tpu.memref_squeeze %dma_start3A_331 : memref<1x80xi32, #tpu.memory_space<vmem>> -> memref<80xi32, #tpu.memory_space<vmem>>
        %dma_start3A_333 = arith.constant 0 : i32
        %dma_start3A_334 = arith.constant 0 : i32
        %dma_start3A_335 = tpu.memref_slice %arg5[%dma_start3A_333, %dma_start3A_334] : memref<10240x128xf32, #tpu.memory_space<vmem_shared>> -> memref<10240x128xf32, #tpu.memory_space<vmem_shared>>
        tpu.enqueue_indirect_dma source(%arg9 : memref<80x128xf32, #tpu.memory_space<vmem>>) target(%dma_start3A_335 : memref<10240x128xf32, #tpu.memory_space<vmem_shared>>) offsets(%dma_start3A_332 : memref<80xi32, #tpu.memory_space<vmem>>) semaphore(%run_scoped3A_329 : memref<!tpu.dma_semaphore, #tpu.memory_space<semaphore_mem>>) {add = true}
        %dma_wait3A_336 = arith.constant 0 : i32
        %dma_wait3A_337 = tpu.memref_slice %arg7[%add3A_315, %dma_wait3A_336] : memref<125x80xi32, #tpu.memory_space<vmem>> -> memref<1x80xi32, #tpu.memory_space<vmem>>
        %dma_wait3A_338 = tpu.memref_squeeze %dma_wait3A_337 : memref<1x80xi32, #tpu.memory_space<vmem>> -> memref<80xi32, #tpu.memory_space<vmem>>
        %dma_wait3A_339 = arith.constant 0 : i32
        %dma_wait3A_340 = arith.constant 0 : i32
        %dma_wait3A_341 = tpu.memref_slice %arg5[%dma_wait3A_339, %dma_wait3A_340] : memref<10240x128xf32, #tpu.memory_space<vmem_shared>> -> memref<10240x128xf32, #tpu.memory_space<vmem_shared>>
        tpu.wait_indirect_dma semaphore(%run_scoped3A_329 : memref<!tpu.dma_semaphore, #tpu.memory_space<semaphore_mem>>) src(%arg9 : memref<80x128xf32, #tpu.memory_space<vmem>>) dst(%dma_wait3A_341 : memref<10240x128xf32, #tpu.memory_space<vmem_shared>>)
        tpu.yield
      }) : () -> ()
      %add3A_322 = arith.constant 1 : i32
      %add3A_323 = arith.addi %scan3A_297, %add3A_322 : i32
      %lt3A_324 = arith.constant 62 : i32
      %lt3A_325 = arith.cmpi slt, %add3A_323, %lt3A_324 : i32
      %convert_element_type3A_326 = arith.extui %lt3A_325 : i1 to i32
      %cond3A_327 = arith.constant 0 : i32
      %cond3A_328 = arith.cmpi ne, %convert_element_type3A_326, %cond3A_327 : i32
      scf.if %cond3A_328 {
        %add3A_329 = arith.constant 2 : i32
        %add3A_330 = arith.addi %add3A_315, %add3A_329 : i32
        %mul3A_331 = arith.constant 80 : i32
        %mul3A_332 = arith.muli %add3A_330, %mul3A_331 : i32
        %dma_start3A_333 = tpu.memref_slice %arg6[%mul3A_332] : memref<10000xi32, #tpu.memory_space<vmem>> -> memref<80xi32, #tpu.memory_space<vmem>>
        %dma_start3A_334 = arith.constant 0 : i32
        %dma_start3A_335 = arith.constant 0 : i32
        %dma_start3A_336 = tpu.memref_slice %arg2[%dma_start3A_334, %dma_start3A_335] : memref<10240x128xf32, #tpu.memory_space<hbm>> -> memref<10240x128xf32, #tpu.memory_space<hbm>>
        tpu.enqueue_indirect_dma source(%dma_start3A_336 : memref<10240x128xf32, #tpu.memory_space<hbm>>) target(%arg9 : memref<80x128xf32, #tpu.memory_space<vmem>>) offsets(%dma_start3A_333 : memref<80xi32, #tpu.memory_space<vmem>>) semaphore(%arg11 : memref<!tpu.dma_semaphore, #tpu.memory_space<semaphore_mem>>)
      } else {
      }
    }
    %scan3A_141 = arith.constant 62 : i32
    %dma_start3A_142 = arith.constant 9920 : i32
    %dma_start3A_143 = tpu.memref_slice %arg6[%dma_start3A_142] : memref<10000xi32, #tpu.memory_space<vmem>> -> memref<80xi32, #tpu.memory_space<vmem>>
    %dma_start3A_144 = arith.constant 0 : i32
    %dma_start3A_145 = arith.constant 0 : i32
    %dma_start3A_146 = tpu.memref_slice %arg2[%dma_start3A_144, %dma_start3A_145] : memref<10240x128xf32, #tpu.memory_space<hbm>> -> memref<10240x128xf32, #tpu.memory_space<hbm>>
    tpu.enqueue_indirect_dma source(%dma_start3A_146 : memref<10240x128xf32, #tpu.memory_space<hbm>>) target(%arg8 : memref<80x128xf32, #tpu.memory_space<vmem>>) offsets(%dma_start3A_143 : memref<80xi32, #tpu.memory_space<vmem>>) semaphore(%arg10 : memref<!tpu.dma_semaphore, #tpu.memory_space<semaphore_mem>>)
    %dma_wait3A_147 = arith.constant 9920 : i32
    %dma_wait3A_148 = tpu.memref_slice %arg6[%dma_wait3A_147] : memref<10000xi32, #tpu.memory_space<vmem>> -> memref<80xi32, #tpu.memory_space<vmem>>
    %dma_wait3A_149 = arith.constant 0 : i32
    %dma_wait3A_150 = arith.constant 0 : i32
    %dma_wait3A_151 = tpu.memref_slice %arg2[%dma_wait3A_149, %dma_wait3A_150] : memref<10240x128xf32, #tpu.memory_space<hbm>> -> memref<10240x128xf32, #tpu.memory_space<hbm>>
    tpu.wait_indirect_dma semaphore(%arg10 : memref<!tpu.dma_semaphore, #tpu.memory_space<semaphore_mem>>) src(%dma_wait3A_151 : memref<10240x128xf32, #tpu.memory_space<hbm>>) dst(%arg8 : memref<80x128xf32, #tpu.memory_space<vmem>>)
    %run_scoped3A = arith.constant 124 : i32
    "tpu.region"() ({
      %run_scoped3A_297 = tpu.sem_alloc : memref<!tpu.dma_semaphore, #tpu.memory_space<semaphore_mem>>
      %dma_start3A_298 = arith.constant 0 : i32
      %dma_start3A_299 = tpu.memref_slice %arg7[%run_scoped3A, %dma_start3A_298] : memref<125x80xi32, #tpu.memory_space<vmem>> -> memref<1x80xi32, #tpu.memory_space<vmem>>
      %dma_start3A_300 = tpu.memref_squeeze %dma_start3A_299 : memref<1x80xi32, #tpu.memory_space<vmem>> -> memref<80xi32, #tpu.memory_space<vmem>>
      %dma_start3A_301 = arith.constant 0 : i32
      %dma_start3A_302 = arith.constant 0 : i32
      %dma_start3A_303 = tpu.memref_slice %arg5[%dma_start3A_301, %dma_start3A_302] : memref<10240x128xf32, #tpu.memory_space<vmem_shared>> -> memref<10240x128xf32, #tpu.memory_space<vmem_shared>>
      tpu.enqueue_indirect_dma source(%arg8 : memref<80x128xf32, #tpu.memory_space<vmem>>) target(%dma_start3A_303 : memref<10240x128xf32, #tpu.memory_space<vmem_shared>>) offsets(%dma_start3A_300 : memref<80xi32, #tpu.memory_space<vmem>>) semaphore(%run_scoped3A_297 : memref<!tpu.dma_semaphore, #tpu.memory_space<semaphore_mem>>) {add = true}
      %dma_wait3A_304 = arith.constant 0 : i32
      %dma_wait3A_305 = tpu.memref_slice %arg7[%run_scoped3A, %dma_wait3A_304] : memref<125x80xi32, #tpu.memory_space<vmem>> -> memref<1x80xi32, #tpu.memory_space<vmem>>
      %dma_wait3A_306 = tpu.memref_squeeze %dma_wait3A_305 : memref<1x80xi32, #tpu.memory_space<vmem>> -> memref<80xi32, #tpu.memory_space<vmem>>
      %dma_wait3A_307 = arith.constant 0 : i32
      %dma_wait3A_308 = arith.constant 0 : i32
      %dma_wait3A_309 = tpu.memref_slice %arg5[%dma_wait3A_307, %dma_wait3A_308] : memref<10240x128xf32, #tpu.memory_space<vmem_shared>> -> memref<10240x128xf32, #tpu.memory_space<vmem_shared>>
      tpu.wait_indirect_dma semaphore(%run_scoped3A_297 : memref<!tpu.dma_semaphore, #tpu.memory_space<semaphore_mem>>) src(%arg8 : memref<80x128xf32, #tpu.memory_space<vmem>>) dst(%dma_wait3A_309 : memref<10240x128xf32, #tpu.memory_space<vmem_shared>>)
      tpu.yield
    }) : () -> ()
    %barrier3A_152 = arith.constant 0 : index
    tpu.barrier barrier_id(%barrier3A_152)
    %mul3A_153 = arith.constant 640 : i32
    %mul3A_154 = arith.muli %arg1, %mul3A_153 : i32
    %add3A_155 = arith.constant 0 : i32
    %add3A_156 = arith.addi %mul3A_154, %add3A_155 : i32
    %dma_start3A_157 = arith.constant 0 : i32
    %dma_start3A_158 = tpu.memref_slice %arg5[%add3A_156, %dma_start3A_157] : memref<10240x128xf32, #tpu.memory_space<vmem_shared>> -> memref<80x128xf32, #tpu.memory_space<vmem_shared>>
    %dma_start3A_159 = arith.constant 0 : i32
    %dma_start3A_160 = tpu.memref_slice %arg5[%add3A_156, %dma_start3A_159] : memref<10240x128xf32, #tpu.memory_space<vmem_shared>> -> memref<80x128xf32, #tpu.memory_space<vmem_shared>>
    tpu.enqueue_dma source(%dma_start3A_160 : memref<80x128xf32, #tpu.memory_space<vmem_shared>>) target(%arg8 : memref<80x128xf32, #tpu.memory_space<vmem>>) target_semaphore(%arg10 : memref<!tpu.dma_semaphore, #tpu.memory_space<semaphore_mem>>)
    %mul3A_161 = arith.constant 640 : i32
    %mul3A_162 = arith.muli %arg1, %mul3A_161 : i32
    %add3A_163 = arith.constant 80 : i32
    %add3A_164 = arith.addi %mul3A_162, %add3A_163 : i32
    %dma_start3A_165 = arith.constant 0 : i32
    %dma_start3A_166 = tpu.memref_slice %arg5[%add3A_164, %dma_start3A_165] : memref<10240x128xf32, #tpu.memory_space<vmem_shared>> -> memref<80x128xf32, #tpu.memory_space<vmem_shared>>
    %dma_start3A_167 = arith.constant 0 : i32
    %dma_start3A_168 = tpu.memref_slice %arg5[%add3A_164, %dma_start3A_167] : memref<10240x128xf32, #tpu.memory_space<vmem_shared>> -> memref<80x128xf32, #tpu.memory_space<vmem_shared>>
    tpu.enqueue_dma source(%dma_start3A_168 : memref<80x128xf32, #tpu.memory_space<vmem_shared>>) target(%arg9 : memref<80x128xf32, #tpu.memory_space<vmem>>) target_semaphore(%arg11 : memref<!tpu.dma_semaphore, #tpu.memory_space<semaphore_mem>>)
    %mul3A_169 = arith.constant 640 : i32
    %mul3A_170 = arith.muli %arg1, %mul3A_169 : i32
    %dma_wait3A_171 = arith.constant 0 : i32
    %dma_wait3A_172 = tpu.memref_slice %arg5[%mul3A_170, %dma_wait3A_171] : memref<10240x128xf32, #tpu.memory_space<vmem_shared>> -> memref<80x128xf32, #tpu.memory_space<vmem_shared>>
    %dma_wait3A_173 = arith.constant 0 : i32
    %dma_wait3A_174 = tpu.memref_slice %arg5[%mul3A_170, %dma_wait3A_173] : memref<10240x128xf32, #tpu.memory_space<vmem_shared>> -> memref<80x128xf32, #tpu.memory_space<vmem_shared>>
    tpu.wait_dma2 semaphore(%arg10 : memref<!tpu.dma_semaphore, #tpu.memory_space<semaphore_mem>>) src(%dma_wait3A_174 : memref<80x128xf32, #tpu.memory_space<vmem_shared>>) dst(%arg8 : memref<80x128xf32, #tpu.memory_space<vmem>>)
    %mul3A_175 = arith.constant 640 : i32
    %mul3A_176 = arith.muli %arg1, %mul3A_175 : i32
    %add3A_177 = arith.constant 0 : i32
    %add3A_178 = arith.addi %mul3A_176, %add3A_177 : i32
    "tpu.region"() ({
      %run_scoped3A_297 = tpu.sem_alloc : memref<!tpu.dma_semaphore, #tpu.memory_space<semaphore_mem>>
      %dma_start3A_298 = arith.constant 0 : i32
      %dma_start3A_299 = tpu.memref_slice %arg4[%arg0, %add3A_178, %dma_start3A_298] : memref<2x10240x128xf32, #tpu.memory_space<hbm>> -> memref<1x80x128xf32, #tpu.memory_space<hbm>>
      %dma_start3A_300 = tpu.memref_squeeze %dma_start3A_299 : memref<1x80x128xf32, #tpu.memory_space<hbm>> -> memref<80x128xf32, #tpu.memory_space<hbm>>
      %dma_start3A_301 = arith.constant 0 : i32
      %dma_start3A_302 = tpu.memref_slice %arg4[%arg0, %add3A_178, %dma_start3A_301] : memref<2x10240x128xf32, #tpu.memory_space<hbm>> -> memref<1x80x128xf32, #tpu.memory_space<hbm>>
      %dma_start3A_303 = tpu.memref_squeeze %dma_start3A_302 : memref<1x80x128xf32, #tpu.memory_space<hbm>> -> memref<80x128xf32, #tpu.memory_space<hbm>>
      tpu.enqueue_dma source(%arg8 : memref<80x128xf32, #tpu.memory_space<vmem>>) target(%dma_start3A_303 : memref<80x128xf32, #tpu.memory_space<hbm>>) target_semaphore(%run_scoped3A_297 : memref<!tpu.dma_semaphore, #tpu.memory_space<semaphore_mem>>)
      %dma_wait3A_304 = arith.constant 0 : i32
      %dma_wait3A_305 = tpu.memref_slice %arg4[%arg0, %add3A_178, %dma_wait3A_304] : memref<2x10240x128xf32, #tpu.memory_space<hbm>> -> memref<1x80x128xf32, #tpu.memory_space<hbm>>
      %dma_wait3A_306 = tpu.memref_squeeze %dma_wait3A_305 : memref<1x80x128xf32, #tpu.memory_space<hbm>> -> memref<80x128xf32, #tpu.memory_space<hbm>>
      %dma_wait3A_307 = arith.constant 0 : i32
      %dma_wait3A_308 = tpu.memref_slice %arg4[%arg0, %add3A_178, %dma_wait3A_307] : memref<2x10240x128xf32, #tpu.memory_space<hbm>> -> memref<1x80x128xf32, #tpu.memory_space<hbm>>
      %dma_wait3A_309 = tpu.memref_squeeze %dma_wait3A_308 : memref<1x80x128xf32, #tpu.memory_space<hbm>> -> memref<80x128xf32, #tpu.memory_space<hbm>>
      tpu.wait_dma2 semaphore(%run_scoped3A_297 : memref<!tpu.dma_semaphore, #tpu.memory_space<semaphore_mem>>) src(%arg8 : memref<80x128xf32, #tpu.memory_space<vmem>>) dst(%dma_wait3A_309 : memref<80x128xf32, #tpu.memory_space<hbm>>)
      tpu.yield
    }) : () -> ()
    %mul3A_179 = arith.constant 640 : i32
    %mul3A_180 = arith.muli %arg1, %mul3A_179 : i32
    %add3A_181 = arith.constant 160 : i32
    %add3A_182 = arith.addi %mul3A_180, %add3A_181 : i32
    %dma_start3A_183 = arith.constant 0 : i32
    %dma_start3A_184 = tpu.memref_slice %arg5[%add3A_182, %dma_start3A_183] : memref<10240x128xf32, #tpu.memory_space<vmem_shared>> -> memref<80x128xf32, #tpu.memory_space<vmem_shared>>
    %dma_start3A_185 = arith.constant 0 : i32
    %dma_start3A_186 = tpu.memref_slice %arg5[%add3A_182, %dma_start3A_185] : memref<10240x128xf32, #tpu.memory_space<vmem_shared>> -> memref<80x128xf32, #tpu.memory_space<vmem_shared>>
    tpu.enqueue_dma source(%dma_start3A_186 : memref<80x128xf32, #tpu.memory_space<vmem_shared>>) target(%arg8 : memref<80x128xf32, #tpu.memory_space<vmem>>) target_semaphore(%arg10 : memref<!tpu.dma_semaphore, #tpu.memory_space<semaphore_mem>>)
    %mul3A_187 = arith.constant 640 : i32
    %mul3A_188 = arith.muli %arg1, %mul3A_187 : i32
    %dma_wait3A_189 = arith.constant 0 : i32
    %dma_wait3A_190 = tpu.memref_slice %arg5[%mul3A_188, %dma_wait3A_189] : memref<10240x128xf32, #tpu.memory_space<vmem_shared>> -> memref<80x128xf32, #tpu.memory_space<vmem_shared>>
    %dma_wait3A_191 = arith.constant 0 : i32
    %dma_wait3A_192 = tpu.memref_slice %arg5[%mul3A_188, %dma_wait3A_191] : memref<10240x128xf32, #tpu.memory_space<vmem_shared>> -> memref<80x128xf32, #tpu.memory_space<vmem_shared>>
    tpu.wait_dma2 semaphore(%arg11 : memref<!tpu.dma_semaphore, #tpu.memory_space<semaphore_mem>>) src(%dma_wait3A_192 : memref<80x128xf32, #tpu.memory_space<vmem_shared>>) dst(%arg9 : memref<80x128xf32, #tpu.memory_space<vmem>>)
    %mul3A_193 = arith.constant 640 : i32
    %mul3A_194 = arith.muli %arg1, %mul3A_193 : i32
    %add3A_195 = arith.constant 80 : i32
    %add3A_196 = arith.addi %mul3A_194, %add3A_195 : i32
    "tpu.region"() ({
      %run_scoped3A_297 = tpu.sem_alloc : memref<!tpu.dma_semaphore, #tpu.memory_space<semaphore_mem>>
      %dma_start3A_298 = arith.constant 0 : i32
      %dma_start3A_299 = tpu.memref_slice %arg4[%arg0, %add3A_196, %dma_start3A_298] : memref<2x10240x128xf32, #tpu.memory_space<hbm>> -> memref<1x80x128xf32, #tpu.memory_space<hbm>>
      %dma_start3A_300 = tpu.memref_squeeze %dma_start3A_299 : memref<1x80x128xf32, #tpu.memory_space<hbm>> -> memref<80x128xf32, #tpu.memory_space<hbm>>
      %dma_start3A_301 = arith.constant 0 : i32
      %dma_start3A_302 = tpu.memref_slice %arg4[%arg0, %add3A_196, %dma_start3A_301] : memref<2x10240x128xf32, #tpu.memory_space<hbm>> -> memref<1x80x128xf32, #tpu.memory_space<hbm>>
      %dma_start3A_303 = tpu.memref_squeeze %dma_start3A_302 : memref<1x80x128xf32, #tpu.memory_space<hbm>> -> memref<80x128xf32, #tpu.memory_space<hbm>>
      tpu.enqueue_dma source(%arg9 : memref<80x128xf32, #tpu.memory_space<vmem>>) target(%dma_start3A_303 : memref<80x128xf32, #tpu.memory_space<hbm>>) target_semaphore(%run_scoped3A_297 : memref<!tpu.dma_semaphore, #tpu.memory_space<semaphore_mem>>)
      %dma_wait3A_304 = arith.constant 0 : i32
      %dma_wait3A_305 = tpu.memref_slice %arg4[%arg0, %add3A_196, %dma_wait3A_304] : memref<2x10240x128xf32, #tpu.memory_space<hbm>> -> memref<1x80x128xf32, #tpu.memory_space<hbm>>
      %dma_wait3A_306 = tpu.memref_squeeze %dma_wait3A_305 : memref<1x80x128xf32, #tpu.memory_space<hbm>> -> memref<80x128xf32, #tpu.memory_space<hbm>>
      %dma_wait3A_307 = arith.constant 0 : i32
      %dma_wait3A_308 = tpu.memref_slice %arg4[%arg0, %add3A_196, %dma_wait3A_307] : memref<2x10240x128xf32, #tpu.memory_space<hbm>> -> memref<1x80x128xf32, #tpu.memory_space<hbm>>
      %dma_wait3A_309 = tpu.memref_squeeze %dma_wait3A_308 : memref<1x80x128xf32, #tpu.memory_space<hbm>> -> memref<80x128xf32, #tpu.memory_space<hbm>>
      tpu.wait_dma2 semaphore(%run_scoped3A_297 : memref<!tpu.dma_semaphore, #tpu.memory_space<semaphore_mem>>) src(%arg9 : memref<80x128xf32, #tpu.memory_space<vmem>>) dst(%dma_wait3A_309 : memref<80x128xf32, #tpu.memory_space<hbm>>)
      tpu.yield
    }) : () -> ()
    %mul3A_197 = arith.constant 640 : i32
    %mul3A_198 = arith.muli %arg1, %mul3A_197 : i32
    %add3A_199 = arith.constant 240 : i32
    %add3A_200 = arith.addi %mul3A_198, %add3A_199 : i32
    %dma_start3A_201 = arith.constant 0 : i32
    %dma_start3A_202 = tpu.memref_slice %arg5[%add3A_200, %dma_start3A_201] : memref<10240x128xf32, #tpu.memory_space<vmem_shared>> -> memref<80x128xf32, #tpu.memory_space<vmem_shared>>
    %dma_start3A_203 = arith.constant 0 : i32
    %dma_start3A_204 = tpu.memref_slice %arg5[%add3A_200, %dma_start3A_203] : memref<10240x128xf32, #tpu.memory_space<vmem_shared>> -> memref<80x128xf32, #tpu.memory_space<vmem_shared>>
    tpu.enqueue_dma source(%dma_start3A_204 : memref<80x128xf32, #tpu.memory_space<vmem_shared>>) target(%arg9 : memref<80x128xf32, #tpu.memory_space<vmem>>) target_semaphore(%arg11 : memref<!tpu.dma_semaphore, #tpu.memory_space<semaphore_mem>>)
    %mul3A_205 = arith.constant 640 : i32
    %mul3A_206 = arith.muli %arg1, %mul3A_205 : i32
    %dma_wait3A_207 = arith.constant 0 : i32
    %dma_wait3A_208 = tpu.memref_slice %arg5[%mul3A_206, %dma_wait3A_207] : memref<10240x128xf32, #tpu.memory_space<vmem_shared>> -> memref<80x128xf32, #tpu.memory_space<vmem_shared>>
    %dma_wait3A_209 = arith.constant 0 : i32
    %dma_wait3A_210 = tpu.memref_slice %arg5[%mul3A_206, %dma_wait3A_209] : memref<10240x128xf32, #tpu.memory_space<vmem_shared>> -> memref<80x128xf32, #tpu.memory_space<vmem_shared>>
    tpu.wait_dma2 semaphore(%arg10 : memref<!tpu.dma_semaphore, #tpu.memory_space<semaphore_mem>>) src(%dma_wait3A_210 : memref<80x128xf32, #tpu.memory_space<vmem_shared>>) dst(%arg8 : memref<80x128xf32, #tpu.memory_space<vmem>>)
    %mul3A_211 = arith.constant 640 : i32
    %mul3A_212 = arith.muli %arg1, %mul3A_211 : i32
    %add3A_213 = arith.constant 160 : i32
    %add3A_214 = arith.addi %mul3A_212, %add3A_213 : i32
    "tpu.region"() ({
      %run_scoped3A_297 = tpu.sem_alloc : memref<!tpu.dma_semaphore, #tpu.memory_space<semaphore_mem>>
      %dma_start3A_298 = arith.constant 0 : i32
      %dma_start3A_299 = tpu.memref_slice %arg4[%arg0, %add3A_214, %dma_start3A_298] : memref<2x10240x128xf32, #tpu.memory_space<hbm>> -> memref<1x80x128xf32, #tpu.memory_space<hbm>>
      %dma_start3A_300 = tpu.memref_squeeze %dma_start3A_299 : memref<1x80x128xf32, #tpu.memory_space<hbm>> -> memref<80x128xf32, #tpu.memory_space<hbm>>
      %dma_start3A_301 = arith.constant 0 : i32
      %dma_start3A_302 = tpu.memref_slice %arg4[%arg0, %add3A_214, %dma_start3A_301] : memref<2x10240x128xf32, #tpu.memory_space<hbm>> -> memref<1x80x128xf32, #tpu.memory_space<hbm>>
      %dma_start3A_303 = tpu.memref_squeeze %dma_start3A_302 : memref<1x80x128xf32, #tpu.memory_space<hbm>> -> memref<80x128xf32, #tpu.memory_space<hbm>>
      tpu.enqueue_dma source(%arg8 : memref<80x128xf32, #tpu.memory_space<vmem>>) target(%dma_start3A_303 : memref<80x128xf32, #tpu.memory_space<hbm>>) target_semaphore(%run_scoped3A_297 : memref<!tpu.dma_semaphore, #tpu.memory_space<semaphore_mem>>)
      %dma_wait3A_304 = arith.constant 0 : i32
      %dma_wait3A_305 = tpu.memref_slice %arg4[%arg0, %add3A_214, %dma_wait3A_304] : memref<2x10240x128xf32, #tpu.memory_space<hbm>> -> memref<1x80x128xf32, #tpu.memory_space<hbm>>
      %dma_wait3A_306 = tpu.memref_squeeze %dma_wait3A_305 : memref<1x80x128xf32, #tpu.memory_space<hbm>> -> memref<80x128xf32, #tpu.memory_space<hbm>>
      %dma_wait3A_307 = arith.constant 0 : i32
      %dma_wait3A_308 = tpu.memref_slice %arg4[%arg0, %add3A_214, %dma_wait3A_307] : memref<2x10240x128xf32, #tpu.memory_space<hbm>> -> memref<1x80x128xf32, #tpu.memory_space<hbm>>
      %dma_wait3A_309 = tpu.memref_squeeze %dma_wait3A_308 : memref<1x80x128xf32, #tpu.memory_space<hbm>> -> memref<80x128xf32, #tpu.memory_space<hbm>>
      tpu.wait_dma2 semaphore(%run_scoped3A_297 : memref<!tpu.dma_semaphore, #tpu.memory_space<semaphore_mem>>) src(%arg8 : memref<80x128xf32, #tpu.memory_space<vmem>>) dst(%dma_wait3A_309 : memref<80x128xf32, #tpu.memory_space<hbm>>)
      tpu.yield
    }) : () -> ()
    %mul3A_215 = arith.constant 640 : i32
    %mul3A_216 = arith.muli %arg1, %mul3A_215 : i32
    %add3A_217 = arith.constant 320 : i32
    %add3A_218 = arith.addi %mul3A_216, %add3A_217 : i32
    %dma_start3A_219 = arith.constant 0 : i32
    %dma_start3A_220 = tpu.memref_slice %arg5[%add3A_218, %dma_start3A_219] : memref<10240x128xf32, #tpu.memory_space<vmem_shared>> -> memref<80x128xf32, #tpu.memory_space<vmem_shared>>
    %dma_start3A_221 = arith.constant 0 : i32
    %dma_start3A_222 = tpu.memref_slice %arg5[%add3A_218, %dma_start3A_221] : memref<10240x128xf32, #tpu.memory_space<vmem_shared>> -> memref<80x128xf32, #tpu.memory_space<vmem_shared>>
    tpu.enqueue_dma source(%dma_start3A_222 : memref<80x128xf32, #tpu.memory_space<vmem_shared>>) target(%arg8 : memref<80x128xf32, #tpu.memory_space<vmem>>) target_semaphore(%arg10 : memref<!tpu.dma_semaphore, #tpu.memory_space<semaphore_mem>>)
    %mul3A_223 = arith.constant 640 : i32
    %mul3A_224 = arith.muli %arg1, %mul3A_223 : i32
    %dma_wait3A_225 = arith.constant 0 : i32
    %dma_wait3A_226 = tpu.memref_slice %arg5[%mul3A_224, %dma_wait3A_225] : memref<10240x128xf32, #tpu.memory_space<vmem_shared>> -> memref<80x128xf32, #tpu.memory_space<vmem_shared>>
    %dma_wait3A_227 = arith.constant 0 : i32
    %dma_wait3A_228 = tpu.memref_slice %arg5[%mul3A_224, %dma_wait3A_227] : memref<10240x128xf32, #tpu.memory_space<vmem_shared>> -> memref<80x128xf32, #tpu.memory_space<vmem_shared>>
    tpu.wait_dma2 semaphore(%arg11 : memref<!tpu.dma_semaphore, #tpu.memory_space<semaphore_mem>>) src(%dma_wait3A_228 : memref<80x128xf32, #tpu.memory_space<vmem_shared>>) dst(%arg9 : memref<80x128xf32, #tpu.memory_space<vmem>>)
    %mul3A_229 = arith.constant 640 : i32
    %mul3A_230 = arith.muli %arg1, %mul3A_229 : i32
    %add3A_231 = arith.constant 240 : i32
    %add3A_232 = arith.addi %mul3A_230, %add3A_231 : i32
    "tpu.region"() ({
      %run_scoped3A_297 = tpu.sem_alloc : memref<!tpu.dma_semaphore, #tpu.memory_space<semaphore_mem>>
      %dma_start3A_298 = arith.constant 0 : i32
      %dma_start3A_299 = tpu.memref_slice %arg4[%arg0, %add3A_232, %dma_start3A_298] : memref<2x10240x128xf32, #tpu.memory_space<hbm>> -> memref<1x80x128xf32, #tpu.memory_space<hbm>>
      %dma_start3A_300 = tpu.memref_squeeze %dma_start3A_299 : memref<1x80x128xf32, #tpu.memory_space<hbm>> -> memref<80x128xf32, #tpu.memory_space<hbm>>
      %dma_start3A_301 = arith.constant 0 : i32
      %dma_start3A_302 = tpu.memref_slice %arg4[%arg0, %add3A_232, %dma_start3A_301] : memref<2x10240x128xf32, #tpu.memory_space<hbm>> -> memref<1x80x128xf32, #tpu.memory_space<hbm>>
      %dma_start3A_303 = tpu.memref_squeeze %dma_start3A_302 : memref<1x80x128xf32, #tpu.memory_space<hbm>> -> memref<80x128xf32, #tpu.memory_space<hbm>>
      tpu.enqueue_dma source(%arg9 : memref<80x128xf32, #tpu.memory_space<vmem>>) target(%dma_start3A_303 : memref<80x128xf32, #tpu.memory_space<hbm>>) target_semaphore(%run_scoped3A_297 : memref<!tpu.dma_semaphore, #tpu.memory_space<semaphore_mem>>)
      %dma_wait3A_304 = arith.constant 0 : i32
      %dma_wait3A_305 = tpu.memref_slice %arg4[%arg0, %add3A_232, %dma_wait3A_304] : memref<2x10240x128xf32, #tpu.memory_space<hbm>> -> memref<1x80x128xf32, #tpu.memory_space<hbm>>
      %dma_wait3A_306 = tpu.memref_squeeze %dma_wait3A_305 : memref<1x80x128xf32, #tpu.memory_space<hbm>> -> memref<80x128xf32, #tpu.memory_space<hbm>>
      %dma_wait3A_307 = arith.constant 0 : i32
      %dma_wait3A_308 = tpu.memref_slice %arg4[%arg0, %add3A_232, %dma_wait3A_307] : memref<2x10240x128xf32, #tpu.memory_space<hbm>> -> memref<1x80x128xf32, #tpu.memory_space<hbm>>
      %dma_wait3A_309 = tpu.memref_squeeze %dma_wait3A_308 : memref<1x80x128xf32, #tpu.memory_space<hbm>> -> memref<80x128xf32, #tpu.memory_space<hbm>>
      tpu.wait_dma2 semaphore(%run_scoped3A_297 : memref<!tpu.dma_semaphore, #tpu.memory_space<semaphore_mem>>) src(%arg9 : memref<80x128xf32, #tpu.memory_space<vmem>>) dst(%dma_wait3A_309 : memref<80x128xf32, #tpu.memory_space<hbm>>)
      tpu.yield
    }) : () -> ()
    %mul3A_233 = arith.constant 640 : i32
    %mul3A_234 = arith.muli %arg1, %mul3A_233 : i32
    %add3A_235 = arith.constant 400 : i32
    %add3A_236 = arith.addi %mul3A_234, %add3A_235 : i32
    %dma_start3A_237 = arith.constant 0 : i32
    %dma_start3A_238 = tpu.memref_slice %arg5[%add3A_236, %dma_start3A_237] : memref<10240x128xf32, #tpu.memory_space<vmem_shared>> -> memref<80x128xf32, #tpu.memory_space<vmem_shared>>
    %dma_start3A_239 = arith.constant 0 : i32
    %dma_start3A_240 = tpu.memref_slice %arg5[%add3A_236, %dma_start3A_239] : memref<10240x128xf32, #tpu.memory_space<vmem_shared>> -> memref<80x128xf32, #tpu.memory_space<vmem_shared>>
    tpu.enqueue_dma source(%dma_start3A_240 : memref<80x128xf32, #tpu.memory_space<vmem_shared>>) target(%arg9 : memref<80x128xf32, #tpu.memory_space<vmem>>) target_semaphore(%arg11 : memref<!tpu.dma_semaphore, #tpu.memory_space<semaphore_mem>>)
    %mul3A_241 = arith.constant 640 : i32
    %mul3A_242 = arith.muli %arg1, %mul3A_241 : i32
    %dma_wait3A_243 = arith.constant 0 : i32
    %dma_wait3A_244 = tpu.memref_slice %arg5[%mul3A_242, %dma_wait3A_243] : memref<10240x128xf32, #tpu.memory_space<vmem_shared>> -> memref<80x128xf32, #tpu.memory_space<vmem_shared>>
    %dma_wait3A_245 = arith.constant 0 : i32
    %dma_wait3A_246 = tpu.memref_slice %arg5[%mul3A_242, %dma_wait3A_245] : memref<10240x128xf32, #tpu.memory_space<vmem_shared>> -> memref<80x128xf32, #tpu.memory_space<vmem_shared>>
    tpu.wait_dma2 semaphore(%arg10 : memref<!tpu.dma_semaphore, #tpu.memory_space<semaphore_mem>>) src(%dma_wait3A_246 : memref<80x128xf32, #tpu.memory_space<vmem_shared>>) dst(%arg8 : memref<80x128xf32, #tpu.memory_space<vmem>>)
    %mul3A_247 = arith.constant 640 : i32
    %mul3A_248 = arith.muli %arg1, %mul3A_247 : i32
    %add3A_249 = arith.constant 320 : i32
    %add3A_250 = arith.addi %mul3A_248, %add3A_249 : i32
    "tpu.region"() ({
      %run_scoped3A_297 = tpu.sem_alloc : memref<!tpu.dma_semaphore, #tpu.memory_space<semaphore_mem>>
      %dma_start3A_298 = arith.constant 0 : i32
      %dma_start3A_299 = tpu.memref_slice %arg4[%arg0, %add3A_250, %dma_start3A_298] : memref<2x10240x128xf32, #tpu.memory_space<hbm>> -> memref<1x80x128xf32, #tpu.memory_space<hbm>>
      %dma_start3A_300 = tpu.memref_squeeze %dma_start3A_299 : memref<1x80x128xf32, #tpu.memory_space<hbm>> -> memref<80x128xf32, #tpu.memory_space<hbm>>
      %dma_start3A_301 = arith.constant 0 : i32
      %dma_start3A_302 = tpu.memref_slice %arg4[%arg0, %add3A_250, %dma_start3A_301] : memref<2x10240x128xf32, #tpu.memory_space<hbm>> -> memref<1x80x128xf32, #tpu.memory_space<hbm>>
      %dma_start3A_303 = tpu.memref_squeeze %dma_start3A_302 : memref<1x80x128xf32, #tpu.memory_space<hbm>> -> memref<80x128xf32, #tpu.memory_space<hbm>>
      tpu.enqueue_dma source(%arg8 : memref<80x128xf32, #tpu.memory_space<vmem>>) target(%dma_start3A_303 : memref<80x128xf32, #tpu.memory_space<hbm>>) target_semaphore(%run_scoped3A_297 : memref<!tpu.dma_semaphore, #tpu.memory_space<semaphore_mem>>)
      %dma_wait3A_304 = arith.constant 0 : i32
      %dma_wait3A_305 = tpu.memref_slice %arg4[%arg0, %add3A_250, %dma_wait3A_304] : memref<2x10240x128xf32, #tpu.memory_space<hbm>> -> memref<1x80x128xf32, #tpu.memory_space<hbm>>
      %dma_wait3A_306 = tpu.memref_squeeze %dma_wait3A_305 : memref<1x80x128xf32, #tpu.memory_space<hbm>> -> memref<80x128xf32, #tpu.memory_space<hbm>>
      %dma_wait3A_307 = arith.constant 0 : i32
      %dma_wait3A_308 = tpu.memref_slice %arg4[%arg0, %add3A_250, %dma_wait3A_307] : memref<2x10240x128xf32, #tpu.memory_space<hbm>> -> memref<1x80x128xf32, #tpu.memory_space<hbm>>
      %dma_wait3A_309 = tpu.memref_squeeze %dma_wait3A_308 : memref<1x80x128xf32, #tpu.memory_space<hbm>> -> memref<80x128xf32, #tpu.memory_space<hbm>>
      tpu.wait_dma2 semaphore(%run_scoped3A_297 : memref<!tpu.dma_semaphore, #tpu.memory_space<semaphore_mem>>) src(%arg8 : memref<80x128xf32, #tpu.memory_space<vmem>>) dst(%dma_wait3A_309 : memref<80x128xf32, #tpu.memory_space<hbm>>)
      tpu.yield
    }) : () -> ()
    %mul3A_251 = arith.constant 640 : i32
    %mul3A_252 = arith.muli %arg1, %mul3A_251 : i32
    %add3A_253 = arith.constant 480 : i32
    %add3A_254 = arith.addi %mul3A_252, %add3A_253 : i32
    %dma_start3A_255 = arith.constant 0 : i32
    %dma_start3A_256 = tpu.memref_slice %arg5[%add3A_254, %dma_start3A_255] : memref<10240x128xf32, #tpu.memory_space<vmem_shared>> -> memref<80x128xf32, #tpu.memory_space<vmem_shared>>
    %dma_start3A_257 = arith.constant 0 : i32
    %dma_start3A_258 = tpu.memref_slice %arg5[%add3A_254, %dma_start3A_257] : memref<10240x128xf32, #tpu.memory_space<vmem_shared>> -> memref<80x128xf32, #tpu.memory_space<vmem_shared>>
    tpu.enqueue_dma source(%dma_start3A_258 : memref<80x128xf32, #tpu.memory_space<vmem_shared>>) target(%arg8 : memref<80x128xf32, #tpu.memory_space<vmem>>) target_semaphore(%arg10 : memref<!tpu.dma_semaphore, #tpu.memory_space<semaphore_mem>>)
    %mul3A_259 = arith.constant 640 : i32
    %mul3A_260 = arith.muli %arg1, %mul3A_259 : i32
    %dma_wait3A_261 = arith.constant 0 : i32
    %dma_wait3A_262 = tpu.memref_slice %arg5[%mul3A_260, %dma_wait3A_261] : memref<10240x128xf32, #tpu.memory_space<vmem_shared>> -> memref<80x128xf32, #tpu.memory_space<vmem_shared>>
    %dma_wait3A_263 = arith.constant 0 : i32
    %dma_wait3A_264 = tpu.memref_slice %arg5[%mul3A_260, %dma_wait3A_263] : memref<10240x128xf32, #tpu.memory_space<vmem_shared>> -> memref<80x128xf32, #tpu.memory_space<vmem_shared>>
    tpu.wait_dma2 semaphore(%arg11 : memref<!tpu.dma_semaphore, #tpu.memory_space<semaphore_mem>>) src(%dma_wait3A_264 : memref<80x128xf32, #tpu.memory_space<vmem_shared>>) dst(%arg9 : memref<80x128xf32, #tpu.memory_space<vmem>>)
    %mul3A_265 = arith.constant 640 : i32
    %mul3A_266 = arith.muli %arg1, %mul3A_265 : i32
    %add3A_267 = arith.constant 400 : i32
    %add3A_268 = arith.addi %mul3A_266, %add3A_267 : i32
    "tpu.region"() ({
      %run_scoped3A_297 = tpu.sem_alloc : memref<!tpu.dma_semaphore, #tpu.memory_space<semaphore_mem>>
      %dma_start3A_298 = arith.constant 0 : i32
      %dma_start3A_299 = tpu.memref_slice %arg4[%arg0, %add3A_268, %dma_start3A_298] : memref<2x10240x128xf32, #tpu.memory_space<hbm>> -> memref<1x80x128xf32, #tpu.memory_space<hbm>>
      %dma_start3A_300 = tpu.memref_squeeze %dma_start3A_299 : memref<1x80x128xf32, #tpu.memory_space<hbm>> -> memref<80x128xf32, #tpu.memory_space<hbm>>
      %dma_start3A_301 = arith.constant 0 : i32
      %dma_start3A_302 = tpu.memref_slice %arg4[%arg0, %add3A_268, %dma_start3A_301] : memref<2x10240x128xf32, #tpu.memory_space<hbm>> -> memref<1x80x128xf32, #tpu.memory_space<hbm>>
      %dma_start3A_303 = tpu.memref_squeeze %dma_start3A_302 : memref<1x80x128xf32, #tpu.memory_space<hbm>> -> memref<80x128xf32, #tpu.memory_space<hbm>>
      tpu.enqueue_dma source(%arg9 : memref<80x128xf32, #tpu.memory_space<vmem>>) target(%dma_start3A_303 : memref<80x128xf32, #tpu.memory_space<hbm>>) target_semaphore(%run_scoped3A_297 : memref<!tpu.dma_semaphore, #tpu.memory_space<semaphore_mem>>)
      %dma_wait3A_304 = arith.constant 0 : i32
      %dma_wait3A_305 = tpu.memref_slice %arg4[%arg0, %add3A_268, %dma_wait3A_304] : memref<2x10240x128xf32, #tpu.memory_space<hbm>> -> memref<1x80x128xf32, #tpu.memory_space<hbm>>
      %dma_wait3A_306 = tpu.memref_squeeze %dma_wait3A_305 : memref<1x80x128xf32, #tpu.memory_space<hbm>> -> memref<80x128xf32, #tpu.memory_space<hbm>>
      %dma_wait3A_307 = arith.constant 0 : i32
      %dma_wait3A_308 = tpu.memref_slice %arg4[%arg0, %add3A_268, %dma_wait3A_307] : memref<2x10240x128xf32, #tpu.memory_space<hbm>> -> memref<1x80x128xf32, #tpu.memory_space<hbm>>
      %dma_wait3A_309 = tpu.memref_squeeze %dma_wait3A_308 : memref<1x80x128xf32, #tpu.memory_space<hbm>> -> memref<80x128xf32, #tpu.memory_space<hbm>>
      tpu.wait_dma2 semaphore(%run_scoped3A_297 : memref<!tpu.dma_semaphore, #tpu.memory_space<semaphore_mem>>) src(%arg9 : memref<80x128xf32, #tpu.memory_space<vmem>>) dst(%dma_wait3A_309 : memref<80x128xf32, #tpu.memory_space<hbm>>)
      tpu.yield
    }) : () -> ()
    %mul3A_269 = arith.constant 640 : i32
    %mul3A_270 = arith.muli %arg1, %mul3A_269 : i32
    %add3A_271 = arith.constant 560 : i32
    %add3A_272 = arith.addi %mul3A_270, %add3A_271 : i32
    %dma_start3A_273 = arith.constant 0 : i32
    %dma_start3A_274 = tpu.memref_slice %arg5[%add3A_272, %dma_start3A_273] : memref<10240x128xf32, #tpu.memory_space<vmem_shared>> -> memref<80x128xf32, #tpu.memory_space<vmem_shared>>
    %dma_start3A_275 = arith.constant 0 : i32
    %dma_start3A_276 = tpu.memref_slice %arg5[%add3A_272, %dma_start3A_275] : memref<10240x128xf32, #tpu.memory_space<vmem_shared>> -> memref<80x128xf32, #tpu.memory_space<vmem_shared>>
    tpu.enqueue_dma source(%dma_start3A_276 : memref<80x128xf32, #tpu.memory_space<vmem_shared>>) target(%arg9 : memref<80x128xf32, #tpu.memory_space<vmem>>) target_semaphore(%arg11 : memref<!tpu.dma_semaphore, #tpu.memory_space<semaphore_mem>>)
    %mul3A_277 = arith.constant 640 : i32
    %mul3A_278 = arith.muli %arg1, %mul3A_277 : i32
    %dma_wait3A_279 = arith.constant 0 : i32
    %dma_wait3A_280 = tpu.memref_slice %arg5[%mul3A_278, %dma_wait3A_279] : memref<10240x128xf32, #tpu.memory_space<vmem_shared>> -> memref<80x128xf32, #tpu.memory_space<vmem_shared>>
    %dma_wait3A_281 = arith.constant 0 : i32
    %dma_wait3A_282 = tpu.memref_slice %arg5[%mul3A_278, %dma_wait3A_281] : memref<10240x128xf32, #tpu.memory_space<vmem_shared>> -> memref<80x128xf32, #tpu.memory_space<vmem_shared>>
    tpu.wait_dma2 semaphore(%arg10 : memref<!tpu.dma_semaphore, #tpu.memory_space<semaphore_mem>>) src(%dma_wait3A_282 : memref<80x128xf32, #tpu.memory_space<vmem_shared>>) dst(%arg8 : memref<80x128xf32, #tpu.memory_space<vmem>>)
    %mul3A_283 = arith.constant 640 : i32
    %mul3A_284 = arith.muli %arg1, %mul3A_283 : i32
    %add3A_285 = arith.constant 480 : i32
    %add3A_286 = arith.addi %mul3A_284, %add3A_285 : i32
    "tpu.region"() ({
      %run_scoped3A_297 = tpu.sem_alloc : memref<!tpu.dma_semaphore, #tpu.memory_space<semaphore_mem>>
      %dma_start3A_298 = arith.constant 0 : i32
      %dma_start3A_299 = tpu.memref_slice %arg4[%arg0, %add3A_286, %dma_start3A_298] : memref<2x10240x128xf32, #tpu.memory_space<hbm>> -> memref<1x80x128xf32, #tpu.memory_space<hbm>>
      %dma_start3A_300 = tpu.memref_squeeze %dma_start3A_299 : memref<1x80x128xf32, #tpu.memory_space<hbm>> -> memref<80x128xf32, #tpu.memory_space<hbm>>
      %dma_start3A_301 = arith.constant 0 : i32
      %dma_start3A_302 = tpu.memref_slice %arg4[%arg0, %add3A_286, %dma_start3A_301] : memref<2x10240x128xf32, #tpu.memory_space<hbm>> -> memref<1x80x128xf32, #tpu.memory_space<hbm>>
      %dma_start3A_303 = tpu.memref_squeeze %dma_start3A_302 : memref<1x80x128xf32, #tpu.memory_space<hbm>> -> memref<80x128xf32, #tpu.memory_space<hbm>>
      tpu.enqueue_dma source(%arg8 : memref<80x128xf32, #tpu.memory_space<vmem>>) target(%dma_start3A_303 : memref<80x128xf32, #tpu.memory_space<hbm>>) target_semaphore(%run_scoped3A_297 : memref<!tpu.dma_semaphore, #tpu.memory_space<semaphore_mem>>)
      %dma_wait3A_304 = arith.constant 0 : i32
      %dma_wait3A_305 = tpu.memref_slice %arg4[%arg0, %add3A_286, %dma_wait3A_304] : memref<2x10240x128xf32, #tpu.memory_space<hbm>> -> memref<1x80x128xf32, #tpu.memory_space<hbm>>
      %dma_wait3A_306 = tpu.memref_squeeze %dma_wait3A_305 : memref<1x80x128xf32, #tpu.memory_space<hbm>> -> memref<80x128xf32, #tpu.memory_space<hbm>>
      %dma_wait3A_307 = arith.constant 0 : i32
      %dma_wait3A_308 = tpu.memref_slice %arg4[%arg0, %add3A_286, %dma_wait3A_307] : memref<2x10240x128xf32, #tpu.memory_space<hbm>> -> memref<1x80x128xf32, #tpu.memory_space<hbm>>
      %dma_wait3A_309 = tpu.memref_squeeze %dma_wait3A_308 : memref<1x80x128xf32, #tpu.memory_space<hbm>> -> memref<80x128xf32, #tpu.memory_space<hbm>>
      tpu.wait_dma2 semaphore(%run_scoped3A_297 : memref<!tpu.dma_semaphore, #tpu.memory_space<semaphore_mem>>) src(%arg8 : memref<80x128xf32, #tpu.memory_space<vmem>>) dst(%dma_wait3A_309 : memref<80x128xf32, #tpu.memory_space<hbm>>)
      tpu.yield
    }) : () -> ()
    %mul3A_287 = arith.constant 640 : i32
    %mul3A_288 = arith.muli %arg1, %mul3A_287 : i32
    %dma_wait3A_289 = arith.constant 0 : i32
    %dma_wait3A_290 = tpu.memref_slice %arg5[%mul3A_288, %dma_wait3A_289] : memref<10240x128xf32, #tpu.memory_space<vmem_shared>> -> memref<80x128xf32, #tpu.memory_space<vmem_shared>>
    %dma_wait3A_291 = arith.constant 0 : i32
    %dma_wait3A_292 = tpu.memref_slice %arg5[%mul3A_288, %dma_wait3A_291] : memref<10240x128xf32, #tpu.memory_space<vmem_shared>> -> memref<80x128xf32, #tpu.memory_space<vmem_shared>>
    tpu.wait_dma2 semaphore(%arg11 : memref<!tpu.dma_semaphore, #tpu.memory_space<semaphore_mem>>) src(%dma_wait3A_292 : memref<80x128xf32, #tpu.memory_space<vmem_shared>>) dst(%arg9 : memref<80x128xf32, #tpu.memory_space<vmem>>)
    %mul3A_293 = arith.constant 640 : i32
    %mul3A_294 = arith.muli %arg1, %mul3A_293 : i32
    %add3A_295 = arith.constant 560 : i32
    %add3A_296 = arith.addi %mul3A_294, %add3A_295 : i32
    "tpu.region"() ({
      %run_scoped3A_297 = tpu.sem_alloc : memref<!tpu.dma_semaphore, #tpu.memory_space<semaphore_mem>>
      %dma_start3A_298 = arith.constant 0 : i32
      %dma_start3A_299 = tpu.memref_slice %arg4[%arg0, %add3A_296, %dma_start3A_298] : memref<2x10240x128xf32, #tpu.memory_space<hbm>> -> memref<1x80x128xf32, #tpu.memory_space<hbm>>
      %dma_start3A_300 = tpu.memref_squeeze %dma_start3A_299 : memref<1x80x128xf32, #tpu.memory_space<hbm>> -> memref<80x128xf32, #tpu.memory_space<hbm>>
      %dma_start3A_301 = arith.constant 0 : i32
      %dma_start3A_302 = tpu.memref_slice %arg4[%arg0, %add3A_296, %dma_start3A_301] : memref<2x10240x128xf32, #tpu.memory_space<hbm>> -> memref<1x80x128xf32, #tpu.memory_space<hbm>>
      %dma_start3A_303 = tpu.memref_squeeze %dma_start3A_302 : memref<1x80x128xf32, #tpu.memory_space<hbm>> -> memref<80x128xf32, #tpu.memory_space<hbm>>
      tpu.enqueue_dma source(%arg9 : memref<80x128xf32, #tpu.memory_space<vmem>>) target(%dma_start3A_303 : memref<80x128xf32, #tpu.memory_space<hbm>>) target_semaphore(%run_scoped3A_297 : memref<!tpu.dma_semaphore, #tpu.memory_space<semaphore_mem>>)
      %dma_wait3A_304 = arith.constant 0 : i32
      %dma_wait3A_305 = tpu.memref_slice %arg4[%arg0, %add3A_296, %dma_wait3A_304] : memref<2x10240x128xf32, #tpu.memory_space<hbm>> -> memref<1x80x128xf32, #tpu.memory_space<hbm>>
      %dma_wait3A_306 = tpu.memref_squeeze %dma_wait3A_305 : memref<1x80x128xf32, #tpu.memory_space<hbm>> -> memref<80x128xf32, #tpu.memory_space<hbm>>
      %dma_wait3A_307 = arith.constant 0 : i32
      %dma_wait3A_308 = tpu.memref_slice %arg4[%arg0, %add3A_296, %dma_wait3A_307] : memref<2x10240x128xf32, #tpu.memory_space<hbm>> -> memref<1x80x128xf32, #tpu.memory_space<hbm>>
      %dma_wait3A_309 = tpu.memref_squeeze %dma_wait3A_308 : memref<1x80x128xf32, #tpu.memory_space<hbm>> -> memref<80x128xf32, #tpu.memory_space<hbm>>
      tpu.wait_dma2 semaphore(%run_scoped3A_297 : memref<!tpu.dma_semaphore, #tpu.memory_space<semaphore_mem>>) src(%arg9 : memref<80x128xf32, #tpu.memory_space<vmem>>) dst(%dma_wait3A_309 : memref<80x128xf32, #tpu.memory_space<hbm>>)
      tpu.yield
    }) : () -> ()
    return
  }
}

#map = affine_map<(d0, d1) -> (0, 0)>
#map1 = affine_map<(d0, d1) -> (0)>
#map2 = affine_map<(d0, d1) -> (0, 0, 0)>
module attributes {stable_mosaic.version = 14 : i64} {
  func.func @body(%arg0: i32, %arg1: i32, %arg2: memref<10240x128xf32, #tpu.memory_space<hbm>>, %arg3: memref<640000xi32, #tpu.memory_space<hbm>>, %arg4: memref<2x10240x128xf32, #tpu.memory_space<hbm>>, %arg5: memref<10240x128xf32, #tpu.memory_space<vmem_shared>>, %arg6: memref<10000xi32, #tpu.memory_space<vmem>>, %arg7: memref<125x80xi32, #tpu.memory_space<vmem>>, %arg8: memref<80x128xf32, #tpu.memory_space<vmem>>, %arg9: memref<80x128xf32, #tpu.memory_space<vmem>>, %arg10: memref<!tpu.dma_semaphore, #tpu.memory_space<semaphore_mem>>, %arg11: memref<!tpu.dma_semaphore, #tpu.memory_space<semaphore_mem>>) attributes {dimension_semantics = [#tpu.dimension_semantics<core_parallel>, #tpu.dimension_semantics<subcore_parallel>], iteration_bounds = array<i64: 2, 16>, scalar_prefetch = 0 : i64, scratch_operands = 7 : i64, tpu.core_type = #tpu.core_type<sc_vector_subcore>, window_params = [{transform_indices = #map}, {transform_indices = #map1}, {transform_indices = #map2}]} {
    %scan3A = arith.constant 0 : i32
    %scan3A_0 = arith.constant 0 : i32
    %scan3A_1 = arith.constant 80 : i32
    %scan3A_2 = arith.addi %scan3A_0, %scan3A_1 : i32
    %scan3A_3 = arith.constant 1 : i32
    scf.for %scan3A_297 = %scan3A_0 to %scan3A_2 step %scan3A_3  : i32 {
      %broadcast_in_dim3A = arith.constant 0.000000e+00 : f32
      %broadcast_in_dim3A_298 = vector.broadcast %broadcast_in_dim3A : f32 to vector<16xf32>
      %swap3A = arith.index_cast %scan3A_297 : i32 to index
      %swap3A_299 = arith.constant 0 : index
      %swap3A_300 = tpu.vector_load %arg8[%swap3A, %swap3A_299] {strides = array<i32>} : memref<80x128xf32, #tpu.memory_space<vmem>>, vector<1x16xf32>,
      %swap3A_301 = vector.shape_cast %swap3A_300 : vector<1x16xf32> to vector<16xf32>
      %swap3A_302 = vector.shape_cast %broadcast_in_dim3A_298 : vector<16xf32> to vector<1x16xf32>
      tpu.vector_store %arg8[%swap3A, %swap3A_299], %swap3A_302 {strides = array<i32>} : memref<80x128xf32, #tpu.memory_space<vmem>>, vector<1x16xf32>,
      %broadcast_in_dim3A_303 = arith.constant 0.000000e+00 : f32
      %broadcast_in_dim3A_304 = vector.broadcast %broadcast_in_dim3A_303 : f32 to vector<16xf32>
      %swap3A_305 = arith.index_cast %scan3A_297 : i32 to index
      %swap3A_306 = arith.constant 16 : index
      %swap3A_307 = tpu.vector_load %arg8[%swap3A_305, %swap3A_306] {strides = array<i32>} : memref<80x128xf32, #tpu.memory_space<vmem>>, vector<1x16xf32>,
      %swap3A_308 = vector.shape_cast %swap3A_307 : vector<1x16xf32> to vector<16xf32>
      %swap3A_309 = vector.shape_cast %broadcast_in_dim3A_304 : vector<16xf32> to vector<1x16xf32>
      tpu.vector_store %arg8[%swap3A_305, %swap3A_306], %swap3A_309 {strides = array<i32>} : memref<80x128xf32, #tpu.memory_space<vmem>>, vector<1x16xf32>,
      %broadcast_in_dim3A_310 = arith.constant 0.000000e+00 : f32
      %broadcast_in_dim3A_311 = vector.broadcast %broadcast_in_dim3A_310 : f32 to vector<16xf32>
      %swap3A_312 = arith.index_cast %scan3A_297 : i32 to index
      %swap3A_313 = arith.constant 32 : index
      %swap3A_314 = tpu.vector_load %arg8[%swap3A_312, %swap3A_313] {strides = array<i32>} : memref<80x128xf32, #tpu.memory_space<vmem>>, vector<1x16xf32>,
      %swap3A_315 = vector.shape_cast %swap3A_314 : vector<1x16xf32> to vector<16xf32>
      %swap3A_316 = vector.shape_cast %broadcast_in_dim3A_311 : vector<16xf32> to vector<1x16xf32>
      tpu.vector_store %arg8[%swap3A_312, %swap3A_313], %swap3A_316 {strides = array<i32>} : memref<80x128xf32, #tpu.memory_space<vmem>>, vector<1x16xf32>,
      %broadcast_in_dim3A_317 = arith.constant 0.000000e+00 : f32
      %broadcast_in_dim3A_318 = vector.broadcast %broadcast_in_dim3A_317 : f32 to vector<16xf32>
      %swap3A_319 = arith.index_cast %scan3A_297 : i32 to index
      %swap3A_320 = arith.constant 48 : index
      %swap3A_321 = tpu.vector_load %arg8[%swap3A_319, %swap3A_320] {strides = array<i32>} : memref<80x128xf32, #tpu.memory_space<vmem>>, vector<1x16xf32>,
      %swap3A_322 = vector.shape_cast %swap3A_321 : vector<1x16xf32> to vector<16xf32>
      %swap3A_323 = vector.shape_cast %broadcast_in_dim3A_318 : vector<16xf32> to vector<1x16xf32>
      tpu.vector_store %arg8[%swap3A_319, %swap3A_320], %swap3A_323 {strides = array<i32>} : memref<80x128xf32, #tpu.memory_space<vmem>>, vector<1x16xf32>,
      %broadcast_in_dim3A_324 = arith.constant 0.000000e+00 : f32
      %broadcast_in_dim3A_325 = vector.broadcast %broadcast_in_dim3A_324 : f32 to vector<16xf32>
      %swap3A_326 = arith.index_cast %scan3A_297 : i32 to index
      %swap3A_327 = arith.constant 64 : index
      %swap3A_328 = tpu.vector_load %arg8[%swap3A_326, %swap3A_327] {strides = array<i32>} : memref<80x128xf32, #tpu.memory_space<vmem>>, vector<1x16xf32>,
      %swap3A_329 = vector.shape_cast %swap3A_328 : vector<1x16xf32> to vector<16xf32>
      %swap3A_330 = vector.shape_cast %broadcast_in_dim3A_325 : vector<16xf32> to vector<1x16xf32>
      tpu.vector_store %arg8[%swap3A_326, %swap3A_327], %swap3A_330 {strides = array<i32>} : memref<80x128xf32, #tpu.memory_space<vmem>>, vector<1x16xf32>,
      %broadcast_in_dim3A_331 = arith.constant 0.000000e+00 : f32
      %broadcast_in_dim3A_332 = vector.broadcast %broadcast_in_dim3A_331 : f32 to vector<16xf32>
      %swap3A_333 = arith.index_cast %scan3A_297 : i32 to index
      %swap3A_334 = arith.constant 80 : index
      %swap3A_335 = tpu.vector_load %arg8[%swap3A_333, %swap3A_334] {strides = array<i32>} : memref<80x128xf32, #tpu.memory_space<vmem>>, vector<1x16xf32>,
      %swap3A_336 = vector.shape_cast %swap3A_335 : vector<1x16xf32> to vector<16xf32>
      %swap3A_337 = vector.shape_cast %broadcast_in_dim3A_332 : vector<16xf32> to vector<1x16xf32>
      tpu.vector_store %arg8[%swap3A_333, %swap3A_334], %swap3A_337 {strides = array<i32>} : memref<80x128xf32, #tpu.memory_space<vmem>>, vector<1x16xf32>,
      %broadcast_in_dim3A_338 = arith.constant 0.000000e+00 : f32
      %broadcast_in_dim3A_339 = vector.broadcast %broadcast_in_dim3A_338 : f32 to vector<16xf32>
      %swap3A_340 = arith.index_cast %scan3A_297 : i32 to index
      %swap3A_341 = arith.constant 96 : index
      %swap3A_342 = tpu.vector_load %arg8[%swap3A_340, %swap3A_341] {strides = array<i32>} : memref<80x128xf32, #tpu.memory_space<vmem>>, vector<1x16xf32>,
      %swap3A_343 = vector.shape_cast %swap3A_342 : vector<1x16xf32> to vector<16xf32>
      %swap3A_344 = vector.shape_cast %broadcast_in_dim3A_339 : vector<16xf32> to vector<1x16xf32>
      tpu.vector_store %arg8[%swap3A_340, %swap3A_341], %swap3A_344 {strides = array<i32>} : memref<80x128xf32, #tpu.memory_space<vmem>>, vector<1x16xf32>,
      %broadcast_in_dim3A_345 = arith.constant 0.000000e+00 : f32
      %broadcast_in_dim3A_346 = vector.broadcast %broadcast_in_dim3A_345 : f32 to vector<16xf32>
      %swap3A_347 = arith.index_cast %scan3A_297 : i32 to index
      %swap3A_348 = arith.constant 112 : index
      %swap3A_349 = tpu.vector_load %arg8[%swap3A_347, %swap3A_348] {strides = array<i32>} : memref<80x128xf32, #tpu.memory_space<vmem>>, vector<1x16xf32>,
      %swap3A_350 = vector.shape_cast %swap3A_349 : vector<1x16xf32> to vector<16xf32>
      %swap3A_351 = vector.shape_cast %broadcast_in_dim3A_346 : vector<16xf32> to vector<1x16xf32>
      tpu.vector_store %arg8[%swap3A_347, %swap3A_348], %swap3A_351 {strides = array<i32>} : memref<80x128xf32, #tpu.memory_space<vmem>>, vector<1x16xf32>,
    }
    %scan3A_4 = arith.constant 80 : i32
    %mul3A = arith.constant 640 : i32
    %mul3A_5 = arith.muli %arg1, %mul3A : i32
    %add3A = arith.constant 0 : i32
    %add3A_6 = arith.addi %mul3A_5, %add3A : i32
    %dma_start3A = arith.constant 0 : i32
    %dma_start3A_7 = tpu.memref_slice %arg5[%add3A_6, %dma_start3A] : memref<10240x128xf32, #tpu.memory_space<vmem_shared>> -> memref<80x128xf32, #tpu.memory_space<vmem_shared>>
    %dma_start3A_8 = arith.constant 0 : i32
    %dma_start3A_9 = tpu.memref_slice %arg5[%add3A_6, %dma_start3A_8] : memref<10240x128xf32, #tpu.memory_space<vmem_shared>> -> memref<80x128xf32, #tpu.memory_space<vmem_shared>>
    tpu.enqueue_dma source(%arg8 : memref<80x128xf32, #tpu.memory_space<vmem>>) target(%dma_start3A_9 : memref<80x128xf32, #tpu.memory_space<vmem_shared>>) target_semaphore(%arg10 : memref<!tpu.dma_semaphore, #tpu.memory_space<semaphore_mem>>)
    %mul3A_10 = arith.constant 640 : i32
    %mul3A_11 = arith.muli %arg1, %mul3A_10 : i32
    %add3A_12 = arith.constant 80 : i32
    %add3A_13 = arith.addi %mul3A_11, %add3A_12 : i32
    %dma_start3A_14 = arith.constant 0 : i32
    %dma_start3A_15 = tpu.memref_slice %arg5[%add3A_13, %dma_start3A_14] : memref<10240x128xf32, #tpu.memory_space<vmem_shared>> -> memref<80x128xf32, #tpu.memory_space<vmem_shared>>
    %dma_start3A_16 = arith.constant 0 : i32
    %dma_start3A_17 = tpu.memref_slice %arg5[%add3A_13, %dma_start3A_16] : memref<10240x128xf32, #tpu.memory_space<vmem_shared>> -> memref<80x128xf32, #tpu.memory_space<vmem_shared>>
    tpu.enqueue_dma source(%arg8 : memref<80x128xf32, #tpu.memory_space<vmem>>) target(%dma_start3A_17 : memref<80x128xf32, #tpu.memory_space<vmem_shared>>) target_semaphore(%arg10 : memref<!tpu.dma_semaphore, #tpu.memory_space<semaphore_mem>>)
    %mul3A_18 = arith.constant 640 : i32
    %mul3A_19 = arith.muli %arg1, %mul3A_18 : i32
    %add3A_20 = arith.constant 160 : i32
    %add3A_21 = arith.addi %mul3A_19, %add3A_20 : i32
    %dma_start3A_22 = arith.constant 0 : i32
    %dma_start3A_23 = tpu.memref_slice %arg5[%add3A_21, %dma_start3A_22] : memref<10240x128xf32, #tpu.memory_space<vmem_shared>> -> memref<80x128xf32, #tpu.memory_space<vmem_shared>>
    %dma_start3A_24 = arith.constant 0 : i32
    %dma_start3A_25 = tpu.memref_slice %arg5[%add3A_21, %dma_start3A_24] : memref<10240x128xf32, #tpu.memory_space<vmem_shared>> -> memref<80x128xf32, #tpu.memory_space<vmem_shared>>
    tpu.enqueue_dma source(%arg8 : memref<80x128xf32, #tpu.memory_space<vmem>>) target(%dma_start3A_25 : memref<80x128xf32, #tpu.memory_space<vmem_shared>>) target_semaphore(%arg10 : memref<!tpu.dma_semaphore, #tpu.memory_space<semaphore_mem>>)
    %mul3A_26 = arith.constant 640 : i32
    %mul3A_27 = arith.muli %arg1, %mul3A_26 : i32
    %add3A_28 = arith.constant 240 : i32
    %add3A_29 = arith.addi %mul3A_27, %add3A_28 : i32
    %dma_start3A_30 = arith.constant 0 : i32
    %dma_start3A_31 = tpu.memref_slice %arg5[%add3A_29, %dma_start3A_30] : memref<10240x128xf32, #tpu.memory_space<vmem_shared>> -> memref<80x128xf32, #tpu.memory_space<vmem_shared>>
    %dma_start3A_32 = arith.constant 0 : i32
    %dma_start3A_33 = tpu.memref_slice %arg5[%add3A_29, %dma_start3A_32] : memref<10240x128xf32, #tpu.memory_space<vmem_shared>> -> memref<80x128xf32, #tpu.memory_space<vmem_shared>>
    tpu.enqueue_dma source(%arg8 : memref<80x128xf32, #tpu.memory_space<vmem>>) target(%dma_start3A_33 : memref<80x128xf32, #tpu.memory_space<vmem_shared>>) target_semaphore(%arg10 : memref<!tpu.dma_semaphore, #tpu.memory_space<semaphore_mem>>)
    %mul3A_34 = arith.constant 640 : i32
    %mul3A_35 = arith.muli %arg1, %mul3A_34 : i32
    %add3A_36 = arith.constant 320 : i32
    %add3A_37 = arith.addi %mul3A_35, %add3A_36 : i32
    %dma_start3A_38 = arith.constant 0 : i32
    %dma_start3A_39 = tpu.memref_slice %arg5[%add3A_37, %dma_start3A_38] : memref<10240x128xf32, #tpu.memory_space<vmem_shared>> -> memref<80x128xf32, #tpu.memory_space<vmem_shared>>
    %dma_start3A_40 = arith.constant 0 : i32
    %dma_start3A_41 = tpu.memref_slice %arg5[%add3A_37, %dma_start3A_40] : memref<10240x128xf32, #tpu.memory_space<vmem_shared>> -> memref<80x128xf32, #tpu.memory_space<vmem_shared>>
    tpu.enqueue_dma source(%arg8 : memref<80x128xf32, #tpu.memory_space<vmem>>) target(%dma_start3A_41 : memref<80x128xf32, #tpu.memory_space<vmem_shared>>) target_semaphore(%arg10 : memref<!tpu.dma_semaphore, #tpu.memory_space<semaphore_mem>>)
    %mul3A_42 = arith.constant 640 : i32
    %mul3A_43 = arith.muli %arg1, %mul3A_42 : i32
    %add3A_44 = arith.constant 400 : i32
    %add3A_45 = arith.addi %mul3A_43, %add3A_44 : i32
    %dma_start3A_46 = arith.constant 0 : i32
    %dma_start3A_47 = tpu.memref_slice %arg5[%add3A_45, %dma_start3A_46] : memref<10240x128xf32, #tpu.memory_space<vmem_shared>> -> memref<80x128xf32, #tpu.memory_space<vmem_shared>>
    %dma_start3A_48 = arith.constant 0 : i32
    %dma_start3A_49 = tpu.memref_slice %arg5[%add3A_45, %dma_start3A_48] : memref<10240x128xf32, #tpu.memory_space<vmem_shared>> -> memref<80x128xf32, #tpu.memory_space<vmem_shared>>
    tpu.enqueue_dma source(%arg8 : memref<80x128xf32, #tpu.memory_space<vmem>>) target(%dma_start3A_49 : memref<80x128xf32, #tpu.memory_space<vmem_shared>>) target_semaphore(%arg10 : memref<!tpu.dma_semaphore, #tpu.memory_space<semaphore_mem>>)
    %mul3A_50 = arith.constant 640 : i32
    %mul3A_51 = arith.muli %arg1, %mul3A_50 : i32
    %add3A_52 = arith.constant 480 : i32
    %add3A_53 = arith.addi %mul3A_51, %add3A_52 : i32
    %dma_start3A_54 = arith.constant 0 : i32
    %dma_start3A_55 = tpu.memref_slice %arg5[%add3A_53, %dma_start3A_54] : memref<10240x128xf32, #tpu.memory_space<vmem_shared>> -> memref<80x128xf32, #tpu.memory_space<vmem_shared>>
    %dma_start3A_56 = arith.constant 0 : i32
    %dma_start3A_57 = tpu.memref_slice %arg5[%add3A_53, %dma_start3A_56] : memref<10240x128xf32, #tpu.memory_space<vmem_shared>> -> memref<80x128xf32, #tpu.memory_space<vmem_shared>>
    tpu.enqueue_dma source(%arg8 : memref<80x128xf32, #tpu.memory_space<vmem>>) target(%dma_start3A_57 : memref<80x128xf32, #tpu.memory_space<vmem_shared>>) target_semaphore(%arg10 : memref<!tpu.dma_semaphore, #tpu.memory_space<semaphore_mem>>)
    %mul3A_58 = arith.constant 640 : i32
    %mul3A_59 = arith.muli %arg1, %mul3A_58 : i32
    %add3A_60 = arith.constant 560 : i32
    %add3A_61 = arith.addi %mul3A_59, %add3A_60 : i32
    %dma_start3A_62 = arith.constant 0 : i32
    %dma_start3A_63 = tpu.memref_slice %arg5[%add3A_61, %dma_start3A_62] : memref<10240x128xf32, #tpu.memory_space<vmem_shared>> -> memref<80x128xf32, #tpu.memory_space<vmem_shared>>
    %dma_start3A_64 = arith.constant 0 : i32
    %dma_start3A_65 = tpu.memref_slice %arg5[%add3A_61, %dma_start3A_64] : memref<10240x128xf32, #tpu.memory_space<vmem_shared>> -> memref<80x128xf32, #tpu.memory_space<vmem_shared>>
    tpu.enqueue_dma source(%arg8 : memref<80x128xf32, #tpu.memory_space<vmem>>) target(%dma_start3A_65 : memref<80x128xf32, #tpu.memory_space<vmem_shared>>) target_semaphore(%arg10 : memref<!tpu.dma_semaphore, #tpu.memory_space<semaphore_mem>>)
    %mul3A_66 = arith.constant 160000 : i32
    %mul3A_67 = arith.muli %arg0, %mul3A_66 : i32
    %mul3A_68 = arith.constant 10000 : i32
    %mul3A_69 = arith.muli %arg1, %mul3A_68 : i32
    %add3A_70 = arith.addi %mul3A_67, %mul3A_69 : i32
    %add3A_71 = arith.constant 320000 : i32
    %add3A_72 = arith.addi %add3A_71, %add3A_70 : i32
    "tpu.region"() ({
      %run_scoped3A_297 = tpu.sem_alloc : memref<!tpu.dma_semaphore, #tpu.memory_space<semaphore_mem>>
      %dma_start3A_298 = tpu.memref_slice %arg3[%add3A_72] : memref<640000xi32, #tpu.memory_space<hbm>> -> memref<10000xi32, #tpu.memory_space<hbm>>
      %dma_start3A_299 = tpu.memref_slice %arg3[%add3A_72] : memref<640000xi32, #tpu.memory_space<hbm>> -> memref<10000xi32, #tpu.memory_space<hbm>>
      tpu.enqueue_dma source(%dma_start3A_299 : memref<10000xi32, #tpu.memory_space<hbm>>) target(%arg6 : memref<10000xi32, #tpu.memory_space<vmem>>) target_semaphore(%run_scoped3A_297 : memref<!tpu.dma_semaphore, #tpu.memory_space<semaphore_mem>>)
      %dma_wait3A_300 = tpu.memref_slice %arg3[%add3A_72] : memref<640000xi32, #tpu.memory_space<hbm>> -> memref<10000xi32, #tpu.memory_space<hbm>>
      %dma_wait3A_301 = tpu.memref_slice %arg3[%add3A_72] : memref<640000xi32, #tpu.memory_space<hbm>> -> memref<10000xi32, #tpu.memory_space<hbm>>
      tpu.wait_dma2 semaphore(%run_scoped3A_297 : memref<!tpu.dma_semaphore, #tpu.memory_space<semaphore_mem>>) src(%dma_wait3A_301 : memref<10000xi32, #tpu.memory_space<hbm>>) dst(%arg6 : memref<10000xi32, #tpu.memory_space<vmem>>)
      tpu.yield
    }) : () -> ()
    %scan3A_73 = arith.constant 0 : i32
    %scan3A_74 = arith.constant 0 : i32
    %scan3A_75 = arith.constant 125 : i32
    %scan3A_76 = arith.addi %scan3A_74, %scan3A_75 : i32
    %scan3A_77 = arith.constant 1 : i32
    scf.for %scan3A_297 = %scan3A_74 to %scan3A_76 step %scan3A_77  : i32 {
      %mul3A_298 = arith.constant 80 : i32
      %mul3A_299 = arith.muli %scan3A_297, %mul3A_298 : i32
      %add3A_300 = arith.constant 0 : i32
      %add3A_301 = arith.addi %mul3A_299, %add3A_300 : i32
      %get3A = arith.index_cast %add3A_301 : i32 to index
      %get3A_302 = tpu.vector_load %arg6[%get3A] {strides = array<i32>} : memref<10000xi32, #tpu.memory_space<vmem>>, vector<16xi32>,
      %get3A_303 = vector.shape_cast %get3A_302 : vector<16xi32> to vector<16xi32>
      %swap3A = arith.index_cast %scan3A_297 : i32 to index
      %swap3A_304 = arith.constant 0 : index
      %swap3A_305 = tpu.vector_load %arg7[%swap3A, %swap3A_304] {strides = array<i32>} : memref<125x80xi32, #tpu.memory_space<vmem>>, vector<1x16xi32>,
      %swap3A_306 = vector.shape_cast %swap3A_305 : vector<1x16xi32> to vector<16xi32>
      %swap3A_307 = vector.shape_cast %get3A_303 : vector<16xi32> to vector<1x16xi32>
      tpu.vector_store %arg7[%swap3A, %swap3A_304], %swap3A_307 {strides = array<i32>} : memref<125x80xi32, #tpu.memory_space<vmem>>, vector<1x16xi32>,
      %mul3A_308 = arith.constant 80 : i32
      %mul3A_309 = arith.muli %scan3A_297, %mul3A_308 : i32
      %add3A_310 = arith.constant 16 : i32
      %add3A_311 = arith.addi %mul3A_309, %add3A_310 : i32
      %get3A_312 = arith.index_cast %add3A_311 : i32 to index
      %get3A_313 = tpu.vector_load %arg6[%get3A_312] {strides = array<i32>} : memref<10000xi32, #tpu.memory_space<vmem>>, vector<16xi32>,
      %get3A_314 = vector.shape_cast %get3A_313 : vector<16xi32> to vector<16xi32>
      %swap3A_315 = arith.index_cast %scan3A_297 : i32 to index
      %swap3A_316 = arith.constant 16 : index
      %swap3A_317 = tpu.vector_load %arg7[%swap3A_315, %swap3A_316] {strides = array<i32>} : memref<125x80xi32, #tpu.memory_space<vmem>>, vector<1x16xi32>,
      %swap3A_318 = vector.shape_cast %swap3A_317 : vector<1x16xi32> to vector<16xi32>
      %swap3A_319 = vector.shape_cast %get3A_314 : vector<16xi32> to vector<1x16xi32>
      tpu.vector_store %arg7[%swap3A_315, %swap3A_316], %swap3A_319 {strides = array<i32>} : memref<125x80xi32, #tpu.memory_space<vmem>>, vector<1x16xi32>,
      %mul3A_320 = arith.constant 80 : i32
      %mul3A_321 = arith.muli %scan3A_297, %mul3A_320 : i32
      %add3A_322 = arith.constant 32 : i32
      %add3A_323 = arith.addi %mul3A_321, %add3A_322 : i32
      %get3A_324 = arith.index_cast %add3A_323 : i32 to index
      %get3A_325 = tpu.vector_load %arg6[%get3A_324] {strides = array<i32>} : memref<10000xi32, #tpu.memory_space<vmem>>, vector<16xi32>,
      %get3A_326 = vector.shape_cast %get3A_325 : vector<16xi32> to vector<16xi32>
      %swap3A_327 = arith.index_cast %scan3A_297 : i32 to index
      %swap3A_328 = arith.constant 32 : index
      %swap3A_329 = tpu.vector_load %arg7[%swap3A_327, %swap3A_328] {strides = array<i32>} : memref<125x80xi32, #tpu.memory_space<vmem>>, vector<1x16xi32>,
      %swap3A_330 = vector.shape_cast %swap3A_329 : vector<1x16xi32> to vector<16xi32>
      %swap3A_331 = vector.shape_cast %get3A_326 : vector<16xi32> to vector<1x16xi32>
      tpu.vector_store %arg7[%swap3A_327, %swap3A_328], %swap3A_331 {strides = array<i32>} : memref<125x80xi32, #tpu.memory_space<vmem>>, vector<1x16xi32>,
      %mul3A_332 = arith.constant 80 : i32
      %mul3A_333 = arith.muli %scan3A_297, %mul3A_332 : i32
      %add3A_334 = arith.constant 48 : i32
      %add3A_335 = arith.addi %mul3A_333, %add3A_334 : i32
      %get3A_336 = arith.index_cast %add3A_335 : i32 to index
      %get3A_337 = tpu.vector_load %arg6[%get3A_336] {strides = array<i32>} : memref<10000xi32, #tpu.memory_space<vmem>>, vector<16xi32>,
      %get3A_338 = vector.shape_cast %get3A_337 : vector<16xi32> to vector<16xi32>
      %swap3A_339 = arith.index_cast %scan3A_297 : i32 to index
      %swap3A_340 = arith.constant 48 : index
      %swap3A_341 = tpu.vector_load %arg7[%swap3A_339, %swap3A_340] {strides = array<i32>} : memref<125x80xi32, #tpu.memory_space<vmem>>, vector<1x16xi32>,
      %swap3A_342 = vector.shape_cast %swap3A_341 : vector<1x16xi32> to vector<16xi32>
      %swap3A_343 = vector.shape_cast %get3A_338 : vector<16xi32> to vector<1x16xi32>
      tpu.vector_store %arg7[%swap3A_339, %swap3A_340], %swap3A_343 {strides = array<i32>} : memref<125x80xi32, #tpu.memory_space<vmem>>, vector<1x16xi32>,
      %mul3A_344 = arith.constant 80 : i32
      %mul3A_345 = arith.muli %scan3A_297, %mul3A_344 : i32
      %add3A_346 = arith.constant 64 : i32
      %add3A_347 = arith.addi %mul3A_345, %add3A_346 : i32
      %get3A_348 = arith.index_cast %add3A_347 : i32 to index
      %get3A_349 = tpu.vector_load %arg6[%get3A_348] {strides = array<i32>} : memref<10000xi32, #tpu.memory_space<vmem>>, vector<16xi32>,
      %get3A_350 = vector.shape_cast %get3A_349 : vector<16xi32> to vector<16xi32>
      %swap3A_351 = arith.index_cast %scan3A_297 : i32 to index
      %swap3A_352 = arith.constant 64 : index
      %swap3A_353 = tpu.vector_load %arg7[%swap3A_351, %swap3A_352] {strides = array<i32>} : memref<125x80xi32, #tpu.memory_space<vmem>>, vector<1x16xi32>,
      %swap3A_354 = vector.shape_cast %swap3A_353 : vector<1x16xi32> to vector<16xi32>
      %swap3A_355 = vector.shape_cast %get3A_350 : vector<16xi32> to vector<1x16xi32>
      tpu.vector_store %arg7[%swap3A_351, %swap3A_352], %swap3A_355 {strides = array<i32>} : memref<125x80xi32, #tpu.memory_space<vmem>>, vector<1x16xi32>,
    }
    %scan3A_78 = arith.constant 125 : i32
    "tpu.region"() ({
      %run_scoped3A_297 = tpu.sem_alloc : memref<!tpu.dma_semaphore, #tpu.memory_space<semaphore_mem>>
      %dma_start3A_298 = tpu.memref_slice %arg3[%add3A_70] : memref<640000xi32, #tpu.memory_space<hbm>> -> memref<10000xi32, #tpu.memory_space<hbm>>
      %dma_start3A_299 = tpu.memref_slice %arg3[%add3A_70] : memref<640000xi32, #tpu.memory_space<hbm>> -> memref<10000xi32, #tpu.memory_space<hbm>>
      tpu.enqueue_dma source(%dma_start3A_299 : memref<10000xi32, #tpu.memory_space<hbm>>) target(%arg6 : memref<10000xi32, #tpu.memory_space<vmem>>) target_semaphore(%run_scoped3A_297 : memref<!tpu.dma_semaphore, #tpu.memory_space<semaphore_mem>>)
      %dma_wait3A_300 = tpu.memref_slice %arg3[%add3A_70] : memref<640000xi32, #tpu.memory_space<hbm>> -> memref<10000xi32, #tpu.memory_space<hbm>>
      %dma_wait3A_301 = tpu.memref_slice %arg3[%add3A_70] : memref<640000xi32, #tpu.memory_space<hbm>> -> memref<10000xi32, #tpu.memory_space<hbm>>
      tpu.wait_dma2 semaphore(%run_scoped3A_297 : memref<!tpu.dma_semaphore, #tpu.memory_space<semaphore_mem>>) src(%dma_wait3A_301 : memref<10000xi32, #tpu.memory_space<hbm>>) dst(%arg6 : memref<10000xi32, #tpu.memory_space<vmem>>)
      tpu.yield
    }) : () -> ()
    %mul3A_79 = arith.constant 640 : i32
    %mul3A_80 = arith.muli %arg1, %mul3A_79 : i32
    %dma_wait3A = arith.constant 0 : i32
    %dma_wait3A_81 = tpu.memref_slice %arg5[%mul3A_80, %dma_wait3A] : memref<10240x128xf32, #tpu.memory_space<vmem_shared>> -> memref<80x128xf32, #tpu.memory_space<vmem_shared>>
    %dma_wait3A_82 = arith.constant 0 : i32
    %dma_wait3A_83 = tpu.memref_slice %arg5[%mul3A_80, %dma_wait3A_82] : memref<10240x128xf32, #tpu.memory_space<vmem_shared>> -> memref<80x128xf32, #tpu.memory_space<vmem_shared>>
    tpu.wait_dma2 semaphore(%arg10 : memref<!tpu.dma_semaphore, #tpu.memory_space<semaphore_mem>>) src(%arg8 : memref<80x128xf32, #tpu.memory_space<vmem>>) dst(%dma_wait3A_83 : memref<80x128xf32, #tpu.memory_space<vmem_shared>>)
    %mul3A_84 = arith.constant 640 : i32
    %mul3A_85 = arith.muli %arg1, %mul3A_84 : i32
    %dma_wait3A_86 = arith.constant 0 : i32
    %dma_wait3A_87 = tpu.memref_slice %arg5[%mul3A_85, %dma_wait3A_86] : memref<10240x128xf32, #tpu.memory_space<vmem_shared>> -> memref<80x128xf32, #tpu.memory_space<vmem_shared>>
    %dma_wait3A_88 = arith.constant 0 : i32
    %dma_wait3A_89 = tpu.memref_slice %arg5[%mul3A_85, %dma_wait3A_88] : memref<10240x128xf32, #tpu.memory_space<vmem_shared>> -> memref<80x128xf32, #tpu.memory_space<vmem_shared>>
    tpu.wait_dma2 semaphore(%arg10 : memref<!tpu.dma_semaphore, #tpu.memory_space<semaphore_mem>>) src(%arg8 : memref<80x128xf32, #tpu.memory_space<vmem>>) dst(%dma_wait3A_89 : memref<80x128xf32, #tpu.memory_space<vmem_shared>>)
    %mul3A_90 = arith.constant 640 : i32
    %mul3A_91 = arith.muli %arg1, %mul3A_90 : i32
    %dma_wait3A_92 = arith.constant 0 : i32
    %dma_wait3A_93 = tpu.memref_slice %arg5[%mul3A_91, %dma_wait3A_92] : memref<10240x128xf32, #tpu.memory_space<vmem_shared>> -> memref<80x128xf32, #tpu.memory_space<vmem_shared>>
    %dma_wait3A_94 = arith.constant 0 : i32
    %dma_wait3A_95 = tpu.memref_slice %arg5[%mul3A_91, %dma_wait3A_94] : memref<10240x128xf32, #tpu.memory_space<vmem_shared>> -> memref<80x128xf32, #tpu.memory_space<vmem_shared>>
    tpu.wait_dma2 semaphore(%arg10 : memref<!tpu.dma_semaphore, #tpu.memory_space<semaphore_mem>>) src(%arg8 : memref<80x128xf32, #tpu.memory_space<vmem>>) dst(%dma_wait3A_95 : memref<80x128xf32, #tpu.memory_space<vmem_shared>>)
    %mul3A_96 = arith.constant 640 : i32
    %mul3A_97 = arith.muli %arg1, %mul3A_96 : i32
    %dma_wait3A_98 = arith.constant 0 : i32
    %dma_wait3A_99 = tpu.memref_slice %arg5[%mul3A_97, %dma_wait3A_98] : memref<10240x128xf32, #tpu.memory_space<vmem_shared>> -> memref<80x128xf32, #tpu.memory_space<vmem_shared>>
    %dma_wait3A_100 = arith.constant 0 : i32
    %dma_wait3A_101 = tpu.memref_slice %arg5[%mul3A_97, %dma_wait3A_100] : memref<10240x128xf32, #tpu.memory_space<vmem_shared>> -> memref<80x128xf32, #tpu.memory_space<vmem_shared>>
    tpu.wait_dma2 semaphore(%arg10 : memref<!tpu.dma_semaphore, #tpu.memory_space<semaphore_mem>>) src(%arg8 : memref<80x128xf32, #tpu.memory_space<vmem>>) dst(%dma_wait3A_101 : memref<80x128xf32, #tpu.memory_space<vmem_shared>>)
    %mul3A_102 = arith.constant 640 : i32
    %mul3A_103 = arith.muli %arg1, %mul3A_102 : i32
    %dma_wait3A_104 = arith.constant 0 : i32
    %dma_wait3A_105 = tpu.memref_slice %arg5[%mul3A_103, %dma_wait3A_104] : memref<10240x128xf32, #tpu.memory_space<vmem_shared>> -> memref<80x128xf32, #tpu.memory_space<vmem_shared>>
    %dma_wait3A_106 = arith.constant 0 : i32
    %dma_wait3A_107 = tpu.memref_slice %arg5[%mul3A_103, %dma_wait3A_106] : memref<10240x128xf32, #tpu.memory_space<vmem_shared>> -> memref<80x128xf32, #tpu.memory_space<vmem_shared>>
    tpu.wait_dma2 semaphore(%arg10 : memref<!tpu.dma_semaphore, #tpu.memory_space<semaphore_mem>>) src(%arg8 : memref<80x128xf32, #tpu.memory_space<vmem>>) dst(%dma_wait3A_107 : memref<80x128xf32, #tpu.memory_space<vmem_shared>>)
    %mul3A_108 = arith.constant 640 : i32
    %mul3A_109 = arith.muli %arg1, %mul3A_108 : i32
    %dma_wait3A_110 = arith.constant 0 : i32
    %dma_wait3A_111 = tpu.memref_slice %arg5[%mul3A_109, %dma_wait3A_110] : memref<10240x128xf32, #tpu.memory_space<vmem_shared>> -> memref<80x128xf32, #tpu.memory_space<vmem_shared>>
    %dma_wait3A_112 = arith.constant 0 : i32
    %dma_wait3A_113 = tpu.memref_slice %arg5[%mul3A_109, %dma_wait3A_112] : memref<10240x128xf32, #tpu.memory_space<vmem_shared>> -> memref<80x128xf32, #tpu.memory_space<vmem_shared>>
    tpu.wait_dma2 semaphore(%arg10 : memref<!tpu.dma_semaphore, #tpu.memory_space<semaphore_mem>>) src(%arg8 : memref<80x128xf32, #tpu.memory_space<vmem>>) dst(%dma_wait3A_113 : memref<80x128xf32, #tpu.memory_space<vmem_shared>>)
    %mul3A_114 = arith.constant 640 : i32
    %mul3A_115 = arith.muli %arg1, %mul3A_114 : i32
    %dma_wait3A_116 = arith.constant 0 : i32
    %dma_wait3A_117 = tpu.memref_slice %arg5[%mul3A_115, %dma_wait3A_116] : memref<10240x128xf32, #tpu.memory_space<vmem_shared>> -> memref<80x128xf32, #tpu.memory_space<vmem_shared>>
    %dma_wait3A_118 = arith.constant 0 : i32
    %dma_wait3A_119 = tpu.memref_slice %arg5[%mul3A_115, %dma_wait3A_118] : memref<10240x128xf32, #tpu.memory_space<vmem_shared>> -> memref<80x128xf32, #tpu.memory_space<vmem_shared>>
    tpu.wait_dma2 semaphore(%arg10 : memref<!tpu.dma_semaphore, #tpu.memory_space<semaphore_mem>>) src(%arg8 : memref<80x128xf32, #tpu.memory_space<vmem>>) dst(%dma_wait3A_119 : memref<80x128xf32, #tpu.memory_space<vmem_shared>>)
    %mul3A_120 = arith.constant 640 : i32
    %mul3A_121 = arith.muli %arg1, %mul3A_120 : i32
    %dma_wait3A_122 = arith.constant 0 : i32
    %dma_wait3A_123 = tpu.memref_slice %arg5[%mul3A_121, %dma_wait3A_122] : memref<10240x128xf32, #tpu.memory_space<vmem_shared>> -> memref<80x128xf32, #tpu.memory_space<vmem_shared>>
    %dma_wait3A_124 = arith.constant 0 : i32
    %dma_wait3A_125 = tpu.memref_slice %arg5[%mul3A_121, %dma_wait3A_124] : memref<10240x128xf32, #tpu.memory_space<vmem_shared>> -> memref<80x128xf32, #tpu.memory_space<vmem_shared>>
    tpu.wait_dma2 semaphore(%arg10 : memref<!tpu.dma_semaphore, #tpu.memory_space<semaphore_mem>>) src(%arg8 : memref<80x128xf32, #tpu.memory_space<vmem>>) dst(%dma_wait3A_125 : memref<80x128xf32, #tpu.memory_space<vmem_shared>>)
    %dma_start3A_126 = arith.constant 0 : i32
    %dma_start3A_127 = tpu.memref_slice %arg6[%dma_start3A_126] : memref<10000xi32, #tpu.memory_space<vmem>> -> memref<80xi32, #tpu.memory_space<vmem>>
    %dma_start3A_128 = arith.constant 0 : i32
    %dma_start3A_129 = arith.constant 0 : i32
    %dma_start3A_130 = tpu.memref_slice %arg2[%dma_start3A_128, %dma_start3A_129] : memref<10240x128xf32, #tpu.memory_space<hbm>> -> memref<10240x128xf32, #tpu.memory_space<hbm>>
    tpu.enqueue_indirect_dma source(%dma_start3A_130 : memref<10240x128xf32, #tpu.memory_space<hbm>>) target(%arg8 : memref<80x128xf32, #tpu.memory_space<vmem>>) offsets(%dma_start3A_127 : memref<80xi32, #tpu.memory_space<vmem>>) semaphore(%arg10 : memref<!tpu.dma_semaphore, #tpu.memory_space<semaphore_mem>>)
    %dma_start3A_131 = arith.constant 80 : i32
    %dma_start3A_132 = tpu.memref_slice %arg6[%dma_start3A_131] : memref<10000xi32, #tpu.memory_space<vmem>> -> memref<80xi32, #tpu.memory_space<vmem>>
    %dma_start3A_133 = arith.constant 0 : i32
    %dma_start3A_134 = arith.constant 0 : i32
    %dma_start3A_135 = tpu.memref_slice %arg2[%dma_start3A_133, %dma_start3A_134] : memref<10240x128xf32, #tpu.memory_space<hbm>> -> memref<10240x128xf32, #tpu.memory_space<hbm>>
    tpu.enqueue_indirect_dma source(%dma_start3A_135 : memref<10240x128xf32, #tpu.memory_space<hbm>>) target(%arg9 : memref<80x128xf32, #tpu.memory_space<vmem>>) offsets(%dma_start3A_132 : memref<80xi32, #tpu.memory_space<vmem>>) semaphore(%arg11 : memref<!tpu.dma_semaphore, #tpu.memory_space<semaphore_mem>>)
    %barrier3A = arith.constant 0 : index
    tpu.barrier barrier_id(%barrier3A)
    %scan3A_136 = arith.constant 0 : i32
    %scan3A_137 = arith.constant 0 : i32
    %scan3A_138 = arith.constant 62 : i32
    %scan3A_139 = arith.addi %scan3A_137, %scan3A_138 : i32
    %scan3A_140 = arith.constant 1 : i32
    scf.for %scan3A_297 = %scan3A_137 to %scan3A_139 step %scan3A_140  : i32 {
      %mul3A_298 = arith.constant 2 : i32
      %mul3A_299 = arith.muli %scan3A_297, %mul3A_298 : i32
      %add3A_300 = arith.constant 0 : i32
      %add3A_301 = arith.addi %mul3A_299, %add3A_300 : i32
      %mul3A_302 = arith.constant 80 : i32
      %mul3A_303 = arith.muli %add3A_301, %mul3A_302 : i32
      %dma_wait3A_304 = tpu.memref_slice %arg6[%mul3A_303] : memref<10000xi32, #tpu.memory_space<vmem>> -> memref<80xi32, #tpu.memory_space<vmem>>
      %dma_wait3A_305 = arith.constant 0 : i32
      %dma_wait3A_306 = arith.constant 0 : i32
      %dma_wait3A_307 = tpu.memref_slice %arg2[%dma_wait3A_305, %dma_wait3A_306] : memref<10240x128xf32, #tpu.memory_space<hbm>> -> memref<10240x128xf32, #tpu.memory_space<hbm>>
      tpu.wait_indirect_dma semaphore(%arg10 : memref<!tpu.dma_semaphore, #tpu.memory_space<semaphore_mem>>) src(%dma_wait3A_307 : memref<10240x128xf32, #tpu.memory_space<hbm>>) dst(%arg8 : memref<80x128xf32, #tpu.memory_space<vmem>>)
      "tpu.region"() ({
        %run_scoped3A_329 = tpu.sem_alloc : memref<!tpu.dma_semaphore, #tpu.memory_space<semaphore_mem>>
        %dma_start3A_330 = arith.constant 0 : i32
        %dma_start3A_331 = tpu.memref_slice %arg7[%add3A_301, %dma_start3A_330] : memref<125x80xi32, #tpu.memory_space<vmem>> -> memref<1x80xi32, #tpu.memory_space<vmem>>
        %dma_start3A_332 = tpu.memref_squeeze %dma_start3A_331 : memref<1x80xi32, #tpu.memory_space<vmem>> -> memref<80xi32, #tpu.memory_space<vmem>>
        %dma_start3A_333 = arith.constant 0 : i32
        %dma_start3A_334 = arith.constant 0 : i32
        %dma_start3A_335 = tpu.memref_slice %arg5[%dma_start3A_333, %dma_start3A_334] : memref<10240x128xf32, #tpu.memory_space<vmem_shared>> -> memref<10240x128xf32, #tpu.memory_space<vmem_shared>>
        tpu.enqueue_indirect_dma source(%arg8 : memref<80x128xf32, #tpu.memory_space<vmem>>) target(%dma_start3A_335 : memref<10240x128xf32, #tpu.memory_space<vmem_shared>>) offsets(%dma_start3A_332 : memref<80xi32, #tpu.memory_space<vmem>>) semaphore(%run_scoped3A_329 : memref<!tpu.dma_semaphore, #tpu.memory_space<semaphore_mem>>) {add = true}
        %dma_wait3A_336 = arith.constant 0 : i32
        %dma_wait3A_337 = tpu.memref_slice %arg7[%add3A_301, %dma_wait3A_336] : memref<125x80xi32, #tpu.memory_space<vmem>> -> memref<1x80xi32, #tpu.memory_space<vmem>>
        %dma_wait3A_338 = tpu.memref_squeeze %dma_wait3A_337 : memref<1x80xi32, #tpu.memory_space<vmem>> -> memref<80xi32, #tpu.memory_space<vmem>>
        %dma_wait3A_339 = arith.constant 0 : i32
        %dma_wait3A_340 = arith.constant 0 : i32
        %dma_wait3A_341 = tpu.memref_slice %arg5[%dma_wait3A_339, %dma_wait3A_340] : memref<10240x128xf32, #tpu.memory_space<vmem_shared>> -> memref<10240x128xf32, #tpu.memory_space<vmem_shared>>
        tpu.wait_indirect_dma semaphore(%run_scoped3A_329 : memref<!tpu.dma_semaphore, #tpu.memory_space<semaphore_mem>>) src(%arg8 : memref<80x128xf32, #tpu.memory_space<vmem>>) dst(%dma_wait3A_341 : memref<10240x128xf32, #tpu.memory_space<vmem_shared>>)
        tpu.yield
      }) : () -> ()
      %add3A_308 = arith.constant 1 : i32
      %add3A_309 = arith.addi %scan3A_297, %add3A_308 : i32
      %lt3A = arith.constant 62 : i32
      %lt3A_310 = arith.cmpi slt, %add3A_309, %lt3A : i32
      %convert_element_type3A = arith.extui %lt3A_310 : i1 to i32
      %cond3A = arith.constant 0 : i32
      %cond3A_311 = arith.cmpi ne, %convert_element_type3A, %cond3A : i32
      scf.if %cond3A_311 {
        %add3A_329 = arith.constant 2 : i32
        %add3A_330 = arith.addi %add3A_301, %add3A_329 : i32
        %mul3A_331 = arith.constant 80 : i32
        %mul3A_332 = arith.muli %add3A_330, %mul3A_331 : i32
        %dma_start3A_333 = tpu.memref_slice %arg6[%mul3A_332] : memref<10000xi32, #tpu.memory_space<vmem>> -> memref<80xi32, #tpu.memory_space<vmem>>
        %dma_start3A_334 = arith.constant 0 : i32
        %dma_start3A_335 = arith.constant 0 : i32
        %dma_start3A_336 = tpu.memref_slice %arg2[%dma_start3A_334, %dma_start3A_335] : memref<10240x128xf32, #tpu.memory_space<hbm>> -> memref<10240x128xf32, #tpu.memory_space<hbm>>
        tpu.enqueue_indirect_dma source(%dma_start3A_336 : memref<10240x128xf32, #tpu.memory_space<hbm>>) target(%arg8 : memref<80x128xf32, #tpu.memory_space<vmem>>) offsets(%dma_start3A_333 : memref<80xi32, #tpu.memory_space<vmem>>) semaphore(%arg10 : memref<!tpu.dma_semaphore, #tpu.memory_space<semaphore_mem>>)
      } else {
      }
      %mul3A_312 = arith.constant 2 : i32
      %mul3A_313 = arith.muli %scan3A_297, %mul3A_312 : i32
      %add3A_314 = arith.constant 1 : i32
      %add3A_315 = arith.addi %mul3A_313, %add3A_314 : i32
      %mul3A_316 = arith.constant 80 : i32
      %mul3A_317 = arith.muli %add3A_315, %mul3A_316 : i32
      %dma_wait3A_318 = tpu.memref_slice %arg6[%mul3A_317] : memref<10000xi32, #tpu.memory_space<vmem>> -> memref<80xi32, #tpu.memory_space<vmem>>
      %dma_wait3A_319 = arith.constant 0 : i32
      %dma_wait3A_320 = arith.constant 0 : i32
      %dma_wait3A_321 = tpu.memref_slice %arg2[%dma_wait3A_319, %dma_wait3A_320] : memref<10240x128xf32, #tpu.memory_space<hbm>> -> memref<10240x128xf32, #tpu.memory_space<hbm>>
      tpu.wait_indirect_dma semaphore(%arg11 : memref<!tpu.dma_semaphore, #tpu.memory_space<semaphore_mem>>) src(%dma_wait3A_321 : memref<10240x128xf32, #tpu.memory_space<hbm>>) dst(%arg9 : memref<80x128xf32, #tpu.memory_space<vmem>>)
      "tpu.region"() ({
        %run_scoped3A_329 = tpu.sem_alloc : memref<!tpu.dma_semaphore, #tpu.memory_space<semaphore_mem>>
        %dma_start3A_330 = arith.constant 0 : i32
        %dma_start3A_331 = tpu.memref_slice %arg7[%add3A_315, %dma_start3A_330] : memref<125x80xi32, #tpu.memory_space<vmem>> -> memref<1x80xi32, #tpu.memory_space<vmem>>
        %dma_start3A_332 = tpu.memref_squeeze %dma_start3A_331 : memref<1x80xi32, #tpu.memory_space<vmem>> -> memref<80xi32, #tpu.memory_space<vmem>>
        %dma_start3A_333 = arith.constant 0 : i32
        %dma_start3A_334 = arith.constant 0 : i32
        %dma_start3A_335 = tpu.memref_slice %arg5[%dma_start3A_333, %dma_start3A_334] : memref<10240x128xf32, #tpu.memory_space<vmem_shared>> -> memref<10240x128xf32, #tpu.memory_space<vmem_shared>>
        tpu.enqueue_indirect_dma source(%arg9 : memref<80x128xf32, #tpu.memory_space<vmem>>) target(%dma_start3A_335 : memref<10240x128xf32, #tpu.memory_space<vmem_shared>>) offsets(%dma_start3A_332 : memref<80xi32, #tpu.memory_space<vmem>>) semaphore(%run_scoped3A_329 : memref<!tpu.dma_semaphore, #tpu.memory_space<semaphore_mem>>) {add = true}
        %dma_wait3A_336 = arith.constant 0 : i32
        %dma_wait3A_337 = tpu.memref_slice %arg7[%add3A_315, %dma_wait3A_336] : memref<125x80xi32, #tpu.memory_space<vmem>> -> memref<1x80xi32, #tpu.memory_space<vmem>>
        %dma_wait3A_338 = tpu.memref_squeeze %dma_wait3A_337 : memref<1x80xi32, #tpu.memory_space<vmem>> -> memref<80xi32, #tpu.memory_space<vmem>>
        %dma_wait3A_339 = arith.constant 0 : i32
        %dma_wait3A_340 = arith.constant 0 : i32
        %dma_wait3A_341 = tpu.memref_slice %arg5[%dma_wait3A_339, %dma_wait3A_340] : memref<10240x128xf32, #tpu.memory_space<vmem_shared>> -> memref<10240x128xf32, #tpu.memory_space<vmem_shared>>
        tpu.wait_indirect_dma semaphore(%run_scoped3A_329 : memref<!tpu.dma_semaphore, #tpu.memory_space<semaphore_mem>>) src(%arg9 : memref<80x128xf32, #tpu.memory_space<vmem>>) dst(%dma_wait3A_341 : memref<10240x128xf32, #tpu.memory_space<vmem_shared>>)
        tpu.yield
      }) : () -> ()
      %add3A_322 = arith.constant 1 : i32
      %add3A_323 = arith.addi %scan3A_297, %add3A_322 : i32
      %lt3A_324 = arith.constant 62 : i32
      %lt3A_325 = arith.cmpi slt, %add3A_323, %lt3A_324 : i32
      %convert_element_type3A_326 = arith.extui %lt3A_325 : i1 to i32
      %cond3A_327 = arith.constant 0 : i32
      %cond3A_328 = arith.cmpi ne, %convert_element_type3A_326, %cond3A_327 : i32
      scf.if %cond3A_328 {
        %add3A_329 = arith.constant 2 : i32
        %add3A_330 = arith.addi %add3A_315, %add3A_329 : i32
        %mul3A_331 = arith.constant 80 : i32
        %mul3A_332 = arith.muli %add3A_330, %mul3A_331 : i32
        %dma_start3A_333 = tpu.memref_slice %arg6[%mul3A_332] : memref<10000xi32, #tpu.memory_space<vmem>> -> memref<80xi32, #tpu.memory_space<vmem>>
        %dma_start3A_334 = arith.constant 0 : i32
        %dma_start3A_335 = arith.constant 0 : i32
        %dma_start3A_336 = tpu.memref_slice %arg2[%dma_start3A_334, %dma_start3A_335] : memref<10240x128xf32, #tpu.memory_space<hbm>> -> memref<10240x128xf32, #tpu.memory_space<hbm>>
        tpu.enqueue_indirect_dma source(%dma_start3A_336 : memref<10240x128xf32, #tpu.memory_space<hbm>>) target(%arg9 : memref<80x128xf32, #tpu.memory_space<vmem>>) offsets(%dma_start3A_333 : memref<80xi32, #tpu.memory_space<vmem>>) semaphore(%arg11 : memref<!tpu.dma_semaphore, #tpu.memory_space<semaphore_mem>>)
      } else {
      }
    }
    %scan3A_141 = arith.constant 62 : i32
    %dma_start3A_142 = arith.constant 9920 : i32
    %dma_start3A_143 = tpu.memref_slice %arg6[%dma_start3A_142] : memref<10000xi32, #tpu.memory_space<vmem>> -> memref<80xi32, #tpu.memory_space<vmem>>
    %dma_start3A_144 = arith.constant 0 : i32
    %dma_start3A_145 = arith.constant 0 : i32
    %dma_start3A_146 = tpu.memref_slice %arg2[%dma_start3A_144, %dma_start3A_145] : memref<10240x128xf32, #tpu.memory_space<hbm>> -> memref<10240x128xf32, #tpu.memory_space<hbm>>
    tpu.enqueue_indirect_dma source(%dma_start3A_146 : memref<10240x128xf32, #tpu.memory_space<hbm>>) target(%arg8 : memref<80x128xf32, #tpu.memory_space<vmem>>) offsets(%dma_start3A_143 : memref<80xi32, #tpu.memory_space<vmem>>) semaphore(%arg10 : memref<!tpu.dma_semaphore, #tpu.memory_space<semaphore_mem>>)
    %dma_wait3A_147 = arith.constant 9920 : i32
    %dma_wait3A_148 = tpu.memref_slice %arg6[%dma_wait3A_147] : memref<10000xi32, #tpu.memory_space<vmem>> -> memref<80xi32, #tpu.memory_space<vmem>>
    %dma_wait3A_149 = arith.constant 0 : i32
    %dma_wait3A_150 = arith.constant 0 : i32
    %dma_wait3A_151 = tpu.memref_slice %arg2[%dma_wait3A_149, %dma_wait3A_150] : memref<10240x128xf32, #tpu.memory_space<hbm>> -> memref<10240x128xf32, #tpu.memory_space<hbm>>
    tpu.wait_indirect_dma semaphore(%arg10 : memref<!tpu.dma_semaphore, #tpu.memory_space<semaphore_mem>>) src(%dma_wait3A_151 : memref<10240x128xf32, #tpu.memory_space<hbm>>) dst(%arg8 : memref<80x128xf32, #tpu.memory_space<vmem>>)
    %run_scoped3A = arith.constant 124 : i32
    "tpu.region"() ({
      %run_scoped3A_297 = tpu.sem_alloc : memref<!tpu.dma_semaphore, #tpu.memory_space<semaphore_mem>>
      %dma_start3A_298 = arith.constant 0 : i32
      %dma_start3A_299 = tpu.memref_slice %arg7[%run_scoped3A, %dma_start3A_298] : memref<125x80xi32, #tpu.memory_space<vmem>> -> memref<1x80xi32, #tpu.memory_space<vmem>>
      %dma_start3A_300 = tpu.memref_squeeze %dma_start3A_299 : memref<1x80xi32, #tpu.memory_space<vmem>> -> memref<80xi32, #tpu.memory_space<vmem>>
      %dma_start3A_301 = arith.constant 0 : i32
      %dma_start3A_302 = arith.constant 0 : i32
      %dma_start3A_303 = tpu.memref_slice %arg5[%dma_start3A_301, %dma_start3A_302] : memref<10240x128xf32, #tpu.memory_space<vmem_shared>> -> memref<10240x128xf32, #tpu.memory_space<vmem_shared>>
      tpu.enqueue_indirect_dma source(%arg8 : memref<80x128xf32, #tpu.memory_space<vmem>>) target(%dma_start3A_303 : memref<10240x128xf32, #tpu.memory_space<vmem_shared>>) offsets(%dma_start3A_300 : memref<80xi32, #tpu.memory_space<vmem>>) semaphore(%run_scoped3A_297 : memref<!tpu.dma_semaphore, #tpu.memory_space<semaphore_mem>>) {add = true}
      %dma_wait3A_304 = arith.constant 0 : i32
      %dma_wait3A_305 = tpu.memref_slice %arg7[%run_scoped3A, %dma_wait3A_304] : memref<125x80xi32, #tpu.memory_space<vmem>> -> memref<1x80xi32, #tpu.memory_space<vmem>>
      %dma_wait3A_306 = tpu.memref_squeeze %dma_wait3A_305 : memref<1x80xi32, #tpu.memory_space<vmem>> -> memref<80xi32, #tpu.memory_space<vmem>>
      %dma_wait3A_307 = arith.constant 0 : i32
      %dma_wait3A_308 = arith.constant 0 : i32
      %dma_wait3A_309 = tpu.memref_slice %arg5[%dma_wait3A_307, %dma_wait3A_308] : memref<10240x128xf32, #tpu.memory_space<vmem_shared>> -> memref<10240x128xf32, #tpu.memory_space<vmem_shared>>
      tpu.wait_indirect_dma semaphore(%run_scoped3A_297 : memref<!tpu.dma_semaphore, #tpu.memory_space<semaphore_mem>>) src(%arg8 : memref<80x128xf32, #tpu.memory_space<vmem>>) dst(%dma_wait3A_309 : memref<10240x128xf32, #tpu.memory_space<vmem_shared>>)
      tpu.yield
    }) : () -> ()
    %barrier3A_152 = arith.constant 0 : index
    tpu.barrier barrier_id(%barrier3A_152)
    %mul3A_153 = arith.constant 640 : i32
    %mul3A_154 = arith.muli %arg1, %mul3A_153 : i32
    %add3A_155 = arith.constant 0 : i32
    %add3A_156 = arith.addi %mul3A_154, %add3A_155 : i32
    %dma_start3A_157 = arith.constant 0 : i32
    %dma_start3A_158 = tpu.memref_slice %arg5[%add3A_156, %dma_start3A_157] : memref<10240x128xf32, #tpu.memory_space<vmem_shared>> -> memref<80x128xf32, #tpu.memory_space<vmem_shared>>
    %dma_start3A_159 = arith.constant 0 : i32
    %dma_start3A_160 = tpu.memref_slice %arg5[%add3A_156, %dma_start3A_159] : memref<10240x128xf32, #tpu.memory_space<vmem_shared>> -> memref<80x128xf32, #tpu.memory_space<vmem_shared>>
    tpu.enqueue_dma source(%dma_start3A_160 : memref<80x128xf32, #tpu.memory_space<vmem_shared>>) target(%arg8 : memref<80x128xf32, #tpu.memory_space<vmem>>) target_semaphore(%arg10 : memref<!tpu.dma_semaphore, #tpu.memory_space<semaphore_mem>>)
    %mul3A_161 = arith.constant 640 : i32
    %mul3A_162 = arith.muli %arg1, %mul3A_161 : i32
    %add3A_163 = arith.constant 80 : i32
    %add3A_164 = arith.addi %mul3A_162, %add3A_163 : i32
    %dma_start3A_165 = arith.constant 0 : i32
    %dma_start3A_166 = tpu.memref_slice %arg5[%add3A_164, %dma_start3A_165] : memref<10240x128xf32, #tpu.memory_space<vmem_shared>> -> memref<80x128xf32, #tpu.memory_space<vmem_shared>>
    %dma_start3A_167 = arith.constant 0 : i32
    %dma_start3A_168 = tpu.memref_slice %arg5[%add3A_164, %dma_start3A_167] : memref<10240x128xf32, #tpu.memory_space<vmem_shared>> -> memref<80x128xf32, #tpu.memory_space<vmem_shared>>
    tpu.enqueue_dma source(%dma_start3A_168 : memref<80x128xf32, #tpu.memory_space<vmem_shared>>) target(%arg9 : memref<80x128xf32, #tpu.memory_space<vmem>>) target_semaphore(%arg11 : memref<!tpu.dma_semaphore, #tpu.memory_space<semaphore_mem>>)
    %mul3A_169 = arith.constant 640 : i32
    %mul3A_170 = arith.muli %arg1, %mul3A_169 : i32
    %dma_wait3A_171 = arith.constant 0 : i32
    %dma_wait3A_172 = tpu.memref_slice %arg5[%mul3A_170, %dma_wait3A_171] : memref<10240x128xf32, #tpu.memory_space<vmem_shared>> -> memref<80x128xf32, #tpu.memory_space<vmem_shared>>
    %dma_wait3A_173 = arith.constant 0 : i32
    %dma_wait3A_174 = tpu.memref_slice %arg5[%mul3A_170, %dma_wait3A_173] : memref<10240x128xf32, #tpu.memory_space<vmem_shared>> -> memref<80x128xf32, #tpu.memory_space<vmem_shared>>
    tpu.wait_dma2 semaphore(%arg10 : memref<!tpu.dma_semaphore, #tpu.memory_space<semaphore_mem>>) src(%dma_wait3A_174 : memref<80x128xf32, #tpu.memory_space<vmem_shared>>) dst(%arg8 : memref<80x128xf32, #tpu.memory_space<vmem>>)
    %mul3A_175 = arith.constant 640 : i32
    %mul3A_176 = arith.muli %arg1, %mul3A_175 : i32
    %add3A_177 = arith.constant 0 : i32
    %add3A_178 = arith.addi %mul3A_176, %add3A_177 : i32
    "tpu.region"() ({
      %run_scoped3A_297 = tpu.sem_alloc : memref<!tpu.dma_semaphore, #tpu.memory_space<semaphore_mem>>
      %dma_start3A_298 = arith.constant 0 : i32
      %dma_start3A_299 = tpu.memref_slice %arg4[%arg0, %add3A_178, %dma_start3A_298] : memref<2x10240x128xf32, #tpu.memory_space<hbm>> -> memref<1x80x128xf32, #tpu.memory_space<hbm>>
      %dma_start3A_300 = tpu.memref_squeeze %dma_start3A_299 : memref<1x80x128xf32, #tpu.memory_space<hbm>> -> memref<80x128xf32, #tpu.memory_space<hbm>>
      %dma_start3A_301 = arith.constant 0 : i32
      %dma_start3A_302 = tpu.memref_slice %arg4[%arg0, %add3A_178, %dma_start3A_301] : memref<2x10240x128xf32, #tpu.memory_space<hbm>> -> memref<1x80x128xf32, #tpu.memory_space<hbm>>
      %dma_start3A_303 = tpu.memref_squeeze %dma_start3A_302 : memref<1x80x128xf32, #tpu.memory_space<hbm>> -> memref<80x128xf32, #tpu.memory_space<hbm>>
      tpu.enqueue_dma source(%arg8 : memref<80x128xf32, #tpu.memory_space<vmem>>) target(%dma_start3A_303 : memref<80x128xf32, #tpu.memory_space<hbm>>) target_semaphore(%run_scoped3A_297 : memref<!tpu.dma_semaphore, #tpu.memory_space<semaphore_mem>>)
      %dma_wait3A_304 = arith.constant 0 : i32
      %dma_wait3A_305 = tpu.memref_slice %arg4[%arg0, %add3A_178, %dma_wait3A_304] : memref<2x10240x128xf32, #tpu.memory_space<hbm>> -> memref<1x80x128xf32, #tpu.memory_space<hbm>>
      %dma_wait3A_306 = tpu.memref_squeeze %dma_wait3A_305 : memref<1x80x128xf32, #tpu.memory_space<hbm>> -> memref<80x128xf32, #tpu.memory_space<hbm>>
      %dma_wait3A_307 = arith.constant 0 : i32
      %dma_wait3A_308 = tpu.memref_slice %arg4[%arg0, %add3A_178, %dma_wait3A_307] : memref<2x10240x128xf32, #tpu.memory_space<hbm>> -> memref<1x80x128xf32, #tpu.memory_space<hbm>>
      %dma_wait3A_309 = tpu.memref_squeeze %dma_wait3A_308 : memref<1x80x128xf32, #tpu.memory_space<hbm>> -> memref<80x128xf32, #tpu.memory_space<hbm>>
      tpu.wait_dma2 semaphore(%run_scoped3A_297 : memref<!tpu.dma_semaphore, #tpu.memory_space<semaphore_mem>>) src(%arg8 : memref<80x128xf32, #tpu.memory_space<vmem>>) dst(%dma_wait3A_309 : memref<80x128xf32, #tpu.memory_space<hbm>>)
      tpu.yield
    }) : () -> ()
    %mul3A_179 = arith.constant 640 : i32
    %mul3A_180 = arith.muli %arg1, %mul3A_179 : i32
    %add3A_181 = arith.constant 160 : i32
    %add3A_182 = arith.addi %mul3A_180, %add3A_181 : i32
    %dma_start3A_183 = arith.constant 0 : i32
    %dma_start3A_184 = tpu.memref_slice %arg5[%add3A_182, %dma_start3A_183] : memref<10240x128xf32, #tpu.memory_space<vmem_shared>> -> memref<80x128xf32, #tpu.memory_space<vmem_shared>>
    %dma_start3A_185 = arith.constant 0 : i32
    %dma_start3A_186 = tpu.memref_slice %arg5[%add3A_182, %dma_start3A_185] : memref<10240x128xf32, #tpu.memory_space<vmem_shared>> -> memref<80x128xf32, #tpu.memory_space<vmem_shared>>
    tpu.enqueue_dma source(%dma_start3A_186 : memref<80x128xf32, #tpu.memory_space<vmem_shared>>) target(%arg8 : memref<80x128xf32, #tpu.memory_space<vmem>>) target_semaphore(%arg10 : memref<!tpu.dma_semaphore, #tpu.memory_space<semaphore_mem>>)
    %mul3A_187 = arith.constant 640 : i32
    %mul3A_188 = arith.muli %arg1, %mul3A_187 : i32
    %dma_wait3A_189 = arith.constant 0 : i32
    %dma_wait3A_190 = tpu.memref_slice %arg5[%mul3A_188, %dma_wait3A_189] : memref<10240x128xf32, #tpu.memory_space<vmem_shared>> -> memref<80x128xf32, #tpu.memory_space<vmem_shared>>
    %dma_wait3A_191 = arith.constant 0 : i32
    %dma_wait3A_192 = tpu.memref_slice %arg5[%mul3A_188, %dma_wait3A_191] : memref<10240x128xf32, #tpu.memory_space<vmem_shared>> -> memref<80x128xf32, #tpu.memory_space<vmem_shared>>
    tpu.wait_dma2 semaphore(%arg11 : memref<!tpu.dma_semaphore, #tpu.memory_space<semaphore_mem>>) src(%dma_wait3A_192 : memref<80x128xf32, #tpu.memory_space<vmem_shared>>) dst(%arg9 : memref<80x128xf32, #tpu.memory_space<vmem>>)
    %mul3A_193 = arith.constant 640 : i32
    %mul3A_194 = arith.muli %arg1, %mul3A_193 : i32
    %add3A_195 = arith.constant 80 : i32
    %add3A_196 = arith.addi %mul3A_194, %add3A_195 : i32
    "tpu.region"() ({
      %run_scoped3A_297 = tpu.sem_alloc : memref<!tpu.dma_semaphore, #tpu.memory_space<semaphore_mem>>
      %dma_start3A_298 = arith.constant 0 : i32
      %dma_start3A_299 = tpu.memref_slice %arg4[%arg0, %add3A_196, %dma_start3A_298] : memref<2x10240x128xf32, #tpu.memory_space<hbm>> -> memref<1x80x128xf32, #tpu.memory_space<hbm>>
      %dma_start3A_300 = tpu.memref_squeeze %dma_start3A_299 : memref<1x80x128xf32, #tpu.memory_space<hbm>> -> memref<80x128xf32, #tpu.memory_space<hbm>>
      %dma_start3A_301 = arith.constant 0 : i32
      %dma_start3A_302 = tpu.memref_slice %arg4[%arg0, %add3A_196, %dma_start3A_301] : memref<2x10240x128xf32, #tpu.memory_space<hbm>> -> memref<1x80x128xf32, #tpu.memory_space<hbm>>
      %dma_start3A_303 = tpu.memref_squeeze %dma_start3A_302 : memref<1x80x128xf32, #tpu.memory_space<hbm>> -> memref<80x128xf32, #tpu.memory_space<hbm>>
      tpu.enqueue_dma source(%arg9 : memref<80x128xf32, #tpu.memory_space<vmem>>) target(%dma_start3A_303 : memref<80x128xf32, #tpu.memory_space<hbm>>) target_semaphore(%run_scoped3A_297 : memref<!tpu.dma_semaphore, #tpu.memory_space<semaphore_mem>>)
      %dma_wait3A_304 = arith.constant 0 : i32
      %dma_wait3A_305 = tpu.memref_slice %arg4[%arg0, %add3A_196, %dma_wait3A_304] : memref<2x10240x128xf32, #tpu.memory_space<hbm>> -> memref<1x80x128xf32, #tpu.memory_space<hbm>>
      %dma_wait3A_306 = tpu.memref_squeeze %dma_wait3A_305 : memref<1x80x128xf32, #tpu.memory_space<hbm>> -> memref<80x128xf32, #tpu.memory_space<hbm>>
      %dma_wait3A_307 = arith.constant 0 : i32
      %dma_wait3A_308 = tpu.memref_slice %arg4[%arg0, %add3A_196, %dma_wait3A_307] : memref<2x10240x128xf32, #tpu.memory_space<hbm>> -> memref<1x80x128xf32, #tpu.memory_space<hbm>>
      %dma_wait3A_309 = tpu.memref_squeeze %dma_wait3A_308 : memref<1x80x128xf32, #tpu.memory_space<hbm>> -> memref<80x128xf32, #tpu.memory_space<hbm>>
      tpu.wait_dma2 semaphore(%run_scoped3A_297 : memref<!tpu.dma_semaphore, #tpu.memory_space<semaphore_mem>>) src(%arg9 : memref<80x128xf32, #tpu.memory_space<vmem>>) dst(%dma_wait3A_309 : memref<80x128xf32, #tpu.memory_space<hbm>>)
      tpu.yield
    }) : () -> ()
    %mul3A_197 = arith.constant 640 : i32
    %mul3A_198 = arith.muli %arg1, %mul3A_197 : i32
    %add3A_199 = arith.constant 240 : i32
    %add3A_200 = arith.addi %mul3A_198, %add3A_199 : i32
    %dma_start3A_201 = arith.constant 0 : i32
    %dma_start3A_202 = tpu.memref_slice %arg5[%add3A_200, %dma_start3A_201] : memref<10240x128xf32, #tpu.memory_space<vmem_shared>> -> memref<80x128xf32, #tpu.memory_space<vmem_shared>>
    %dma_start3A_203 = arith.constant 0 : i32
    %dma_start3A_204 = tpu.memref_slice %arg5[%add3A_200, %dma_start3A_203] : memref<10240x128xf32, #tpu.memory_space<vmem_shared>> -> memref<80x128xf32, #tpu.memory_space<vmem_shared>>
    tpu.enqueue_dma source(%dma_start3A_204 : memref<80x128xf32, #tpu.memory_space<vmem_shared>>) target(%arg9 : memref<80x128xf32, #tpu.memory_space<vmem>>) target_semaphore(%arg11 : memref<!tpu.dma_semaphore, #tpu.memory_space<semaphore_mem>>)
    %mul3A_205 = arith.constant 640 : i32
    %mul3A_206 = arith.muli %arg1, %mul3A_205 : i32
    %dma_wait3A_207 = arith.constant 0 : i32
    %dma_wait3A_208 = tpu.memref_slice %arg5[%mul3A_206, %dma_wait3A_207] : memref<10240x128xf32, #tpu.memory_space<vmem_shared>> -> memref<80x128xf32, #tpu.memory_space<vmem_shared>>
    %dma_wait3A_209 = arith.constant 0 : i32
    %dma_wait3A_210 = tpu.memref_slice %arg5[%mul3A_206, %dma_wait3A_209] : memref<10240x128xf32, #tpu.memory_space<vmem_shared>> -> memref<80x128xf32, #tpu.memory_space<vmem_shared>>
    tpu.wait_dma2 semaphore(%arg10 : memref<!tpu.dma_semaphore, #tpu.memory_space<semaphore_mem>>) src(%dma_wait3A_210 : memref<80x128xf32, #tpu.memory_space<vmem_shared>>) dst(%arg8 : memref<80x128xf32, #tpu.memory_space<vmem>>)
    %mul3A_211 = arith.constant 640 : i32
    %mul3A_212 = arith.muli %arg1, %mul3A_211 : i32
    %add3A_213 = arith.constant 160 : i32
    %add3A_214 = arith.addi %mul3A_212, %add3A_213 : i32
    "tpu.region"() ({
      %run_scoped3A_297 = tpu.sem_alloc : memref<!tpu.dma_semaphore, #tpu.memory_space<semaphore_mem>>
      %dma_start3A_298 = arith.constant 0 : i32
      %dma_start3A_299 = tpu.memref_slice %arg4[%arg0, %add3A_214, %dma_start3A_298] : memref<2x10240x128xf32, #tpu.memory_space<hbm>> -> memref<1x80x128xf32, #tpu.memory_space<hbm>>
      %dma_start3A_300 = tpu.memref_squeeze %dma_start3A_299 : memref<1x80x128xf32, #tpu.memory_space<hbm>> -> memref<80x128xf32, #tpu.memory_space<hbm>>
      %dma_start3A_301 = arith.constant 0 : i32
      %dma_start3A_302 = tpu.memref_slice %arg4[%arg0, %add3A_214, %dma_start3A_301] : memref<2x10240x128xf32, #tpu.memory_space<hbm>> -> memref<1x80x128xf32, #tpu.memory_space<hbm>>
      %dma_start3A_303 = tpu.memref_squeeze %dma_start3A_302 : memref<1x80x128xf32, #tpu.memory_space<hbm>> -> memref<80x128xf32, #tpu.memory_space<hbm>>
      tpu.enqueue_dma source(%arg8 : memref<80x128xf32, #tpu.memory_space<vmem>>) target(%dma_start3A_303 : memref<80x128xf32, #tpu.memory_space<hbm>>) target_semaphore(%run_scoped3A_297 : memref<!tpu.dma_semaphore, #tpu.memory_space<semaphore_mem>>)
      %dma_wait3A_304 = arith.constant 0 : i32
      %dma_wait3A_305 = tpu.memref_slice %arg4[%arg0, %add3A_214, %dma_wait3A_304] : memref<2x10240x128xf32, #tpu.memory_space<hbm>> -> memref<1x80x128xf32, #tpu.memory_space<hbm>>
      %dma_wait3A_306 = tpu.memref_squeeze %dma_wait3A_305 : memref<1x80x128xf32, #tpu.memory_space<hbm>> -> memref<80x128xf32, #tpu.memory_space<hbm>>
      %dma_wait3A_307 = arith.constant 0 : i32
      %dma_wait3A_308 = tpu.memref_slice %arg4[%arg0, %add3A_214, %dma_wait3A_307] : memref<2x10240x128xf32, #tpu.memory_space<hbm>> -> memref<1x80x128xf32, #tpu.memory_space<hbm>>
      %dma_wait3A_309 = tpu.memref_squeeze %dma_wait3A_308 : memref<1x80x128xf32, #tpu.memory_space<hbm>> -> memref<80x128xf32, #tpu.memory_space<hbm>>
      tpu.wait_dma2 semaphore(%run_scoped3A_297 : memref<!tpu.dma_semaphore, #tpu.memory_space<semaphore_mem>>) src(%arg8 : memref<80x128xf32, #tpu.memory_space<vmem>>) dst(%dma_wait3A_309 : memref<80x128xf32, #tpu.memory_space<hbm>>)
      tpu.yield
    }) : () -> ()
    %mul3A_215 = arith.constant 640 : i32
    %mul3A_216 = arith.muli %arg1, %mul3A_215 : i32
    %add3A_217 = arith.constant 320 : i32
    %add3A_218 = arith.addi %mul3A_216, %add3A_217 : i32
    %dma_start3A_219 = arith.constant 0 : i32
    %dma_start3A_220 = tpu.memref_slice %arg5[%add3A_218, %dma_start3A_219] : memref<10240x128xf32, #tpu.memory_space<vmem_shared>> -> memref<80x128xf32, #tpu.memory_space<vmem_shared>>
    %dma_start3A_221 = arith.constant 0 : i32
    %dma_start3A_222 = tpu.memref_slice %arg5[%add3A_218, %dma_start3A_221] : memref<10240x128xf32, #tpu.memory_space<vmem_shared>> -> memref<80x128xf32, #tpu.memory_space<vmem_shared>>
    tpu.enqueue_dma source(%dma_start3A_222 : memref<80x128xf32, #tpu.memory_space<vmem_shared>>) target(%arg8 : memref<80x128xf32, #tpu.memory_space<vmem>>) target_semaphore(%arg10 : memref<!tpu.dma_semaphore, #tpu.memory_space<semaphore_mem>>)
    %mul3A_223 = arith.constant 640 : i32
    %mul3A_224 = arith.muli %arg1, %mul3A_223 : i32
    %dma_wait3A_225 = arith.constant 0 : i32
    %dma_wait3A_226 = tpu.memref_slice %arg5[%mul3A_224, %dma_wait3A_225] : memref<10240x128xf32, #tpu.memory_space<vmem_shared>> -> memref<80x128xf32, #tpu.memory_space<vmem_shared>>
    %dma_wait3A_227 = arith.constant 0 : i32
    %dma_wait3A_228 = tpu.memref_slice %arg5[%mul3A_224, %dma_wait3A_227] : memref<10240x128xf32, #tpu.memory_space<vmem_shared>> -> memref<80x128xf32, #tpu.memory_space<vmem_shared>>
    tpu.wait_dma2 semaphore(%arg11 : memref<!tpu.dma_semaphore, #tpu.memory_space<semaphore_mem>>) src(%dma_wait3A_228 : memref<80x128xf32, #tpu.memory_space<vmem_shared>>) dst(%arg9 : memref<80x128xf32, #tpu.memory_space<vmem>>)
    %mul3A_229 = arith.constant 640 : i32
    %mul3A_230 = arith.muli %arg1, %mul3A_229 : i32
    %add3A_231 = arith.constant 240 : i32
    %add3A_232 = arith.addi %mul3A_230, %add3A_231 : i32
    "tpu.region"() ({
      %run_scoped3A_297 = tpu.sem_alloc : memref<!tpu.dma_semaphore, #tpu.memory_space<semaphore_mem>>
      %dma_start3A_298 = arith.constant 0 : i32
      %dma_start3A_299 = tpu.memref_slice %arg4[%arg0, %add3A_232, %dma_start3A_298] : memref<2x10240x128xf32, #tpu.memory_space<hbm>> -> memref<1x80x128xf32, #tpu.memory_space<hbm>>
      %dma_start3A_300 = tpu.memref_squeeze %dma_start3A_299 : memref<1x80x128xf32, #tpu.memory_space<hbm>> -> memref<80x128xf32, #tpu.memory_space<hbm>>
      %dma_start3A_301 = arith.constant 0 : i32
      %dma_start3A_302 = tpu.memref_slice %arg4[%arg0, %add3A_232, %dma_start3A_301] : memref<2x10240x128xf32, #tpu.memory_space<hbm>> -> memref<1x80x128xf32, #tpu.memory_space<hbm>>
      %dma_start3A_303 = tpu.memref_squeeze %dma_start3A_302 : memref<1x80x128xf32, #tpu.memory_space<hbm>> -> memref<80x128xf32, #tpu.memory_space<hbm>>
      tpu.enqueue_dma source(%arg9 : memref<80x128xf32, #tpu.memory_space<vmem>>) target(%dma_start3A_303 : memref<80x128xf32, #tpu.memory_space<hbm>>) target_semaphore(%run_scoped3A_297 : memref<!tpu.dma_semaphore, #tpu.memory_space<semaphore_mem>>)
      %dma_wait3A_304 = arith.constant 0 : i32
      %dma_wait3A_305 = tpu.memref_slice %arg4[%arg0, %add3A_232, %dma_wait3A_304] : memref<2x10240x128xf32, #tpu.memory_space<hbm>> -> memref<1x80x128xf32, #tpu.memory_space<hbm>>
      %dma_wait3A_306 = tpu.memref_squeeze %dma_wait3A_305 : memref<1x80x128xf32, #tpu.memory_space<hbm>> -> memref<80x128xf32, #tpu.memory_space<hbm>>
      %dma_wait3A_307 = arith.constant 0 : i32
      %dma_wait3A_308 = tpu.memref_slice %arg4[%arg0, %add3A_232, %dma_wait3A_307] : memref<2x10240x128xf32, #tpu.memory_space<hbm>> -> memref<1x80x128xf32, #tpu.memory_space<hbm>>
      %dma_wait3A_309 = tpu.memref_squeeze %dma_wait3A_308 : memref<1x80x128xf32, #tpu.memory_space<hbm>> -> memref<80x128xf32, #tpu.memory_space<hbm>>
      tpu.wait_dma2 semaphore(%run_scoped3A_297 : memref<!tpu.dma_semaphore, #tpu.memory_space<semaphore_mem>>) src(%arg9 : memref<80x128xf32, #tpu.memory_space<vmem>>) dst(%dma_wait3A_309 : memref<80x128xf32, #tpu.memory_space<hbm>>)
      tpu.yield
    }) : () -> ()
    %mul3A_233 = arith.constant 640 : i32
    %mul3A_234 = arith.muli %arg1, %mul3A_233 : i32
    %add3A_235 = arith.constant 400 : i32
    %add3A_236 = arith.addi %mul3A_234, %add3A_235 : i32
    %dma_start3A_237 = arith.constant 0 : i32
    %dma_start3A_238 = tpu.memref_slice %arg5[%add3A_236, %dma_start3A_237] : memref<10240x128xf32, #tpu.memory_space<vmem_shared>> -> memref<80x128xf32, #tpu.memory_space<vmem_shared>>
    %dma_start3A_239 = arith.constant 0 : i32
    %dma_start3A_240 = tpu.memref_slice %arg5[%add3A_236, %dma_start3A_239] : memref<10240x128xf32, #tpu.memory_space<vmem_shared>> -> memref<80x128xf32, #tpu.memory_space<vmem_shared>>
    tpu.enqueue_dma source(%dma_start3A_240 : memref<80x128xf32, #tpu.memory_space<vmem_shared>>) target(%arg9 : memref<80x128xf32, #tpu.memory_space<vmem>>) target_semaphore(%arg11 : memref<!tpu.dma_semaphore, #tpu.memory_space<semaphore_mem>>)
    %mul3A_241 = arith.constant 640 : i32
    %mul3A_242 = arith.muli %arg1, %mul3A_241 : i32
    %dma_wait3A_243 = arith.constant 0 : i32
    %dma_wait3A_244 = tpu.memref_slice %arg5[%mul3A_242, %dma_wait3A_243] : memref<10240x128xf32, #tpu.memory_space<vmem_shared>> -> memref<80x128xf32, #tpu.memory_space<vmem_shared>>
    %dma_wait3A_245 = arith.constant 0 : i32
    %dma_wait3A_246 = tpu.memref_slice %arg5[%mul3A_242, %dma_wait3A_245] : memref<10240x128xf32, #tpu.memory_space<vmem_shared>> -> memref<80x128xf32, #tpu.memory_space<vmem_shared>>
    tpu.wait_dma2 semaphore(%arg10 : memref<!tpu.dma_semaphore, #tpu.memory_space<semaphore_mem>>) src(%dma_wait3A_246 : memref<80x128xf32, #tpu.memory_space<vmem_shared>>) dst(%arg8 : memref<80x128xf32, #tpu.memory_space<vmem>>)
    %mul3A_247 = arith.constant 640 : i32
    %mul3A_248 = arith.muli %arg1, %mul3A_247 : i32
    %add3A_249 = arith.constant 320 : i32
    %add3A_250 = arith.addi %mul3A_248, %add3A_249 : i32
    "tpu.region"() ({
      %run_scoped3A_297 = tpu.sem_alloc : memref<!tpu.dma_semaphore, #tpu.memory_space<semaphore_mem>>
      %dma_start3A_298 = arith.constant 0 : i32
      %dma_start3A_299 = tpu.memref_slice %arg4[%arg0, %add3A_250, %dma_start3A_298] : memref<2x10240x128xf32, #tpu.memory_space<hbm>> -> memref<1x80x128xf32, #tpu.memory_space<hbm>>
      %dma_start3A_300 = tpu.memref_squeeze %dma_start3A_299 : memref<1x80x128xf32, #tpu.memory_space<hbm>> -> memref<80x128xf32, #tpu.memory_space<hbm>>
      %dma_start3A_301 = arith.constant 0 : i32
      %dma_start3A_302 = tpu.memref_slice %arg4[%arg0, %add3A_250, %dma_start3A_301] : memref<2x10240x128xf32, #tpu.memory_space<hbm>> -> memref<1x80x128xf32, #tpu.memory_space<hbm>>
      %dma_start3A_303 = tpu.memref_squeeze %dma_start3A_302 : memref<1x80x128xf32, #tpu.memory_space<hbm>> -> memref<80x128xf32, #tpu.memory_space<hbm>>
      tpu.enqueue_dma source(%arg8 : memref<80x128xf32, #tpu.memory_space<vmem>>) target(%dma_start3A_303 : memref<80x128xf32, #tpu.memory_space<hbm>>) target_semaphore(%run_scoped3A_297 : memref<!tpu.dma_semaphore, #tpu.memory_space<semaphore_mem>>)
      %dma_wait3A_304 = arith.constant 0 : i32
      %dma_wait3A_305 = tpu.memref_slice %arg4[%arg0, %add3A_250, %dma_wait3A_304] : memref<2x10240x128xf32, #tpu.memory_space<hbm>> -> memref<1x80x128xf32, #tpu.memory_space<hbm>>
      %dma_wait3A_306 = tpu.memref_squeeze %dma_wait3A_305 : memref<1x80x128xf32, #tpu.memory_space<hbm>> -> memref<80x128xf32, #tpu.memory_space<hbm>>
      %dma_wait3A_307 = arith.constant 0 : i32
      %dma_wait3A_308 = tpu.memref_slice %arg4[%arg0, %add3A_250, %dma_wait3A_307] : memref<2x10240x128xf32, #tpu.memory_space<hbm>> -> memref<1x80x128xf32, #tpu.memory_space<hbm>>
      %dma_wait3A_309 = tpu.memref_squeeze %dma_wait3A_308 : memref<1x80x128xf32, #tpu.memory_space<hbm>> -> memref<80x128xf32, #tpu.memory_space<hbm>>
      tpu.wait_dma2 semaphore(%run_scoped3A_297 : memref<!tpu.dma_semaphore, #tpu.memory_space<semaphore_mem>>) src(%arg8 : memref<80x128xf32, #tpu.memory_space<vmem>>) dst(%dma_wait3A_309 : memref<80x128xf32, #tpu.memory_space<hbm>>)
      tpu.yield
    }) : () -> ()
    %mul3A_251 = arith.constant 640 : i32
    %mul3A_252 = arith.muli %arg1, %mul3A_251 : i32
    %add3A_253 = arith.constant 480 : i32
    %add3A_254 = arith.addi %mul3A_252, %add3A_253 : i32
    %dma_start3A_255 = arith.constant 0 : i32
    %dma_start3A_256 = tpu.memref_slice %arg5[%add3A_254, %dma_start3A_255] : memref<10240x128xf32, #tpu.memory_space<vmem_shared>> -> memref<80x128xf32, #tpu.memory_space<vmem_shared>>
    %dma_start3A_257 = arith.constant 0 : i32
    %dma_start3A_258 = tpu.memref_slice %arg5[%add3A_254, %dma_start3A_257] : memref<10240x128xf32, #tpu.memory_space<vmem_shared>> -> memref<80x128xf32, #tpu.memory_space<vmem_shared>>
    tpu.enqueue_dma source(%dma_start3A_258 : memref<80x128xf32, #tpu.memory_space<vmem_shared>>) target(%arg8 : memref<80x128xf32, #tpu.memory_space<vmem>>) target_semaphore(%arg10 : memref<!tpu.dma_semaphore, #tpu.memory_space<semaphore_mem>>)
    %mul3A_259 = arith.constant 640 : i32
    %mul3A_260 = arith.muli %arg1, %mul3A_259 : i32
    %dma_wait3A_261 = arith.constant 0 : i32
    %dma_wait3A_262 = tpu.memref_slice %arg5[%mul3A_260, %dma_wait3A_261] : memref<10240x128xf32, #tpu.memory_space<vmem_shared>> -> memref<80x128xf32, #tpu.memory_space<vmem_shared>>
    %dma_wait3A_263 = arith.constant 0 : i32
    %dma_wait3A_264 = tpu.memref_slice %arg5[%mul3A_260, %dma_wait3A_263] : memref<10240x128xf32, #tpu.memory_space<vmem_shared>> -> memref<80x128xf32, #tpu.memory_space<vmem_shared>>
    tpu.wait_dma2 semaphore(%arg11 : memref<!tpu.dma_semaphore, #tpu.memory_space<semaphore_mem>>) src(%dma_wait3A_264 : memref<80x128xf32, #tpu.memory_space<vmem_shared>>) dst(%arg9 : memref<80x128xf32, #tpu.memory_space<vmem>>)
    %mul3A_265 = arith.constant 640 : i32
    %mul3A_266 = arith.muli %arg1, %mul3A_265 : i32
    %add3A_267 = arith.constant 400 : i32
    %add3A_268 = arith.addi %mul3A_266, %add3A_267 : i32
    "tpu.region"() ({
      %run_scoped3A_297 = tpu.sem_alloc : memref<!tpu.dma_semaphore, #tpu.memory_space<semaphore_mem>>
      %dma_start3A_298 = arith.constant 0 : i32
      %dma_start3A_299 = tpu.memref_slice %arg4[%arg0, %add3A_268, %dma_start3A_298] : memref<2x10240x128xf32, #tpu.memory_space<hbm>> -> memref<1x80x128xf32, #tpu.memory_space<hbm>>
      %dma_start3A_300 = tpu.memref_squeeze %dma_start3A_299 : memref<1x80x128xf32, #tpu.memory_space<hbm>> -> memref<80x128xf32, #tpu.memory_space<hbm>>
      %dma_start3A_301 = arith.constant 0 : i32
      %dma_start3A_302 = tpu.memref_slice %arg4[%arg0, %add3A_268, %dma_start3A_301] : memref<2x10240x128xf32, #tpu.memory_space<hbm>> -> memref<1x80x128xf32, #tpu.memory_space<hbm>>
      %dma_start3A_303 = tpu.memref_squeeze %dma_start3A_302 : memref<1x80x128xf32, #tpu.memory_space<hbm>> -> memref<80x128xf32, #tpu.memory_space<hbm>>
      tpu.enqueue_dma source(%arg9 : memref<80x128xf32, #tpu.memory_space<vmem>>) target(%dma_start3A_303 : memref<80x128xf32, #tpu.memory_space<hbm>>) target_semaphore(%run_scoped3A_297 : memref<!tpu.dma_semaphore, #tpu.memory_space<semaphore_mem>>)
      %dma_wait3A_304 = arith.constant 0 : i32
      %dma_wait3A_305 = tpu.memref_slice %arg4[%arg0, %add3A_268, %dma_wait3A_304] : memref<2x10240x128xf32, #tpu.memory_space<hbm>> -> memref<1x80x128xf32, #tpu.memory_space<hbm>>
      %dma_wait3A_306 = tpu.memref_squeeze %dma_wait3A_305 : memref<1x80x128xf32, #tpu.memory_space<hbm>> -> memref<80x128xf32, #tpu.memory_space<hbm>>
      %dma_wait3A_307 = arith.constant 0 : i32
      %dma_wait3A_308 = tpu.memref_slice %arg4[%arg0, %add3A_268, %dma_wait3A_307] : memref<2x10240x128xf32, #tpu.memory_space<hbm>> -> memref<1x80x128xf32, #tpu.memory_space<hbm>>
      %dma_wait3A_309 = tpu.memref_squeeze %dma_wait3A_308 : memref<1x80x128xf32, #tpu.memory_space<hbm>> -> memref<80x128xf32, #tpu.memory_space<hbm>>
      tpu.wait_dma2 semaphore(%run_scoped3A_297 : memref<!tpu.dma_semaphore, #tpu.memory_space<semaphore_mem>>) src(%arg9 : memref<80x128xf32, #tpu.memory_space<vmem>>) dst(%dma_wait3A_309 : memref<80x128xf32, #tpu.memory_space<hbm>>)
      tpu.yield
    }) : () -> ()
    %mul3A_269 = arith.constant 640 : i32
    %mul3A_270 = arith.muli %arg1, %mul3A_269 : i32
    %add3A_271 = arith.constant 560 : i32
    %add3A_272 = arith.addi %mul3A_270, %add3A_271 : i32
    %dma_start3A_273 = arith.constant 0 : i32
    %dma_start3A_274 = tpu.memref_slice %arg5[%add3A_272, %dma_start3A_273] : memref<10240x128xf32, #tpu.memory_space<vmem_shared>> -> memref<80x128xf32, #tpu.memory_space<vmem_shared>>
    %dma_start3A_275 = arith.constant 0 : i32
    %dma_start3A_276 = tpu.memref_slice %arg5[%add3A_272, %dma_start3A_275] : memref<10240x128xf32, #tpu.memory_space<vmem_shared>> -> memref<80x128xf32, #tpu.memory_space<vmem_shared>>
    tpu.enqueue_dma source(%dma_start3A_276 : memref<80x128xf32, #tpu.memory_space<vmem_shared>>) target(%arg9 : memref<80x128xf32, #tpu.memory_space<vmem>>) target_semaphore(%arg11 : memref<!tpu.dma_semaphore, #tpu.memory_space<semaphore_mem>>)
    %mul3A_277 = arith.constant 640 : i32
    %mul3A_278 = arith.muli %arg1, %mul3A_277 : i32
    %dma_wait3A_279 = arith.constant 0 : i32
    %dma_wait3A_280 = tpu.memref_slice %arg5[%mul3A_278, %dma_wait3A_279] : memref<10240x128xf32, #tpu.memory_space<vmem_shared>> -> memref<80x128xf32, #tpu.memory_space<vmem_shared>>
    %dma_wait3A_281 = arith.constant 0 : i32
    %dma_wait3A_282 = tpu.memref_slice %arg5[%mul3A_278, %dma_wait3A_281] : memref<10240x128xf32, #tpu.memory_space<vmem_shared>> -> memref<80x128xf32, #tpu.memory_space<vmem_shared>>
    tpu.wait_dma2 semaphore(%arg10 : memref<!tpu.dma_semaphore, #tpu.memory_space<semaphore_mem>>) src(%dma_wait3A_282 : memref<80x128xf32, #tpu.memory_space<vmem_shared>>) dst(%arg8 : memref<80x128xf32, #tpu.memory_space<vmem>>)
    %mul3A_283 = arith.constant 640 : i32
    %mul3A_284 = arith.muli %arg1, %mul3A_283 : i32
    %add3A_285 = arith.constant 480 : i32
    %add3A_286 = arith.addi %mul3A_284, %add3A_285 : i32
    "tpu.region"() ({
      %run_scoped3A_297 = tpu.sem_alloc : memref<!tpu.dma_semaphore, #tpu.memory_space<semaphore_mem>>
      %dma_start3A_298 = arith.constant 0 : i32
      %dma_start3A_299 = tpu.memref_slice %arg4[%arg0, %add3A_286, %dma_start3A_298] : memref<2x10240x128xf32, #tpu.memory_space<hbm>> -> memref<1x80x128xf32, #tpu.memory_space<hbm>>
      %dma_start3A_300 = tpu.memref_squeeze %dma_start3A_299 : memref<1x80x128xf32, #tpu.memory_space<hbm>> -> memref<80x128xf32, #tpu.memory_space<hbm>>
      %dma_start3A_301 = arith.constant 0 : i32
      %dma_start3A_302 = tpu.memref_slice %arg4[%arg0, %add3A_286, %dma_start3A_301] : memref<2x10240x128xf32, #tpu.memory_space<hbm>> -> memref<1x80x128xf32, #tpu.memory_space<hbm>>
      %dma_start3A_303 = tpu.memref_squeeze %dma_start3A_302 : memref<1x80x128xf32, #tpu.memory_space<hbm>> -> memref<80x128xf32, #tpu.memory_space<hbm>>
      tpu.enqueue_dma source(%arg8 : memref<80x128xf32, #tpu.memory_space<vmem>>) target(%dma_start3A_303 : memref<80x128xf32, #tpu.memory_space<hbm>>) target_semaphore(%run_scoped3A_297 : memref<!tpu.dma_semaphore, #tpu.memory_space<semaphore_mem>>)
      %dma_wait3A_304 = arith.constant 0 : i32
      %dma_wait3A_305 = tpu.memref_slice %arg4[%arg0, %add3A_286, %dma_wait3A_304] : memref<2x10240x128xf32, #tpu.memory_space<hbm>> -> memref<1x80x128xf32, #tpu.memory_space<hbm>>
      %dma_wait3A_306 = tpu.memref_squeeze %dma_wait3A_305 : memref<1x80x128xf32, #tpu.memory_space<hbm>> -> memref<80x128xf32, #tpu.memory_space<hbm>>
      %dma_wait3A_307 = arith.constant 0 : i32
      %dma_wait3A_308 = tpu.memref_slice %arg4[%arg0, %add3A_286, %dma_wait3A_307] : memref<2x10240x128xf32, #tpu.memory_space<hbm>> -> memref<1x80x128xf32, #tpu.memory_space<hbm>>
      %dma_wait3A_309 = tpu.memref_squeeze %dma_wait3A_308 : memref<1x80x128xf32, #tpu.memory_space<hbm>> -> memref<80x128xf32, #tpu.memory_space<hbm>>
      tpu.wait_dma2 semaphore(%run_scoped3A_297 : memref<!tpu.dma_semaphore, #tpu.memory_space<semaphore_mem>>) src(%arg8 : memref<80x128xf32, #tpu.memory_space<vmem>>) dst(%dma_wait3A_309 : memref<80x128xf32, #tpu.memory_space<hbm>>)
      tpu.yield
    }) : () -> ()
    %mul3A_287 = arith.constant 640 : i32
    %mul3A_288 = arith.muli %arg1, %mul3A_287 : i32
    %dma_wait3A_289 = arith.constant 0 : i32
    %dma_wait3A_290 = tpu.memref_slice %arg5[%mul3A_288, %dma_wait3A_289] : memref<10240x128xf32, #tpu.memory_space<vmem_shared>> -> memref<80x128xf32, #tpu.memory_space<vmem_shared>>
    %dma_wait3A_291 = arith.constant 0 : i32
    %dma_wait3A_292 = tpu.memref_slice %arg5[%mul3A_288, %dma_wait3A_291] : memref<10240x128xf32, #tpu.memory_space<vmem_shared>> -> memref<80x128xf32, #tpu.memory_space<vmem_shared>>
    tpu.wait_dma2 semaphore(%arg11 : memref<!tpu.dma_semaphore, #tpu.memory_space<semaphore_mem>>) src(%dma_wait3A_292 : memref<80x128xf32, #tpu.memory_space<vmem_shared>>) dst(%arg9 : memref<80x128xf32, #tpu.memory_space<vmem>>)
    %mul3A_293 = arith.constant 640 : i32
    %mul3A_294 = arith.muli %arg1, %mul3A_293 : i32
    %add3A_295 = arith.constant 560 : i32
    %add3A_296 = arith.addi %mul3A_294, %add3A_295 : i32
    "tpu.region"() ({
      %run_scoped3A_297 = tpu.sem_alloc : memref<!tpu.dma_semaphore, #tpu.memory_space<semaphore_mem>>
      %dma_start3A_298 = arith.constant 0 : i32
      %dma_start3A_299 = tpu.memref_slice %arg4[%arg0, %add3A_296, %dma_start3A_298] : memref<2x10240x128xf32, #tpu.memory_space<hbm>> -> memref<1x80x128xf32, #tpu.memory_space<hbm>>
      %dma_start3A_300 = tpu.memref_squeeze %dma_start3A_299 : memref<1x80x128xf32, #tpu.memory_space<hbm>> -> memref<80x128xf32, #tpu.memory_space<hbm>>
      %dma_start3A_301 = arith.constant 0 : i32
      %dma_start3A_302 = tpu.memref_slice %arg4[%arg0, %add3A_296, %dma_start3A_301] : memref<2x10240x128xf32, #tpu.memory_space<hbm>> -> memref<1x80x128xf32, #tpu.memory_space<hbm>>
      %dma_start3A_303 = tpu.memref_squeeze %dma_start3A_302 : memref<1x80x128xf32, #tpu.memory_space<hbm>> -> memref<80x128xf32, #tpu.memory_space<hbm>>
      tpu.enqueue_dma source(%arg9 : memref<80x128xf32, #tpu.memory_space<vmem>>) target(%dma_start3A_303 : memref<80x128xf32, #tpu.memory_space<hbm>>) target_semaphore(%run_scoped3A_297 : memref<!tpu.dma_semaphore, #tpu.memory_space<semaphore_mem>>)
      %dma_wait3A_304 = arith.constant 0 : i32
      %dma_wait3A_305 = tpu.memref_slice %arg4[%arg0, %add3A_296, %dma_wait3A_304] : memref<2x10240x128xf32, #tpu.memory_space<hbm>> -> memref<1x80x128xf32, #tpu.memory_space<hbm>>
      %dma_wait3A_306 = tpu.memref_squeeze %dma_wait3A_305 : memref<1x80x128xf32, #tpu.memory_space<hbm>> -> memref<80x128xf32, #tpu.memory_space<hbm>>
      %dma_wait3A_307 = arith.constant 0 : i32
      %dma_wait3A_308 = tpu.memref_slice %arg4[%arg0, %add3A_296, %dma_wait3A_307] : memref<2x10240x128xf32, #tpu.memory_space<hbm>> -> memref<1x80x128xf32, #tpu.memory_space<hbm>>
      %dma_wait3A_309 = tpu.memref_squeeze %dma_wait3A_308 : memref<1x80x128xf32, #tpu.memory_space<hbm>> -> memref<80x128xf32, #tpu.memory_space<hbm>>
      tpu.wait_dma2 semaphore(%run_scoped3A_297 : memref<!tpu.dma_semaphore, #tpu.memory_space<semaphore_mem>>) src(%arg9 : memref<80x128xf32, #tpu.memory_space<vmem>>) dst(%dma_wait3A_309 : memref<80x128xf32, #tpu.memory_space<hbm>>)
      tpu.yield
    }) : () -> ()
    return
  }
}

module attributes {stable_mosaic.version = 14 : i64} {
  func.func @_tc1_body(%arg0: i32, %arg1: memref<2560x128xf32, #tpu.memory_space<vmem>>, %arg2: memref<128x128xf32, #tpu.memory_space<vmem>>, %arg3: memref<2560x4xf32, #tpu.memory_space<vmem>>, %arg4: memref<2560x128xf32, #tpu.memory_space<vmem>>, %arg5: memref<2560x1xf32, #tpu.memory_space<vmem>>, %arg6: memref<2560x1xf32, #tpu.memory_space<vmem>>) attributes {dimension_semantics = [#tpu.dimension_semantics<arbitrary>], iteration_bounds = array<i64: 4>, scalar_prefetch = 0 : i64, scratch_operands = 0 : i64, tpu.core_type = #tpu.core_type<tc>, window_params = [{transform_indices = @transform_0, window_bounds = array<i64: 2560, 128>}, {pipeline_mode = #tpu.pipeline_mode<synchronous>, transform_indices = @transform_1, window_bounds = array<i64: 128, 128>}, {transform_indices = @transform_2, window_bounds = array<i64: 2560, 4>}, {transform_indices = @transform_3, window_bounds = array<i64: 2560, 128>}, {transform_indices = @transform_4, window_bounds = array<i64: 2560, 1>}, {transform_indices = @transform_5, window_bounds = array<i64: 2560, 1>}]} {
    %get3A = arith.constant 0 : index
    %get3A_0 = arith.constant 0 : index
    %get3A_1 = vector.load %arg3[%get3A, %get3A_0] : memref<2560x4xf32, #tpu.memory_space<vmem>>, vector<2560x4xf32>
    %slice3A = vector.extract_strided_slice %get3A_1 {offsets = [0, 0], sizes = [2560, 1], strides = [1, 1]} : vector<2560x4xf32> to vector<2560x1xf32>
    %slice3A_2 = vector.extract_strided_slice %get3A_1 {offsets = [0, 1], sizes = [2560, 1], strides = [1, 1]} : vector<2560x4xf32> to vector<2560x1xf32>
    %add3A = arith.addf %slice3A, %slice3A_2 : vector<2560x1xf32>
    %max3A = arith.constant 1.000000e+00 : f32
    %max3A_3 = vector.broadcast %max3A : f32 to vector<2560x1xf32>
    %max3A_4 = arith.maximumf %add3A, %max3A_3 : vector<2560x1xf32>
    %rsqrt3A = math.rsqrt %max3A_4 : vector<2560x1xf32>
    %slice3A_5 = vector.extract_strided_slice %get3A_1 {offsets = [0, 2], sizes = [2560, 1], strides = [1, 1]} : vector<2560x4xf32> to vector<2560x1xf32>
    %slice3A_6 = vector.extract_strided_slice %get3A_1 {offsets = [0, 3], sizes = [2560, 1], strides = [1, 1]} : vector<2560x4xf32> to vector<2560x1xf32>
    %add3A_7 = arith.addf %slice3A_5, %slice3A_6 : vector<2560x1xf32>
    %max3A_8 = arith.constant 1.000000e+00 : f32
    %max3A_9 = vector.broadcast %max3A_8 : f32 to vector<2560x1xf32>
    %max3A_10 = arith.maximumf %add3A_7, %max3A_9 : vector<2560x1xf32>
    %rsqrt3A_11 = math.rsqrt %max3A_10 : vector<2560x1xf32>
    %get3A_12 = arith.constant 0 : index
    %get3A_13 = arith.constant 0 : index
    %get3A_14 = vector.load %arg1[%get3A_12, %get3A_13] : memref<2560x128xf32, #tpu.memory_space<vmem>>, vector<2560x128xf32>
    %get3A_15 = arith.constant 0 : index
    %get3A_16 = arith.constant 0 : index
    %get3A_17 = vector.load %arg2[%get3A_15, %get3A_16] : memref<128x128xf32, #tpu.memory_space<vmem>>, vector<128x128xf32>
    %dot_general3A = arith.constant dense<0.000000e+00> : vector<2560x128xf32>
    %dot_general3A_18 = tpu.matmul %get3A_14, %get3A_17, %dot_general3A {dimension_numbers = #tpu.dot_dimension_numbers<[1], [0], [0], [1], [0, 0, 1, 1], [], []>, transpose_lhs_hint = false} : vector<2560x128xf32>, vector<128x128xf32>, vector<2560x128xf32> -> vector<2560x128xf32>
    %mul3A = vector.broadcast %rsqrt3A : vector<2560x1xf32> to vector<2560x128xf32>
    %mul3A_19 = arith.mulf %dot_general3A_18, %mul3A : vector<2560x128xf32>
    %swap3A = arith.constant 0 : index
    %swap3A_20 = arith.constant 0 : index
    %swap3A_21 = vector.load %arg4[%swap3A, %swap3A_20] : memref<2560x128xf32, #tpu.memory_space<vmem>>, vector<2560x128xf32>
    tpu.vector_store %arg4[%swap3A, %swap3A_20], %mul3A_19 {strides = array<i32>} : memref<2560x128xf32, #tpu.memory_space<vmem>>, vector<2560x128xf32>,
    %swap3A_22 = arith.constant 0 : index
    %swap3A_23 = arith.constant 0 : index
    %swap3A_24 = vector.load %arg5[%swap3A_22, %swap3A_23] : memref<2560x1xf32, #tpu.memory_space<vmem>>, vector<2560x1xf32>
    tpu.vector_store %arg5[%swap3A_22, %swap3A_23], %rsqrt3A {strides = array<i32>} : memref<2560x1xf32, #tpu.memory_space<vmem>>, vector<2560x1xf32>,
    %swap3A_25 = arith.constant 0 : index
    %swap3A_26 = arith.constant 0 : index
    %swap3A_27 = vector.load %arg6[%swap3A_25, %swap3A_26] : memref<2560x1xf32, #tpu.memory_space<vmem>>, vector<2560x1xf32>
    tpu.vector_store %arg6[%swap3A_25, %swap3A_26], %rsqrt3A_11 {strides = array<i32>} : memref<2560x1xf32, #tpu.memory_space<vmem>>, vector<2560x1xf32>,
    return
  }
  func.func @transform_0(%arg0: i32) -> (i32, i32) {
    %c0_i32 = arith.constant 0 : i32
    %c0_i32_0 = arith.constant 0 : i32
    return %arg0, %c0_i32 : i32, i32
  }
  func.func @transform_1(%arg0: i32) -> (i32, i32) {
    %c0_i32 = arith.constant 0 : i32
    %c0_i32_0 = arith.constant 0 : i32
    %c0_i32_1 = arith.constant 0 : i32
    return %c0_i32, %c0_i32_0 : i32, i32
  }
  func.func @transform_2(%arg0: i32) -> (i32, i32) {
    %c0_i32 = arith.constant 0 : i32
    %c0_i32_0 = arith.constant 0 : i32
    return %arg0, %c0_i32 : i32, i32
  }
  func.func @transform_3(%arg0: i32) -> (i32, i32) {
    %c0_i32 = arith.constant 0 : i32
    %c0_i32_0 = arith.constant 0 : i32
    return %arg0, %c0_i32 : i32, i32
  }
  func.func @transform_4(%arg0: i32) -> (i32, i32) {
    %c0_i32 = arith.constant 0 : i32
    %c0_i32_0 = arith.constant 0 : i32
    return %arg0, %c0_i32 : i32, i32
  }
  func.func @transform_5(%arg0: i32) -> (i32, i32) {
    %c0_i32 = arith.constant 0 : i32
    %c0_i32_0 = arith.constant 0 : i32
    return %arg0, %c0_i32 : i32, i32
  }
}

module attributes {stable_mosaic.version = 14 : i64} {
  func.func @_mid_body(%arg0: i32, %arg1: memref<1x2560x128xf32, #tpu.memory_space<vmem>>, %arg2: memref<1x2560x128xf32, #tpu.memory_space<vmem>>, %arg3: memref<2560x1xf32, #tpu.memory_space<vmem>>, %arg4: memref<2560x1xf32, #tpu.memory_space<vmem>>, %arg5: memref<8x128xf32, #tpu.memory_space<vmem>>, %arg6: memref<128x128xf32, #tpu.memory_space<vmem>>, %arg7: memref<2560x128xf32, #tpu.memory_space<vmem>>) attributes {dimension_semantics = [#tpu.dimension_semantics<arbitrary>], iteration_bounds = array<i64: 4>, scalar_prefetch = 0 : i64, scratch_operands = 0 : i64, tpu.core_type = #tpu.core_type<tc>, window_params = [{transform_indices = @transform_0, window_bounds = array<i64: 1, 2560, 128>}, {transform_indices = @transform_1, window_bounds = array<i64: 1, 2560, 128>}, {transform_indices = @transform_2, window_bounds = array<i64: 2560, 1>}, {transform_indices = @transform_3, window_bounds = array<i64: 2560, 1>}, {pipeline_mode = #tpu.pipeline_mode<synchronous>, transform_indices = @transform_4, window_bounds = array<i64: 8, 128>}, {pipeline_mode = #tpu.pipeline_mode<synchronous>, transform_indices = @transform_5, window_bounds = array<i64: 128, 128>}, {transform_indices = @transform_6, window_bounds = array<i64: 2560, 128>}]} {
    %get3A = arith.constant 0 : index
    %get3A_0 = arith.constant 0 : index
    %get3A_1 = arith.constant 0 : index
    %get3A_2 = vector.load %arg1[%get3A, %get3A_0, %get3A_1] : memref<1x2560x128xf32, #tpu.memory_space<vmem>>, vector<1x2560x128xf32>
    %get3A_3 = vector.shape_cast %get3A_2 : vector<1x2560x128xf32> to vector<2560x128xf32>
    %get3A_4 = arith.constant 0 : index
    %get3A_5 = arith.constant 0 : index
    %get3A_6 = arith.constant 0 : index
    %get3A_7 = vector.load %arg2[%get3A_4, %get3A_5, %get3A_6] : memref<1x2560x128xf32, #tpu.memory_space<vmem>>, vector<1x2560x128xf32>
    %get3A_8 = vector.shape_cast %get3A_7 : vector<1x2560x128xf32> to vector<2560x128xf32>
    %add3A = arith.addf %get3A_3, %get3A_8 : vector<2560x128xf32>
    %get3A_9 = arith.constant 0 : index
    %get3A_10 = arith.constant 0 : index
    %get3A_11 = vector.load %arg4[%get3A_9, %get3A_10] : memref<2560x1xf32, #tpu.memory_space<vmem>>, vector<2560x1xf32>
    %mul3A = vector.broadcast %get3A_11 : vector<2560x1xf32> to vector<2560x128xf32>
    %mul3A_12 = arith.mulf %add3A, %mul3A : vector<2560x128xf32>
    %get3A_13 = arith.constant 0 : index
    %get3A_14 = arith.constant 0 : index
    %get3A_15 = vector.load %arg5[%get3A_13, %get3A_14] : memref<8x128xf32, #tpu.memory_space<vmem>>, vector<1x128xf32>
    %add3A_16 = vector.broadcast %get3A_15 : vector<1x128xf32> to vector<2560x128xf32>
    %add3A_17 = arith.addf %mul3A_12, %add3A_16 : vector<2560x128xf32>
    %max3A = arith.constant 0.000000e+00 : f32
    %max3A_18 = vector.broadcast %max3A : f32 to vector<2560x128xf32>
    %max3A_19 = arith.maximumf %add3A_17, %max3A_18 : vector<2560x128xf32>
    %get3A_20 = arith.constant 0 : index
    %get3A_21 = arith.constant 0 : index
    %get3A_22 = vector.load %arg6[%get3A_20, %get3A_21] : memref<128x128xf32, #tpu.memory_space<vmem>>, vector<128x128xf32>
    %dot_general3A = arith.constant dense<0.000000e+00> : vector<2560x128xf32>
    %dot_general3A_23 = tpu.matmul %max3A_19, %get3A_22, %dot_general3A {dimension_numbers = #tpu.dot_dimension_numbers<[1], [0], [0], [1], [0, 0, 1, 1], [], []>, transpose_lhs_hint = false} : vector<2560x128xf32>, vector<128x128xf32>, vector<2560x128xf32> -> vector<2560x128xf32>
    %get3A_24 = arith.constant 0 : index
    %get3A_25 = arith.constant 0 : index
    %get3A_26 = vector.load %arg3[%get3A_24, %get3A_25] : memref<2560x1xf32, #tpu.memory_space<vmem>>, vector<2560x1xf32>
    %mul3A_27 = vector.broadcast %get3A_26 : vector<2560x1xf32> to vector<2560x128xf32>
    %mul3A_28 = arith.mulf %dot_general3A_23, %mul3A_27 : vector<2560x128xf32>
    %swap3A = arith.constant 0 : index
    %swap3A_29 = arith.constant 0 : index
    %swap3A_30 = vector.load %arg7[%swap3A, %swap3A_29] : memref<2560x128xf32, #tpu.memory_space<vmem>>, vector<2560x128xf32>
    tpu.vector_store %arg7[%swap3A, %swap3A_29], %mul3A_28 {strides = array<i32>} : memref<2560x128xf32, #tpu.memory_space<vmem>>, vector<2560x128xf32>,
    return
  }
  func.func @transform_0(%arg0: i32) -> (i32, i32, i32) {
    %c0_i32 = arith.constant 0 : i32
    %c0_i32_0 = arith.constant 0 : i32
    %c0_i32_1 = arith.constant 0 : i32
    return %c0_i32, %arg0, %c0_i32_0 : i32, i32, i32
  }
  func.func @transform_1(%arg0: i32) -> (i32, i32, i32) {
    %c1_i32 = arith.constant 1 : i32
    %c0_i32 = arith.constant 0 : i32
    %c0_i32_0 = arith.constant 0 : i32
    return %c1_i32, %arg0, %c0_i32 : i32, i32, i32
  }
  func.func @transform_2(%arg0: i32) -> (i32, i32) {
    %c0_i32 = arith.constant 0 : i32
    %c0_i32_0 = arith.constant 0 : i32
    return %arg0, %c0_i32 : i32, i32
  }
  func.func @transform_3(%arg0: i32) -> (i32, i32) {
    %c0_i32 = arith.constant 0 : i32
    %c0_i32_0 = arith.constant 0 : i32
    return %arg0, %c0_i32 : i32, i32
  }
  func.func @transform_4(%arg0: i32) -> (i32, i32) {
    %c0_i32 = arith.constant 0 : i32
    %c0_i32_0 = arith.constant 0 : i32
    %c0_i32_1 = arith.constant 0 : i32
    return %c0_i32, %c0_i32_0 : i32, i32
  }
  func.func @transform_5(%arg0: i32) -> (i32, i32) {
    %c0_i32 = arith.constant 0 : i32
    %c0_i32_0 = arith.constant 0 : i32
    %c0_i32_1 = arith.constant 0 : i32
    return %c0_i32, %c0_i32_0 : i32, i32
  }
  func.func @transform_6(%arg0: i32) -> (i32, i32) {
    %c0_i32 = arith.constant 0 : i32
    %c0_i32_0 = arith.constant 0 : i32
    return %arg0, %c0_i32 : i32, i32
  }
}

module attributes {stable_mosaic.version = 14 : i64} {
  func.func @_fin_body(%arg0: i32, %arg1: memref<1x2560x128xf32, #tpu.memory_space<vmem>>, %arg2: memref<1x2560x128xf32, #tpu.memory_space<vmem>>, %arg3: memref<2560x1xf32, #tpu.memory_space<vmem>>, %arg4: memref<8x128xf32, #tpu.memory_space<vmem>>, %arg5: memref<2560x40xf32, #tpu.memory_space<vmem>>) attributes {dimension_semantics = [#tpu.dimension_semantics<arbitrary>], iteration_bounds = array<i64: 4>, scalar_prefetch = 0 : i64, scratch_operands = 0 : i64, tpu.core_type = #tpu.core_type<tc>, window_params = [{transform_indices = @transform_0, window_bounds = array<i64: 1, 2560, 128>}, {transform_indices = @transform_1, window_bounds = array<i64: 1, 2560, 128>}, {transform_indices = @transform_2, window_bounds = array<i64: 2560, 1>}, {pipeline_mode = #tpu.pipeline_mode<synchronous>, transform_indices = @transform_3, window_bounds = array<i64: 8, 128>}, {transform_indices = @transform_4, window_bounds = array<i64: 2560, 40>}]} {
    %get3A = arith.constant 0 : index
    %get3A_0 = arith.constant 0 : index
    %get3A_1 = arith.constant 0 : index
    %get3A_2 = vector.load %arg1[%get3A, %get3A_0, %get3A_1] : memref<1x2560x128xf32, #tpu.memory_space<vmem>>, vector<1x2560x128xf32>
    %get3A_3 = vector.shape_cast %get3A_2 : vector<1x2560x128xf32> to vector<2560x128xf32>
    %get3A_4 = arith.constant 0 : index
    %get3A_5 = arith.constant 0 : index
    %get3A_6 = arith.constant 0 : index
    %get3A_7 = vector.load %arg2[%get3A_4, %get3A_5, %get3A_6] : memref<1x2560x128xf32, #tpu.memory_space<vmem>>, vector<1x2560x128xf32>
    %get3A_8 = vector.shape_cast %get3A_7 : vector<1x2560x128xf32> to vector<2560x128xf32>
    %add3A = arith.addf %get3A_3, %get3A_8 : vector<2560x128xf32>
    %get3A_9 = arith.constant 0 : index
    %get3A_10 = arith.constant 0 : index
    %get3A_11 = vector.load %arg3[%get3A_9, %get3A_10] : memref<2560x1xf32, #tpu.memory_space<vmem>>, vector<2560x1xf32>
    %mul3A = vector.broadcast %get3A_11 : vector<2560x1xf32> to vector<2560x128xf32>
    %mul3A_12 = arith.mulf %add3A, %mul3A : vector<2560x128xf32>
    %get3A_13 = arith.constant 0 : index
    %get3A_14 = arith.constant 0 : index
    %get3A_15 = vector.load %arg4[%get3A_13, %get3A_14] : memref<8x128xf32, #tpu.memory_space<vmem>>, vector<1x128xf32>
    %add3A_16 = vector.broadcast %get3A_15 : vector<1x128xf32> to vector<2560x128xf32>
    %add3A_17 = arith.addf %mul3A_12, %add3A_16 : vector<2560x128xf32>
    %slice3A = vector.extract_strided_slice %add3A_17 {offsets = [0, 0], sizes = [2560, 40], strides = [1, 1]} : vector<2560x128xf32> to vector<2560x40xf32>
    %swap3A = arith.constant 0 : index
    %swap3A_18 = arith.constant 0 : index
    %swap3A_19 = vector.load %arg5[%swap3A, %swap3A_18] : memref<2560x40xf32, #tpu.memory_space<vmem>>, vector<2560x40xf32>
    tpu.vector_store %arg5[%swap3A, %swap3A_18], %slice3A {strides = array<i32>} : memref<2560x40xf32, #tpu.memory_space<vmem>>, vector<2560x40xf32>,
    return
  }
  func.func @transform_0(%arg0: i32) -> (i32, i32, i32) {
    %c0_i32 = arith.constant 0 : i32
    %c0_i32_0 = arith.constant 0 : i32
    %c0_i32_1 = arith.constant 0 : i32
    return %c0_i32, %arg0, %c0_i32_0 : i32, i32, i32
  }
  func.func @transform_1(%arg0: i32) -> (i32, i32, i32) {
    %c1_i32 = arith.constant 1 : i32
    %c0_i32 = arith.constant 0 : i32
    %c0_i32_0 = arith.constant 0 : i32
    return %c1_i32, %arg0, %c0_i32 : i32, i32, i32
  }
  func.func @transform_2(%arg0: i32) -> (i32, i32) {
    %c0_i32 = arith.constant 0 : i32
    %c0_i32_0 = arith.constant 0 : i32
    return %arg0, %c0_i32 : i32, i32
  }
  func.func @transform_3(%arg0: i32) -> (i32, i32) {
    %c0_i32 = arith.constant 0 : i32
    %c0_i32_0 = arith.constant 0 : i32
    %c0_i32_1 = arith.constant 0 : i32
    return %c0_i32, %c0_i32_0 : i32, i32
  }
  func.func @transform_4(%arg0: i32) -> (i32, i32) {
    %c0_i32 = arith.constant 0 : i32
    %c0_i32_0 = arith.constant 0 : i32
    return %arg0, %c0_i32 : i32, i32
  }
}

</mosaic_0001>

<sc_bundles>
// kernel: kernel.10.cloned.1.call-start
scs
__scs_entry_jumppad:
0x0: {  	(pc) =	sbr.rel $0x88, $3  }
0x1: {  	(tag) =	ssettag $0x0;
	lr =	simm.s32 $0x1  }
0x2: {  	[smem:$0x3F99] =	sst lr;
	_ =	strace $0xD0000000  }
0x3: {  	_ = 	snop  }
0x4: {  	_ = 	snop  }
0x5: {  	_ = 	snop  }
0x6: {  	_ = 	snop  }
0x7: {  	_ = 	snop  }
__scs_overlays_trampoline_lowered:
0x8: {  	[smem:$0x3FA8] =	sst s0  }
0x9: {  	[smem:$0x3FA9] =	sst s1  }
0xa: {  	[smem:$0x3FAA] =	sst s2  }
0xb: {  	[smem:$0x3FAB] =	sst s3  }
0xc: {  	[smem:$0x3FAC] =	sst s4  }
0xd: {  	[smem:$0x3FAD] =	sst s5  }
0xe: {  	[smem:$0x3FAE] =	sst s6  }
0xf: {  	[smem:$0x3FAF] =	sst s7  }
0x10: {  	[smem:$0x3FB0] =	sst s8  }
0x11: {  	[smem:$0x3FB1] =	sst s9;
	s0 =	simm.s32 @!p0 $0x0  }
0x12: {  	s1 =	sld [smem:$0x3F97];
	s0 =	simm.s32 @p0 $0x1  }
0x13: {  	[smem:$0x3FB2] =	sst s0;
	s0 =	simm.s32 @!p1 $0x0  }
0x14: {  	s2 =	sld [smem:$0x3F96];
	s0 =	simm.s32 @p1 $0x1  }
0x15: {  	[smem:$0x3FB3] =	sst s0;
	s0 =	simm.s32 @!p2 $0x0  }
0x16: {  	s3 =	sld [smem:$0x3FDB];
	s0 =	simm.s32 @p2 $0x1  }
0x17: {  	s4 =	simm.s32 $0x1BF5;
	[smem:$0x3FB5] =	sst s0  }
0x18: {  	s0 =	sld [smem:$0x3F98];
	_ =	swait.ge [sflag:s4], $0x0  }
0x19: {  	s7 =	sld [smem:$0x3F99]  }
0x1a: {  	s8 =	sadd.s32 $0xFFFFE003, lr  }
0x1b: {  	s9 =	sadd.s32 $0xFFFFFEF7, lr;
	s5 =	simm.s32 $0xFFFFFFFF;
	p2 =	slt.u32 s8, $0xFFFFF086  }
0x1c: {  	p1 =	slt.u32 s9, $0xF7A;
	s5 =	simm.s32 @!p2 $0x0  }
0x1d: {  	s5 =	simm.s32 @p1 $0x1;
	p0 =	seq.s32 s7, s2  }
0x1e: {  	s7 =	smul.u32 @!p0 $0xF7A, s2;
	p2 =	seq.s32 @!p0 s5, $0x0  }
0x1f: {  	s9 =	smul.u32 $0xF7A, s1;
	s8 =	simm.s32 @!p0 $0x1BF5;
	p2 =	por !p2, p0  }
0x20: {  	[sflag:s8] =	ssyncset.s32 @!p0 $0xFFFFF086;
	s6 =	sadd.s32 @!p0 s3, s7;
	s7 =	simm.s32 @!p0 $0x108  }
0x21: {  	s3 =	sadd.s32 s3, s9;
	s6 =	sadd.s32 @!p0 $0x88, s6;
	s7 =	simm.s32 @p2 $0x1082  }
0x22: {  	[simem:s7], [sflag:s8] =	dma.local @!p0 [hbm:s6], $0xF7A  }
0x23: {  	s9 =	sor.u32 $0xD0000000, s2;
	s6 =	simm.s32 $0x108;
	_ =	swait.ge @!p0 [sflag:s8], $0x0  }
0x24: {  	s3 =	sadd.s32 $0x88, s3;
	s6 =	simm.s32 @!p1 $0x1082;
	[sflag:s4] =	ssyncset.s32 $0xFFFFF086  }
0x25: {  	[simem:s6], [sflag:s4] =	dma.local [hbm:s3], $0xF7A  }
0x26: {  	[smem:$0x3F99] =	sst s1;
	(tag) =	ssettag s2;
	_ =	strace s9  }
0x27: {  	s1 =	sld [smem:$0x3FA9]  }
0x28: {  	s2 =	sld [smem:$0x3FAA]  }
0x29: {  	s4 =	sld [smem:$0x3FAC]  }
0x2a: {  	p0 =	seq.s32 s5, $0x0;
	s5 =	sld [smem:$0x3FAD]  }
0x2b: {  	s6 =	sld [smem:$0x3FAE]  }
0x2c: {  	s7 =	sld [smem:$0x3FAF]  }
0x2d: {  	s3 =	simm.s32 $0x108;
	s8 =	sld [smem:$0x3FB0]  }
0x2e: {  	s3 =	simm.s32 @!p0 $0x1082;
	s9 =	sld [smem:$0x3FB1]  }
0x2f: {  	lr =	sadd.s32 s0, s3;
	s0 =	sld [smem:$0x3FA8]  }
0x30: {  	s3 =	sld [smem:$0x3FAB]  }
0x31: {  	[smem:$0x3FB4] =	sst s10  }
0x32: {  	s10 =	sld [smem:$0x3FB2];
	_ =	sdelay $0x3  }
0x33: {  	p0 =	seq.s32 s10, $0x1;
	s10 =	sld [smem:$0x3FB4];
	_ =	sdelay $0x3  }
0x34: {  	[smem:$0x3FB4] =	sst s10  }
0x35: {  	s10 =	sld [smem:$0x3FB3];
	_ =	sdelay $0x3  }
0x36: {  	p1 =	seq.s32 s10, $0x1;
	s10 =	sld [smem:$0x3FB4];
	_ =	sdelay $0x3  }
0x37: {  	[smem:$0x3FB4] =	sst s10  }
0x38: {  	s10 =	sld [smem:$0x3FB5]  }
0x39: {  	_ = 	snop;
	(pc) =	sbr.ind lr, $3  }
0x3a: {  	_ = 	snop  }
0x3b: {  	_ = 	snop  }
0x3c: {  	p2 =	seq.s32 s10, $0x1;
	s10 =	sld [smem:$0x3FB4]  }
0x3d: {  	_ =	shalt  }
0x3e: {  	_ =	shalt  }
0x3f: {  	_ =	shalt  }
0x40: {  	_ =	shalt  }
0x41: {  	_ =	shalt  }
0x42: {  	_ =	shalt  }
0x43: {  	_ =	shalt  }
0x44: {  	_ =	shalt  }
0x45: {  	_ =	shalt  }
0x46: {  	_ =	shalt  }
0x47: {  	_ =	shalt  }
0x48: {  	_ =	shalt  }
0x49: {  	_ =	shalt  }
0x4a: {  	_ =	shalt  }
0x4b: {  	_ =	shalt  }
0x4c: {  	_ =	shalt  }
0x4d: {  	_ =	shalt  }
0x4e: {  	_ =	shalt  }
0x4f: {  	_ =	shalt  }
0x50: {  	_ =	shalt  }
0x51: {  	_ =	shalt  }
0x52: {  	_ =	shalt  }
0x53: {  	_ =	shalt  }
0x54: {  	_ =	shalt  }
0x55: {  	_ =	shalt  }
0x56: {  	_ =	shalt  }
0x57: {  	_ =	shalt  }
0x58: {  	_ =	shalt  }
0x59: {  	_ =	shalt  }
0x5a: {  	_ =	shalt  }
0x5b: {  	_ =	shalt  }
0x5c: {  	_ =	shalt  }
0x5d: {  	_ =	shalt  }
0x5e: {  	_ =	shalt  }
0x5f: {  	_ =	shalt  }
0x60: {  	_ =	shalt  }
0x61: {  	_ =	shalt  }
0x62: {  	_ =	shalt  }
0x63: {  	_ =	shalt  }
0x64: {  	_ =	shalt  }
0x65: {  	_ =	shalt  }
0x66: {  	_ =	shalt  }
0x67: {  	_ =	shalt  }
0x68: {  	_ =	shalt  }
0x69: {  	_ =	shalt  }
0x6a: {  	_ =	shalt  }
0x6b: {  	_ =	shalt  }
0x6c: {  	_ =	shalt  }
0x6d: {  	_ =	shalt  }
0x6e: {  	_ =	shalt  }
0x6f: {  	_ =	shalt  }
0x70: {  	_ =	shalt  }
0x71: {  	_ =	shalt  }
0x72: {  	_ =	shalt  }
0x73: {  	_ =	shalt  }
0x74: {  	_ =	shalt  }
0x75: {  	_ =	shalt  }
0x76: {  	_ =	shalt  }
0x77: {  	_ =	shalt  }
0x78: {  	_ =	shalt  }
0x79: {  	_ =	shalt  }
0x7a: {  	_ =	shalt  }
0x7b: {  	_ =	shalt  }
0x7c: {  	_ =	shalt  }
0x7d: {  	_ =	shalt  }
0x7e: {  	_ =	shalt  }
0x7f: {  	_ =	shalt  }
0x80: {  	_ =	shalt  }
0x81: {  	_ =	shalt  }
0x82: {  	_ =	shalt  }
0x83: {  	_ =	shalt  }
0x84: {  	_ =	shalt  }
0x85: {  	_ =	shalt  }
0x86: {  	_ =	shalt  }
0x87: {  	_ =	shalt  }
.Lfunc_end0:
.L_simem_size_0:
called_computation_lowered:
.L_overlay_start_0:
0x88: {  	s2 =	sld [smem:$0x3FD9]  }
0x89: {  	s3 =	sld [smem:$0x3FFE];
	_ =	sdelay $0x1  }
0x8a: {  	s1 =	srdreg.scid  }
0x8b: {  	s0 =	sand.u32 $0x1, s1  }
0x8c: {  	s17 =	sshll.u32 s0, $0xA;
	s2 =	sadd.s32 s3, s2  }
0x8d: {  	s2 =	sadd.s32 s2, s17  }
0x8e: {  	[smem:$0x3FC0] =	sst s2  }
0x8f: {  	_ = 	snop  }
0x90: {  	s2 =	sld [smem:$0x3FD0];
	(tm) =	ssettm $0x1  }
0x91: {  	s18 =	sld [smem:$0x3FFB];
	_ =	sdelay $0x3  }
0x92: {  	_ =	strace s18  }
0x93: {  	s3 =	sld [smem:$0x3FFC];
	_ =	sdelay $0x3  }
0x94: {  	_ =	strace s3  }
0x95: {  	s3 =	sld [smem:$0x3FFD];
	_ =	sdelay $0x3  }
0x96: {  	_ =	strace s3  }
0x97: {  	_ =	strace $0x8FFFFFFF  }
0x98: {  	s19 =	sld [smem:$0x3FDB];
	_ =	sdelay $0x1  }
0x99: {  	s4 =	simm.s32 $_scs_section_size  }
0x9a: {  	s5 =	simm.s32 $_size__tile_overlayer_lowered;
	s6 =	simm.s32 $_tile_overlayer_lowered  }
0x9b: {  	s22 =	simm.s32 $0x1BFF;
	s21 =	sshll.u32 s6, $0x1;
	s3 =	sadd.s32 s4, s19  }
0x9c: {  	s7 =	simm.s32 $0x0;
	s20 =	sshll.u32 s5, $0x1;
	s5 =	sadd.s32 s21, s3  }
0x9d: {  	[timem:s7], [sflag:s22] =	dma.local [hbm:s5], s20  }
0x9e: {  	_ =	swait.ge [sflag:s22], s20  }
0x9f: {  	s4 =	ssub.s32 $0x0, s20;
	[sflag:s22] =	ssyncset.done $0x0  }
0xa0: {  	[sflag:s22] =	ssyncadd.s32 s4;
	_ =	sdelay $0x1  }
0xa1: {  	s23 =	simm.s32 $0x1B8B  }
0xa2: {  	_ =	swait.ge [sflag:s23], $0x1  }
0xa3: {  	[sflag:s23] =	ssyncset.done $0x0  }
0xa4: {  	s25 =	simm.s32 $0x1B8E;
	s24 =	sld [smem:$0x3FFE];
	[sflag:s23] =	ssyncadd.s32 $0xFFFFFFFF  }
0xa5: {  	s26 =	simm.s32 $execute0_lowered;
	[smem:$0x3FD2] =	sst s25  }
0xa6: {  	s5 =	sshll.u32 s26, $0x1;
	_ =	strace $0x80000046;
	[dreg:$0x1] =	wrdreg $0xFFFFFFFF  }
0xa7: {  	s28 =	simm.s32 $_size_execute0_lowered;
	s3 =	sadd.s32 s3, s5;
	[dreg:$0x0] =	wrdreg $0x0  }
0xa8: {  	s5 =	sshll.u32 s28, $0x1;
	[dreg:$0x2] =	wrdreg s3  }
0xa9: {  	[dreg:$0x3] =	wrdreg s5  }
0xaa: {  	[dreg:$0x4] =	wrdreg $0xC0  }
0xab: {  	_ =	task [dreg:s7], $0x5FFFF  }
0xac: {  	[dreg:$0x1] =	wrdreg $0xFFFFFFFF  }
0xad: {  	[dreg:$0x0] =	wrdreg $0x60  }
0xae: {  	[dreg:$0x2] =	wrdreg s24  }
0xaf: {  	[dreg:$0x3] =	wrdreg s2  }
0xb0: {  	[dreg:$0x4] =	wrdreg $0x0  }
0xb1: {  	[dreg:$0x5] =	wrdreg $0x2800  }
0xb2: {  	[dreg:$0x6] =	wrdreg $0x9  }
0xb3: {  	_ =	task.clear_ibuf [dreg:s7], $0x7FFFF;
	_ =	strace $0x90000046  }
0xb4: {  	s29 =	simm.s32 $0x9;
	_ =	strace $0x80000048  }
0xb5: {  	_ =	swait.ge [sflag:s29], $0x1  }
0xb6: {  	[sflag:s29] =	ssyncadd.s32 $0xFFFFFFFF  }
0xb7: {  	_ =	strace $0x90000048  }
0xb8: {  	_ =	sfence  }
0xb9: {  	s30 =	sld [smem:$0x0];
	_ =	sdelay $0x2  }
0xba: {  	s31 =	sshll.u32 s1, $0xD;
	s1 =	sshrl.u32 s1, $0x2  }
0xbb: {  	s3 =	sand.u32 $0x4000, s31;
	s1 =	sadd.s32 s1, s30  }
0xbc: {  	s0 =	sor.u32 s3, s0;
	s1 =	sshll.u32 s1, $0x11  }
0xbd: {  	s0 =	sor.u32 s1, s0  }
0xbe: {  	s0 =	sadd.s32 $0x8F2B, s0  }
0xbf: {  	[sflag:s0] =	ssyncadd.remote.s32 $0x1  }
0xc0: {  	_ =	sfence.sel $0xFFFF  }
0xc1: {  	[dreg:$0x0] =	wrdreg $0xFFFFFFFF;
	(pc) =	sbr.abs _section_cstart, $3  }
0xc2: {  	[dreg:$0x1] =	wrdreg $0xFFFFFFFF  }
0xc3: {  	_ =	task.clear_ibuf [dreg:s7], $0x2FFFF;
	_ =	strace $0x9FFFFFFF  }
0xc4: {  	(tm) =	ssettm $0x7FFFFFFF  }
0xc5: {  	_ =	shalt  }
tec
execute0_lowered:
.L_overlay_start_1:
0x0: {  	(tag) =	ssettag $0x1  }
0x1: {  	s0 =	rddreg [dreg:$0x0]  }
0x2: {  	s10 =	rddreg [dreg:$0x1]  }
0x3: {  	s1 =	srdreg.scid;
	s2 =	rddreg [dreg:$0x2]  }
0x4: {  	s7 =	stileid.u32;
	s3 =	rddreg [dreg:$0x3]  }
0x5: {  	s4 =	simm.s32 $0x0;
	s14 =	simm.s32 $0x500;
	s15 =	simm.s32 $0x50  }
0x6: {  	s17 =	simm.s32 $0xAC80;
	s16 =	simm.s32 $0x1;
	s20 =	simm.s32 $0x6900  }
0x7: {  	s21 =	simm.s32 $0xA900;
	s22 =	simm.s32 $0x6980;
	s23 =	simm.s32 $0xA980  }
0x8: {  	s24 =	simm.s32 $0x6A00;
	s25 =	simm.s32 $0xAA00;
	s28 =	simm.s32 $0xAA80  }
0x9: {  	s29 =	simm.s32 $0x0;
	s1 =	sand.u32 $0x1, s1;
	s6 =	smul.u32 $0x2710, s7  }
0xa: {  	[smem:$0x7FF] =	sst s4;
	s9 =	sadd.s32 $0x16800, s0;
	s11 =	smul.u32 $0x280, s7  }
0xb: {  	s12 =	sadd.s32 $0x16E00, s0;
	s5 =	smul.u32 $0x27100, s1;
	s26 =	ssub.s32 $0x2, s1  }
0xc: {  	_ =	strace $0x80000047;
	p0 =	seq.s32 s1, $0x1;
	s30 =	sshrl.u32 s26, $0x1  }
0xd: {  	s31 =	sshrl.u32 s11, $0x3;
	s10 =	smov.u32 @p0 s9;
	s5 =	sadd.s32 s6, s5  }
0xe: {  	s13 =	ssub.s32 s26, s30;
	s6 =	sadd.s32 s11, s3;
	s10 =	sadd.s32 s10, s31  }
0xf: {  	s26 =	simm.s32 $0x6A80;
	s5 =	sshrl.u32 s5, $0x3;
	s9 =	smax.u32 s13, $0x1  }
0x10: {  	s13 =	simm.s32 $0x2;
	s8 =	sadd.s32 s5, s0;
	s0 =	sadd.s32 $0x17400, s0  }
0x11: {  	s5 =	sadd.s32 s11, s2;
	s7 =	sadd.s32 $0x2E00, s8;
	s12 =	smov.u32 @p0 s0  }
0x12: {  	v0 =	vimm.f32 $0.0e+00;
	v1 =	vimm.f32 $1.000000000e+00;
	s8 =	sadd.s32 $0xCA40, s8;
	s11 =	sadd.s32 s12, s31;
	s12 =	simm.s32 $0xAD00  }
.LBB2_1:
0x13: {  	[tilespmem:$0xAD00] =	vst v0  }
0x14: {  	[tilespmem:$0xAD10] =	vst v0  }
0x15: {  	[tilespmem:$0xAD20] =	vst v0  }
0x16: {  	[tilespmem:$0xAD30] =	vst v0  }
0x17: {  	[tilespmem:$0xAD40] =	vst v0  }
0x18: {  	[tilespmem:$0xAD50] =	vst v0  }
0x19: {  	[tilespmem:$0xAD60] =	vst v0  }
0x1a: {  	[tilespmem:$0xAD70] =	vst v0  }
0x1b: {  	[tilespmem:$0xAD80] =	vst v0  }
0x1c: {  	[tilespmem:$0xAD90] =	vst v0  }
0x1d: {  	[tilespmem:$0xADA0] =	vst v0  }
0x1e: {  	[tilespmem:$0xADB0] =	vst v0  }
0x1f: {  	[tilespmem:$0xADC0] =	vst v0  }
0x20: {  	[tilespmem:$0xADD0] =	vst v0  }
0x21: {  	[tilespmem:$0xADE0] =	vst v0  }
0x22: {  	[tilespmem:$0xADF0] =	vst v0  }
0x23: {  	[tilespmem:$0xAE00] =	vst v0  }
0x24: {  	[tilespmem:$0xAE10] =	vst v0  }
0x25: {  	[tilespmem:$0xAE20] =	vst v0  }
0x26: {  	[tilespmem:$0xAE30] =	vst v0  }
0x27: {  	[tilespmem:$0xAE40] =	vst v0  }
0x28: {  	[tilespmem:$0xAE50] =	vst v0  }
0x29: {  	[tilespmem:$0xAE60] =	vst v0  }
0x2a: {  	[tilespmem:$0xAE70] =	vst v0  }
0x2b: {  	[tilespmem:$0xAE80] =	vst v0  }
0x2c: {  	[tilespmem:$0xAE90] =	vst v0  }
0x2d: {  	[tilespmem:$0xAEA0] =	vst v0  }
0x2e: {  	[tilespmem:$0xAEB0] =	vst v0  }
0x2f: {  	[tilespmem:$0xAEC0] =	vst v0  }
0x30: {  	[tilespmem:$0xAED0] =	vst v0  }
0x31: {  	[tilespmem:$0xAEE0] =	vst v0  }
0x32: {  	[tilespmem:$0xAEF0] =	vst v0  }
0x33: {  	[tilespmem:$0xAF00] =	vst v0  }
0x34: {  	[tilespmem:$0xAF10] =	vst v0  }
0x35: {  	[tilespmem:$0xAF20] =	vst v0  }
0x36: {  	[tilespmem:$0xAF30] =	vst v0  }
0x37: {  	[tilespmem:$0xAF40] =	vst v0  }
0x38: {  	[tilespmem:$0xAF50] =	vst v0  }
0x39: {  	[tilespmem:$0xAF60] =	vst v0  }
0x3a: {  	[tilespmem:$0xAF70] =	vst v0  }
0x3b: {  	[tilespmem:$0xAC80] =	vst v1  }
0x3c: {  	[tilespmem:$0xAC90] =	vst v1  }
0x3d: {  	[tilespmem:$0xACA0] =	vst v1  }
0x3e: {  	[tilespmem:$0xACB0] =	vst v1  }
0x3f: {  	[tilespmem:$0xACC0] =	vst v1  }
0x40: {  	[spmem:s5] =	stream.linear.scatter [tilespmem:s12], [sflag:$0x2], $0x280, $0x38;
	[tilespmem:$0xAF80] =	vst v63  }
0x41: {  	_ =	swait.ge [sflag:s13], $0x280  }
0x42: {  	[sflag:s13] =	ssyncset.done $0x0  }
0x43: {  	[sflag:s13] =	ssyncadd.s32 $0xFFFFFD80  }
0x44: {  	[spmem:s6] =	stream.linear.scatter [tilespmem:s12], [sflag:$0x2], $0x280, $0x38;
	[tilespmem:$0xAF80] =	vst v63  }
0x45: {  	_ =	swait.ge [sflag:s13], $0x280  }
0x46: {  	[sflag:s13] =	ssyncset.done $0x0  }
0x47: {  	[sflag:s13] =	ssyncadd.s32 $0xFFFFFD80  }
0x48: {  	[tilespmem:s14], [sflag:$0x2] =	stream.linear.gather [hbm4b:s7+s4], $0x2710, $0x38;
	[tilespmem:$0xAF80] =	vst v63  }
0x49: {  	_ =	swait.ge [sflag:s13], $0x2710  }
0x4a: {  	[sflag:s13] =	ssyncset.done $0x0  }
0x4b: {  	s1 =	simm.s32 $0x0;
	[sflag:s13] =	ssyncadd.s32 $0xFFFFD8F0  }
0x4c: {  	v2 =	vld [tilespmem:s1+$0x500];
	_ =	sdelay $0x3  }
0x4d: {  	s0 =	simm.s32 $0x2CA0  }
0x4e: {  	[tilespmem:s0+$0xFFFFFFE0] =	vst v2  }
0x4f: {  	v2 =	vld [tilespmem:s1+$0x510];
	_ =	sdelay $0x4  }
0x50: {  	[tilespmem:s0+$0xFFFFFFF0] =	vst v2  }
0x51: {  	v2 =	vld [tilespmem:s1+$0x520];
	_ =	sdelay $0x4  }
0x52: {  	[tilespmem:s0+$0x0] =	vst v2  }
0x53: {  	v2 =	vld [tilespmem:s1+$0x530];
	_ =	sdelay $0x4  }
0x54: {  	[tilespmem:s0+$0x10] =	vst v2  }
0x55: {  	v2 =	vld [tilespmem:s1+$0x540];
	_ =	sdelay $0x4  }
0x56: {  	s18 =	simm.s32 $0x280;
	s1 =	simm.s32 $0x50;
	[tilespmem:s0+$0x20] =	vst v2  }
.LBB2_2:
0x57: {  	p0 =	sne.s32 s18, $0x9B00;
	v2 =	vld [tilespmem:s1+$0x500];
	_ =	sdelay $0x3  }
0x58: {  	s0 =	sadd.s32 $0x80, s0  }
0x59: {  	[tilespmem:s0+$0xFFFFFFE0] =	vst v2  }
0x5a: {  	v2 =	vld [tilespmem:s1+$0x510];
	_ =	sdelay $0x4  }
0x5b: {  	[tilespmem:s0+$0xFFFFFFF0] =	vst v2  }
0x5c: {  	v2 =	vld [tilespmem:s1+$0x520];
	_ =	sdelay $0x4  }
0x5d: {  	[tilespmem:s0+$0x0] =	vst v2  }
0x5e: {  	v2 =	vld [tilespmem:s1+$0x530];
	_ =	sdelay $0x4  }
0x5f: {  	[tilespmem:s0+$0x10] =	vst v2  }
0x60: {  	v2 =	vld [tilespmem:s1+$0x540]  }
.Ltmp0:
0x61: {  	(pc) =	sbr.rel @p0 .LBB2_2-.Ltmp0, $2  }
0x62: {  	_ =	sdelay $0x2  }
0x63: {  	s1 =	sshra.s32 s18, $0x2;
	s18 =	sadd.s32 $0x140, s18;
	[tilespmem:s0+$0x20] =	vst v2  }
0x64: {  	v2 =	vld [tilespmem:s1+$0x500];
	_ =	sdelay $0x3  }
0x65: {  	s0 =	sadd.s32 $0x80, s0  }
0x66: {  	[tilespmem:s0+$0xFFFFFFE0] =	vst v2  }
0x67: {  	v2 =	vld [tilespmem:s1+$0x510];
	_ =	sdelay $0x4  }
0x68: {  	[tilespmem:s0+$0xFFFFFFF0] =	vst v2  }
0x69: {  	v2 =	vld [tilespmem:s1+$0x520];
	_ =	sdelay $0x4  }
0x6a: {  	[tilespmem:s0+$0x0] =	vst v2  }
0x6b: {  	v2 =	vld [tilespmem:s1+$0x530];
	_ =	sdelay $0x4  }
0x6c: {  	[tilespmem:s0+$0x10] =	vst v2  }
0x6d: {  	v2 =	vld [tilespmem:s1+$0x540];
	_ =	sdelay $0x4  }
0x6e: {  	s30 =	simm.s32 $0x0;
	[tilespmem:s0+$0x20] =	vst v2  }
0x6f: {  	[tilespmem:s14], [sflag:$0x2] =	stream.linear.gather [hbm4b:s8+s30], $0x2710, $0x38;
	[tilespmem:$0xAF80] =	vst v63  }
0x70: {  	_ =	swait.ge [sflag:s13], $0x2710  }
0x71: {  	[sflag:s13] =	ssyncset.done $0x0  }
0x72: {  	s31 =	simm.s32 $0x0;
	[sflag:s13] =	ssyncadd.s32 $0xFFFFD8F0  }
0x73: {  	v2 =	vld [tilespmem:s31+$0x500];
	_ =	sdelay $0x3  }
0x74: {  	s0 =	simm.s32 $0x6CA0  }
0x75: {  	[tilespmem:s0+$0xFFFFFFE0] =	vst v2  }
0x76: {  	v2 =	vld [tilespmem:s31+$0x510];
	_ =	sdelay $0x4  }
0x77: {  	[tilespmem:s0+$0xFFFFFFF0] =	vst v2  }
0x78: {  	v2 =	vld [tilespmem:s31+$0x520];
	_ =	sdelay $0x4  }
0x79: {  	[tilespmem:s0+$0x0] =	vst v2  }
0x7a: {  	v2 =	vld [tilespmem:s31+$0x530];
	_ =	sdelay $0x4  }
0x7b: {  	[tilespmem:s0+$0x10] =	vst v2  }
0x7c: {  	v2 =	vld [tilespmem:s31+$0x540];
	_ =	sdelay $0x4  }
0x7d: {  	s18 =	simm.s32 $0x280;
	s1 =	simm.s32 $0x50;
	[tilespmem:s0+$0x20] =	vst v2  }
.LBB2_4:
0x7e: {  	p0 =	sne.s32 s18, $0x9B00;
	v2 =	vld [tilespmem:s1+$0x500];
	_ =	sdelay $0x3  }
0x7f: {  	s0 =	sadd.s32 $0x80, s0  }
0x80: {  	[tilespmem:s0+$0xFFFFFFE0] =	vst v2  }
0x81: {  	v2 =	vld [tilespmem:s1+$0x510];
	_ =	sdelay $0x4  }
0x82: {  	[tilespmem:s0+$0xFFFFFFF0] =	vst v2  }
0x83: {  	v2 =	vld [tilespmem:s1+$0x520];
	_ =	sdelay $0x4  }
0x84: {  	[tilespmem:s0+$0x0] =	vst v2  }
0x85: {  	v2 =	vld [tilespmem:s1+$0x530];
	_ =	sdelay $0x4  }
0x86: {  	[tilespmem:s0+$0x10] =	vst v2  }
0x87: {  	v2 =	vld [tilespmem:s1+$0x540]  }
.Ltmp1:
0x88: {  	(pc) =	sbr.rel @p0 .LBB2_4-.Ltmp1, $2  }
0x89: {  	_ =	sdelay $0x2  }
0x8a: {  	s1 =	sshra.s32 s18, $0x2;
	s18 =	sadd.s32 $0x140, s18;
	[tilespmem:s0+$0x20] =	vst v2  }
0x8b: {  	v2 =	vld [tilespmem:s1+$0x500];
	_ =	sdelay $0x3  }
0x8c: {  	s0 =	sadd.s32 $0x80, s0  }
0x8d: {  	[tilespmem:s0+$0xFFFFFFE0] =	vst v2  }
0x8e: {  	v2 =	vld [tilespmem:s1+$0x510];
	_ =	sdelay $0x4  }
0x8f: {  	[tilespmem:s0+$0xFFFFFFF0] =	vst v2  }
0x90: {  	v2 =	vld [tilespmem:s1+$0x520];
	_ =	sdelay $0x4  }
0x91: {  	[tilespmem:s0+$0x0] =	vst v2  }
0x92: {  	v2 =	vld [tilespmem:s1+$0x530];
	_ =	sdelay $0x4  }
0x93: {  	[tilespmem:s0+$0x10] =	vst v2  }
0x94: {  	v2 =	vld [tilespmem:s1+$0x540];
	_ =	sdelay $0x4  }
0x95: {  	[tilespmem:s0+$0x20] =	vst v2  }
0x96: {  	s1 =	simm.s32 $0x2C80;
	[bflag:$0x0] =	sbarrier.arrive $0xFFFF  }
0x97: {  	[spmem:s2] =	stream.indirect.scatter.add.f32 [tilespmem:s17], [sflag:$0x1], $0x1, s1, s15, $0xb8;
	[tilespmem:$0xAF80] =	vst v63  }
0x98: {  	s18 =	simm.s32 $0x6C80  }
0x99: {  	[spmem:s3] =	stream.indirect.scatter.add.f32 [tilespmem:s17], [sflag:$0x1], $0x1, s18, s15, $0xb8;
	[tilespmem:$0xAF80] =	vst v63  }
0x9a: {  	s19 =	simm.s32 $0x2D00  }
0x9b: {  	[spmem:s2] =	stream.indirect.scatter.add.f32 [tilespmem:s17], [sflag:$0x1], $0x1, s19, s15, $0xb8;
	[tilespmem:$0xAF80] =	vst v63  }
0x9c: {  	s31 =	simm.s32 $0x6D00  }
0x9d: {  	[spmem:s3] =	stream.indirect.scatter.add.f32 [tilespmem:s17], [sflag:$0x1], $0x1, s31, s15, $0xb8;
	[tilespmem:$0xAF80] =	vst v63  }
0x9e: {  	s1 =	simm.s32 $0x2D80  }
0x9f: {  	[spmem:s2] =	stream.indirect.scatter.add.f32 [tilespmem:s17], [sflag:$0x1], $0x1, s1, s15, $0xb8;
	[tilespmem:$0xAF80] =	vst v63  }
0xa0: {  	s18 =	simm.s32 $0x6D80  }
0xa1: {  	[spmem:s3] =	stream.indirect.scatter.add.f32 [tilespmem:s17], [sflag:$0x1], $0x1, s18, s15, $0xb8;
	[tilespmem:$0xAF80] =	vst v63  }
0xa2: {  	s19 =	simm.s32 $0x2E00  }
0xa3: {  	[spmem:s2] =	stream.indirect.scatter.add.f32 [tilespmem:s17], [sflag:$0x1], $0x1, s19, s15, $0xb8;
	[tilespmem:$0xAF80] =	vst v63  }
0xa4: {  	s31 =	simm.s32 $0x6E00  }
0xa5: {  	[spmem:s3] =	stream.indirect.scatter.add.f32 [tilespmem:s17], [sflag:$0x1], $0x1, s31, s15, $0xb8;
	[tilespmem:$0xAF80] =	vst v63  }
0xa6: {  	s1 =	simm.s32 $0x2E80  }
0xa7: {  	[spmem:s2] =	stream.indirect.scatter.add.f32 [tilespmem:s17], [sflag:$0x1], $0x1, s1, s15, $0xb8;
	[tilespmem:$0xAF80] =	vst v63  }
0xa8: {  	s18 =	simm.s32 $0x6E80  }
0xa9: {  	[spmem:s3] =	stream.indirect.scatter.add.f32 [tilespmem:s17], [sflag:$0x1], $0x1, s18, s15, $0xb8;
	[tilespmem:$0xAF80] =	vst v63  }
0xaa: {  	s19 =	simm.s32 $0x2F00  }
0xab: {  	[spmem:s2] =	stream.indirect.scatter.add.f32 [tilespmem:s17], [sflag:$0x1], $0x1, s19, s15, $0xb8;
	[tilespmem:$0xAF80] =	vst v63  }
0xac: {  	s31 =	simm.s32 $0x6F00  }
0xad: {  	[spmem:s3] =	stream.indirect.scatter.add.f32 [tilespmem:s17], [sflag:$0x1], $0x1, s31, s15, $0xb8;
	[tilespmem:$0xAF80] =	vst v63  }
0xae: {  	s1 =	simm.s32 $0x2F80  }
0xaf: {  	[spmem:s2] =	stream.indirect.scatter.add.f32 [tilespmem:s17], [sflag:$0x1], $0x1, s1, s15, $0xb8;
	[tilespmem:$0xAF80] =	vst v63  }
0xb0: {  	s18 =	simm.s32 $0x6F80  }
0xb1: {  	[spmem:s3] =	stream.indirect.scatter.add.f32 [tilespmem:s17], [sflag:$0x1], $0x1, s18, s15, $0xb8;
	[tilespmem:$0xAF80] =	vst v63  }
0xb2: {  	s19 =	simm.s32 $0x3000  }
0xb3: {  	[spmem:s2] =	stream.indirect.scatter.add.f32 [tilespmem:s17], [sflag:$0x1], $0x1, s19, s15, $0xb8;
	[tilespmem:$0xAF80] =	vst v63  }
0xb4: {  	p0 =	por $0x0, $0x0;
	s31 =	simm.s32 $0x7000  }
0xb5: {  	[spmem:s3] =	stream.indirect.scatter.add.f32 [tilespmem:s17], [sflag:$0x1], $0x1, s31, s15, $0xb8;
	[tilespmem:$0xAF80] =	vst v63  }
0xb6: {  	s0 =	simm.s32 @!p0 $0x50;
	s1 =	simm.s32 @!p0 $0x3080;
	s18 =	simm.s32 @!p0 $0xAC80  }
0xb7: {  	[spmem:s2] =	stream.indirect.scatter.add.f32 @!p0 [tilespmem:s18], [sflag:$0x1], $0x1, s1, s0, $0xb8;
	[tilespmem:$0xAF80] =	vst v63  }
0xb8: {  	s1 =	simm.s32 @!p0 $0x7080  }
0xb9: {  	[spmem:s3] =	stream.indirect.scatter.add.f32 @!p0 [tilespmem:s18], [sflag:$0x1], $0x1, s1, s0, $0xb8;
	[tilespmem:$0xAF80] =	vst v63  }
0xba: {  	s1 =	simm.s32 @!p0 $0x3100  }
0xbb: {  	[spmem:s2] =	stream.indirect.scatter.add.f32 @!p0 [tilespmem:s18], [sflag:$0x1], $0x1, s1, s0, $0xb8;
	[tilespmem:$0xAF80] =	vst v63  }
0xbc: {  	s1 =	simm.s32 @!p0 $0x7100  }
0xbd: {  	[spmem:s3] =	stream.indirect.scatter.add.f32 @!p0 [tilespmem:s18], [sflag:$0x1], $0x1, s1, s0, $0xb8;
	[tilespmem:$0xAF80] =	vst v63  }
0xbe: {  	s1 =	simm.s32 @!p0 $0x3180  }
0xbf: {  	[spmem:s2] =	stream.indirect.scatter.add.f32 @!p0 [tilespmem:s18], [sflag:$0x1], $0x1, s1, s0, $0xb8;
	[tilespmem:$0xAF80] =	vst v63  }
0xc0: {  	s1 =	simm.s32 @!p0 $0x7180  }
0xc1: {  	[spmem:s3] =	stream.indirect.scatter.add.f32 @!p0 [tilespmem:s18], [sflag:$0x1], $0x1, s1, s0, $0xb8;
	[tilespmem:$0xAF80] =	vst v63  }
0xc2: {  	s1 =	simm.s32 @!p0 $0x3200  }
0xc3: {  	[spmem:s2] =	stream.indirect.scatter.add.f32 @!p0 [tilespmem:s18], [sflag:$0x1], $0x1, s1, s0, $0xb8;
	[tilespmem:$0xAF80] =	vst v63  }
0xc4: {  	s1 =	simm.s32 @!p0 $0x7200  }
0xc5: {  	[spmem:s3] =	stream.indirect.scatter.add.f32 @!p0 [tilespmem:s18], [sflag:$0x1], $0x1, s1, s0, $0xb8;
	[tilespmem:$0xAF80] =	vst v63  }
0xc6: {  	s1 =	simm.s32 @!p0 $0x3280  }
0xc7: {  	[spmem:s2] =	stream.indirect.scatter.add.f32 @!p0 [tilespmem:s18], [sflag:$0x1], $0x1, s1, s0, $0xb8;
	[tilespmem:$0xAF80] =	vst v63  }
0xc8: {  	s1 =	simm.s32 @!p0 $0x7280  }
0xc9: {  	[spmem:s3] =	stream.indirect.scatter.add.f32 @!p0 [tilespmem:s18], [sflag:$0x1], $0x1, s1, s0, $0xb8;
	[tilespmem:$0xAF80] =	vst v63  }
0xca: {  	s1 =	simm.s32 @!p0 $0x3300  }
0xcb: {  	[spmem:s2] =	stream.indirect.scatter.add.f32 @!p0 [tilespmem:s18], [sflag:$0x1], $0x1, s1, s0, $0xb8;
	[tilespmem:$0xAF80] =	vst v63  }
0xcc: {  	s1 =	simm.s32 @!p0 $0x7300  }
0xcd: {  	[spmem:s3] =	stream.indirect.scatter.add.f32 @!p0 [tilespmem:s18], [sflag:$0x1], $0x1, s1, s0, $0xb8;
	[tilespmem:$0xAF80] =	vst v63  }
0xce: {  	s1 =	simm.s32 @!p0 $0x3380  }
0xcf: {  	[spmem:s2] =	stream.indirect.scatter.add.f32 @!p0 [tilespmem:s18], [sflag:$0x1], $0x1, s1, s0, $0xb8;
	[tilespmem:$0xAF80] =	vst v63  }
0xd0: {  	s1 =	simm.s32 @!p0 $0x7380  }
0xd1: {  	[spmem:s3] =	stream.indirect.scatter.add.f32 @!p0 [tilespmem:s18], [sflag:$0x1], $0x1, s1, s0, $0xb8;
	[tilespmem:$0xAF80] =	vst v63  }
0xd2: {  	s1 =	simm.s32 @!p0 $0x3400  }
0xd3: {  	[spmem:s2] =	stream.indirect.scatter.add.f32 @!p0 [tilespmem:s18], [sflag:$0x1], $0x1, s1, s0, $0xb8;
	[tilespmem:$0xAF80] =	vst v63  }
0xd4: {  	s1 =	simm.s32 @!p0 $0x7400  }
0xd5: {  	[spmem:s3] =	stream.indirect.scatter.add.f32 @!p0 [tilespmem:s18], [sflag:$0x1], $0x1, s1, s0, $0xb8;
	[tilespmem:$0xAF80] =	vst v63  }
0xd6: {  	_ =	swait.ge [sflag:s16], $0x50  }
0xd7: {  	[sflag:s16] =	ssyncset.done $0x0  }
0xd8: {  	[sflag:s16] =	ssyncadd.s32 $0xFFFFFFB0  }
0xd9: {  	_ =	swait.ge [sflag:s16], $0x50  }
0xda: {  	[sflag:s16] =	ssyncset.done $0x0  }
0xdb: {  	[sflag:s16] =	ssyncadd.s32 $0xFFFFFFB0  }
0xdc: {  	_ =	swait.ge [sflag:s16], $0x50  }
0xdd: {  	[sflag:s16] =	ssyncset.done $0x0  }
0xde: {  	[sflag:s16] =	ssyncadd.s32 $0xFFFFFFB0  }
0xdf: {  	_ =	swait.ge [sflag:s16], $0x50  }
0xe0: {  	[sflag:s16] =	ssyncset.done $0x0  }
0xe1: {  	[sflag:s16] =	ssyncadd.s32 $0xFFFFFFB0  }
0xe2: {  	_ =	swait.ge [sflag:s16], $0x50  }
0xe3: {  	[sflag:s16] =	ssyncset.done $0x0  }
0xe4: {  	[sflag:s16] =	ssyncadd.s32 $0xFFFFFFB0  }
0xe5: {  	_ =	swait.ge [sflag:s16], $0x50  }
0xe6: {  	[sflag:s16] =	ssyncset.done $0x0  }
0xe7: {  	[sflag:s16] =	ssyncadd.s32 $0xFFFFFFB0  }
0xe8: {  	_ =	swait.ge [sflag:s16], $0x50  }
0xe9: {  	[sflag:s16] =	ssyncset.done $0x0  }
0xea: {  	[sflag:s16] =	ssyncadd.s32 $0xFFFFFFB0  }
0xeb: {  	_ =	swait.ge [sflag:s16], $0x50  }
0xec: {  	[sflag:s16] =	ssyncset.done $0x0  }
0xed: {  	[sflag:s16] =	ssyncadd.s32 $0xFFFFFFB0  }
0xee: {  	_ =	swait.ge [sflag:s16], $0x50  }
0xef: {  	[sflag:s16] =	ssyncset.done $0x0  }
0xf0: {  	[sflag:s16] =	ssyncadd.s32 $0xFFFFFFB0  }
0xf1: {  	_ =	swait.ge [sflag:s16], $0x50  }
0xf2: {  	[sflag:s16] =	ssyncset.done $0x0  }
0xf3: {  	[sflag:s16] =	ssyncadd.s32 $0xFFFFFFB0  }
0xf4: {  	_ =	swait.ge [sflag:s16], $0x50  }
0xf5: {  	[sflag:s16] =	ssyncset.done $0x0  }
0xf6: {  	[sflag:s16] =	ssyncadd.s32 $0xFFFFFFB0  }
0xf7: {  	_ =	swait.ge [sflag:s16], $0x50  }
0xf8: {  	[sflag:s16] =	ssyncset.done $0x0  }
0xf9: {  	[sflag:s16] =	ssyncadd.s32 $0xFFFFFFB0  }
0xfa: {  	_ =	swait.ge [sflag:s16], $0x50  }
0xfb: {  	[sflag:s16] =	ssyncset.done $0x0  }
0xfc: {  	[sflag:s16] =	ssyncadd.s32 $0xFFFFFFB0  }
0xfd: {  	_ =	swait.ge [sflag:s16], $0x50  }
0xfe: {  	[sflag:s16] =	ssyncset.done $0x0  }
0xff: {  	[sflag:s16] =	ssyncadd.s32 $0xFFFFFFB0  }
0x100: {  	_ =	swait.ge [sflag:s16], $0x50  }
0x101: {  	[sflag:s16] =	ssyncset.done $0x0  }
0x102: {  	[sflag:s16] =	ssyncadd.s32 $0xFFFFFFB0  }
0x103: {  	s30 =	simm.s32 $0x2000;
	p1 =	por $0x0, $0x0;
	_ =	swait.ge [sflag:s16], $0x50  }
0x104: {  	s0 =	simm.s32 @!p1 $0x400;
	s1 =	simm.s32 @!p1 $0x50;
	[sflag:s16] =	ssyncset.done $0x0  }
.LBB2_6:
0x105: {  	s31 =	sadd.s32 @!p1 $0x3080, s0;
	s18 =	simm.s32 @!p1 $0xAC80;
	[sflag:s16] =	ssyncadd.s32 $0xFFFFFFB0  }
0x106: {  	[spmem:s2] =	stream.indirect.scatter.add.f32 @!p1 [tilespmem:s18], [sflag:$0x1], $0x1, s31, s1, $0xb8;
	[tilespmem:$0xAF80] =	vst v63  }
0x107: {  	s19 =	sadd.s32 @!p1 $0x7080, s0;
	s31 =	smov.u32 s30;
	s30 =	sadd.s32 $0x1000, s30  }
0x108: {  	[spmem:s3] =	stream.indirect.scatter.add.f32 @!p1 [tilespmem:s18], [sflag:$0x1], $0x1, s19, s1, $0xb8;
	[tilespmem:$0xAF80] =	vst v63  }
0x109: {  	p0 =	sne.s32 s30, $0xF000;
	s19 =	sadd.s32 @!p1 $0x3100, s0  }
0x10a: {  	[spmem:s2] =	stream.indirect.scatter.add.f32 @!p1 [tilespmem:s18], [sflag:$0x1], $0x1, s19, s1, $0xb8;
	[tilespmem:$0xAF80] =	vst v63  }
0x10b: {  	s19 =	sadd.s32 @!p1 $0x7100, s0  }
0x10c: {  	[spmem:s3] =	stream.indirect.scatter.add.f32 @!p1 [tilespmem:s18], [sflag:$0x1], $0x1, s19, s1, $0xb8;
	[tilespmem:$0xAF80] =	vst v63  }
0x10d: {  	s19 =	sadd.s32 @!p1 $0x3180, s0  }
0x10e: {  	[spmem:s2] =	stream.indirect.scatter.add.f32 @!p1 [tilespmem:s18], [sflag:$0x1], $0x1, s19, s1, $0xb8;
	[tilespmem:$0xAF80] =	vst v63  }
0x10f: {  	s19 =	sadd.s32 @!p1 $0x7180, s0  }
0x110: {  	[spmem:s3] =	stream.indirect.scatter.add.f32 @!p1 [tilespmem:s18], [sflag:$0x1], $0x1, s19, s1, $0xb8;
	[tilespmem:$0xAF80] =	vst v63  }
0x111: {  	s19 =	sadd.s32 @!p1 $0x3200, s0  }
0x112: {  	[spmem:s2] =	stream.indirect.scatter.add.f32 @!p1 [tilespmem:s18], [sflag:$0x1], $0x1, s19, s1, $0xb8;
	[tilespmem:$0xAF80] =	vst v63  }
0x113: {  	s19 =	sadd.s32 @!p1 $0x7200, s0  }
0x114: {  	[spmem:s3] =	stream.indirect.scatter.add.f32 @!p1 [tilespmem:s18], [sflag:$0x1], $0x1, s19, s1, $0xb8;
	[tilespmem:$0xAF80] =	vst v63  }
0x115: {  	s19 =	sadd.s32 @!p1 $0x3280, s0  }
0x116: {  	[spmem:s2] =	stream.indirect.scatter.add.f32 @!p1 [tilespmem:s18], [sflag:$0x1], $0x1, s19, s1, $0xb8;
	[tilespmem:$0xAF80] =	vst v63  }
0x117: {  	s19 =	sadd.s32 @!p1 $0x7280, s0  }
0x118: {  	[spmem:s3] =	stream.indirect.scatter.add.f32 @!p1 [tilespmem:s18], [sflag:$0x1], $0x1, s19, s1, $0xb8;
	[tilespmem:$0xAF80] =	vst v63  }
0x119: {  	s19 =	sadd.s32 @!p1 $0x3300, s0  }
0x11a: {  	[spmem:s2] =	stream.indirect.scatter.add.f32 @!p1 [tilespmem:s18], [sflag:$0x1], $0x1, s19, s1, $0xb8;
	[tilespmem:$0xAF80] =	vst v63  }
0x11b: {  	s19 =	sadd.s32 @!p1 $0x7300, s0  }
0x11c: {  	[spmem:s3] =	stream.indirect.scatter.add.f32 @!p1 [tilespmem:s18], [sflag:$0x1], $0x1, s19, s1, $0xb8;
	[tilespmem:$0xAF80] =	vst v63  }
0x11d: {  	s19 =	sadd.s32 @!p1 $0x3380, s0  }
0x11e: {  	[spmem:s2] =	stream.indirect.scatter.add.f32 @!p1 [tilespmem:s18], [sflag:$0x1], $0x1, s19, s1, $0xb8;
	[tilespmem:$0xAF80] =	vst v63  }
0x11f: {  	s19 =	sadd.s32 @!p1 $0x7380, s0  }
0x120: {  	[spmem:s3] =	stream.indirect.scatter.add.f32 @!p1 [tilespmem:s18], [sflag:$0x1], $0x1, s19, s1, $0xb8;
	[tilespmem:$0xAF80] =	vst v63  }
0x121: {  	s19 =	sadd.s32 @!p1 $0x3400, s0  }
0x122: {  	[spmem:s2] =	stream.indirect.scatter.add.f32 @!p1 [tilespmem:s18], [sflag:$0x1], $0x1, s19, s1, $0xb8;
	[tilespmem:$0xAF80] =	vst v63  }
0x123: {  	s0 =	sadd.s32 @!p1 $0x7400, s0  }
0x124: {  	[spmem:s3] =	stream.indirect.scatter.add.f32 @!p1 [tilespmem:s18], [sflag:$0x1], $0x1, s0, s1, $0xb8;
	[tilespmem:$0xAF80] =	vst v63  }
0x125: {  	_ =	swait.ge [sflag:s16], $0x50  }
0x126: {  	[sflag:s16] =	ssyncset.done $0x0  }
0x127: {  	[sflag:s16] =	ssyncadd.s32 $0xFFFFFFB0  }
0x128: {  	_ =	swait.ge [sflag:s16], $0x50  }
0x129: {  	[sflag:s16] =	ssyncset.done $0x0  }
0x12a: {  	[sflag:s16] =	ssyncadd.s32 $0xFFFFFFB0  }
0x12b: {  	_ =	swait.ge [sflag:s16], $0x50  }
0x12c: {  	[sflag:s16] =	ssyncset.done $0x0  }
0x12d: {  	[sflag:s16] =	ssyncadd.s32 $0xFFFFFFB0  }
0x12e: {  	_ =	swait.ge [sflag:s16], $0x50  }
0x12f: {  	[sflag:s16] =	ssyncset.done $0x0  }
0x130: {  	[sflag:s16] =	ssyncadd.s32 $0xFFFFFFB0  }
0x131: {  	_ =	swait.ge [sflag:s16], $0x50  }
0x132: {  	[sflag:s16] =	ssyncset.done $0x0  }
0x133: {  	[sflag:s16] =	ssyncadd.s32 $0xFFFFFFB0  }
0x134: {  	_ =	swait.ge [sflag:s16], $0x50  }
0x135: {  	[sflag:s16] =	ssyncset.done $0x0  }
0x136: {  	[sflag:s16] =	ssyncadd.s32 $0xFFFFFFB0  }
0x137: {  	_ =	swait.ge [sflag:s16], $0x50  }
0x138: {  	[sflag:s16] =	ssyncset.done $0x0  }
0x139: {  	[sflag:s16] =	ssyncadd.s32 $0xFFFFFFB0  }
0x13a: {  	_ =	swait.ge [sflag:s16], $0x50  }
0x13b: {  	[sflag:s16] =	ssyncset.done $0x0  }
0x13c: {  	[sflag:s16] =	ssyncadd.s32 $0xFFFFFFB0  }
0x13d: {  	_ =	swait.ge [sflag:s16], $0x50  }
0x13e: {  	[sflag:s16] =	ssyncset.done $0x0  }
0x13f: {  	[sflag:s16] =	ssyncadd.s32 $0xFFFFFFB0  }
0x140: {  	_ =	swait.ge [sflag:s16], $0x50  }
0x141: {  	[sflag:s16] =	ssyncset.done $0x0  }
0x142: {  	[sflag:s16] =	ssyncadd.s32 $0xFFFFFFB0  }
0x143: {  	_ =	swait.ge [sflag:s16], $0x50  }
0x144: {  	[sflag:s16] =	ssyncset.done $0x0  }
0x145: {  	[sflag:s16] =	ssyncadd.s32 $0xFFFFFFB0  }
0x146: {  	_ =	swait.ge [sflag:s16], $0x50  }
0x147: {  	[sflag:s16] =	ssyncset.done $0x0  }
0x148: {  	[sflag:s16] =	ssyncadd.s32 $0xFFFFFFB0  }
0x149: {  	_ =	swait.ge [sflag:s16], $0x50  }
0x14a: {  	[sflag:s16] =	ssyncset.done $0x0  }
0x14b: {  	[sflag:s16] =	ssyncadd.s32 $0xFFFFFFB0  }
0x14c: {  	_ =	swait.ge [sflag:s16], $0x50  }
0x14d: {  	[sflag:s16] =	ssyncset.done $0x0  }
0x14e: {  	[sflag:s16] =	ssyncadd.s32 $0xFFFFFFB0  }
.Ltmp2:
0x14f: {  	_ =	swait.ge [sflag:s16], $0x50;
	(pc) =	sbr.rel @p0 .LBB2_6-.Ltmp2, $4  }
0x150: {  	[sflag:s16] =	ssyncset.done $0x0  }
0x151: {  	[sflag:s16] =	ssyncadd.s32 $0xFFFFFFB0  }
0x152: {  	p1 =	seq.s32 s31, $0xE000;
	_ =	swait.ge [sflag:s16], $0x50  }
0x153: {  	s0 =	sshra.s32 @!p1 s31, $0x2;
	s1 =	simm.s32 @!p1 $0x50;
	[sflag:s16] =	ssyncset.done $0x0  }
0x154: {  	s18 =	sadd.s32 @!p1 $0x3080, s0;
	s19 =	simm.s32 @!p1 $0xAC80;
	[sflag:s16] =	ssyncadd.s32 $0xFFFFFFB0  }
0x155: {  	[spmem:s2] =	stream.indirect.scatter.add.f32 @!p1 [tilespmem:s19], [sflag:$0x1], $0x1, s18, s1, $0xb8;
	[tilespmem:$0xAF80] =	vst v63  }
0x156: {  	s18 =	sadd.s32 @!p1 $0x7080, s0  }
0x157: {  	[spmem:s3] =	stream.indirect.scatter.add.f32 @!p1 [tilespmem:s19], [sflag:$0x1], $0x1, s18, s1, $0xb8;
	[tilespmem:$0xAF80] =	vst v63  }
0x158: {  	s18 =	sadd.s32 @!p1 $0x3100, s0  }
0x159: {  	[spmem:s2] =	stream.indirect.scatter.add.f32 @!p1 [tilespmem:s19], [sflag:$0x1], $0x1, s18, s1, $0xb8;
	[tilespmem:$0xAF80] =	vst v63  }
0x15a: {  	s18 =	sadd.s32 @!p1 $0x7100, s0  }
0x15b: {  	[spmem:s3] =	stream.indirect.scatter.add.f32 @!p1 [tilespmem:s19], [sflag:$0x1], $0x1, s18, s1, $0xb8;
	[tilespmem:$0xAF80] =	vst v63  }
0x15c: {  	s18 =	sadd.s32 @!p1 $0x3180, s0  }
0x15d: {  	[spmem:s2] =	stream.indirect.scatter.add.f32 @!p1 [tilespmem:s19], [sflag:$0x1], $0x1, s18, s1, $0xb8;
	[tilespmem:$0xAF80] =	vst v63  }
0x15e: {  	s18 =	sadd.s32 @!p1 $0x7180, s0  }
0x15f: {  	[spmem:s3] =	stream.indirect.scatter.add.f32 @!p1 [tilespmem:s19], [sflag:$0x1], $0x1, s18, s1, $0xb8;
	[tilespmem:$0xAF80] =	vst v63  }
0x160: {  	s18 =	sadd.s32 @!p1 $0x3200, s0  }
0x161: {  	[spmem:s2] =	stream.indirect.scatter.add.f32 @!p1 [tilespmem:s19], [sflag:$0x1], $0x1, s18, s1, $0xb8;
	[tilespmem:$0xAF80] =	vst v63  }
0x162: {  	s18 =	sadd.s32 @!p1 $0x7200, s0  }
0x163: {  	[spmem:s3] =	stream.indirect.scatter.add.f32 @!p1 [tilespmem:s19], [sflag:$0x1], $0x1, s18, s1, $0xb8;
	[tilespmem:$0xAF80] =	vst v63  }
0x164: {  	s18 =	sadd.s32 @!p1 $0x3280, s0  }
0x165: {  	[spmem:s2] =	stream.indirect.scatter.add.f32 @!p1 [tilespmem:s19], [sflag:$0x1], $0x1, s18, s1, $0xb8;
	[tilespmem:$0xAF80] =	vst v63  }
0x166: {  	s18 =	sadd.s32 @!p1 $0x7280, s0  }
0x167: {  	[spmem:s3] =	stream.indirect.scatter.add.f32 @!p1 [tilespmem:s19], [sflag:$0x1], $0x1, s18, s1, $0xb8;
	[tilespmem:$0xAF80] =	vst v63  }
0x168: {  	s18 =	sadd.s32 @!p1 $0x3300, s0  }
0x169: {  	[spmem:s2] =	stream.indirect.scatter.add.f32 @!p1 [tilespmem:s19], [sflag:$0x1], $0x1, s18, s1, $0xb8;
	[tilespmem:$0xAF80] =	vst v63  }
0x16a: {  	s18 =	sadd.s32 @!p1 $0x7300, s0  }
0x16b: {  	[spmem:s3] =	stream.indirect.scatter.add.f32 @!p1 [tilespmem:s19], [sflag:$0x1], $0x1, s18, s1, $0xb8;
	[tilespmem:$0xAF80] =	vst v63  }
0x16c: {  	s18 =	sadd.s32 @!p1 $0x3380, s0  }
0x16d: {  	[spmem:s2] =	stream.indirect.scatter.add.f32 @!p1 [tilespmem:s19], [sflag:$0x1], $0x1, s18, s1, $0xb8;
	[tilespmem:$0xAF80] =	vst v63  }
0x16e: {  	s18 =	sadd.s32 @!p1 $0x7380, s0  }
0x16f: {  	[spmem:s3] =	stream.indirect.scatter.add.f32 @!p1 [tilespmem:s19], [sflag:$0x1], $0x1, s18, s1, $0xb8;
	[tilespmem:$0xAF80] =	vst v63  }
0x170: {  	s18 =	sadd.s32 @!p1 $0x3400, s0  }
0x171: {  	[spmem:s2] =	stream.indirect.scatter.add.f32 @!p1 [tilespmem:s19], [sflag:$0x1], $0x1, s18, s1, $0xb8;
	[tilespmem:$0xAF80] =	vst v63  }
0x172: {  	s0 =	sadd.s32 @!p1 $0x7400, s0  }
0x173: {  	[spmem:s3] =	stream.indirect.scatter.add.f32 @!p1 [tilespmem:s19], [sflag:$0x1], $0x1, s0, s1, $0xb8;
	[tilespmem:$0xAF80] =	vst v63  }
0x174: {  	_ =	swait.ge [sflag:s16], $0x50  }
0x175: {  	[sflag:s16] =	ssyncset.done $0x0  }
0x176: {  	[sflag:s16] =	ssyncadd.s32 $0xFFFFFFB0  }
0x177: {  	_ =	swait.ge [sflag:s16], $0x50  }
0x178: {  	[sflag:s16] =	ssyncset.done $0x0  }
0x179: {  	[sflag:s16] =	ssyncadd.s32 $0xFFFFFFB0  }
0x17a: {  	_ =	swait.ge [sflag:s16], $0x50  }
0x17b: {  	[sflag:s16] =	ssyncset.done $0x0  }
0x17c: {  	[sflag:s16] =	ssyncadd.s32 $0xFFFFFFB0  }
0x17d: {  	_ =	swait.ge [sflag:s16], $0x50  }
0x17e: {  	[sflag:s16] =	ssyncset.done $0x0  }
0x17f: {  	[sflag:s16] =	ssyncadd.s32 $0xFFFFFFB0  }
0x180: {  	_ =	swait.ge [sflag:s16], $0x50  }
0x181: {  	[sflag:s16] =	ssyncset.done $0x0  }
0x182: {  	[sflag:s16] =	ssyncadd.s32 $0xFFFFFFB0  }
0x183: {  	_ =	swait.ge [sflag:s16], $0x50  }
0x184: {  	[sflag:s16] =	ssyncset.done $0x0  }
0x185: {  	[sflag:s16] =	ssyncadd.s32 $0xFFFFFFB0  }
0x186: {  	_ =	swait.ge [sflag:s16], $0x50  }
0x187: {  	[sflag:s16] =	ssyncset.done $0x0  }
0x188: {  	[sflag:s16] =	ssyncadd.s32 $0xFFFFFFB0  }
0x189: {  	_ =	swait.ge [sflag:s16], $0x50  }
0x18a: {  	[sflag:s16] =	ssyncset.done $0x0  }
0x18b: {  	[sflag:s16] =	ssyncadd.s32 $0xFFFFFFB0  }
0x18c: {  	_ =	swait.ge [sflag:s16], $0x50  }
0x18d: {  	[sflag:s16] =	ssyncset.done $0x0  }
0x18e: {  	[sflag:s16] =	ssyncadd.s32 $0xFFFFFFB0  }
0x18f: {  	_ =	swait.ge [sflag:s16], $0x50  }
0x190: {  	[sflag:s16] =	ssyncset.done $0x0  }
0x191: {  	[sflag:s16] =	ssyncadd.s32 $0xFFFFFFB0  }
0x192: {  	_ =	swait.ge [sflag:s16], $0x50  }
0x193: {  	[sflag:s16] =	ssyncset.done $0x0  }
0x194: {  	[sflag:s16] =	ssyncadd.s32 $0xFFFFFFB0  }
0x195: {  	_ =	swait.ge [sflag:s16], $0x50  }
0x196: {  	[sflag:s16] =	ssyncset.done $0x0  }
0x197: {  	[sflag:s16] =	ssyncadd.s32 $0xFFFFFFB0  }
0x198: {  	_ =	swait.ge [sflag:s16], $0x50  }
0x199: {  	[sflag:s16] =	ssyncset.done $0x0  }
0x19a: {  	[sflag:s16] =	ssyncadd.s32 $0xFFFFFFB0  }
0x19b: {  	_ =	swait.ge [sflag:s16], $0x50  }
0x19c: {  	[sflag:s16] =	ssyncset.done $0x0  }
0x19d: {  	[sflag:s16] =	ssyncadd.s32 $0xFFFFFFB0  }
0x19e: {  	_ =	swait.ge [sflag:s16], $0x50  }
0x19f: {  	[sflag:s16] =	ssyncset.done $0x0  }
0x1a0: {  	[sflag:s16] =	ssyncadd.s32 $0xFFFFFFB0  }
0x1a1: {  	_ =	swait.ge [sflag:s16], $0x50  }
0x1a2: {  	[sflag:s16] =	ssyncset.done $0x0  }
0x1a3: {  	s30 =	simm.s32 $0x6880;
	[sflag:s16] =	ssyncadd.s32 $0xFFFFFFB0  }
0x1a4: {  	[spmem:s2] =	stream.indirect.scatter.add.f32 [tilespmem:s17], [sflag:$0x2], $0x1, s30, s15, $0xb8;
	[tilespmem:$0xAF80] =	vst v63  }
0x1a5: {  	_ =	swait.ge [sflag:s13], $0x50  }
0x1a6: {  	[sflag:s13] =	ssyncset.done $0x0  }
0x1a7: {  	s31 =	simm.s32 $0xA880;
	[sflag:s13] =	ssyncadd.s32 $0xFFFFFFB0  }
0x1a8: {  	[spmem:s3] =	stream.indirect.scatter.add.f32 [tilespmem:s17], [sflag:$0x2], $0x1, s31, s15, $0xb8;
	[tilespmem:$0xAF80] =	vst v63  }
0x1a9: {  	_ =	swait.ge [sflag:s13], $0x50  }
0x1aa: {  	[sflag:s13] =	ssyncset.done $0x0  }
0x1ab: {  	[sflag:s13] =	ssyncadd.s32 $0xFFFFFFB0  }
0x1ac: {  	[spmem:s2] =	stream.indirect.scatter.add.f32 [tilespmem:s17], [sflag:$0x2], $0x1, s20, s15, $0xb8;
	[tilespmem:$0xAF80] =	vst v63  }
0x1ad: {  	_ =	swait.ge [sflag:s13], $0x50  }
0x1ae: {  	[sflag:s13] =	ssyncset.done $0x0  }
0x1af: {  	[sflag:s13] =	ssyncadd.s32 $0xFFFFFFB0  }
0x1b0: {  	[spmem:s3] =	stream.indirect.scatter.add.f32 [tilespmem:s17], [sflag:$0x2], $0x1, s21, s15, $0xb8;
	[tilespmem:$0xAF80] =	vst v63  }
0x1b1: {  	_ =	swait.ge [sflag:s13], $0x50  }
0x1b2: {  	[sflag:s13] =	ssyncset.done $0x0  }
0x1b3: {  	[sflag:s13] =	ssyncadd.s32 $0xFFFFFFB0  }
0x1b4: {  	[spmem:s2] =	stream.indirect.scatter.add.f32 [tilespmem:s17], [sflag:$0x2], $0x1, s22, s15, $0xb8;
	[tilespmem:$0xAF80] =	vst v63  }
0x1b5: {  	_ =	swait.ge [sflag:s13], $0x50  }
0x1b6: {  	[sflag:s13] =	ssyncset.done $0x0  }
0x1b7: {  	[sflag:s13] =	ssyncadd.s32 $0xFFFFFFB0  }
0x1b8: {  	[spmem:s3] =	stream.indirect.scatter.add.f32 [tilespmem:s17], [sflag:$0x2], $0x1, s23, s15, $0xb8;
	[tilespmem:$0xAF80] =	vst v63  }
0x1b9: {  	_ =	swait.ge [sflag:s13], $0x50  }
0x1ba: {  	[sflag:s13] =	ssyncset.done $0x0  }
0x1bb: {  	[sflag:s13] =	ssyncadd.s32 $0xFFFFFFB0  }
0x1bc: {  	[spmem:s2] =	stream.indirect.scatter.add.f32 [tilespmem:s17], [sflag:$0x2], $0x1, s24, s15, $0xb8;
	[tilespmem:$0xAF80] =	vst v63  }
0x1bd: {  	_ =	swait.ge [sflag:s13], $0x50  }
0x1be: {  	[sflag:s13] =	ssyncset.done $0x0  }
0x1bf: {  	[sflag:s13] =	ssyncadd.s32 $0xFFFFFFB0  }
0x1c0: {  	[spmem:s3] =	stream.indirect.scatter.add.f32 [tilespmem:s17], [sflag:$0x2], $0x1, s25, s15, $0xb8;
	[tilespmem:$0xAF80] =	vst v63  }
0x1c1: {  	_ =	swait.ge [sflag:s13], $0x50  }
0x1c2: {  	[sflag:s13] =	ssyncset.done $0x0  }
0x1c3: {  	[sflag:s13] =	ssyncadd.s32 $0xFFFFFFB0  }
0x1c4: {  	[spmem:s2] =	stream.indirect.scatter.add.f32 [tilespmem:s17], [sflag:$0x2], $0x1, s26, s15, $0xb8;
	[tilespmem:$0xAF80] =	vst v63  }
0x1c5: {  	_ =	swait.ge [sflag:s13], $0x50  }
0x1c6: {  	[sflag:s13] =	ssyncset.done $0x0  }
0x1c7: {  	[sflag:s13] =	ssyncadd.s32 $0xFFFFFFB0  }
0x1c8: {  	[spmem:s3] =	stream.indirect.scatter.add.f32 [tilespmem:s17], [sflag:$0x2], $0x1, s28, s15, $0xb8;
	[tilespmem:$0xAF80] =	vst v63  }
0x1c9: {  	_ =	swait.ge [sflag:s13], $0x50  }
0x1ca: {  	[sflag:s13] =	ssyncset.done $0x0  }
0x1cb: {  	[sflag:s13] =	ssyncadd.s32 $0xFFFFFFB0  }
0x1cc: {  	[bflag:$0x0] =	sbarrier.arrive $0xFFFF  }
0x1cd: {  	[tilespmem:s12], [sflag:$0x2] =	stream.linear.gather [spmem:s5], $0x280, $0x38;
	[tilespmem:$0xAF80] =	vst v63  }
0x1ce: {  	_ =	swait.ge [sflag:s13], $0x280  }
0x1cf: {  	[sflag:s13] =	ssyncset.done $0x0  }
0x1d0: {  	[sflag:s13] =	ssyncadd.s32 $0xFFFFFD80  }
0x1d1: {  	[hbm4b:s10+s4] =	stream.linear.scatter [tilespmem:s12], [sflag:$0x2], $0x280, $0x38;
	[tilespmem:$0xAF80] =	vst v63  }
0x1d2: {  	_ =	swait.ge [sflag:s13], $0x280  }
0x1d3: {  	[sflag:s13] =	ssyncset.done $0x0  }
0x1d4: {  	[sflag:s13] =	ssyncadd.s32 $0xFFFFFD80  }
0x1d5: {  	[tilespmem:s12], [sflag:$0x2] =	stream.linear.gather [spmem:s6], $0x280, $0x38;
	[tilespmem:$0xAF80] =	vst v63  }
0x1d6: {  	s29 =	sadd.s32 $0x1, s29;
	_ =	swait.ge [sflag:s13], $0x280  }
0x1d7: {  	p0 =	sne.s32 s29, s9;
	[sflag:s13] =	ssyncset.done $0x0  }
.Ltmp3:
0x1d8: {  	[sflag:s13] =	ssyncadd.s32 $0xFFFFFD80;
	(pc) =	sbr.rel @p0 .LBB2_1-.Ltmp3, $4  }
0x1d9: {  	[hbm4b:s11+s4] =	stream.linear.scatter [tilespmem:s12], [sflag:$0x2], $0x280, $0x38;
	[tilespmem:$0xAF80] =	vst v63  }
0x1da: {  	_ =	swait.ge [sflag:s13], $0x280  }
0x1db: {  	[sflag:s13] =	ssyncset.done $0x0  }
0x1dc: {  	[sflag:s13] =	ssyncadd.s32 $0xFFFFFD80  }
0x1dd: {  	_ =	sfence.sel $0x180000  }
0x1de: {  	[bflag:$0x0] =	sbarrier.arrive $0xFFFF  }
0x1df: {  	_ =	strace $0x90000047  }
0x1e0: {  	s0 =	stileid.u32;
	[bflag:$0x2] =	sbarrier.arrive $0xFFFF  }
0x1e1: {  	p0 =	sne.s32 s0, $0x0;
	s0 =	rddreg [dreg:$0x4]  }
0x1e2: {  	s0 =	sadd.s32 @!p0 $0x100000, s0  }
0x1e3: {  	[sflag:s0] =	ssyncadd.tile.s32 @!p0 $0x1;
	_ =	shalt  }
.Lfunc_end2:
_tile_overlayer_lowered:
.L_overlay_start_2:
0x1e4: {  	(tag) =	ssettag $0x2  }
0x1e5: {  	s0 =	rddreg [dreg:$0x0];
	s2 =	stileid.u32  }
0x1e6: {  	s1 =	rddreg [dreg:$0x1];
	p0 =	sne.s32 s2, $0x0  }
0x1e7: {  	s3 =	rddreg [dreg:$0x2];
	[bflag:$0x3] =	sbarrier.arrive $0xFFFF;
	s2 =	simm.s32 @!p0 $0x1C02  }
0x1e8: {  	[timem:s3], [sflag:s2] =	dma.local @!p0 [hbm:s0], s1  }
0x1e9: {  	s0 =	simm.s32 @!p0 $0x2  }
0x1ea: {  	_ =	swait.ge @!p0 [sflag:s0], s1  }
0x1eb: {  	s1 =	ssub.s32 @!p0 $0x0, s1;
	[sflag:s0] =	ssyncset.done @!p0 $0x0  }
0x1ec: {  	[sflag:s0] =	ssyncadd.s32 @!p0 s1  }
0x1ed: {  	[bflag:$0x3] =	sbarrier.arrive $0xFFFF  }
0x1ee: {  	_ =	shalt  }

// kernel: kernel.13.cloned.1.call-start
scs
__scs_entry_jumppad:
0x0: {  	(pc) =	sbr.rel $0x88, $3  }
0x1: {  	(tag) =	ssettag $0x0;
	lr =	simm.s32 $0x1  }
0x2: {  	[smem:$0x3F99] =	sst lr;
	_ =	strace $0xD0000000  }
0x3: {  	_ = 	snop  }
0x4: {  	_ = 	snop  }
0x5: {  	_ = 	snop  }
0x6: {  	_ = 	snop  }
0x7: {  	_ = 	snop  }
__scs_overlays_trampoline_lowered:
0x8: {  	[smem:$0x3FA8] =	sst s0  }
0x9: {  	[smem:$0x3FA9] =	sst s1  }
0xa: {  	[smem:$0x3FAA] =	sst s2  }
0xb: {  	[smem:$0x3FAB] =	sst s3  }
0xc: {  	[smem:$0x3FAC] =	sst s4  }
0xd: {  	[smem:$0x3FAD] =	sst s5  }
0xe: {  	[smem:$0x3FAE] =	sst s6  }
0xf: {  	[smem:$0x3FAF] =	sst s7  }
0x10: {  	[smem:$0x3FB0] =	sst s8  }
0x11: {  	[smem:$0x3FB1] =	sst s9;
	s0 =	simm.s32 @!p0 $0x0  }
0x12: {  	s1 =	sld [smem:$0x3F97];
	s0 =	simm.s32 @p0 $0x1  }
0x13: {  	[smem:$0x3FB2] =	sst s0;
	s0 =	simm.s32 @!p1 $0x0  }
0x14: {  	s2 =	sld [smem:$0x3F96];
	s0 =	simm.s32 @p1 $0x1  }
0x15: {  	[smem:$0x3FB3] =	sst s0;
	s0 =	simm.s32 @!p2 $0x0  }
0x16: {  	s3 =	sld [smem:$0x3FDB];
	s0 =	simm.s32 @p2 $0x1  }
0x17: {  	s4 =	simm.s32 $0x1BF5;
	[smem:$0x3FB5] =	sst s0  }
0x18: {  	s0 =	sld [smem:$0x3F98];
	_ =	swait.ge [sflag:s4], $0x0  }
0x19: {  	s7 =	sld [smem:$0x3F99]  }
0x1a: {  	s8 =	sadd.s32 $0xFFFFE003, lr  }
0x1b: {  	s9 =	sadd.s32 $0xFFFFFEF7, lr;
	s5 =	simm.s32 $0xFFFFFFFF;
	p2 =	slt.u32 s8, $0xFFFFF086  }
0x1c: {  	p1 =	slt.u32 s9, $0xF7A;
	s5 =	simm.s32 @!p2 $0x0  }
0x1d: {  	s5 =	simm.s32 @p1 $0x1;
	p0 =	seq.s32 s7, s2  }
0x1e: {  	s7 =	smul.u32 @!p0 $0xF7A, s2;
	p2 =	seq.s32 @!p0 s5, $0x0  }
0x1f: {  	s9 =	smul.u32 $0xF7A, s1;
	s8 =	simm.s32 @!p0 $0x1BF5;
	p2 =	por !p2, p0  }
0x20: {  	[sflag:s8] =	ssyncset.s32 @!p0 $0xFFFFF086;
	s6 =	sadd.s32 @!p0 s3, s7;
	s7 =	simm.s32 @!p0 $0x108  }
0x21: {  	s3 =	sadd.s32 s3, s9;
	s6 =	sadd.s32 @!p0 $0x88, s6;
	s7 =	simm.s32 @p2 $0x1082  }
0x22: {  	[simem:s7], [sflag:s8] =	dma.local @!p0 [hbm:s6], $0xF7A  }
0x23: {  	s9 =	sor.u32 $0xD0000000, s2;
	s6 =	simm.s32 $0x108;
	_ =	swait.ge @!p0 [sflag:s8], $0x0  }
0x24: {  	s3 =	sadd.s32 $0x88, s3;
	s6 =	simm.s32 @!p1 $0x1082;
	[sflag:s4] =	ssyncset.s32 $0xFFFFF086  }
0x25: {  	[simem:s6], [sflag:s4] =	dma.local [hbm:s3], $0xF7A  }
0x26: {  	[smem:$0x3F99] =	sst s1;
	(tag) =	ssettag s2;
	_ =	strace s9  }
0x27: {  	s1 =	sld [smem:$0x3FA9]  }
0x28: {  	s2 =	sld [smem:$0x3FAA]  }
0x29: {  	s4 =	sld [smem:$0x3FAC]  }
0x2a: {  	p0 =	seq.s32 s5, $0x0;
	s5 =	sld [smem:$0x3FAD]  }
0x2b: {  	s6 =	sld [smem:$0x3FAE]  }
0x2c: {  	s7 =	sld [smem:$0x3FAF]  }
0x2d: {  	s3 =	simm.s32 $0x108;
	s8 =	sld [smem:$0x3FB0]  }
0x2e: {  	s3 =	simm.s32 @!p0 $0x1082;
	s9 =	sld [smem:$0x3FB1]  }
0x2f: {  	lr =	sadd.s32 s0, s3;
	s0 =	sld [smem:$0x3FA8]  }
0x30: {  	s3 =	sld [smem:$0x3FAB]  }
0x31: {  	[smem:$0x3FB4] =	sst s10  }
0x32: {  	s10 =	sld [smem:$0x3FB2];
	_ =	sdelay $0x3  }
0x33: {  	p0 =	seq.s32 s10, $0x1;
	s10 =	sld [smem:$0x3FB4];
	_ =	sdelay $0x3  }
0x34: {  	[smem:$0x3FB4] =	sst s10  }
0x35: {  	s10 =	sld [smem:$0x3FB3];
	_ =	sdelay $0x3  }
0x36: {  	p1 =	seq.s32 s10, $0x1;
	s10 =	sld [smem:$0x3FB4];
	_ =	sdelay $0x3  }
0x37: {  	[smem:$0x3FB4] =	sst s10  }
0x38: {  	s10 =	sld [smem:$0x3FB5]  }
0x39: {  	_ = 	snop;
	(pc) =	sbr.ind lr, $3  }
0x3a: {  	_ = 	snop  }
0x3b: {  	_ = 	snop  }
0x3c: {  	p2 =	seq.s32 s10, $0x1;
	s10 =	sld [smem:$0x3FB4]  }
0x3d: {  	_ =	shalt  }
0x3e: {  	_ =	shalt  }
0x3f: {  	_ =	shalt  }
0x40: {  	_ =	shalt  }
0x41: {  	_ =	shalt  }
0x42: {  	_ =	shalt  }
0x43: {  	_ =	shalt  }
0x44: {  	_ =	shalt  }
0x45: {  	_ =	shalt  }
0x46: {  	_ =	shalt  }
0x47: {  	_ =	shalt  }
0x48: {  	_ =	shalt  }
0x49: {  	_ =	shalt  }
0x4a: {  	_ =	shalt  }
0x4b: {  	_ =	shalt  }
0x4c: {  	_ =	shalt  }
0x4d: {  	_ =	shalt  }
0x4e: {  	_ =	shalt  }
0x4f: {  	_ =	shalt  }
0x50: {  	_ =	shalt  }
0x51: {  	_ =	shalt  }
0x52: {  	_ =	shalt  }
0x53: {  	_ =	shalt  }
0x54: {  	_ =	shalt  }
0x55: {  	_ =	shalt  }
0x56: {  	_ =	shalt  }
0x57: {  	_ =	shalt  }
0x58: {  	_ =	shalt  }
0x59: {  	_ =	shalt  }
0x5a: {  	_ =	shalt  }
0x5b: {  	_ =	shalt  }
0x5c: {  	_ =	shalt  }
0x5d: {  	_ =	shalt  }
0x5e: {  	_ =	shalt  }
0x5f: {  	_ =	shalt  }
0x60: {  	_ =	shalt  }
0x61: {  	_ =	shalt  }
0x62: {  	_ =	shalt  }
0x63: {  	_ =	shalt  }
0x64: {  	_ =	shalt  }
0x65: {  	_ =	shalt  }
0x66: {  	_ =	shalt  }
0x67: {  	_ =	shalt  }
0x68: {  	_ =	shalt  }
0x69: {  	_ =	shalt  }
0x6a: {  	_ =	shalt  }
0x6b: {  	_ =	shalt  }
0x6c: {  	_ =	shalt  }
0x6d: {  	_ =	shalt  }
0x6e: {  	_ =	shalt  }
0x6f: {  	_ =	shalt  }
0x70: {  	_ =	shalt  }
0x71: {  	_ =	shalt  }
0x72: {  	_ =	shalt  }
0x73: {  	_ =	shalt  }
0x74: {  	_ =	shalt  }
0x75: {  	_ =	shalt  }
0x76: {  	_ =	shalt  }
0x77: {  	_ =	shalt  }
0x78: {  	_ =	shalt  }
0x79: {  	_ =	shalt  }
0x7a: {  	_ =	shalt  }
0x7b: {  	_ =	shalt  }
0x7c: {  	_ =	shalt  }
0x7d: {  	_ =	shalt  }
0x7e: {  	_ =	shalt  }
0x7f: {  	_ =	shalt  }
0x80: {  	_ =	shalt  }
0x81: {  	_ =	shalt  }
0x82: {  	_ =	shalt  }
0x83: {  	_ =	shalt  }
0x84: {  	_ =	shalt  }
0x85: {  	_ =	shalt  }
0x86: {  	_ =	shalt  }
0x87: {  	_ =	shalt  }
.Lfunc_end0:
.L_simem_size_0:
called_computation.1_lowered:
.L_overlay_start_0:
0x88: {  	s2 =	sld [smem:$0x3FD9]  }
0x89: {  	s3 =	sld [smem:$0x3FFE];
	_ =	sdelay $0x1  }
0x8a: {  	s1 =	srdreg.scid  }
0x8b: {  	s0 =	sand.u32 $0x1, s1  }
0x8c: {  	s16 =	sshll.u32 s0, $0xA;
	s2 =	sadd.s32 s3, s2  }
0x8d: {  	s2 =	sadd.s32 s2, s16  }
0x8e: {  	[smem:$0x3FC0] =	sst s2  }
0x8f: {  	_ = 	snop  }
0x90: {  	(tm) =	ssettm $0x1  }
0x91: {  	s17 =	sld [smem:$0x3FFB];
	_ =	sdelay $0x3  }
0x92: {  	_ =	strace s17  }
0x93: {  	s2 =	sld [smem:$0x3FFC];
	_ =	sdelay $0x3  }
0x94: {  	_ =	strace s2  }
0x95: {  	s2 =	sld [smem:$0x3FFD];
	_ =	sdelay $0x3  }
0x96: {  	_ =	strace s2  }
0x97: {  	_ =	strace $0x8FFFFFFF  }
0x98: {  	s18 =	sld [smem:$0x3FDB];
	_ =	sdelay $0x1  }
0x99: {  	s19 =	simm.s32 $_scs_section_size  }
0x9a: {  	s4 =	simm.s32 $_size__tile_overlayer_lowered;
	s5 =	simm.s32 $_tile_overlayer_lowered  }
0x9b: {  	s22 =	simm.s32 $0x1BFF;
	s21 =	sshll.u32 s5, $0x1;
	s2 =	sadd.s32 s19, s18  }
0x9c: {  	s6 =	simm.s32 $0x0;
	s20 =	sshll.u32 s4, $0x1;
	s4 =	sadd.s32 s21, s2  }
0x9d: {  	[timem:s6], [sflag:s22] =	dma.local [hbm:s4], s20  }
0x9e: {  	_ =	swait.ge [sflag:s22], s20  }
0x9f: {  	s3 =	ssub.s32 $0x0, s20;
	[sflag:s22] =	ssyncset.done $0x0  }
0xa0: {  	[sflag:s22] =	ssyncadd.s32 s3;
	_ =	sdelay $0x1  }
0xa1: {  	s23 =	simm.s32 $0x1B8B  }
0xa2: {  	_ =	swait.ge [sflag:s23], $0x1  }
0xa3: {  	[sflag:s23] =	ssyncset.done $0x0  }
0xa4: {  	s25 =	simm.s32 $0x1B8E;
	s24 =	sld [smem:$0x3FFE];
	[sflag:s23] =	ssyncadd.s32 $0xFFFFFFFF  }
0xa5: {  	s26 =	simm.s32 $execute0_lowered;
	[smem:$0x3FD2] =	sst s25  }
0xa6: {  	s4 =	sshll.u32 s26, $0x1;
	_ =	strace $0x80000049;
	[dreg:$0x1] =	wrdreg $0xFFFFFFFF  }
0xa7: {  	s28 =	simm.s32 $_size_execute0_lowered;
	s2 =	sadd.s32 s2, s4;
	[dreg:$0x0] =	wrdreg $0x0  }
0xa8: {  	s4 =	sshll.u32 s28, $0x1;
	[dreg:$0x2] =	wrdreg s2  }
0xa9: {  	[dreg:$0x3] =	wrdreg s4  }
0xaa: {  	[dreg:$0x4] =	wrdreg $0xC0  }
0xab: {  	_ =	task [dreg:s6], $0x5FFFF  }
0xac: {  	[dreg:$0x1] =	wrdreg $0xFFFFFFFF  }
0xad: {  	[dreg:$0x0] =	wrdreg $0x60  }
0xae: {  	[dreg:$0x2] =	wrdreg s24  }
0xaf: {  	[dreg:$0x3] =	wrdreg $0x0  }
0xb0: {  	[dreg:$0x4] =	wrdreg $0x9  }
0xb1: {  	_ =	task.clear_ibuf [dreg:s6], $0x5FFFF;
	_ =	strace $0x90000049  }
0xb2: {  	s29 =	simm.s32 $0x9;
	_ =	strace $0x8000004B  }
0xb3: {  	_ =	swait.ge [sflag:s29], $0x1  }
0xb4: {  	[sflag:s29] =	ssyncadd.s32 $0xFFFFFFFF  }
0xb5: {  	_ =	strace $0x9000004B  }
0xb6: {  	_ =	sfence  }
0xb7: {  	s30 =	sld [smem:$0x0];
	_ =	sdelay $0x2  }
0xb8: {  	s31 =	sshll.u32 s1, $0xD;
	s1 =	sshrl.u32 s1, $0x2  }
0xb9: {  	s3 =	sand.u32 $0x4000, s31;
	s1 =	sadd.s32 s1, s30  }
0xba: {  	s0 =	sor.u32 s3, s0;
	s1 =	sshll.u32 s1, $0x11  }
0xbb: {  	s0 =	sor.u32 s1, s0  }
0xbc: {  	s0 =	sadd.s32 $0x8F2B, s0  }
0xbd: {  	[sflag:s0] =	ssyncadd.remote.s32 $0x1  }
0xbe: {  	_ =	sfence.sel $0xFFFF  }
0xbf: {  	[dreg:$0x0] =	wrdreg $0xFFFFFFFF;
	(pc) =	sbr.abs _section_cstart, $3  }
0xc0: {  	[dreg:$0x1] =	wrdreg $0xFFFFFFFF  }
0xc1: {  	_ =	task.clear_ibuf [dreg:s6], $0x2FFFF;
	_ =	strace $0x9FFFFFFF  }
0xc2: {  	(tm) =	ssettm $0x7FFFFFFF  }
0xc3: {  	_ =	shalt  }
tec
execute0_lowered:
.L_overlay_start_1:
0x0: {  	(tag) =	ssettag $0x1  }
0x1: {  	s0 =	rddreg [dreg:$0x0];
	s1 =	srdreg.scid  }
0x2: {  	s2 =	rddreg [dreg:$0x1];
	s7 =	stileid.u32  }
0x3: {  	s3 =	simm.s32 $0x0;
	s28 =	simm.s32 $0x1;
	s5 =	smul.u32 $0x2710, s7  }
0x4: {  	s29 =	simm.s32 $0x50;
	s31 =	simm.s32 $0x1CF80;
	s6 =	smul.u32 $0x50000, s7  }
0x5: {  	s1 =	sand.u32 $0x1, s1;
	[smem:$0x7FF] =	sst s3;
	s14 =	smul.u32 $0x14000, s7  }
0x6: {  	s4 =	smul.u32 $0x27100, s1;
	_ =	strace $0x8000004A;
	s25 =	ssub.s32 $0x2, s1  }
0x7: {  	s1 =	smul.u32 $0x140000, s1;
	s26 =	sshrl.u32 s25, $0x1;
	s6 =	sshrl.u32 s6, $0x2  }
0x8: {  	s15 =	sor.u32 $0x2800, s14;
	s17 =	sadd.s32 $0x5000, s14;
	s18 =	sadd.s32 $0x7800, s14  }
0x9: {  	s19 =	sadd.s32 $0xA000, s14;
	s20 =	sadd.s32 $0xC800, s14;
	s21 =	sadd.s32 $0xF000, s14  }
0xa: {  	s22 =	sadd.s32 $0x11800, s14;
	s5 =	sadd.s32 s5, s4;
	s4 =	sadd.s32 $0x16800, s0  }
0xb: {  	s23 =	ssub.s32 s25, s26;
	s7 =	sadd.s32 s17, s2;
	s8 =	sadd.s32 s18, s2  }
0xc: {  	s9 =	sadd.s32 s19, s2;
	s10 =	sadd.s32 s20, s2;
	s11 =	sadd.s32 s21, s2  }
0xd: {  	s12 =	sadd.s32 s22, s2;
	s14 =	sadd.s32 s14, s1;
	s30 =	sadd.s32 s1, s15  }
0xe: {  	s17 =	sadd.s32 s1, s17;
	s24 =	sadd.s32 s1, s18;
	s19 =	sadd.s32 s1, s19  }
0xf: {  	s26 =	sadd.s32 s1, s20;
	s5 =	sshrl.u32 s5, $0x3;
	s14 =	sshrl.u32 s14, $0x3  }
0x10: {  	s25 =	sshrl.u32 s19, $0x3;
	s23 =	smax.u32 s23, $0x1;
	s13 =	sadd.s32 s5, s0  }
0x11: {  	s0 =	sadd.s32 $0x3E800, s0;
	s5 =	sadd.s32 s6, s2;
	s6 =	sadd.s32 s15, s2  }
0x12: {  	s16 =	sadd.s32 $0xCA40, s13;
	s13 =	sadd.s32 $0x2E00, s13;
	s15 =	sadd.s32 s0, s14  }
0x13: {  	s14 =	sshrl.u32 s24, $0x3;
	s19 =	sadd.s32 s0, s25;
	[dreg:$0x3] =	wrdreg s16  }
0x14: {  	s24 =	simm.s32 $0x1A780;
	s25 =	simm.s32 $0x14000;
	[dreg:$0x4] =	wrdreg s13  }
0x15: {  	[dreg:$0x5] =	wrdreg s15;
	s16 =	sshrl.u32 s30, $0x3;
	s18 =	sadd.s32 s0, s14  }
0x16: {  	s30 =	sadd.s32 s1, s21;
	s1 =	sadd.s32 s1, s22;
	s13 =	sadd.s32 s0, s16  }
0x17: {  	s14 =	sshrl.u32 s30, $0x3;
	s1 =	sshrl.u32 s1, $0x3;
	[dreg:$0x6] =	wrdreg s13  }
0x18: {  	s13 =	sshrl.u32 s17, $0x3;
	s21 =	sadd.s32 s0, s14;
	s22 =	sadd.s32 s0, s1  }
0x19: {  	s1 =	simm.s32 $0x0;
	s17 =	sadd.s32 s0, s13;
	s13 =	sshrl.u32 s26, $0x3  }
0x1a: {  	v0 =	vimm.f32 $0.0e+00;
	s26 =	simm.s32 $0x3;
	s20 =	sadd.s32 s0, s13;
	s0 =	simm.s32 $0x2  }
.LBB2_1:
0x1b: {  	s13 =	simm.s32 $0x0;
	s14 =	simm.s32 $0x200  }
.LBB2_2:
0x1c: {  	p0 =	sne.s32 s14, $0x9E00;
	[tilespmem:s13+$0x1A7F0] =	vst v0  }
0x1d: {  	[tilespmem:s13+$0x1A780] =	vst v0  }
0x1e: {  	[tilespmem:s13+$0x1A790] =	vst v0  }
.Ltmp0:
0x1f: {  	[tilespmem:s13+$0x1A7A0] =	vst v0;
	(pc) =	sbr.rel @p0 .LBB2_2-.Ltmp0, $4  }
0x20: {  	[tilespmem:s13+$0x1A7B0] =	vst v0  }
0x21: {  	[tilespmem:s13+$0x1A7C0] =	vst v0  }
0x22: {  	[tilespmem:s13+$0x1A7D0] =	vst v0  }
0x23: {  	[tilespmem:s13+$0x1A7E0] =	vst v0;
	s13 =	sshra.s32 s14, $0x2;
	s14 =	sadd.s32 $0x200, s14  }
0x24: {  	[tilespmem:s13+$0x1A7F0] =	vst v0  }
0x25: {  	[tilespmem:s13+$0x1A780] =	vst v0  }
0x26: {  	[tilespmem:s13+$0x1A790] =	vst v0  }
0x27: {  	[tilespmem:s13+$0x1A7A0] =	vst v0  }
0x28: {  	[tilespmem:s13+$0x1A7B0] =	vst v0  }
0x29: {  	[tilespmem:s13+$0x1A7C0] =	vst v0  }
0x2a: {  	[tilespmem:s13+$0x1A7D0] =	vst v0  }
0x2b: {  	[tilespmem:s13+$0x1A7E0] =	vst v0  }
0x2c: {  	[spmem:s5] =	stream.linear.scatter [tilespmem:s24], [sflag:$0x1], $0x2800, $0x38;
	[tilespmem:$0x1F780] =	vst v63  }
0x2d: {  	_ = 	snop  }
0x2e: {  	[spmem:s6] =	stream.linear.scatter [tilespmem:s24], [sflag:$0x1], $0x2800, $0x38;
	[tilespmem:$0x1F780] =	vst v63  }
0x2f: {  	_ = 	snop  }
0x30: {  	[spmem:s7] =	stream.linear.scatter [tilespmem:s24], [sflag:$0x1], $0x2800, $0x38;
	[tilespmem:$0x1F780] =	vst v63  }
0x31: {  	_ = 	snop  }
0x32: {  	[spmem:s8] =	stream.linear.scatter [tilespmem:s24], [sflag:$0x1], $0x2800, $0x38;
	[tilespmem:$0x1F780] =	vst v63  }
0x33: {  	_ = 	snop  }
0x34: {  	[spmem:s9] =	stream.linear.scatter [tilespmem:s24], [sflag:$0x1], $0x2800, $0x38;
	[tilespmem:$0x1F780] =	vst v63  }
0x35: {  	_ = 	snop  }
0x36: {  	[spmem:s10] =	stream.linear.scatter [tilespmem:s24], [sflag:$0x1], $0x2800, $0x38;
	[tilespmem:$0x1F780] =	vst v63  }
0x37: {  	_ = 	snop  }
0x38: {  	[spmem:s11] =	stream.linear.scatter [tilespmem:s24], [sflag:$0x1], $0x2800, $0x38;
	[tilespmem:$0x1F780] =	vst v63  }
0x39: {  	_ = 	snop  }
0x3a: {  	[spmem:s12] =	stream.linear.scatter [tilespmem:s24], [sflag:$0x1], $0x2800, $0x38;
	[tilespmem:$0x1F780] =	vst v63  }
0x3b: {  	s15 =	simm.s32 $0x0;
	s14 =	rddreg [dreg:$0x3]  }
0x3c: {  	[tilespmem:s25], [sflag:$0x3] =	stream.linear.gather [hbm4b:s14+s15], $0x2710, $0x38;
	[tilespmem:$0x1F780] =	vst v63  }
0x3d: {  	_ =	swait.ge [sflag:s26], $0x2710  }
0x3e: {  	[sflag:s26] =	ssyncset.done $0x0  }
0x3f: {  	s16 =	simm.s32 $0x0;
	[sflag:s26] =	ssyncadd.s32 $0xFFFFD8F0  }
0x40: {  	v1 =	vld [tilespmem:s16+$0x14000];
	_ =	sdelay $0x3  }
0x41: {  	s30 =	simm.s32 $0x167A0  }
0x42: {  	[tilespmem:s30+$0xFFFFFFE0] =	vst v1  }
0x43: {  	v1 =	vld [tilespmem:s16+$0x14010];
	_ =	sdelay $0x4  }
0x44: {  	[tilespmem:s30+$0xFFFFFFF0] =	vst v1  }
0x45: {  	v1 =	vld [tilespmem:s16+$0x14020];
	_ =	sdelay $0x4  }
0x46: {  	[tilespmem:s30+$0x0] =	vst v1  }
0x47: {  	v1 =	vld [tilespmem:s16+$0x14030];
	_ =	sdelay $0x4  }
0x48: {  	[tilespmem:s30+$0x10] =	vst v1  }
0x49: {  	v1 =	vld [tilespmem:s16+$0x14040];
	_ =	sdelay $0x4  }
0x4a: {  	s13 =	simm.s32 $0x50;
	s14 =	simm.s32 $0x280;
	[tilespmem:s30+$0x20] =	vst v1  }
.LBB2_4:
0x4b: {  	p0 =	sne.s32 s14, $0x9B00;
	v1 =	vld [tilespmem:s13+$0x14000];
	_ =	sdelay $0x3  }
0x4c: {  	s30 =	sadd.s32 $0x80, s30  }
0x4d: {  	[tilespmem:s30+$0xFFFFFFE0] =	vst v1  }
0x4e: {  	v1 =	vld [tilespmem:s13+$0x14010];
	_ =	sdelay $0x4  }
0x4f: {  	[tilespmem:s30+$0xFFFFFFF0] =	vst v1  }
0x50: {  	v1 =	vld [tilespmem:s13+$0x14020];
	_ =	sdelay $0x4  }
0x51: {  	[tilespmem:s30+$0x0] =	vst v1  }
0x52: {  	v1 =	vld [tilespmem:s13+$0x14030];
	_ =	sdelay $0x4  }
0x53: {  	[tilespmem:s30+$0x10] =	vst v1  }
0x54: {  	v1 =	vld [tilespmem:s13+$0x14040]  }
.Ltmp1:
0x55: {  	(pc) =	sbr.rel @p0 .LBB2_4-.Ltmp1, $2  }
0x56: {  	_ =	sdelay $0x2  }
0x57: {  	s13 =	sshra.s32 s14, $0x2;
	s14 =	sadd.s32 $0x140, s14;
	[tilespmem:s30+$0x20] =	vst v1  }
0x58: {  	v1 =	vld [tilespmem:s13+$0x14000];
	_ =	sdelay $0x3  }
0x59: {  	s14 =	sadd.s32 $0x80, s30  }
0x5a: {  	[tilespmem:s14+$0xFFFFFFE0] =	vst v1  }
0x5b: {  	v1 =	vld [tilespmem:s13+$0x14010];
	_ =	sdelay $0x4  }
0x5c: {  	[tilespmem:s14+$0xFFFFFFF0] =	vst v1  }
0x5d: {  	v1 =	vld [tilespmem:s13+$0x14020];
	_ =	sdelay $0x4  }
0x5e: {  	[tilespmem:s14+$0x0] =	vst v1  }
0x5f: {  	v1 =	vld [tilespmem:s13+$0x14030];
	_ =	sdelay $0x4  }
0x60: {  	[tilespmem:s14+$0x10] =	vst v1  }
0x61: {  	v1 =	vld [tilespmem:s13+$0x14040];
	_ =	sdelay $0x4  }
0x62: {  	s15 =	rddreg [dreg:$0x4];
	[tilespmem:s14+$0x20] =	vst v1;
	s14 =	simm.s32 $0x0  }
0x63: {  	[tilespmem:s25], [sflag:$0x3] =	stream.linear.gather [hbm4b:s15+s14], $0x2710, $0x38;
	[tilespmem:$0x1F780] =	vst v63  }
0x64: {  	_ =	swait.ge [sflag:s26], $0x2710  }
0x65: {  	[sflag:s26] =	ssyncset.done $0x0  }
0x66: {  	[sflag:s26] =	ssyncadd.s32 $0xFFFFD8F0  }
0x67: {  	_ =	swait.ge [sflag:s28], $0x2800  }
0x68: {  	[sflag:s28] =	ssyncset.done $0x0  }
0x69: {  	[sflag:s28] =	ssyncadd.s32 $0xFFFFD800  }
0x6a: {  	_ =	swait.ge [sflag:s28], $0x2800  }
0x6b: {  	[sflag:s28] =	ssyncset.done $0x0  }
0x6c: {  	[sflag:s28] =	ssyncadd.s32 $0xFFFFD800  }
0x6d: {  	_ =	swait.ge [sflag:s28], $0x2800  }
0x6e: {  	[sflag:s28] =	ssyncset.done $0x0  }
0x6f: {  	[sflag:s28] =	ssyncadd.s32 $0xFFFFD800  }
0x70: {  	_ =	swait.ge [sflag:s28], $0x2800  }
0x71: {  	[sflag:s28] =	ssyncset.done $0x0  }
0x72: {  	[sflag:s28] =	ssyncadd.s32 $0xFFFFD800  }
0x73: {  	_ =	swait.ge [sflag:s28], $0x2800  }
0x74: {  	[sflag:s28] =	ssyncset.done $0x0  }
0x75: {  	[sflag:s28] =	ssyncadd.s32 $0xFFFFD800  }
0x76: {  	_ =	swait.ge [sflag:s28], $0x2800  }
0x77: {  	[sflag:s28] =	ssyncset.done $0x0  }
0x78: {  	[sflag:s28] =	ssyncadd.s32 $0xFFFFD800  }
0x79: {  	_ =	swait.ge [sflag:s28], $0x2800  }
0x7a: {  	[sflag:s28] =	ssyncset.done $0x0  }
0x7b: {  	[sflag:s28] =	ssyncadd.s32 $0xFFFFD800  }
0x7c: {  	_ =	swait.ge [sflag:s28], $0x2800  }
0x7d: {  	[sflag:s28] =	ssyncset.done $0x0  }
0x7e: {  	[sflag:s28] =	ssyncadd.s32 $0xFFFFD800  }
0x7f: {  	[tilespmem:s24], [sflag:$0x1] =	stream.indirect.gather [hbm4b:s4+s29], $0x80, s25, s29, $0xb8;
	[tilespmem:$0x1F780] =	vst v63  }
0x80: {  	s16 =	simm.s32 $0x14050  }
0x81: {  	[tilespmem:s31], [sflag:$0x2] =	stream.indirect.gather [hbm4b:s4+s29], $0x80, s16, s29, $0xb8;
	[tilespmem:$0x1F780] =	vst v63  }
0x82: {  	[bflag:$0x0] =	sbarrier.arrive $0xFFFF  }
0x83: {  	_ =	swait.ge [sflag:s28], $0x2800  }
0x84: {  	[sflag:s28] =	ssyncset.done $0x0  }
0x85: {  	s14 =	simm.s32 $0x16780;
	[sflag:s28] =	ssyncadd.s32 $0xFFFFD800  }
0x86: {  	[spmem:s2] =	stream.indirect.scatter.add.f32 [tilespmem:s24], [sflag:$0x3], $0x80, s14, s29, $0xb8;
	[tilespmem:$0x1F780] =	vst v63  }
0x87: {  	_ =	swait.ge [sflag:s26], $0x2800  }
0x88: {  	[sflag:s26] =	ssyncset.done $0x0  }
0x89: {  	s15 =	simm.s32 $0x140A0;
	[sflag:s26] =	ssyncadd.s32 $0xFFFFD800  }
0x8a: {  	[tilespmem:s24], [sflag:$0x1] =	stream.indirect.gather [hbm4b:s4+s29], $0x80, s15, s29, $0xb8;
	[tilespmem:$0x1F780] =	vst v63  }
0x8b: {  	_ =	swait.ge [sflag:s0], $0x2800  }
0x8c: {  	[sflag:s0] =	ssyncset.done $0x0  }
0x8d: {  	s16 =	simm.s32 $0x16800;
	[sflag:s0] =	ssyncadd.s32 $0xFFFFD800  }
0x8e: {  	[spmem:s2] =	stream.indirect.scatter.add.f32 [tilespmem:s31], [sflag:$0x3], $0x80, s16, s29, $0xb8;
	[tilespmem:$0x1F780] =	vst v63  }
0x8f: {  	_ =	swait.ge [sflag:s26], $0x2800  }
0x90: {  	s30 =	simm.s32 $0x14190;
	[sflag:s26] =	ssyncset.done $0x0  }
0x91: {  	s13 =	simm.s32 $0x140F0;
	s14 =	simm.s32 $0x400;
	[sflag:s26] =	ssyncadd.s32 $0xFFFFD800  }
.LBB2_6:
0x92: {  	[tilespmem:s31], [sflag:$0x2] =	stream.indirect.gather [hbm4b:s4+s29], $0x80, s13, s29, $0xb8;
	[tilespmem:$0x1F780] =	vst v63  }
0x93: {  	s15 =	smov.u32 s14;
	s13 =	smov.u32 s30  }
0x94: {  	p0 =	sne.s32 s14, $0xF000;
	s14 =	sadd.s32 $0x400, s14;
	_ =	swait.ge [sflag:s28], $0x2800  }
0x95: {  	s15 =	sshra.s32 s15, $0x2;
	[sflag:s28] =	ssyncset.done $0x0  }
0x96: {  	s16 =	sadd.s32 $0x16780, s15;
	[sflag:s28] =	ssyncadd.s32 $0xFFFFD800  }
0x97: {  	[spmem:s2] =	stream.indirect.scatter.add.f32 [tilespmem:s24], [sflag:$0x3], $0x80, s16, s29, $0xb8;
	[tilespmem:$0x1F780] =	vst v63  }
0x98: {  	_ =	swait.ge [sflag:s26], $0x2800  }
0x99: {  	[sflag:s26] =	ssyncset.done $0x0  }
0x9a: {  	s16 =	sadd.s32 $0xFFFFFFB0, s30;
	[sflag:s26] =	ssyncadd.s32 $0xFFFFD800  }
0x9b: {  	[tilespmem:s24], [sflag:$0x1] =	stream.indirect.gather [hbm4b:s4+s29], $0x80, s16, s29, $0xb8;
	[tilespmem:$0x1F780] =	vst v63  }
0x9c: {  	_ =	swait.ge [sflag:s0], $0x2800  }
0x9d: {  	[sflag:s0] =	ssyncset.done $0x0  }
.Ltmp2:
0x9e: {  	s15 =	sadd.s32 $0x16800, s15;
	[sflag:s0] =	ssyncadd.s32 $0xFFFFD800;
	(pc) =	sbr.rel @p0 .LBB2_6-.Ltmp2, $4  }
0x9f: {  	[spmem:s2] =	stream.indirect.scatter.add.f32 [tilespmem:s31], [sflag:$0x3], $0x80, s15, s29, $0xb8;
	[tilespmem:$0x1F780] =	vst v63  }
0xa0: {  	_ =	swait.ge [sflag:s26], $0x2800  }
0xa1: {  	[sflag:s26] =	ssyncset.done $0x0  }
0xa2: {  	s30 =	sadd.s32 $0xA0, s30;
	[sflag:s26] =	ssyncadd.s32 $0xFFFFD800  }
0xa3: {  	[tilespmem:s31], [sflag:$0x2] =	stream.indirect.gather [hbm4b:s4+s29], $0x80, s13, s29, $0xb8;
	[tilespmem:$0x1F780] =	vst v63  }
0xa4: {  	_ =	swait.ge [sflag:s28], $0x2800  }
0xa5: {  	[sflag:s28] =	ssyncset.done $0x0  }
0xa6: {  	s16 =	simm.s32 $0x1A480;
	[sflag:s28] =	ssyncadd.s32 $0xFFFFD800  }
0xa7: {  	[spmem:s2] =	stream.indirect.scatter.add.f32 [tilespmem:s24], [sflag:$0x3], $0x80, s16, s29, $0xb8;
	[tilespmem:$0x1F780] =	vst v63  }
0xa8: {  	_ =	swait.ge [sflag:s26], $0x2800  }
0xa9: {  	[sflag:s26] =	ssyncset.done $0x0  }
0xaa: {  	[sflag:s26] =	ssyncadd.s32 $0xFFFFD800  }
0xab: {  	_ =	swait.ge [sflag:s0], $0x2800  }
0xac: {  	[sflag:s0] =	ssyncset.done $0x0  }
0xad: {  	s30 =	simm.s32 $0x1A500;
	[sflag:s0] =	ssyncadd.s32 $0xFFFFD800  }
0xae: {  	[spmem:s2] =	stream.indirect.scatter.add.f32 [tilespmem:s31], [sflag:$0x3], $0x80, s30, s29, $0xb8;
	[tilespmem:$0x1F780] =	vst v63  }
0xaf: {  	_ =	swait.ge [sflag:s26], $0x2800  }
0xb0: {  	[sflag:s26] =	ssyncset.done $0x0  }
0xb1: {  	s14 =	simm.s32 $0x166C0;
	[sflag:s26] =	ssyncadd.s32 $0xFFFFD800  }
0xb2: {  	[tilespmem:s24], [sflag:$0x1] =	stream.indirect.gather [hbm4b:s4+s29], $0x80, s14, s29, $0xb8;
	[tilespmem:$0x1F780] =	vst v63  }
0xb3: {  	_ =	swait.ge [sflag:s28], $0x2800  }
0xb4: {  	[sflag:s28] =	ssyncset.done $0x0  }
0xb5: {  	s15 =	simm.s32 $0x1A580;
	[sflag:s28] =	ssyncadd.s32 $0xFFFFD800  }
0xb6: {  	[spmem:s2] =	stream.indirect.scatter.add.f32 [tilespmem:s24], [sflag:$0x3], $0x80, s15, s29, $0xb8;
	[tilespmem:$0x1F780] =	vst v63  }
0xb7: {  	_ =	swait.ge [sflag:s26], $0x2800  }
0xb8: {  	[sflag:s26] =	ssyncset.done $0x0  }
0xb9: {  	[sflag:s26] =	ssyncadd.s32 $0xFFFFD800  }
0xba: {  	[bflag:$0x0] =	sbarrier.arrive $0xFFFF  }
0xbb: {  	[tilespmem:s24], [sflag:$0x1] =	stream.linear.gather [spmem:s5], $0x2800, $0x38;
	[tilespmem:$0x1F780] =	vst v63  }
0xbc: {  	_ = 	snop  }
0xbd: {  	[tilespmem:s31], [sflag:$0x2] =	stream.linear.gather [spmem:s6], $0x2800, $0x38;
	[tilespmem:$0x1F780] =	vst v63  }
0xbe: {  	_ =	swait.ge [sflag:s28], $0x2800  }
0xbf: {  	[sflag:s28] =	ssyncset.done $0x0  }
0xc0: {  	s16 =	rddreg [dreg:$0x5];
	[sflag:s28] =	ssyncadd.s32 $0xFFFFD800  }
0xc1: {  	[hbm4b:s16+s3] =	stream.linear.scatter [tilespmem:s24], [sflag:$0x3], $0x2800, $0x38;
	[tilespmem:$0x1F780] =	vst v63  }
0xc2: {  	_ =	swait.ge [sflag:s26], $0x2800  }
0xc3: {  	[sflag:s26] =	ssyncset.done $0x0  }
0xc4: {  	[sflag:s26] =	ssyncadd.s32 $0xFFFFD800  }
0xc5: {  	[tilespmem:s24], [sflag:$0x1] =	stream.linear.gather [spmem:s7], $0x2800, $0x38;
	[tilespmem:$0x1F780] =	vst v63  }
0xc6: {  	_ =	swait.ge [sflag:s0], $0x2800  }
0xc7: {  	[sflag:s0] =	ssyncset.done $0x0  }
0xc8: {  	s30 =	rddreg [dreg:$0x6];
	[sflag:s0] =	ssyncadd.s32 $0xFFFFD800  }
0xc9: {  	[hbm4b:s30+s3] =	stream.linear.scatter [tilespmem:s31], [sflag:$0x3], $0x2800, $0x38;
	[tilespmem:$0x1F780] =	vst v63  }
0xca: {  	_ =	swait.ge [sflag:s26], $0x2800  }
0xcb: {  	[sflag:s26] =	ssyncset.done $0x0  }
0xcc: {  	[sflag:s26] =	ssyncadd.s32 $0xFFFFD800  }
0xcd: {  	[tilespmem:s31], [sflag:$0x2] =	stream.linear.gather [spmem:s8], $0x2800, $0x38;
	[tilespmem:$0x1F780] =	vst v63  }
0xce: {  	_ =	swait.ge [sflag:s28], $0x2800  }
0xcf: {  	[sflag:s28] =	ssyncset.done $0x0  }
0xd0: {  	[sflag:s28] =	ssyncadd.s32 $0xFFFFD800  }
0xd1: {  	[hbm4b:s17+s3] =	stream.linear.scatter [tilespmem:s24], [sflag:$0x3], $0x2800, $0x38;
	[tilespmem:$0x1F780] =	vst v63  }
0xd2: {  	_ =	swait.ge [sflag:s26], $0x2800  }
0xd3: {  	[sflag:s26] =	ssyncset.done $0x0  }
0xd4: {  	[sflag:s26] =	ssyncadd.s32 $0xFFFFD800  }
0xd5: {  	[tilespmem:s24], [sflag:$0x1] =	stream.linear.gather [spmem:s9], $0x2800, $0x38;
	[tilespmem:$0x1F780] =	vst v63  }
0xd6: {  	_ =	swait.ge [sflag:s0], $0x2800  }
0xd7: {  	[sflag:s0] =	ssyncset.done $0x0  }
0xd8: {  	[sflag:s0] =	ssyncadd.s32 $0xFFFFD800  }
0xd9: {  	[hbm4b:s18+s3] =	stream.linear.scatter [tilespmem:s31], [sflag:$0x3], $0x2800, $0x38;
	[tilespmem:$0x1F780] =	vst v63  }
0xda: {  	_ =	swait.ge [sflag:s26], $0x2800  }
0xdb: {  	[sflag:s26] =	ssyncset.done $0x0  }
0xdc: {  	[sflag:s26] =	ssyncadd.s32 $0xFFFFD800  }
0xdd: {  	[tilespmem:s31], [sflag:$0x2] =	stream.linear.gather [spmem:s10], $0x2800, $0x38;
	[tilespmem:$0x1F780] =	vst v63  }
0xde: {  	_ =	swait.ge [sflag:s28], $0x2800  }
0xdf: {  	[sflag:s28] =	ssyncset.done $0x0  }
0xe0: {  	[sflag:s28] =	ssyncadd.s32 $0xFFFFD800  }
0xe1: {  	[hbm4b:s19+s3] =	stream.linear.scatter [tilespmem:s24], [sflag:$0x3], $0x2800, $0x38;
	[tilespmem:$0x1F780] =	vst v63  }
0xe2: {  	_ =	swait.ge [sflag:s26], $0x2800  }
0xe3: {  	[sflag:s26] =	ssyncset.done $0x0  }
0xe4: {  	[sflag:s26] =	ssyncadd.s32 $0xFFFFD800  }
0xe5: {  	[tilespmem:s24], [sflag:$0x1] =	stream.linear.gather [spmem:s11], $0x2800, $0x38;
	[tilespmem:$0x1F780] =	vst v63  }
0xe6: {  	_ =	swait.ge [sflag:s0], $0x2800  }
0xe7: {  	[sflag:s0] =	ssyncset.done $0x0  }
0xe8: {  	[sflag:s0] =	ssyncadd.s32 $0xFFFFD800  }
0xe9: {  	[hbm4b:s20+s3] =	stream.linear.scatter [tilespmem:s31], [sflag:$0x3], $0x2800, $0x38;
	[tilespmem:$0x1F780] =	vst v63  }
0xea: {  	_ =	swait.ge [sflag:s26], $0x2800  }
0xeb: {  	[sflag:s26] =	ssyncset.done $0x0  }
0xec: {  	[sflag:s26] =	ssyncadd.s32 $0xFFFFD800  }
0xed: {  	[tilespmem:s31], [sflag:$0x2] =	stream.linear.gather [spmem:s12], $0x2800, $0x38;
	[tilespmem:$0x1F780] =	vst v63  }
0xee: {  	_ =	swait.ge [sflag:s28], $0x2800  }
0xef: {  	[sflag:s28] =	ssyncset.done $0x0  }
0xf0: {  	[sflag:s28] =	ssyncadd.s32 $0xFFFFD800  }
0xf1: {  	[hbm4b:s21+s3] =	stream.linear.scatter [tilespmem:s24], [sflag:$0x3], $0x2800, $0x38;
	[tilespmem:$0x1F780] =	vst v63  }
0xf2: {  	_ =	swait.ge [sflag:s26], $0x2800  }
0xf3: {  	[sflag:s26] =	ssyncset.done $0x0  }
0xf4: {  	[sflag:s26] =	ssyncadd.s32 $0xFFFFD800  }
0xf5: {  	s1 =	sadd.s32 $0x1, s1;
	_ =	swait.ge [sflag:s0], $0x2800  }
0xf6: {  	p0 =	sne.s32 s1, s23;
	[sflag:s0] =	ssyncset.done $0x0  }
.Ltmp3:
0xf7: {  	[sflag:s0] =	ssyncadd.s32 $0xFFFFD800;
	(pc) =	sbr.rel @p0 .LBB2_1-.Ltmp3, $4  }
0xf8: {  	[hbm4b:s22+s3] =	stream.linear.scatter [tilespmem:s31], [sflag:$0x3], $0x2800, $0x38;
	[tilespmem:$0x1F780] =	vst v63  }
0xf9: {  	_ =	swait.ge [sflag:s26], $0x2800  }
0xfa: {  	[sflag:s26] =	ssyncset.done $0x0  }
0xfb: {  	[sflag:s26] =	ssyncadd.s32 $0xFFFFD800  }
0xfc: {  	_ =	sfence.sel $0x180000  }
0xfd: {  	[bflag:$0x0] =	sbarrier.arrive $0xFFFF  }
0xfe: {  	_ =	strace $0x9000004A  }
0xff: {  	s0 =	stileid.u32;
	[bflag:$0x2] =	sbarrier.arrive $0xFFFF  }
0x100: {  	p0 =	sne.s32 s0, $0x0;
	s0 =	rddreg [dreg:$0x2]  }
0x101: {  	s0 =	sadd.s32 @!p0 $0x100000, s0  }
0x102: {  	[sflag:s0] =	ssyncadd.tile.s32 @!p0 $0x1;
	_ =	shalt  }
.Lfunc_end2:
_tile_overlayer_lowered:
.L_overlay_start_2:
0x103: {  	(tag) =	ssettag $0x2  }
0x104: {  	s0 =	rddreg [dreg:$0x0];
	s2 =	stileid.u32  }
0x105: {  	s1 =	rddreg [dreg:$0x1];
	p0 =	sne.s32 s2, $0x0  }
0x106: {  	s3 =	rddreg [dreg:$0x2];
	[bflag:$0x3] =	sbarrier.arrive $0xFFFF;
	s2 =	simm.s32 @!p0 $0x1C03  }
0x107: {  	[timem:s3], [sflag:s2] =	dma.local @!p0 [hbm:s0], s1  }
0x108: {  	s0 =	simm.s32 @!p0 $0x3  }
0x109: {  	_ =	swait.ge @!p0 [sflag:s0], s1  }
0x10a: {  	s1 =	ssub.s32 @!p0 $0x0, s1;
	[sflag:s0] =	ssyncset.done @!p0 $0x0  }
0x10b: {  	[sflag:s0] =	ssyncadd.s32 @!p0 s1  }
0x10c: {  	[bflag:$0x3] =	sbarrier.arrive $0xFFFF  }
0x10d: {  	_ =	shalt  }

// kernel: kernel.16.cloned.1.call-start
scs
__scs_entry_jumppad:
0x0: {  	(pc) =	sbr.rel $0x88, $3  }
0x1: {  	(tag) =	ssettag $0x0;
	lr =	simm.s32 $0x1  }
0x2: {  	[smem:$0x3F99] =	sst lr;
	_ =	strace $0xD0000000  }
0x3: {  	_ = 	snop  }
0x4: {  	_ = 	snop  }
0x5: {  	_ = 	snop  }
0x6: {  	_ = 	snop  }
0x7: {  	_ = 	snop  }
__scs_overlays_trampoline_lowered:
0x8: {  	[smem:$0x3FA8] =	sst s0  }
0x9: {  	[smem:$0x3FA9] =	sst s1  }
0xa: {  	[smem:$0x3FAA] =	sst s2  }
0xb: {  	[smem:$0x3FAB] =	sst s3  }
0xc: {  	[smem:$0x3FAC] =	sst s4  }
0xd: {  	[smem:$0x3FAD] =	sst s5  }
0xe: {  	[smem:$0x3FAE] =	sst s6  }
0xf: {  	[smem:$0x3FAF] =	sst s7  }
0x10: {  	[smem:$0x3FB0] =	sst s8  }
0x11: {  	[smem:$0x3FB1] =	sst s9;
	s0 =	simm.s32 @!p0 $0x0  }
0x12: {  	s1 =	sld [smem:$0x3F97];
	s0 =	simm.s32 @p0 $0x1  }
0x13: {  	[smem:$0x3FB2] =	sst s0;
	s0 =	simm.s32 @!p1 $0x0  }
0x14: {  	s2 =	sld [smem:$0x3F96];
	s0 =	simm.s32 @p1 $0x1  }
0x15: {  	[smem:$0x3FB3] =	sst s0;
	s0 =	simm.s32 @!p2 $0x0  }
0x16: {  	s3 =	sld [smem:$0x3FDB];
	s0 =	simm.s32 @p2 $0x1  }
0x17: {  	s4 =	simm.s32 $0x1BF5;
	[smem:$0x3FB5] =	sst s0  }
0x18: {  	s0 =	sld [smem:$0x3F98];
	_ =	swait.ge [sflag:s4], $0x0  }
0x19: {  	s7 =	sld [smem:$0x3F99]  }
0x1a: {  	s8 =	sadd.s32 $0xFFFFE003, lr  }
0x1b: {  	s9 =	sadd.s32 $0xFFFFFEF7, lr;
	s5 =	simm.s32 $0xFFFFFFFF;
	p2 =	slt.u32 s8, $0xFFFFF086  }
0x1c: {  	p1 =	slt.u32 s9, $0xF7A;
	s5 =	simm.s32 @!p2 $0x0  }
0x1d: {  	s5 =	simm.s32 @p1 $0x1;
	p0 =	seq.s32 s7, s2  }
0x1e: {  	s7 =	smul.u32 @!p0 $0xF7A, s2;
	p2 =	seq.s32 @!p0 s5, $0x0  }
0x1f: {  	s9 =	smul.u32 $0xF7A, s1;
	s8 =	simm.s32 @!p0 $0x1BF5;
	p2 =	por !p2, p0  }
0x20: {  	[sflag:s8] =	ssyncset.s32 @!p0 $0xFFFFF086;
	s6 =	sadd.s32 @!p0 s3, s7;
	s7 =	simm.s32 @!p0 $0x108  }
0x21: {  	s3 =	sadd.s32 s3, s9;
	s6 =	sadd.s32 @!p0 $0x88, s6;
	s7 =	simm.s32 @p2 $0x1082  }
0x22: {  	[simem:s7], [sflag:s8] =	dma.local @!p0 [hbm:s6], $0xF7A  }
0x23: {  	s9 =	sor.u32 $0xD0000000, s2;
	s6 =	simm.s32 $0x108;
	_ =	swait.ge @!p0 [sflag:s8], $0x0  }
0x24: {  	s3 =	sadd.s32 $0x88, s3;
	s6 =	simm.s32 @!p1 $0x1082;
	[sflag:s4] =	ssyncset.s32 $0xFFFFF086  }
0x25: {  	[simem:s6], [sflag:s4] =	dma.local [hbm:s3], $0xF7A  }
0x26: {  	[smem:$0x3F99] =	sst s1;
	(tag) =	ssettag s2;
	_ =	strace s9  }
0x27: {  	s1 =	sld [smem:$0x3FA9]  }
0x28: {  	s2 =	sld [smem:$0x3FAA]  }
0x29: {  	s4 =	sld [smem:$0x3FAC]  }
0x2a: {  	p0 =	seq.s32 s5, $0x0;
	s5 =	sld [smem:$0x3FAD]  }
0x2b: {  	s6 =	sld [smem:$0x3FAE]  }
0x2c: {  	s7 =	sld [smem:$0x3FAF]  }
0x2d: {  	s3 =	simm.s32 $0x108;
	s8 =	sld [smem:$0x3FB0]  }
0x2e: {  	s3 =	simm.s32 @!p0 $0x1082;
	s9 =	sld [smem:$0x3FB1]  }
0x2f: {  	lr =	sadd.s32 s0, s3;
	s0 =	sld [smem:$0x3FA8]  }
0x30: {  	s3 =	sld [smem:$0x3FAB]  }
0x31: {  	[smem:$0x3FB4] =	sst s10  }
0x32: {  	s10 =	sld [smem:$0x3FB2];
	_ =	sdelay $0x3  }
0x33: {  	p0 =	seq.s32 s10, $0x1;
	s10 =	sld [smem:$0x3FB4];
	_ =	sdelay $0x3  }
0x34: {  	[smem:$0x3FB4] =	sst s10  }
0x35: {  	s10 =	sld [smem:$0x3FB3];
	_ =	sdelay $0x3  }
0x36: {  	p1 =	seq.s32 s10, $0x1;
	s10 =	sld [smem:$0x3FB4];
	_ =	sdelay $0x3  }
0x37: {  	[smem:$0x3FB4] =	sst s10  }
0x38: {  	s10 =	sld [smem:$0x3FB5]  }
0x39: {  	_ = 	snop;
	(pc) =	sbr.ind lr, $3  }
0x3a: {  	_ = 	snop  }
0x3b: {  	_ = 	snop  }
0x3c: {  	p2 =	seq.s32 s10, $0x1;
	s10 =	sld [smem:$0x3FB4]  }
0x3d: {  	_ =	shalt  }
0x3e: {  	_ =	shalt  }
0x3f: {  	_ =	shalt  }
0x40: {  	_ =	shalt  }
0x41: {  	_ =	shalt  }
0x42: {  	_ =	shalt  }
0x43: {  	_ =	shalt  }
0x44: {  	_ =	shalt  }
0x45: {  	_ =	shalt  }
0x46: {  	_ =	shalt  }
0x47: {  	_ =	shalt  }
0x48: {  	_ =	shalt  }
0x49: {  	_ =	shalt  }
0x4a: {  	_ =	shalt  }
0x4b: {  	_ =	shalt  }
0x4c: {  	_ =	shalt  }
0x4d: {  	_ =	shalt  }
0x4e: {  	_ =	shalt  }
0x4f: {  	_ =	shalt  }
0x50: {  	_ =	shalt  }
0x51: {  	_ =	shalt  }
0x52: {  	_ =	shalt  }
0x53: {  	_ =	shalt  }
0x54: {  	_ =	shalt  }
0x55: {  	_ =	shalt  }
0x56: {  	_ =	shalt  }
0x57: {  	_ =	shalt  }
0x58: {  	_ =	shalt  }
0x59: {  	_ =	shalt  }
0x5a: {  	_ =	shalt  }
0x5b: {  	_ =	shalt  }
0x5c: {  	_ =	shalt  }
0x5d: {  	_ =	shalt  }
0x5e: {  	_ =	shalt  }
0x5f: {  	_ =	shalt  }
0x60: {  	_ =	shalt  }
0x61: {  	_ =	shalt  }
0x62: {  	_ =	shalt  }
0x63: {  	_ =	shalt  }
0x64: {  	_ =	shalt  }
0x65: {  	_ =	shalt  }
0x66: {  	_ =	shalt  }
0x67: {  	_ =	shalt  }
0x68: {  	_ =	shalt  }
0x69: {  	_ =	shalt  }
0x6a: {  	_ =	shalt  }
0x6b: {  	_ =	shalt  }
0x6c: {  	_ =	shalt  }
0x6d: {  	_ =	shalt  }
0x6e: {  	_ =	shalt  }
0x6f: {  	_ =	shalt  }
0x70: {  	_ =	shalt  }
0x71: {  	_ =	shalt  }
0x72: {  	_ =	shalt  }
0x73: {  	_ =	shalt  }
0x74: {  	_ =	shalt  }
0x75: {  	_ =	shalt  }
0x76: {  	_ =	shalt  }
0x77: {  	_ =	shalt  }
0x78: {  	_ =	shalt  }
0x79: {  	_ =	shalt  }
0x7a: {  	_ =	shalt  }
0x7b: {  	_ =	shalt  }
0x7c: {  	_ =	shalt  }
0x7d: {  	_ =	shalt  }
0x7e: {  	_ =	shalt  }
0x7f: {  	_ =	shalt  }
0x80: {  	_ =	shalt  }
0x81: {  	_ =	shalt  }
0x82: {  	_ =	shalt  }
0x83: {  	_ =	shalt  }
0x84: {  	_ =	shalt  }
0x85: {  	_ =	shalt  }
0x86: {  	_ =	shalt  }
0x87: {  	_ =	shalt  }
.Lfunc_end0:
.L_simem_size_0:
called_computation.2_lowered:
.L_overlay_start_0:
0x88: {  	s2 =	sld [smem:$0x3FD9]  }
0x89: {  	s3 =	sld [smem:$0x3FFE];
	_ =	sdelay $0x1  }
0x8a: {  	s1 =	srdreg.scid  }
0x8b: {  	s0 =	sand.u32 $0x1, s1  }
0x8c: {  	s16 =	sshll.u32 s0, $0xA;
	s2 =	sadd.s32 s3, s2  }
0x8d: {  	s2 =	sadd.s32 s2, s16  }
0x8e: {  	[smem:$0x3FC0] =	sst s2  }
0x8f: {  	_ = 	snop  }
0x90: {  	(tm) =	ssettm $0x1  }
0x91: {  	s17 =	sld [smem:$0x3FFB];
	_ =	sdelay $0x3  }
0x92: {  	_ =	strace s17  }
0x93: {  	s2 =	sld [smem:$0x3FFC];
	_ =	sdelay $0x3  }
0x94: {  	_ =	strace s2  }
0x95: {  	s2 =	sld [smem:$0x3FFD];
	_ =	sdelay $0x3  }
0x96: {  	_ =	strace s2  }
0x97: {  	_ =	strace $0x8FFFFFFF  }
0x98: {  	s18 =	sld [smem:$0x3FDB];
	_ =	sdelay $0x1  }
0x99: {  	s19 =	simm.s32 $_scs_section_size  }
0x9a: {  	s4 =	simm.s32 $_size__tile_overlayer_lowered;
	s5 =	simm.s32 $_tile_overlayer_lowered  }
0x9b: {  	s22 =	simm.s32 $0x1BFF;
	s21 =	sshll.u32 s5, $0x1;
	s2 =	sadd.s32 s19, s18  }
0x9c: {  	s6 =	simm.s32 $0x0;
	s20 =	sshll.u32 s4, $0x1;
	s4 =	sadd.s32 s21, s2  }
0x9d: {  	[timem:s6], [sflag:s22] =	dma.local [hbm:s4], s20  }
0x9e: {  	_ =	swait.ge [sflag:s22], s20  }
0x9f: {  	s3 =	ssub.s32 $0x0, s20;
	[sflag:s22] =	ssyncset.done $0x0  }
0xa0: {  	[sflag:s22] =	ssyncadd.s32 s3;
	_ =	sdelay $0x1  }
0xa1: {  	s23 =	simm.s32 $0x1B8B  }
0xa2: {  	_ =	swait.ge [sflag:s23], $0x1  }
0xa3: {  	[sflag:s23] =	ssyncset.done $0x0  }
0xa4: {  	s25 =	simm.s32 $0x1B8E;
	s24 =	sld [smem:$0x3FFE];
	[sflag:s23] =	ssyncadd.s32 $0xFFFFFFFF  }
0xa5: {  	s26 =	simm.s32 $execute0_lowered;
	[smem:$0x3FD2] =	sst s25  }
0xa6: {  	s4 =	sshll.u32 s26, $0x1;
	_ =	strace $0x8000004C;
	[dreg:$0x1] =	wrdreg $0xFFFFFFFF  }
0xa7: {  	s28 =	simm.s32 $_size_execute0_lowered;
	s2 =	sadd.s32 s2, s4;
	[dreg:$0x0] =	wrdreg $0x0  }
0xa8: {  	s4 =	sshll.u32 s28, $0x1;
	[dreg:$0x2] =	wrdreg s2  }
0xa9: {  	[dreg:$0x3] =	wrdreg s4  }
0xaa: {  	[dreg:$0x4] =	wrdreg $0xC0  }
0xab: {  	_ =	task [dreg:s6], $0x5FFFF  }
0xac: {  	[dreg:$0x1] =	wrdreg $0xFFFFFFFF  }
0xad: {  	[dreg:$0x0] =	wrdreg $0x60  }
0xae: {  	[dreg:$0x2] =	wrdreg s24  }
0xaf: {  	[dreg:$0x3] =	wrdreg $0x0  }
0xb0: {  	[dreg:$0x4] =	wrdreg $0x9  }
0xb1: {  	_ =	task.clear_ibuf [dreg:s6], $0x5FFFF;
	_ =	strace $0x9000004C  }
0xb2: {  	s29 =	simm.s32 $0x9;
	_ =	strace $0x8000004E  }
0xb3: {  	_ =	swait.ge [sflag:s29], $0x1  }
0xb4: {  	[sflag:s29] =	ssyncadd.s32 $0xFFFFFFFF  }
0xb5: {  	_ =	strace $0x9000004E  }
0xb6: {  	_ =	sfence  }
0xb7: {  	s30 =	sld [smem:$0x0];
	_ =	sdelay $0x2  }
0xb8: {  	s31 =	sshll.u32 s1, $0xD;
	s1 =	sshrl.u32 s1, $0x2  }
0xb9: {  	s3 =	sand.u32 $0x4000, s31;
	s1 =	sadd.s32 s1, s30  }
0xba: {  	s0 =	sor.u32 s3, s0;
	s1 =	sshll.u32 s1, $0x11  }
0xbb: {  	s0 =	sor.u32 s1, s0  }
0xbc: {  	s0 =	sadd.s32 $0x8F2B, s0  }
0xbd: {  	[sflag:s0] =	ssyncadd.remote.s32 $0x1  }
0xbe: {  	_ =	sfence.sel $0xFFFF  }
0xbf: {  	[dreg:$0x0] =	wrdreg $0xFFFFFFFF;
	(pc) =	sbr.abs _section_cstart, $3  }
0xc0: {  	[dreg:$0x1] =	wrdreg $0xFFFFFFFF  }
0xc1: {  	_ =	task.clear_ibuf [dreg:s6], $0x2FFFF;
	_ =	strace $0x9FFFFFFF  }
0xc2: {  	(tm) =	ssettm $0x7FFFFFFF  }
0xc3: {  	_ =	shalt  }
tec
execute0_lowered:
.L_overlay_start_1:
0x0: {  	(tag) =	ssettag $0x1  }
0x1: {  	s0 =	rddreg [dreg:$0x0];
	s1 =	srdreg.scid  }
0x2: {  	s2 =	rddreg [dreg:$0x1];
	s7 =	stileid.u32  }
0x3: {  	s3 =	simm.s32 $0x0;
	s28 =	simm.s32 $0x1;
	s5 =	smul.u32 $0x2710, s7  }
0x4: {  	s29 =	simm.s32 $0x50;
	s31 =	simm.s32 $0x1CF80;
	s6 =	smul.u32 $0x50000, s7  }
0x5: {  	s1 =	sand.u32 $0x1, s1;
	[smem:$0x7FF] =	sst s3;
	s14 =	smul.u32 $0x14000, s7  }
0x6: {  	s4 =	smul.u32 $0x27100, s1;
	_ =	strace $0x8000004D;
	s25 =	ssub.s32 $0x2, s1  }
0x7: {  	s1 =	smul.u32 $0x140000, s1;
	s26 =	sshrl.u32 s25, $0x1;
	s6 =	sshrl.u32 s6, $0x2  }
0x8: {  	s15 =	sor.u32 $0x2800, s14;
	s17 =	sadd.s32 $0x5000, s14;
	s18 =	sadd.s32 $0x7800, s14  }
0x9: {  	s19 =	sadd.s32 $0xA000, s14;
	s20 =	sadd.s32 $0xC800, s14;
	s21 =	sadd.s32 $0xF000, s14  }
0xa: {  	s22 =	sadd.s32 $0x11800, s14;
	s5 =	sadd.s32 s5, s4;
	s4 =	sadd.s32 $0x16800, s0  }
0xb: {  	s23 =	ssub.s32 s25, s26;
	s7 =	sadd.s32 s17, s2;
	s8 =	sadd.s32 s18, s2  }
0xc: {  	s9 =	sadd.s32 s19, s2;
	s10 =	sadd.s32 s20, s2;
	s11 =	sadd.s32 s21, s2  }
0xd: {  	s12 =	sadd.s32 s22, s2;
	s14 =	sadd.s32 s14, s1;
	s30 =	sadd.s32 s1, s15  }
0xe: {  	s17 =	sadd.s32 s1, s17;
	s24 =	sadd.s32 s1, s18;
	s19 =	sadd.s32 s1, s19  }
0xf: {  	s26 =	sadd.s32 s1, s20;
	s5 =	sshrl.u32 s5, $0x3;
	s14 =	sshrl.u32 s14, $0x3  }
0x10: {  	s25 =	sshrl.u32 s19, $0x3;
	s23 =	smax.u32 s23, $0x1;
	s13 =	sadd.s32 s5, s0  }
0x11: {  	s0 =	sadd.s32 $0x3E800, s0;
	s5 =	sadd.s32 s6, s2;
	s6 =	sadd.s32 s15, s2  }
0x12: {  	s16 =	sadd.s32 $0xCA40, s13;
	s13 =	sadd.s32 $0x2E00, s13;
	s15 =	sadd.s32 s0, s14  }
0x13: {  	s14 =	sshrl.u32 s24, $0x3;
	s19 =	sadd.s32 s0, s25;
	[dreg:$0x3] =	wrdreg s16  }
0x14: {  	s24 =	simm.s32 $0x1A780;
	s25 =	simm.s32 $0x14000;
	[dreg:$0x4] =	wrdreg s13  }
0x15: {  	[dreg:$0x5] =	wrdreg s15;
	s16 =	sshrl.u32 s30, $0x3;
	s18 =	sadd.s32 s0, s14  }
0x16: {  	s30 =	sadd.s32 s1, s21;
	s1 =	sadd.s32 s1, s22;
	s13 =	sadd.s32 s0, s16  }
0x17: {  	s14 =	sshrl.u32 s30, $0x3;
	s1 =	sshrl.u32 s1, $0x3;
	[dreg:$0x6] =	wrdreg s13  }
0x18: {  	s13 =	sshrl.u32 s17, $0x3;
	s21 =	sadd.s32 s0, s14;
	s22 =	sadd.s32 s0, s1  }
0x19: {  	s1 =	simm.s32 $0x0;
	s17 =	sadd.s32 s0, s13;
	s13 =	sshrl.u32 s26, $0x3  }
0x1a: {  	v0 =	vimm.f32 $0.0e+00;
	s26 =	simm.s32 $0x3;
	s20 =	sadd.s32 s0, s13;
	s0 =	simm.s32 $0x2  }
.LBB2_1:
0x1b: {  	s13 =	simm.s32 $0x0;
	s14 =	simm.s32 $0x200  }
.LBB2_2:
0x1c: {  	p0 =	sne.s32 s14, $0x9E00;
	[tilespmem:s13+$0x1A7F0] =	vst v0  }
0x1d: {  	[tilespmem:s13+$0x1A780] =	vst v0  }
0x1e: {  	[tilespmem:s13+$0x1A790] =	vst v0  }
.Ltmp0:
0x1f: {  	[tilespmem:s13+$0x1A7A0] =	vst v0;
	(pc) =	sbr.rel @p0 .LBB2_2-.Ltmp0, $4  }
0x20: {  	[tilespmem:s13+$0x1A7B0] =	vst v0  }
0x21: {  	[tilespmem:s13+$0x1A7C0] =	vst v0  }
0x22: {  	[tilespmem:s13+$0x1A7D0] =	vst v0  }
0x23: {  	[tilespmem:s13+$0x1A7E0] =	vst v0;
	s13 =	sshra.s32 s14, $0x2;
	s14 =	sadd.s32 $0x200, s14  }
0x24: {  	[tilespmem:s13+$0x1A7F0] =	vst v0  }
0x25: {  	[tilespmem:s13+$0x1A780] =	vst v0  }
0x26: {  	[tilespmem:s13+$0x1A790] =	vst v0  }
0x27: {  	[tilespmem:s13+$0x1A7A0] =	vst v0  }
0x28: {  	[tilespmem:s13+$0x1A7B0] =	vst v0  }
0x29: {  	[tilespmem:s13+$0x1A7C0] =	vst v0  }
0x2a: {  	[tilespmem:s13+$0x1A7D0] =	vst v0  }
0x2b: {  	[tilespmem:s13+$0x1A7E0] =	vst v0  }
0x2c: {  	[spmem:s5] =	stream.linear.scatter [tilespmem:s24], [sflag:$0x1], $0x2800, $0x38;
	[tilespmem:$0x1F780] =	vst v63  }
0x2d: {  	_ = 	snop  }
0x2e: {  	[spmem:s6] =	stream.linear.scatter [tilespmem:s24], [sflag:$0x1], $0x2800, $0x38;
	[tilespmem:$0x1F780] =	vst v63  }
0x2f: {  	_ = 	snop  }
0x30: {  	[spmem:s7] =	stream.linear.scatter [tilespmem:s24], [sflag:$0x1], $0x2800, $0x38;
	[tilespmem:$0x1F780] =	vst v63  }
0x31: {  	_ = 	snop  }
0x32: {  	[spmem:s8] =	stream.linear.scatter [tilespmem:s24], [sflag:$0x1], $0x2800, $0x38;
	[tilespmem:$0x1F780] =	vst v63  }
0x33: {  	_ = 	snop  }
0x34: {  	[spmem:s9] =	stream.linear.scatter [tilespmem:s24], [sflag:$0x1], $0x2800, $0x38;
	[tilespmem:$0x1F780] =	vst v63  }
0x35: {  	_ = 	snop  }
0x36: {  	[spmem:s10] =	stream.linear.scatter [tilespmem:s24], [sflag:$0x1], $0x2800, $0x38;
	[tilespmem:$0x1F780] =	vst v63  }
0x37: {  	_ = 	snop  }
0x38: {  	[spmem:s11] =	stream.linear.scatter [tilespmem:s24], [sflag:$0x1], $0x2800, $0x38;
	[tilespmem:$0x1F780] =	vst v63  }
0x39: {  	_ = 	snop  }
0x3a: {  	[spmem:s12] =	stream.linear.scatter [tilespmem:s24], [sflag:$0x1], $0x2800, $0x38;
	[tilespmem:$0x1F780] =	vst v63  }
0x3b: {  	s15 =	simm.s32 $0x0;
	s14 =	rddreg [dreg:$0x3]  }
0x3c: {  	[tilespmem:s25], [sflag:$0x3] =	stream.linear.gather [hbm4b:s14+s15], $0x2710, $0x38;
	[tilespmem:$0x1F780] =	vst v63  }
0x3d: {  	_ =	swait.ge [sflag:s26], $0x2710  }
0x3e: {  	[sflag:s26] =	ssyncset.done $0x0  }
0x3f: {  	s16 =	simm.s32 $0x0;
	[sflag:s26] =	ssyncadd.s32 $0xFFFFD8F0  }
0x40: {  	v1 =	vld [tilespmem:s16+$0x14000];
	_ =	sdelay $0x3  }
0x41: {  	s30 =	simm.s32 $0x167A0  }
0x42: {  	[tilespmem:s30+$0xFFFFFFE0] =	vst v1  }
0x43: {  	v1 =	vld [tilespmem:s16+$0x14010];
	_ =	sdelay $0x4  }
0x44: {  	[tilespmem:s30+$0xFFFFFFF0] =	vst v1  }
0x45: {  	v1 =	vld [tilespmem:s16+$0x14020];
	_ =	sdelay $0x4  }
0x46: {  	[tilespmem:s30+$0x0] =	vst v1  }
0x47: {  	v1 =	vld [tilespmem:s16+$0x14030];
	_ =	sdelay $0x4  }
0x48: {  	[tilespmem:s30+$0x10] =	vst v1  }
0x49: {  	v1 =	vld [tilespmem:s16+$0x14040];
	_ =	sdelay $0x4  }
0x4a: {  	s13 =	simm.s32 $0x50;
	s14 =	simm.s32 $0x280;
	[tilespmem:s30+$0x20] =	vst v1  }
.LBB2_4:
0x4b: {  	p0 =	sne.s32 s14, $0x9B00;
	v1 =	vld [tilespmem:s13+$0x14000];
	_ =	sdelay $0x3  }
0x4c: {  	s30 =	sadd.s32 $0x80, s30  }
0x4d: {  	[tilespmem:s30+$0xFFFFFFE0] =	vst v1  }
0x4e: {  	v1 =	vld [tilespmem:s13+$0x14010];
	_ =	sdelay $0x4  }
0x4f: {  	[tilespmem:s30+$0xFFFFFFF0] =	vst v1  }
0x50: {  	v1 =	vld [tilespmem:s13+$0x14020];
	_ =	sdelay $0x4  }
0x51: {  	[tilespmem:s30+$0x0] =	vst v1  }
0x52: {  	v1 =	vld [tilespmem:s13+$0x14030];
	_ =	sdelay $0x4  }
0x53: {  	[tilespmem:s30+$0x10] =	vst v1  }
0x54: {  	v1 =	vld [tilespmem:s13+$0x14040]  }
.Ltmp1:
0x55: {  	(pc) =	sbr.rel @p0 .LBB2_4-.Ltmp1, $2  }
0x56: {  	_ =	sdelay $0x2  }
0x57: {  	s13 =	sshra.s32 s14, $0x2;
	s14 =	sadd.s32 $0x140, s14;
	[tilespmem:s30+$0x20] =	vst v1  }
0x58: {  	v1 =	vld [tilespmem:s13+$0x14000];
	_ =	sdelay $0x3  }
0x59: {  	s14 =	sadd.s32 $0x80, s30  }
0x5a: {  	[tilespmem:s14+$0xFFFFFFE0] =	vst v1  }
0x5b: {  	v1 =	vld [tilespmem:s13+$0x14010];
	_ =	sdelay $0x4  }
0x5c: {  	[tilespmem:s14+$0xFFFFFFF0] =	vst v1  }
0x5d: {  	v1 =	vld [tilespmem:s13+$0x14020];
	_ =	sdelay $0x4  }
0x5e: {  	[tilespmem:s14+$0x0] =	vst v1  }
0x5f: {  	v1 =	vld [tilespmem:s13+$0x14030];
	_ =	sdelay $0x4  }
0x60: {  	[tilespmem:s14+$0x10] =	vst v1  }
0x61: {  	v1 =	vld [tilespmem:s13+$0x14040];
	_ =	sdelay $0x4  }
0x62: {  	s15 =	rddreg [dreg:$0x4];
	[tilespmem:s14+$0x20] =	vst v1;
	s14 =	simm.s32 $0x0  }
0x63: {  	[tilespmem:s25], [sflag:$0x3] =	stream.linear.gather [hbm4b:s15+s14], $0x2710, $0x38;
	[tilespmem:$0x1F780] =	vst v63  }
0x64: {  	_ =	swait.ge [sflag:s26], $0x2710  }
0x65: {  	[sflag:s26] =	ssyncset.done $0x0  }
0x66: {  	[sflag:s26] =	ssyncadd.s32 $0xFFFFD8F0  }
0x67: {  	_ =	swait.ge [sflag:s28], $0x2800  }
0x68: {  	[sflag:s28] =	ssyncset.done $0x0  }
0x69: {  	[sflag:s28] =	ssyncadd.s32 $0xFFFFD800  }
0x6a: {  	_ =	swait.ge [sflag:s28], $0x2800  }
0x6b: {  	[sflag:s28] =	ssyncset.done $0x0  }
0x6c: {  	[sflag:s28] =	ssyncadd.s32 $0xFFFFD800  }
0x6d: {  	_ =	swait.ge [sflag:s28], $0x2800  }
0x6e: {  	[sflag:s28] =	ssyncset.done $0x0  }
0x6f: {  	[sflag:s28] =	ssyncadd.s32 $0xFFFFD800  }
0x70: {  	_ =	swait.ge [sflag:s28], $0x2800  }
0x71: {  	[sflag:s28] =	ssyncset.done $0x0  }
0x72: {  	[sflag:s28] =	ssyncadd.s32 $0xFFFFD800  }
0x73: {  	_ =	swait.ge [sflag:s28], $0x2800  }
0x74: {  	[sflag:s28] =	ssyncset.done $0x0  }
0x75: {  	[sflag:s28] =	ssyncadd.s32 $0xFFFFD800  }
0x76: {  	_ =	swait.ge [sflag:s28], $0x2800  }
0x77: {  	[sflag:s28] =	ssyncset.done $0x0  }
0x78: {  	[sflag:s28] =	ssyncadd.s32 $0xFFFFD800  }
0x79: {  	_ =	swait.ge [sflag:s28], $0x2800  }
0x7a: {  	[sflag:s28] =	ssyncset.done $0x0  }
0x7b: {  	[sflag:s28] =	ssyncadd.s32 $0xFFFFD800  }
0x7c: {  	_ =	swait.ge [sflag:s28], $0x2800  }
0x7d: {  	[sflag:s28] =	ssyncset.done $0x0  }
0x7e: {  	[sflag:s28] =	ssyncadd.s32 $0xFFFFD800  }
0x7f: {  	[tilespmem:s24], [sflag:$0x1] =	stream.indirect.gather [hbm4b:s4+s29], $0x80, s25, s29, $0xb8;
	[tilespmem:$0x1F780] =	vst v63  }
0x80: {  	s16 =	simm.s32 $0x14050  }
0x81: {  	[tilespmem:s31], [sflag:$0x2] =	stream.indirect.gather [hbm4b:s4+s29], $0x80, s16, s29, $0xb8;
	[tilespmem:$0x1F780] =	vst v63  }
0x82: {  	[bflag:$0x0] =	sbarrier.arrive $0xFFFF  }
0x83: {  	_ =	swait.ge [sflag:s28], $0x2800  }
0x84: {  	[sflag:s28] =	ssyncset.done $0x0  }
0x85: {  	s14 =	simm.s32 $0x16780;
	[sflag:s28] =	ssyncadd.s32 $0xFFFFD800  }
0x86: {  	[spmem:s2] =	stream.indirect.scatter.add.f32 [tilespmem:s24], [sflag:$0x3], $0x80, s14, s29, $0xb8;
	[tilespmem:$0x1F780] =	vst v63  }
0x87: {  	_ =	swait.ge [sflag:s26], $0x2800  }
0x88: {  	[sflag:s26] =	ssyncset.done $0x0  }
0x89: {  	s15 =	simm.s32 $0x140A0;
	[sflag:s26] =	ssyncadd.s32 $0xFFFFD800  }
0x8a: {  	[tilespmem:s24], [sflag:$0x1] =	stream.indirect.gather [hbm4b:s4+s29], $0x80, s15, s29, $0xb8;
	[tilespmem:$0x1F780] =	vst v63  }
0x8b: {  	_ =	swait.ge [sflag:s0], $0x2800  }
0x8c: {  	[sflag:s0] =	ssyncset.done $0x0  }
0x8d: {  	s16 =	simm.s32 $0x16800;
	[sflag:s0] =	ssyncadd.s32 $0xFFFFD800  }
0x8e: {  	[spmem:s2] =	stream.indirect.scatter.add.f32 [tilespmem:s31], [sflag:$0x3], $0x80, s16, s29, $0xb8;
	[tilespmem:$0x1F780] =	vst v63  }
0x8f: {  	_ =	swait.ge [sflag:s26], $0x2800  }
0x90: {  	s30 =	simm.s32 $0x14190;
	[sflag:s26] =	ssyncset.done $0x0  }
0x91: {  	s13 =	simm.s32 $0x140F0;
	s14 =	simm.s32 $0x400;
	[sflag:s26] =	ssyncadd.s32 $0xFFFFD800  }
.LBB2_6:
0x92: {  	[tilespmem:s31], [sflag:$0x2] =	stream.indirect.gather [hbm4b:s4+s29], $0x80, s13, s29, $0xb8;
	[tilespmem:$0x1F780] =	vst v63  }
0x93: {  	s15 =	smov.u32 s14;
	s13 =	smov.u32 s30  }
0x94: {  	p0 =	sne.s32 s14, $0xF000;
	s14 =	sadd.s32 $0x400, s14;
	_ =	swait.ge [sflag:s28], $0x2800  }
0x95: {  	s15 =	sshra.s32 s15, $0x2;
	[sflag:s28] =	ssyncset.done $0x0  }
0x96: {  	s16 =	sadd.s32 $0x16780, s15;
	[sflag:s28] =	ssyncadd.s32 $0xFFFFD800  }
0x97: {  	[spmem:s2] =	stream.indirect.scatter.add.f32 [tilespmem:s24], [sflag:$0x3], $0x80, s16, s29, $0xb8;
	[tilespmem:$0x1F780] =	vst v63  }
0x98: {  	_ =	swait.ge [sflag:s26], $0x2800  }
0x99: {  	[sflag:s26] =	ssyncset.done $0x0  }
0x9a: {  	s16 =	sadd.s32 $0xFFFFFFB0, s30;
	[sflag:s26] =	ssyncadd.s32 $0xFFFFD800  }
0x9b: {  	[tilespmem:s24], [sflag:$0x1] =	stream.indirect.gather [hbm4b:s4+s29], $0x80, s16, s29, $0xb8;
	[tilespmem:$0x1F780] =	vst v63  }
0x9c: {  	_ =	swait.ge [sflag:s0], $0x2800  }
0x9d: {  	[sflag:s0] =	ssyncset.done $0x0  }
.Ltmp2:
0x9e: {  	s15 =	sadd.s32 $0x16800, s15;
	[sflag:s0] =	ssyncadd.s32 $0xFFFFD800;
	(pc) =	sbr.rel @p0 .LBB2_6-.Ltmp2, $4  }
0x9f: {  	[spmem:s2] =	stream.indirect.scatter.add.f32 [tilespmem:s31], [sflag:$0x3], $0x80, s15, s29, $0xb8;
	[tilespmem:$0x1F780] =	vst v63  }
0xa0: {  	_ =	swait.ge [sflag:s26], $0x2800  }
0xa1: {  	[sflag:s26] =	ssyncset.done $0x0  }
0xa2: {  	s30 =	sadd.s32 $0xA0, s30;
	[sflag:s26] =	ssyncadd.s32 $0xFFFFD800  }
0xa3: {  	[tilespmem:s31], [sflag:$0x2] =	stream.indirect.gather [hbm4b:s4+s29], $0x80, s13, s29, $0xb8;
	[tilespmem:$0x1F780] =	vst v63  }
0xa4: {  	_ =	swait.ge [sflag:s28], $0x2800  }
0xa5: {  	[sflag:s28] =	ssyncset.done $0x0  }
0xa6: {  	s16 =	simm.s32 $0x1A480;
	[sflag:s28] =	ssyncadd.s32 $0xFFFFD800  }
0xa7: {  	[spmem:s2] =	stream.indirect.scatter.add.f32 [tilespmem:s24], [sflag:$0x3], $0x80, s16, s29, $0xb8;
	[tilespmem:$0x1F780] =	vst v63  }
0xa8: {  	_ =	swait.ge [sflag:s26], $0x2800  }
0xa9: {  	[sflag:s26] =	ssyncset.done $0x0  }
0xaa: {  	[sflag:s26] =	ssyncadd.s32 $0xFFFFD800  }
0xab: {  	_ =	swait.ge [sflag:s0], $0x2800  }
0xac: {  	[sflag:s0] =	ssyncset.done $0x0  }
0xad: {  	s30 =	simm.s32 $0x1A500;
	[sflag:s0] =	ssyncadd.s32 $0xFFFFD800  }
0xae: {  	[spmem:s2] =	stream.indirect.scatter.add.f32 [tilespmem:s31], [sflag:$0x3], $0x80, s30, s29, $0xb8;
	[tilespmem:$0x1F780] =	vst v63  }
0xaf: {  	_ =	swait.ge [sflag:s26], $0x2800  }
0xb0: {  	[sflag:s26] =	ssyncset.done $0x0  }
0xb1: {  	s14 =	simm.s32 $0x166C0;
	[sflag:s26] =	ssyncadd.s32 $0xFFFFD800  }
0xb2: {  	[tilespmem:s24], [sflag:$0x1] =	stream.indirect.gather [hbm4b:s4+s29], $0x80, s14, s29, $0xb8;
	[tilespmem:$0x1F780] =	vst v63  }
0xb3: {  	_ =	swait.ge [sflag:s28], $0x2800  }
0xb4: {  	[sflag:s28] =	ssyncset.done $0x0  }
0xb5: {  	s15 =	simm.s32 $0x1A580;
	[sflag:s28] =	ssyncadd.s32 $0xFFFFD800  }
0xb6: {  	[spmem:s2] =	stream.indirect.scatter.add.f32 [tilespmem:s24], [sflag:$0x3], $0x80, s15, s29, $0xb8;
	[tilespmem:$0x1F780] =	vst v63  }
0xb7: {  	_ =	swait.ge [sflag:s26], $0x2800  }
0xb8: {  	[sflag:s26] =	ssyncset.done $0x0  }
0xb9: {  	[sflag:s26] =	ssyncadd.s32 $0xFFFFD800  }
0xba: {  	[bflag:$0x0] =	sbarrier.arrive $0xFFFF  }
0xbb: {  	[tilespmem:s24], [sflag:$0x1] =	stream.linear.gather [spmem:s5], $0x2800, $0x38;
	[tilespmem:$0x1F780] =	vst v63  }
0xbc: {  	_ = 	snop  }
0xbd: {  	[tilespmem:s31], [sflag:$0x2] =	stream.linear.gather [spmem:s6], $0x2800, $0x38;
	[tilespmem:$0x1F780] =	vst v63  }
0xbe: {  	_ =	swait.ge [sflag:s28], $0x2800  }
0xbf: {  	[sflag:s28] =	ssyncset.done $0x0  }
0xc0: {  	s16 =	rddreg [dreg:$0x5];
	[sflag:s28] =	ssyncadd.s32 $0xFFFFD800  }
0xc1: {  	[hbm4b:s16+s3] =	stream.linear.scatter [tilespmem:s24], [sflag:$0x3], $0x2800, $0x38;
	[tilespmem:$0x1F780] =	vst v63  }
0xc2: {  	_ =	swait.ge [sflag:s26], $0x2800  }
0xc3: {  	[sflag:s26] =	ssyncset.done $0x0  }
0xc4: {  	[sflag:s26] =	ssyncadd.s32 $0xFFFFD800  }
0xc5: {  	[tilespmem:s24], [sflag:$0x1] =	stream.linear.gather [spmem:s7], $0x2800, $0x38;
	[tilespmem:$0x1F780] =	vst v63  }
0xc6: {  	_ =	swait.ge [sflag:s0], $0x2800  }
0xc7: {  	[sflag:s0] =	ssyncset.done $0x0  }
0xc8: {  	s30 =	rddreg [dreg:$0x6];
	[sflag:s0] =	ssyncadd.s32 $0xFFFFD800  }
0xc9: {  	[hbm4b:s30+s3] =	stream.linear.scatter [tilespmem:s31], [sflag:$0x3], $0x2800, $0x38;
	[tilespmem:$0x1F780] =	vst v63  }
0xca: {  	_ =	swait.ge [sflag:s26], $0x2800  }
0xcb: {  	[sflag:s26] =	ssyncset.done $0x0  }
0xcc: {  	[sflag:s26] =	ssyncadd.s32 $0xFFFFD800  }
0xcd: {  	[tilespmem:s31], [sflag:$0x2] =	stream.linear.gather [spmem:s8], $0x2800, $0x38;
	[tilespmem:$0x1F780] =	vst v63  }
0xce: {  	_ =	swait.ge [sflag:s28], $0x2800  }
0xcf: {  	[sflag:s28] =	ssyncset.done $0x0  }
0xd0: {  	[sflag:s28] =	ssyncadd.s32 $0xFFFFD800  }
0xd1: {  	[hbm4b:s17+s3] =	stream.linear.scatter [tilespmem:s24], [sflag:$0x3], $0x2800, $0x38;
	[tilespmem:$0x1F780] =	vst v63  }
0xd2: {  	_ =	swait.ge [sflag:s26], $0x2800  }
0xd3: {  	[sflag:s26] =	ssyncset.done $0x0  }
0xd4: {  	[sflag:s26] =	ssyncadd.s32 $0xFFFFD800  }
0xd5: {  	[tilespmem:s24], [sflag:$0x1] =	stream.linear.gather [spmem:s9], $0x2800, $0x38;
	[tilespmem:$0x1F780] =	vst v63  }
0xd6: {  	_ =	swait.ge [sflag:s0], $0x2800  }
0xd7: {  	[sflag:s0] =	ssyncset.done $0x0  }
0xd8: {  	[sflag:s0] =	ssyncadd.s32 $0xFFFFD800  }
0xd9: {  	[hbm4b:s18+s3] =	stream.linear.scatter [tilespmem:s31], [sflag:$0x3], $0x2800, $0x38;
	[tilespmem:$0x1F780] =	vst v63  }
0xda: {  	_ =	swait.ge [sflag:s26], $0x2800  }
0xdb: {  	[sflag:s26] =	ssyncset.done $0x0  }
0xdc: {  	[sflag:s26] =	ssyncadd.s32 $0xFFFFD800  }
0xdd: {  	[tilespmem:s31], [sflag:$0x2] =	stream.linear.gather [spmem:s10], $0x2800, $0x38;
	[tilespmem:$0x1F780] =	vst v63  }
0xde: {  	_ =	swait.ge [sflag:s28], $0x2800  }
0xdf: {  	[sflag:s28] =	ssyncset.done $0x0  }
0xe0: {  	[sflag:s28] =	ssyncadd.s32 $0xFFFFD800  }
0xe1: {  	[hbm4b:s19+s3] =	stream.linear.scatter [tilespmem:s24], [sflag:$0x3], $0x2800, $0x38;
	[tilespmem:$0x1F780] =	vst v63  }
0xe2: {  	_ =	swait.ge [sflag:s26], $0x2800  }
0xe3: {  	[sflag:s26] =	ssyncset.done $0x0  }
0xe4: {  	[sflag:s26] =	ssyncadd.s32 $0xFFFFD800  }
0xe5: {  	[tilespmem:s24], [sflag:$0x1] =	stream.linear.gather [spmem:s11], $0x2800, $0x38;
	[tilespmem:$0x1F780] =	vst v63  }
0xe6: {  	_ =	swait.ge [sflag:s0], $0x2800  }
0xe7: {  	[sflag:s0] =	ssyncset.done $0x0  }
0xe8: {  	[sflag:s0] =	ssyncadd.s32 $0xFFFFD800  }
0xe9: {  	[hbm4b:s20+s3] =	stream.linear.scatter [tilespmem:s31], [sflag:$0x3], $0x2800, $0x38;
	[tilespmem:$0x1F780] =	vst v63  }
0xea: {  	_ =	swait.ge [sflag:s26], $0x2800  }
0xeb: {  	[sflag:s26] =	ssyncset.done $0x0  }
0xec: {  	[sflag:s26] =	ssyncadd.s32 $0xFFFFD800  }
0xed: {  	[tilespmem:s31], [sflag:$0x2] =	stream.linear.gather [spmem:s12], $0x2800, $0x38;
	[tilespmem:$0x1F780] =	vst v63  }
0xee: {  	_ =	swait.ge [sflag:s28], $0x2800  }
0xef: {  	[sflag:s28] =	ssyncset.done $0x0  }
0xf0: {  	[sflag:s28] =	ssyncadd.s32 $0xFFFFD800  }
0xf1: {  	[hbm4b:s21+s3] =	stream.linear.scatter [tilespmem:s24], [sflag:$0x3], $0x2800, $0x38;
	[tilespmem:$0x1F780] =	vst v63  }
0xf2: {  	_ =	swait.ge [sflag:s26], $0x2800  }
0xf3: {  	[sflag:s26] =	ssyncset.done $0x0  }
0xf4: {  	[sflag:s26] =	ssyncadd.s32 $0xFFFFD800  }
0xf5: {  	s1 =	sadd.s32 $0x1, s1;
	_ =	swait.ge [sflag:s0], $0x2800  }
0xf6: {  	p0 =	sne.s32 s1, s23;
	[sflag:s0] =	ssyncset.done $0x0  }
.Ltmp3:
0xf7: {  	[sflag:s0] =	ssyncadd.s32 $0xFFFFD800;
	(pc) =	sbr.rel @p0 .LBB2_1-.Ltmp3, $4  }
0xf8: {  	[hbm4b:s22+s3] =	stream.linear.scatter [tilespmem:s31], [sflag:$0x3], $0x2800, $0x38;
	[tilespmem:$0x1F780] =	vst v63  }
0xf9: {  	_ =	swait.ge [sflag:s26], $0x2800  }
0xfa: {  	[sflag:s26] =	ssyncset.done $0x0  }
0xfb: {  	[sflag:s26] =	ssyncadd.s32 $0xFFFFD800  }
0xfc: {  	_ =	sfence.sel $0x180000  }
0xfd: {  	[bflag:$0x0] =	sbarrier.arrive $0xFFFF  }
0xfe: {  	_ =	strace $0x9000004D  }
0xff: {  	s0 =	stileid.u32;
	[bflag:$0x2] =	sbarrier.arrive $0xFFFF  }
0x100: {  	p0 =	sne.s32 s0, $0x0;
	s0 =	rddreg [dreg:$0x2]  }
0x101: {  	s0 =	sadd.s32 @!p0 $0x100000, s0  }
0x102: {  	[sflag:s0] =	ssyncadd.tile.s32 @!p0 $0x1;
	_ =	shalt  }
.Lfunc_end2:
_tile_overlayer_lowered:
.L_overlay_start_2:
0x103: {  	(tag) =	ssettag $0x2  }
0x104: {  	s0 =	rddreg [dreg:$0x0];
	s2 =	stileid.u32  }
0x105: {  	s1 =	rddreg [dreg:$0x1];
	p0 =	sne.s32 s2, $0x0  }
0x106: {  	s3 =	rddreg [dreg:$0x2];
	[bflag:$0x3] =	sbarrier.arrive $0xFFFF;
	s2 =	simm.s32 @!p0 $0x1C03  }
0x107: {  	[timem:s3], [sflag:s2] =	dma.local @!p0 [hbm:s0], s1  }
0x108: {  	s0 =	simm.s32 @!p0 $0x3  }
0x109: {  	_ =	swait.ge @!p0 [sflag:s0], s1  }
0x10a: {  	s1 =	ssub.s32 @!p0 $0x0, s1;
	[sflag:s0] =	ssyncset.done @!p0 $0x0  }
0x10b: {  	[sflag:s0] =	ssyncadd.s32 @!p0 s1  }
0x10c: {  	[bflag:$0x3] =	sbarrier.arrive $0xFFFF  }
0x10d: {  	_ =	shalt  }

// kernel: kernel.19.cloned.1.call-start
scs
__scs_entry_jumppad:
0x0: {  	(pc) =	sbr.rel $0x88, $3  }
0x1: {  	(tag) =	ssettag $0x0;
	lr =	simm.s32 $0x1  }
0x2: {  	[smem:$0x3F99] =	sst lr;
	_ =	strace $0xD0000000  }
0x3: {  	_ = 	snop  }
0x4: {  	_ = 	snop  }
0x5: {  	_ = 	snop  }
0x6: {  	_ = 	snop  }
0x7: {  	_ = 	snop  }
__scs_overlays_trampoline_lowered:
0x8: {  	[smem:$0x3FA8] =	sst s0  }
0x9: {  	[smem:$0x3FA9] =	sst s1  }
0xa: {  	[smem:$0x3FAA] =	sst s2  }
0xb: {  	[smem:$0x3FAB] =	sst s3  }
0xc: {  	[smem:$0x3FAC] =	sst s4  }
0xd: {  	[smem:$0x3FAD] =	sst s5  }
0xe: {  	[smem:$0x3FAE] =	sst s6  }
0xf: {  	[smem:$0x3FAF] =	sst s7  }
0x10: {  	[smem:$0x3FB0] =	sst s8  }
0x11: {  	[smem:$0x3FB1] =	sst s9;
	s0 =	simm.s32 @!p0 $0x0  }
0x12: {  	s1 =	sld [smem:$0x3F97];
	s0 =	simm.s32 @p0 $0x1  }
0x13: {  	[smem:$0x3FB2] =	sst s0;
	s0 =	simm.s32 @!p1 $0x0  }
0x14: {  	s2 =	sld [smem:$0x3F96];
	s0 =	simm.s32 @p1 $0x1  }
0x15: {  	[smem:$0x3FB3] =	sst s0;
	s0 =	simm.s32 @!p2 $0x0  }
0x16: {  	s3 =	sld [smem:$0x3FDB];
	s0 =	simm.s32 @p2 $0x1  }
0x17: {  	s4 =	simm.s32 $0x1BF5;
	[smem:$0x3FB5] =	sst s0  }
0x18: {  	s0 =	sld [smem:$0x3F98];
	_ =	swait.ge [sflag:s4], $0x0  }
0x19: {  	s7 =	sld [smem:$0x3F99]  }
0x1a: {  	s8 =	sadd.s32 $0xFFFFE003, lr  }
0x1b: {  	s9 =	sadd.s32 $0xFFFFFEF7, lr;
	s5 =	simm.s32 $0xFFFFFFFF;
	p2 =	slt.u32 s8, $0xFFFFF086  }
0x1c: {  	p1 =	slt.u32 s9, $0xF7A;
	s5 =	simm.s32 @!p2 $0x0  }
0x1d: {  	s5 =	simm.s32 @p1 $0x1;
	p0 =	seq.s32 s7, s2  }
0x1e: {  	s7 =	smul.u32 @!p0 $0xF7A, s2;
	p2 =	seq.s32 @!p0 s5, $0x0  }
0x1f: {  	s9 =	smul.u32 $0xF7A, s1;
	s8 =	simm.s32 @!p0 $0x1BF5;
	p2 =	por !p2, p0  }
0x20: {  	[sflag:s8] =	ssyncset.s32 @!p0 $0xFFFFF086;
	s6 =	sadd.s32 @!p0 s3, s7;
	s7 =	simm.s32 @!p0 $0x108  }
0x21: {  	s3 =	sadd.s32 s3, s9;
	s6 =	sadd.s32 @!p0 $0x88, s6;
	s7 =	simm.s32 @p2 $0x1082  }
0x22: {  	[simem:s7], [sflag:s8] =	dma.local @!p0 [hbm:s6], $0xF7A  }
0x23: {  	s9 =	sor.u32 $0xD0000000, s2;
	s6 =	simm.s32 $0x108;
	_ =	swait.ge @!p0 [sflag:s8], $0x0  }
0x24: {  	s3 =	sadd.s32 $0x88, s3;
	s6 =	simm.s32 @!p1 $0x1082;
	[sflag:s4] =	ssyncset.s32 $0xFFFFF086  }
0x25: {  	[simem:s6], [sflag:s4] =	dma.local [hbm:s3], $0xF7A  }
0x26: {  	[smem:$0x3F99] =	sst s1;
	(tag) =	ssettag s2;
	_ =	strace s9  }
0x27: {  	s1 =	sld [smem:$0x3FA9]  }
0x28: {  	s2 =	sld [smem:$0x3FAA]  }
0x29: {  	s4 =	sld [smem:$0x3FAC]  }
0x2a: {  	p0 =	seq.s32 s5, $0x0;
	s5 =	sld [smem:$0x3FAD]  }
0x2b: {  	s6 =	sld [smem:$0x3FAE]  }
0x2c: {  	s7 =	sld [smem:$0x3FAF]  }
0x2d: {  	s3 =	simm.s32 $0x108;
	s8 =	sld [smem:$0x3FB0]  }
0x2e: {  	s3 =	simm.s32 @!p0 $0x1082;
	s9 =	sld [smem:$0x3FB1]  }
0x2f: {  	lr =	sadd.s32 s0, s3;
	s0 =	sld [smem:$0x3FA8]  }
0x30: {  	s3 =	sld [smem:$0x3FAB]  }
0x31: {  	[smem:$0x3FB4] =	sst s10  }
0x32: {  	s10 =	sld [smem:$0x3FB2];
	_ =	sdelay $0x3  }
0x33: {  	p0 =	seq.s32 s10, $0x1;
	s10 =	sld [smem:$0x3FB4];
	_ =	sdelay $0x3  }
0x34: {  	[smem:$0x3FB4] =	sst s10  }
0x35: {  	s10 =	sld [smem:$0x3FB3];
	_ =	sdelay $0x3  }
0x36: {  	p1 =	seq.s32 s10, $0x1;
	s10 =	sld [smem:$0x3FB4];
	_ =	sdelay $0x3  }
0x37: {  	[smem:$0x3FB4] =	sst s10  }
0x38: {  	s10 =	sld [smem:$0x3FB5]  }
0x39: {  	_ = 	snop;
	(pc) =	sbr.ind lr, $3  }
0x3a: {  	_ = 	snop  }
0x3b: {  	_ = 	snop  }
0x3c: {  	p2 =	seq.s32 s10, $0x1;
	s10 =	sld [smem:$0x3FB4]  }
0x3d: {  	_ =	shalt  }
0x3e: {  	_ =	shalt  }
0x3f: {  	_ =	shalt  }
0x40: {  	_ =	shalt  }
0x41: {  	_ =	shalt  }
0x42: {  	_ =	shalt  }
0x43: {  	_ =	shalt  }
0x44: {  	_ =	shalt  }
0x45: {  	_ =	shalt  }
0x46: {  	_ =	shalt  }
0x47: {  	_ =	shalt  }
0x48: {  	_ =	shalt  }
0x49: {  	_ =	shalt  }
0x4a: {  	_ =	shalt  }
0x4b: {  	_ =	shalt  }
0x4c: {  	_ =	shalt  }
0x4d: {  	_ =	shalt  }
0x4e: {  	_ =	shalt  }
0x4f: {  	_ =	shalt  }
0x50: {  	_ =	shalt  }
0x51: {  	_ =	shalt  }
0x52: {  	_ =	shalt  }
0x53: {  	_ =	shalt  }
0x54: {  	_ =	shalt  }
0x55: {  	_ =	shalt  }
0x56: {  	_ =	shalt  }
0x57: {  	_ =	shalt  }
0x58: {  	_ =	shalt  }
0x59: {  	_ =	shalt  }
0x5a: {  	_ =	shalt  }
0x5b: {  	_ =	shalt  }
0x5c: {  	_ =	shalt  }
0x5d: {  	_ =	shalt  }
0x5e: {  	_ =	shalt  }
0x5f: {  	_ =	shalt  }
0x60: {  	_ =	shalt  }
0x61: {  	_ =	shalt  }
0x62: {  	_ =	shalt  }
0x63: {  	_ =	shalt  }
0x64: {  	_ =	shalt  }
0x65: {  	_ =	shalt  }
0x66: {  	_ =	shalt  }
0x67: {  	_ =	shalt  }
0x68: {  	_ =	shalt  }
0x69: {  	_ =	shalt  }
0x6a: {  	_ =	shalt  }
0x6b: {  	_ =	shalt  }
0x6c: {  	_ =	shalt  }
0x6d: {  	_ =	shalt  }
0x6e: {  	_ =	shalt  }
0x6f: {  	_ =	shalt  }
0x70: {  	_ =	shalt  }
0x71: {  	_ =	shalt  }
0x72: {  	_ =	shalt  }
0x73: {  	_ =	shalt  }
0x74: {  	_ =	shalt  }
0x75: {  	_ =	shalt  }
0x76: {  	_ =	shalt  }
0x77: {  	_ =	shalt  }
0x78: {  	_ =	shalt  }
0x79: {  	_ =	shalt  }
0x7a: {  	_ =	shalt  }
0x7b: {  	_ =	shalt  }
0x7c: {  	_ =	shalt  }
0x7d: {  	_ =	shalt  }
0x7e: {  	_ =	shalt  }
0x7f: {  	_ =	shalt  }
0x80: {  	_ =	shalt  }
0x81: {  	_ =	shalt  }
0x82: {  	_ =	shalt  }
0x83: {  	_ =	shalt  }
0x84: {  	_ =	shalt  }
0x85: {  	_ =	shalt  }
0x86: {  	_ =	shalt  }
0x87: {  	_ =	shalt  }
.Lfunc_end0:
.L_simem_size_0:
called_computation.3_lowered:
.L_overlay_start_0:
0x88: {  	s2 =	sld [smem:$0x3FD9]  }
0x89: {  	s3 =	sld [smem:$0x3FFE];
	_ =	sdelay $0x1  }
0x8a: {  	s1 =	srdreg.scid  }
0x8b: {  	s0 =	sand.u32 $0x1, s1  }
0x8c: {  	s16 =	sshll.u32 s0, $0xA;
	s2 =	sadd.s32 s3, s2  }
0x8d: {  	s2 =	sadd.s32 s2, s16  }
0x8e: {  	[smem:$0x3FC0] =	sst s2  }
0x8f: {  	_ = 	snop  }
0x90: {  	(tm) =	ssettm $0x1  }
0x91: {  	s17 =	sld [smem:$0x3FFB];
	_ =	sdelay $0x3  }
0x92: {  	_ =	strace s17  }
0x93: {  	s2 =	sld [smem:$0x3FFC];
	_ =	sdelay $0x3  }
0x94: {  	_ =	strace s2  }
0x95: {  	s2 =	sld [smem:$0x3FFD];
	_ =	sdelay $0x3  }
0x96: {  	_ =	strace s2  }
0x97: {  	_ =	strace $0x8FFFFFFF  }
0x98: {  	s18 =	sld [smem:$0x3FDB];
	_ =	sdelay $0x1  }
0x99: {  	s19 =	simm.s32 $_scs_section_size  }
0x9a: {  	s4 =	simm.s32 $_size__tile_overlayer_lowered;
	s5 =	simm.s32 $_tile_overlayer_lowered  }
0x9b: {  	s22 =	simm.s32 $0x1BFF;
	s21 =	sshll.u32 s5, $0x1;
	s2 =	sadd.s32 s19, s18  }
0x9c: {  	s6 =	simm.s32 $0x0;
	s20 =	sshll.u32 s4, $0x1;
	s4 =	sadd.s32 s21, s2  }
0x9d: {  	[timem:s6], [sflag:s22] =	dma.local [hbm:s4], s20  }
0x9e: {  	_ =	swait.ge [sflag:s22], s20  }
0x9f: {  	s3 =	ssub.s32 $0x0, s20;
	[sflag:s22] =	ssyncset.done $0x0  }
0xa0: {  	[sflag:s22] =	ssyncadd.s32 s3;
	_ =	sdelay $0x1  }
0xa1: {  	s23 =	simm.s32 $0x1B8B  }
0xa2: {  	_ =	swait.ge [sflag:s23], $0x1  }
0xa3: {  	[sflag:s23] =	ssyncset.done $0x0  }
0xa4: {  	s25 =	simm.s32 $0x1B8E;
	s24 =	sld [smem:$0x3FFE];
	[sflag:s23] =	ssyncadd.s32 $0xFFFFFFFF  }
0xa5: {  	s26 =	simm.s32 $execute0_lowered;
	[smem:$0x3FD2] =	sst s25  }
0xa6: {  	s4 =	sshll.u32 s26, $0x1;
	_ =	strace $0x8000004F;
	[dreg:$0x1] =	wrdreg $0xFFFFFFFF  }
0xa7: {  	s28 =	simm.s32 $_size_execute0_lowered;
	s2 =	sadd.s32 s2, s4;
	[dreg:$0x0] =	wrdreg $0x0  }
0xa8: {  	s4 =	sshll.u32 s28, $0x1;
	[dreg:$0x2] =	wrdreg s2  }
0xa9: {  	[dreg:$0x3] =	wrdreg s4  }
0xaa: {  	[dreg:$0x4] =	wrdreg $0xC0  }
0xab: {  	_ =	task [dreg:s6], $0x5FFFF  }
0xac: {  	[dreg:$0x1] =	wrdreg $0xFFFFFFFF  }
0xad: {  	[dreg:$0x0] =	wrdreg $0x60  }
0xae: {  	[dreg:$0x2] =	wrdreg s24  }
0xaf: {  	[dreg:$0x3] =	wrdreg $0x0  }
0xb0: {  	[dreg:$0x4] =	wrdreg $0x9  }
0xb1: {  	_ =	task.clear_ibuf [dreg:s6], $0x5FFFF;
	_ =	strace $0x9000004F  }
0xb2: {  	s29 =	simm.s32 $0x9;
	_ =	strace $0x80000051  }
0xb3: {  	_ =	swait.ge [sflag:s29], $0x1  }
0xb4: {  	[sflag:s29] =	ssyncadd.s32 $0xFFFFFFFF  }
0xb5: {  	_ =	strace $0x90000051  }
0xb6: {  	_ =	sfence  }
0xb7: {  	s30 =	sld [smem:$0x0];
	_ =	sdelay $0x2  }
0xb8: {  	s31 =	sshll.u32 s1, $0xD;
	s1 =	sshrl.u32 s1, $0x2  }
0xb9: {  	s3 =	sand.u32 $0x4000, s31;
	s1 =	sadd.s32 s1, s30  }
0xba: {  	s0 =	sor.u32 s3, s0;
	s1 =	sshll.u32 s1, $0x11  }
0xbb: {  	s0 =	sor.u32 s1, s0  }
0xbc: {  	s0 =	sadd.s32 $0x8F2B, s0  }
0xbd: {  	[sflag:s0] =	ssyncadd.remote.s32 $0x1  }
0xbe: {  	_ =	sfence.sel $0xFFFF  }
0xbf: {  	[dreg:$0x0] =	wrdreg $0xFFFFFFFF;
	(pc) =	sbr.abs _section_cstart, $3  }
0xc0: {  	[dreg:$0x1] =	wrdreg $0xFFFFFFFF  }
0xc1: {  	_ =	task.clear_ibuf [dreg:s6], $0x2FFFF;
	_ =	strace $0x9FFFFFFF  }
0xc2: {  	(tm) =	ssettm $0x7FFFFFFF  }
0xc3: {  	_ =	shalt  }
tec
execute0_lowered:
.L_overlay_start_1:
0x0: {  	(tag) =	ssettag $0x1  }
0x1: {  	s0 =	rddreg [dreg:$0x0];
	s1 =	srdreg.scid  }
0x2: {  	s2 =	rddreg [dreg:$0x1];
	s7 =	stileid.u32  }
0x3: {  	s3 =	simm.s32 $0x0;
	s28 =	simm.s32 $0x1;
	s5 =	smul.u32 $0x2710, s7  }
0x4: {  	s29 =	simm.s32 $0x50;
	s31 =	simm.s32 $0x1CF80;
	s6 =	smul.u32 $0x50000, s7  }
0x5: {  	s1 =	sand.u32 $0x1, s1;
	[smem:$0x7FF] =	sst s3;
	s14 =	smul.u32 $0x14000, s7  }
0x6: {  	s4 =	smul.u32 $0x27100, s1;
	_ =	strace $0x80000050;
	s25 =	ssub.s32 $0x2, s1  }
0x7: {  	s1 =	smul.u32 $0x140000, s1;
	s26 =	sshrl.u32 s25, $0x1;
	s6 =	sshrl.u32 s6, $0x2  }
0x8: {  	s15 =	sor.u32 $0x2800, s14;
	s17 =	sadd.s32 $0x5000, s14;
	s18 =	sadd.s32 $0x7800, s14  }
0x9: {  	s19 =	sadd.s32 $0xA000, s14;
	s20 =	sadd.s32 $0xC800, s14;
	s21 =	sadd.s32 $0xF000, s14  }
0xa: {  	s22 =	sadd.s32 $0x11800, s14;
	s5 =	sadd.s32 s5, s4;
	s4 =	sadd.s32 $0x16800, s0  }
0xb: {  	s23 =	ssub.s32 s25, s26;
	s7 =	sadd.s32 s17, s2;
	s8 =	sadd.s32 s18, s2  }
0xc: {  	s9 =	sadd.s32 s19, s2;
	s10 =	sadd.s32 s20, s2;
	s11 =	sadd.s32 s21, s2  }
0xd: {  	s12 =	sadd.s32 s22, s2;
	s14 =	sadd.s32 s14, s1;
	s30 =	sadd.s32 s1, s15  }
0xe: {  	s17 =	sadd.s32 s1, s17;
	s24 =	sadd.s32 s1, s18;
	s19 =	sadd.s32 s1, s19  }
0xf: {  	s26 =	sadd.s32 s1, s20;
	s5 =	sshrl.u32 s5, $0x3;
	s14 =	sshrl.u32 s14, $0x3  }
0x10: {  	s25 =	sshrl.u32 s19, $0x3;
	s23 =	smax.u32 s23, $0x1;
	s13 =	sadd.s32 s5, s0  }
0x11: {  	s0 =	sadd.s32 $0x3E800, s0;
	s5 =	sadd.s32 s6, s2;
	s6 =	sadd.s32 s15, s2  }
0x12: {  	s16 =	sadd.s32 $0xCA40, s13;
	s13 =	sadd.s32 $0x2E00, s13;
	s15 =	sadd.s32 s0, s14  }
0x13: {  	s14 =	sshrl.u32 s24, $0x3;
	s19 =	sadd.s32 s0, s25;
	[dreg:$0x3] =	wrdreg s16  }
0x14: {  	s24 =	simm.s32 $0x1A780;
	s25 =	simm.s32 $0x14000;
	[dreg:$0x4] =	wrdreg s13  }
0x15: {  	[dreg:$0x5] =	wrdreg s15;
	s16 =	sshrl.u32 s30, $0x3;
	s18 =	sadd.s32 s0, s14  }
0x16: {  	s30 =	sadd.s32 s1, s21;
	s1 =	sadd.s32 s1, s22;
	s13 =	sadd.s32 s0, s16  }
0x17: {  	s14 =	sshrl.u32 s30, $0x3;
	s1 =	sshrl.u32 s1, $0x3;
	[dreg:$0x6] =	wrdreg s13  }
0x18: {  	s13 =	sshrl.u32 s17, $0x3;
	s21 =	sadd.s32 s0, s14;
	s22 =	sadd.s32 s0, s1  }
0x19: {  	s1 =	simm.s32 $0x0;
	s17 =	sadd.s32 s0, s13;
	s13 =	sshrl.u32 s26, $0x3  }
0x1a: {  	v0 =	vimm.f32 $0.0e+00;
	s26 =	simm.s32 $0x3;
	s20 =	sadd.s32 s0, s13;
	s0 =	simm.s32 $0x2  }
.LBB2_1:
0x1b: {  	s13 =	simm.s32 $0x0;
	s14 =	simm.s32 $0x200  }
.LBB2_2:
0x1c: {  	p0 =	sne.s32 s14, $0x9E00;
	[tilespmem:s13+$0x1A7F0] =	vst v0  }
0x1d: {  	[tilespmem:s13+$0x1A780] =	vst v0  }
0x1e: {  	[tilespmem:s13+$0x1A790] =	vst v0  }
.Ltmp0:
0x1f: {  	[tilespmem:s13+$0x1A7A0] =	vst v0;
	(pc) =	sbr.rel @p0 .LBB2_2-.Ltmp0, $4  }
0x20: {  	[tilespmem:s13+$0x1A7B0] =	vst v0  }
0x21: {  	[tilespmem:s13+$0x1A7C0] =	vst v0  }
0x22: {  	[tilespmem:s13+$0x1A7D0] =	vst v0  }
0x23: {  	[tilespmem:s13+$0x1A7E0] =	vst v0;
	s13 =	sshra.s32 s14, $0x2;
	s14 =	sadd.s32 $0x200, s14  }
0x24: {  	[tilespmem:s13+$0x1A7F0] =	vst v0  }
0x25: {  	[tilespmem:s13+$0x1A780] =	vst v0  }
0x26: {  	[tilespmem:s13+$0x1A790] =	vst v0  }
0x27: {  	[tilespmem:s13+$0x1A7A0] =	vst v0  }
0x28: {  	[tilespmem:s13+$0x1A7B0] =	vst v0  }
0x29: {  	[tilespmem:s13+$0x1A7C0] =	vst v0  }
0x2a: {  	[tilespmem:s13+$0x1A7D0] =	vst v0  }
0x2b: {  	[tilespmem:s13+$0x1A7E0] =	vst v0  }
0x2c: {  	[spmem:s5] =	stream.linear.scatter [tilespmem:s24], [sflag:$0x1], $0x2800, $0x38;
	[tilespmem:$0x1F780] =	vst v63  }
0x2d: {  	_ = 	snop  }
0x2e: {  	[spmem:s6] =	stream.linear.scatter [tilespmem:s24], [sflag:$0x1], $0x2800, $0x38;
	[tilespmem:$0x1F780] =	vst v63  }
0x2f: {  	_ = 	snop  }
0x30: {  	[spmem:s7] =	stream.linear.scatter [tilespmem:s24], [sflag:$0x1], $0x2800, $0x38;
	[tilespmem:$0x1F780] =	vst v63  }
0x31: {  	_ = 	snop  }
0x32: {  	[spmem:s8] =	stream.linear.scatter [tilespmem:s24], [sflag:$0x1], $0x2800, $0x38;
	[tilespmem:$0x1F780] =	vst v63  }
0x33: {  	_ = 	snop  }
0x34: {  	[spmem:s9] =	stream.linear.scatter [tilespmem:s24], [sflag:$0x1], $0x2800, $0x38;
	[tilespmem:$0x1F780] =	vst v63  }
0x35: {  	_ = 	snop  }
0x36: {  	[spmem:s10] =	stream.linear.scatter [tilespmem:s24], [sflag:$0x1], $0x2800, $0x38;
	[tilespmem:$0x1F780] =	vst v63  }
0x37: {  	_ = 	snop  }
0x38: {  	[spmem:s11] =	stream.linear.scatter [tilespmem:s24], [sflag:$0x1], $0x2800, $0x38;
	[tilespmem:$0x1F780] =	vst v63  }
0x39: {  	_ = 	snop  }
0x3a: {  	[spmem:s12] =	stream.linear.scatter [tilespmem:s24], [sflag:$0x1], $0x2800, $0x38;
	[tilespmem:$0x1F780] =	vst v63  }
0x3b: {  	s15 =	simm.s32 $0x0;
	s14 =	rddreg [dreg:$0x3]  }
0x3c: {  	[tilespmem:s25], [sflag:$0x3] =	stream.linear.gather [hbm4b:s14+s15], $0x2710, $0x38;
	[tilespmem:$0x1F780] =	vst v63  }
0x3d: {  	_ =	swait.ge [sflag:s26], $0x2710  }
0x3e: {  	[sflag:s26] =	ssyncset.done $0x0  }
0x3f: {  	s16 =	simm.s32 $0x0;
	[sflag:s26] =	ssyncadd.s32 $0xFFFFD8F0  }
0x40: {  	v1 =	vld [tilespmem:s16+$0x14000];
	_ =	sdelay $0x3  }
0x41: {  	s30 =	simm.s32 $0x167A0  }
0x42: {  	[tilespmem:s30+$0xFFFFFFE0] =	vst v1  }
0x43: {  	v1 =	vld [tilespmem:s16+$0x14010];
	_ =	sdelay $0x4  }
0x44: {  	[tilespmem:s30+$0xFFFFFFF0] =	vst v1  }
0x45: {  	v1 =	vld [tilespmem:s16+$0x14020];
	_ =	sdelay $0x4  }
0x46: {  	[tilespmem:s30+$0x0] =	vst v1  }
0x47: {  	v1 =	vld [tilespmem:s16+$0x14030];
	_ =	sdelay $0x4  }
0x48: {  	[tilespmem:s30+$0x10] =	vst v1  }
0x49: {  	v1 =	vld [tilespmem:s16+$0x14040];
	_ =	sdelay $0x4  }
0x4a: {  	s13 =	simm.s32 $0x50;
	s14 =	simm.s32 $0x280;
	[tilespmem:s30+$0x20] =	vst v1  }
.LBB2_4:
0x4b: {  	p0 =	sne.s32 s14, $0x9B00;
	v1 =	vld [tilespmem:s13+$0x14000];
	_ =	sdelay $0x3  }
0x4c: {  	s30 =	sadd.s32 $0x80, s30  }
0x4d: {  	[tilespmem:s30+$0xFFFFFFE0] =	vst v1  }
0x4e: {  	v1 =	vld [tilespmem:s13+$0x14010];
	_ =	sdelay $0x4  }
0x4f: {  	[tilespmem:s30+$0xFFFFFFF0] =	vst v1  }
0x50: {  	v1 =	vld [tilespmem:s13+$0x14020];
	_ =	sdelay $0x4  }
0x51: {  	[tilespmem:s30+$0x0] =	vst v1  }
0x52: {  	v1 =	vld [tilespmem:s13+$0x14030];
	_ =	sdelay $0x4  }
0x53: {  	[tilespmem:s30+$0x10] =	vst v1  }
0x54: {  	v1 =	vld [tilespmem:s13+$0x14040]  }
.Ltmp1:
0x55: {  	(pc) =	sbr.rel @p0 .LBB2_4-.Ltmp1, $2  }
0x56: {  	_ =	sdelay $0x2  }
0x57: {  	s13 =	sshra.s32 s14, $0x2;
	s14 =	sadd.s32 $0x140, s14;
	[tilespmem:s30+$0x20] =	vst v1  }
0x58: {  	v1 =	vld [tilespmem:s13+$0x14000];
	_ =	sdelay $0x3  }
0x59: {  	s14 =	sadd.s32 $0x80, s30  }
0x5a: {  	[tilespmem:s14+$0xFFFFFFE0] =	vst v1  }
0x5b: {  	v1 =	vld [tilespmem:s13+$0x14010];
	_ =	sdelay $0x4  }
0x5c: {  	[tilespmem:s14+$0xFFFFFFF0] =	vst v1  }
0x5d: {  	v1 =	vld [tilespmem:s13+$0x14020];
	_ =	sdelay $0x4  }
0x5e: {  	[tilespmem:s14+$0x0] =	vst v1  }
0x5f: {  	v1 =	vld [tilespmem:s13+$0x14030];
	_ =	sdelay $0x4  }
0x60: {  	[tilespmem:s14+$0x10] =	vst v1  }
0x61: {  	v1 =	vld [tilespmem:s13+$0x14040];
	_ =	sdelay $0x4  }
0x62: {  	s15 =	rddreg [dreg:$0x4];
	[tilespmem:s14+$0x20] =	vst v1;
	s14 =	simm.s32 $0x0  }
0x63: {  	[tilespmem:s25], [sflag:$0x3] =	stream.linear.gather [hbm4b:s15+s14], $0x2710, $0x38;
	[tilespmem:$0x1F780] =	vst v63  }
0x64: {  	_ =	swait.ge [sflag:s26], $0x2710  }
0x65: {  	[sflag:s26] =	ssyncset.done $0x0  }
0x66: {  	[sflag:s26] =	ssyncadd.s32 $0xFFFFD8F0  }
0x67: {  	_ =	swait.ge [sflag:s28], $0x2800  }
0x68: {  	[sflag:s28] =	ssyncset.done $0x0  }
0x69: {  	[sflag:s28] =	ssyncadd.s32 $0xFFFFD800  }
0x6a: {  	_ =	swait.ge [sflag:s28], $0x2800  }
0x6b: {  	[sflag:s28] =	ssyncset.done $0x0  }
0x6c: {  	[sflag:s28] =	ssyncadd.s32 $0xFFFFD800  }
0x6d: {  	_ =	swait.ge [sflag:s28], $0x2800  }
0x6e: {  	[sflag:s28] =	ssyncset.done $0x0  }
0x6f: {  	[sflag:s28] =	ssyncadd.s32 $0xFFFFD800  }
0x70: {  	_ =	swait.ge [sflag:s28], $0x2800  }
0x71: {  	[sflag:s28] =	ssyncset.done $0x0  }
0x72: {  	[sflag:s28] =	ssyncadd.s32 $0xFFFFD800  }
0x73: {  	_ =	swait.ge [sflag:s28], $0x2800  }
0x74: {  	[sflag:s28] =	ssyncset.done $0x0  }
0x75: {  	[sflag:s28] =	ssyncadd.s32 $0xFFFFD800  }
0x76: {  	_ =	swait.ge [sflag:s28], $0x2800  }
0x77: {  	[sflag:s28] =	ssyncset.done $0x0  }
0x78: {  	[sflag:s28] =	ssyncadd.s32 $0xFFFFD800  }
0x79: {  	_ =	swait.ge [sflag:s28], $0x2800  }
0x7a: {  	[sflag:s28] =	ssyncset.done $0x0  }
0x7b: {  	[sflag:s28] =	ssyncadd.s32 $0xFFFFD800  }
0x7c: {  	_ =	swait.ge [sflag:s28], $0x2800  }
0x7d: {  	[sflag:s28] =	ssyncset.done $0x0  }
0x7e: {  	[sflag:s28] =	ssyncadd.s32 $0xFFFFD800  }
0x7f: {  	[tilespmem:s24], [sflag:$0x1] =	stream.indirect.gather [hbm4b:s4+s29], $0x80, s25, s29, $0xb8;
	[tilespmem:$0x1F780] =	vst v63  }
0x80: {  	s16 =	simm.s32 $0x14050  }
0x81: {  	[tilespmem:s31], [sflag:$0x2] =	stream.indirect.gather [hbm4b:s4+s29], $0x80, s16, s29, $0xb8;
	[tilespmem:$0x1F780] =	vst v63  }
0x82: {  	[bflag:$0x0] =	sbarrier.arrive $0xFFFF  }
0x83: {  	_ =	swait.ge [sflag:s28], $0x2800  }
0x84: {  	[sflag:s28] =	ssyncset.done $0x0  }
0x85: {  	s14 =	simm.s32 $0x16780;
	[sflag:s28] =	ssyncadd.s32 $0xFFFFD800  }
0x86: {  	[spmem:s2] =	stream.indirect.scatter.add.f32 [tilespmem:s24], [sflag:$0x3], $0x80, s14, s29, $0xb8;
	[tilespmem:$0x1F780] =	vst v63  }
0x87: {  	_ =	swait.ge [sflag:s26], $0x2800  }
0x88: {  	[sflag:s26] =	ssyncset.done $0x0  }
0x89: {  	s15 =	simm.s32 $0x140A0;
	[sflag:s26] =	ssyncadd.s32 $0xFFFFD800  }
0x8a: {  	[tilespmem:s24], [sflag:$0x1] =	stream.indirect.gather [hbm4b:s4+s29], $0x80, s15, s29, $0xb8;
	[tilespmem:$0x1F780] =	vst v63  }
0x8b: {  	_ =	swait.ge [sflag:s0], $0x2800  }
0x8c: {  	[sflag:s0] =	ssyncset.done $0x0  }
0x8d: {  	s16 =	simm.s32 $0x16800;
	[sflag:s0] =	ssyncadd.s32 $0xFFFFD800  }
0x8e: {  	[spmem:s2] =	stream.indirect.scatter.add.f32 [tilespmem:s31], [sflag:$0x3], $0x80, s16, s29, $0xb8;
	[tilespmem:$0x1F780] =	vst v63  }
0x8f: {  	_ =	swait.ge [sflag:s26], $0x2800  }
0x90: {  	s30 =	simm.s32 $0x14190;
	[sflag:s26] =	ssyncset.done $0x0  }
0x91: {  	s13 =	simm.s32 $0x140F0;
	s14 =	simm.s32 $0x400;
	[sflag:s26] =	ssyncadd.s32 $0xFFFFD800  }
.LBB2_6:
0x92: {  	[tilespmem:s31], [sflag:$0x2] =	stream.indirect.gather [hbm4b:s4+s29], $0x80, s13, s29, $0xb8;
	[tilespmem:$0x1F780] =	vst v63  }
0x93: {  	s15 =	smov.u32 s14;
	s13 =	smov.u32 s30  }
0x94: {  	p0 =	sne.s32 s14, $0xF000;
	s14 =	sadd.s32 $0x400, s14;
	_ =	swait.ge [sflag:s28], $0x2800  }
0x95: {  	s15 =	sshra.s32 s15, $0x2;
	[sflag:s28] =	ssyncset.done $0x0  }
0x96: {  	s16 =	sadd.s32 $0x16780, s15;
	[sflag:s28] =	ssyncadd.s32 $0xFFFFD800  }
0x97: {  	[spmem:s2] =	stream.indirect.scatter.add.f32 [tilespmem:s24], [sflag:$0x3], $0x80, s16, s29, $0xb8;
	[tilespmem:$0x1F780] =	vst v63  }
0x98: {  	_ =	swait.ge [sflag:s26], $0x2800  }
0x99: {  	[sflag:s26] =	ssyncset.done $0x0  }
0x9a: {  	s16 =	sadd.s32 $0xFFFFFFB0, s30;
	[sflag:s26] =	ssyncadd.s32 $0xFFFFD800  }
0x9b: {  	[tilespmem:s24], [sflag:$0x1] =	stream.indirect.gather [hbm4b:s4+s29], $0x80, s16, s29, $0xb8;
	[tilespmem:$0x1F780] =	vst v63  }
0x9c: {  	_ =	swait.ge [sflag:s0], $0x2800  }
0x9d: {  	[sflag:s0] =	ssyncset.done $0x0  }
.Ltmp2:
0x9e: {  	s15 =	sadd.s32 $0x16800, s15;
	[sflag:s0] =	ssyncadd.s32 $0xFFFFD800;
	(pc) =	sbr.rel @p0 .LBB2_6-.Ltmp2, $4  }
0x9f: {  	[spmem:s2] =	stream.indirect.scatter.add.f32 [tilespmem:s31], [sflag:$0x3], $0x80, s15, s29, $0xb8;
	[tilespmem:$0x1F780] =	vst v63  }
0xa0: {  	_ =	swait.ge [sflag:s26], $0x2800  }
0xa1: {  	[sflag:s26] =	ssyncset.done $0x0  }
0xa2: {  	s30 =	sadd.s32 $0xA0, s30;
	[sflag:s26] =	ssyncadd.s32 $0xFFFFD800  }
0xa3: {  	[tilespmem:s31], [sflag:$0x2] =	stream.indirect.gather [hbm4b:s4+s29], $0x80, s13, s29, $0xb8;
	[tilespmem:$0x1F780] =	vst v63  }
0xa4: {  	_ =	swait.ge [sflag:s28], $0x2800  }
0xa5: {  	[sflag:s28] =	ssyncset.done $0x0  }
0xa6: {  	s16 =	simm.s32 $0x1A480;
	[sflag:s28] =	ssyncadd.s32 $0xFFFFD800  }
0xa7: {  	[spmem:s2] =	stream.indirect.scatter.add.f32 [tilespmem:s24], [sflag:$0x3], $0x80, s16, s29, $0xb8;
	[tilespmem:$0x1F780] =	vst v63  }
0xa8: {  	_ =	swait.ge [sflag:s26], $0x2800  }
0xa9: {  	[sflag:s26] =	ssyncset.done $0x0  }
0xaa: {  	[sflag:s26] =	ssyncadd.s32 $0xFFFFD800  }
0xab: {  	_ =	swait.ge [sflag:s0], $0x2800  }
0xac: {  	[sflag:s0] =	ssyncset.done $0x0  }
0xad: {  	s30 =	simm.s32 $0x1A500;
	[sflag:s0] =	ssyncadd.s32 $0xFFFFD800  }
0xae: {  	[spmem:s2] =	stream.indirect.scatter.add.f32 [tilespmem:s31], [sflag:$0x3], $0x80, s30, s29, $0xb8;
	[tilespmem:$0x1F780] =	vst v63  }
0xaf: {  	_ =	swait.ge [sflag:s26], $0x2800  }
0xb0: {  	[sflag:s26] =	ssyncset.done $0x0  }
0xb1: {  	s14 =	simm.s32 $0x166C0;
	[sflag:s26] =	ssyncadd.s32 $0xFFFFD800  }
0xb2: {  	[tilespmem:s24], [sflag:$0x1] =	stream.indirect.gather [hbm4b:s4+s29], $0x80, s14, s29, $0xb8;
	[tilespmem:$0x1F780] =	vst v63  }
0xb3: {  	_ =	swait.ge [sflag:s28], $0x2800  }
0xb4: {  	[sflag:s28] =	ssyncset.done $0x0  }
0xb5: {  	s15 =	simm.s32 $0x1A580;
	[sflag:s28] =	ssyncadd.s32 $0xFFFFD800  }
0xb6: {  	[spmem:s2] =	stream.indirect.scatter.add.f32 [tilespmem:s24], [sflag:$0x3], $0x80, s15, s29, $0xb8;
	[tilespmem:$0x1F780] =	vst v63  }
0xb7: {  	_ =	swait.ge [sflag:s26], $0x2800  }
0xb8: {  	[sflag:s26] =	ssyncset.done $0x0  }
0xb9: {  	[sflag:s26] =	ssyncadd.s32 $0xFFFFD800  }
0xba: {  	[bflag:$0x0] =	sbarrier.arrive $0xFFFF  }
0xbb: {  	[tilespmem:s24], [sflag:$0x1] =	stream.linear.gather [spmem:s5], $0x2800, $0x38;
	[tilespmem:$0x1F780] =	vst v63  }
0xbc: {  	_ = 	snop  }
0xbd: {  	[tilespmem:s31], [sflag:$0x2] =	stream.linear.gather [spmem:s6], $0x2800, $0x38;
	[tilespmem:$0x1F780] =	vst v63  }
0xbe: {  	_ =	swait.ge [sflag:s28], $0x2800  }
0xbf: {  	[sflag:s28] =	ssyncset.done $0x0  }
0xc0: {  	s16 =	rddreg [dreg:$0x5];
	[sflag:s28] =	ssyncadd.s32 $0xFFFFD800  }
0xc1: {  	[hbm4b:s16+s3] =	stream.linear.scatter [tilespmem:s24], [sflag:$0x3], $0x2800, $0x38;
	[tilespmem:$0x1F780] =	vst v63  }
0xc2: {  	_ =	swait.ge [sflag:s26], $0x2800  }
0xc3: {  	[sflag:s26] =	ssyncset.done $0x0  }
0xc4: {  	[sflag:s26] =	ssyncadd.s32 $0xFFFFD800  }
0xc5: {  	[tilespmem:s24], [sflag:$0x1] =	stream.linear.gather [spmem:s7], $0x2800, $0x38;
	[tilespmem:$0x1F780] =	vst v63  }
0xc6: {  	_ =	swait.ge [sflag:s0], $0x2800  }
0xc7: {  	[sflag:s0] =	ssyncset.done $0x0  }
0xc8: {  	s30 =	rddreg [dreg:$0x6];
	[sflag:s0] =	ssyncadd.s32 $0xFFFFD800  }
0xc9: {  	[hbm4b:s30+s3] =	stream.linear.scatter [tilespmem:s31], [sflag:$0x3], $0x2800, $0x38;
	[tilespmem:$0x1F780] =	vst v63  }
0xca: {  	_ =	swait.ge [sflag:s26], $0x2800  }
0xcb: {  	[sflag:s26] =	ssyncset.done $0x0  }
0xcc: {  	[sflag:s26] =	ssyncadd.s32 $0xFFFFD800  }
0xcd: {  	[tilespmem:s31], [sflag:$0x2] =	stream.linear.gather [spmem:s8], $0x2800, $0x38;
	[tilespmem:$0x1F780] =	vst v63  }
0xce: {  	_ =	swait.ge [sflag:s28], $0x2800  }
0xcf: {  	[sflag:s28] =	ssyncset.done $0x0  }
0xd0: {  	[sflag:s28] =	ssyncadd.s32 $0xFFFFD800  }
0xd1: {  	[hbm4b:s17+s3] =	stream.linear.scatter [tilespmem:s24], [sflag:$0x3], $0x2800, $0x38;
	[tilespmem:$0x1F780] =	vst v63  }
0xd2: {  	_ =	swait.ge [sflag:s26], $0x2800  }
0xd3: {  	[sflag:s26] =	ssyncset.done $0x0  }
0xd4: {  	[sflag:s26] =	ssyncadd.s32 $0xFFFFD800  }
0xd5: {  	[tilespmem:s24], [sflag:$0x1] =	stream.linear.gather [spmem:s9], $0x2800, $0x38;
	[tilespmem:$0x1F780] =	vst v63  }
0xd6: {  	_ =	swait.ge [sflag:s0], $0x2800  }
0xd7: {  	[sflag:s0] =	ssyncset.done $0x0  }
0xd8: {  	[sflag:s0] =	ssyncadd.s32 $0xFFFFD800  }
0xd9: {  	[hbm4b:s18+s3] =	stream.linear.scatter [tilespmem:s31], [sflag:$0x3], $0x2800, $0x38;
	[tilespmem:$0x1F780] =	vst v63  }
0xda: {  	_ =	swait.ge [sflag:s26], $0x2800  }
0xdb: {  	[sflag:s26] =	ssyncset.done $0x0  }
0xdc: {  	[sflag:s26] =	ssyncadd.s32 $0xFFFFD800  }
0xdd: {  	[tilespmem:s31], [sflag:$0x2] =	stream.linear.gather [spmem:s10], $0x2800, $0x38;
	[tilespmem:$0x1F780] =	vst v63  }
0xde: {  	_ =	swait.ge [sflag:s28], $0x2800  }
0xdf: {  	[sflag:s28] =	ssyncset.done $0x0  }
0xe0: {  	[sflag:s28] =	ssyncadd.s32 $0xFFFFD800  }
0xe1: {  	[hbm4b:s19+s3] =	stream.linear.scatter [tilespmem:s24], [sflag:$0x3], $0x2800, $0x38;
	[tilespmem:$0x1F780] =	vst v63  }
0xe2: {  	_ =	swait.ge [sflag:s26], $0x2800  }
0xe3: {  	[sflag:s26] =	ssyncset.done $0x0  }
0xe4: {  	[sflag:s26] =	ssyncadd.s32 $0xFFFFD800  }
0xe5: {  	[tilespmem:s24], [sflag:$0x1] =	stream.linear.gather [spmem:s11], $0x2800, $0x38;
	[tilespmem:$0x1F780] =	vst v63  }
0xe6: {  	_ =	swait.ge [sflag:s0], $0x2800  }
0xe7: {  	[sflag:s0] =	ssyncset.done $0x0  }
0xe8: {  	[sflag:s0] =	ssyncadd.s32 $0xFFFFD800  }
0xe9: {  	[hbm4b:s20+s3] =	stream.linear.scatter [tilespmem:s31], [sflag:$0x3], $0x2800, $0x38;
	[tilespmem:$0x1F780] =	vst v63  }
0xea: {  	_ =	swait.ge [sflag:s26], $0x2800  }
0xeb: {  	[sflag:s26] =	ssyncset.done $0x0  }
0xec: {  	[sflag:s26] =	ssyncadd.s32 $0xFFFFD800  }
0xed: {  	[tilespmem:s31], [sflag:$0x2] =	stream.linear.gather [spmem:s12], $0x2800, $0x38;
	[tilespmem:$0x1F780] =	vst v63  }
0xee: {  	_ =	swait.ge [sflag:s28], $0x2800  }
0xef: {  	[sflag:s28] =	ssyncset.done $0x0  }
0xf0: {  	[sflag:s28] =	ssyncadd.s32 $0xFFFFD800  }
0xf1: {  	[hbm4b:s21+s3] =	stream.linear.scatter [tilespmem:s24], [sflag:$0x3], $0x2800, $0x38;
	[tilespmem:$0x1F780] =	vst v63  }
0xf2: {  	_ =	swait.ge [sflag:s26], $0x2800  }
0xf3: {  	[sflag:s26] =	ssyncset.done $0x0  }
0xf4: {  	[sflag:s26] =	ssyncadd.s32 $0xFFFFD800  }
0xf5: {  	s1 =	sadd.s32 $0x1, s1;
	_ =	swait.ge [sflag:s0], $0x2800  }
0xf6: {  	p0 =	sne.s32 s1, s23;
	[sflag:s0] =	ssyncset.done $0x0  }
.Ltmp3:
0xf7: {  	[sflag:s0] =	ssyncadd.s32 $0xFFFFD800;
	(pc) =	sbr.rel @p0 .LBB2_1-.Ltmp3, $4  }
0xf8: {  	[hbm4b:s22+s3] =	stream.linear.scatter [tilespmem:s31], [sflag:$0x3], $0x2800, $0x38;
	[tilespmem:$0x1F780] =	vst v63  }
0xf9: {  	_ =	swait.ge [sflag:s26], $0x2800  }
0xfa: {  	[sflag:s26] =	ssyncset.done $0x0  }
0xfb: {  	[sflag:s26] =	ssyncadd.s32 $0xFFFFD800  }
0xfc: {  	_ =	sfence.sel $0x180000  }
0xfd: {  	[bflag:$0x0] =	sbarrier.arrive $0xFFFF  }
0xfe: {  	_ =	strace $0x90000050  }
0xff: {  	s0 =	stileid.u32;
	[bflag:$0x2] =	sbarrier.arrive $0xFFFF  }
0x100: {  	p0 =	sne.s32 s0, $0x0;
	s0 =	rddreg [dreg:$0x2]  }
0x101: {  	s0 =	sadd.s32 @!p0 $0x100000, s0  }
0x102: {  	[sflag:s0] =	ssyncadd.tile.s32 @!p0 $0x1;
	_ =	shalt  }
.Lfunc_end2:
_tile_overlayer_lowered:
.L_overlay_start_2:
0x103: {  	(tag) =	ssettag $0x2  }
0x104: {  	s0 =	rddreg [dreg:$0x0];
	s2 =	stileid.u32  }
0x105: {  	s1 =	rddreg [dreg:$0x1];
	p0 =	sne.s32 s2, $0x0  }
0x106: {  	s3 =	rddreg [dreg:$0x2];
	[bflag:$0x3] =	sbarrier.arrive $0xFFFF;
	s2 =	simm.s32 @!p0 $0x1C03  }
0x107: {  	[timem:s3], [sflag:s2] =	dma.local @!p0 [hbm:s0], s1  }
0x108: {  	s0 =	simm.s32 @!p0 $0x3  }
0x109: {  	_ =	swait.ge @!p0 [sflag:s0], s1  }
0x10a: {  	s1 =	ssub.s32 @!p0 $0x0, s1;
	[sflag:s0] =	ssyncset.done @!p0 $0x0  }
0x10b: {  	[sflag:s0] =	ssyncadd.s32 @!p0 s1  }
0x10c: {  	[bflag:$0x3] =	sbarrier.arrive $0xFFFF  }
0x10d: {  	_ =	shalt  }

</sc_bundles>
